<compile_context>
chip_gen: v7x
topology: tpu7x:2x2x1
jax: 0.10.2.dev20260603
libtpu: 0.0.44.dev20260713+nightly
codegen_flags: <defaults>
</compile_context>

<pallas_src>
import functools

import jax
import jax.numpy as jnp
from jax import lax
from jax.experimental import pallas as pl
from jax.experimental.pallas import tpu as pltpu
from jax.experimental.pallas import tpu_sc as plsc

_EMBED = 128
_ADIM = 64
_NC, _NS, _L = 2, 16, 16
_NW = _NC * _NS
_CHUNK = 400


@functools.lru_cache(maxsize=None)
def _make_project(n_nodes: int, block: int):
    def body(x_ref, wq_ref, wk_ref, q_ref, k_ref):
        x = x_ref[...]
        ssq = jnp.sum(x * x, axis=1, keepdims=True)
        inv = 1.0 / jnp.maximum(jnp.sqrt(ssq), 1e-12)
        xn = x * inv
        scale = 1.0 / (_ADIM ** 0.5)
        dn = (((1,), (1,)), ((), ()))
        q = lax.dot_general(xn, wq_ref[...], dn,
                            preferred_element_type=jnp.float32) * scale
        k = lax.dot_general(xn, wk_ref[...], dn,
                            preferred_element_type=jnp.float32)
        q_ref[...] = q.astype(jnp.bfloat16)
        k_ref[...] = k.astype(jnp.bfloat16)

    return pl.pallas_call(
        body,
        grid=(n_nodes // block,),
        in_specs=[
            pl.BlockSpec((block, _EMBED), lambda i: (i, 0)),
            pl.BlockSpec((_ADIM, _EMBED), lambda i: (0, 0)),
            pl.BlockSpec((_ADIM, _EMBED), lambda i: (0, 0)),
        ],
        out_specs=[
            pl.BlockSpec((block, _ADIM), lambda i: (i, 0)),
            pl.BlockSpec((block, _ADIM), lambda i: (i, 0)),
        ],
        out_shape=[
            jax.ShapeDtypeStruct((n_nodes, _ADIM), jnp.bfloat16),
            jax.ShapeDtypeStruct((n_nodes, _ADIM), jnp.bfloat16),
        ],
    )


@functools.lru_cache(maxsize=None)
def _make_edge_scores(n_edges: int, n_nodes: int):
    per_w = n_edges // _NW
    n_chunks = per_w // _CHUNK
    assert per_w % _CHUNK == 0 and per_w % 8 == 0

    mesh = plsc.VectorSubcoreMesh(
        core_axis_name="c", subcore_axis_name="s",
        num_cores=_NC, num_subcores=_NS,
    )

    n_sub = 5
    sub = _CHUNK // n_sub

    @functools.partial(
        pl.kernel,
        out_type=jax.ShapeDtypeStruct((n_edges,), jnp.float32),
        mesh=mesh,
        scratch_types=[
            pltpu.VMEM_SHARED((n_nodes, _ADIM), jnp.bfloat16),
            pltpu.VMEM_SHARED((n_nodes, _ADIM), jnp.bfloat16),
            pltpu.VMEM((per_w,), jnp.int32),
            pltpu.VMEM((per_w,), jnp.int32),
            pltpu.VMEM((_CHUNK, _ADIM), jnp.bfloat16),
            pltpu.VMEM((_CHUNK, _ADIM), jnp.bfloat16),
            pltpu.VMEM((_CHUNK, _ADIM), jnp.bfloat16),
            pltpu.VMEM((_CHUNK, _ADIM), jnp.bfloat16),
            pltpu.VMEM((2, _CHUNK), jnp.float32),
            pltpu.SemaphoreType.DMA,
            pltpu.SemaphoreType.DMA,
            pltpu.SemaphoreType.DMA,
            pltpu.SemaphoreType.DMA,
            pltpu.SemaphoreType.DMA,
        ],
        compiler_params=pltpu.CompilerParams(
            needs_layout_passes=False, use_tc_tiling_on_sc=False),
    )
    def edge_scores(q_hbm, k_hbm, ei_hbm, out_hbm,
                    q_sh, k_sh, src_all, tgt_all, qr0, qr1, kr0, kr1, sc_v,
                    sem_i, sg0, sg1, so0, so1):
        qr = [qr0, qr1]
        kr = [kr0, kr1]
        sem_g = [sg0, sg1]
        sem_o = [so0, so1]
        wid = lax.axis_index("s") * _NC + lax.axis_index("c")
        w_base = wid * per_w

        def gather_start(c, b):
            for j in range(n_sub):
                off = c * _CHUNK + j * sub
                pltpu.async_copy(q_sh.at[src_all.at[pl.ds(off, sub)]],
                                 qr[b].at[pl.ds(j * sub, sub), :], sem_g[b])
                pltpu.async_copy(k_sh.at[tgt_all.at[pl.ds(off, sub)]],
                                 kr[b].at[pl.ds(j * sub, sub), :], sem_g[b])

        def gather_wait(b):
            for j in range(n_sub):
                pltpu.make_async_copy(q_sh.at[src_all.at[pl.ds(0, sub)]],
                                      qr[b].at[pl.ds(j * sub, sub), :], sem_g[b]).wait()
                pltpu.make_async_copy(k_sh.at[tgt_all.at[pl.ds(0, sub)]],
                                      kr[b].at[pl.ds(j * sub, sub), :], sem_g[b]).wait()

        def out_start(c, b):
            base = w_base + c * _CHUNK
            pltpu.async_copy(sc_v.at[b], out_hbm.at[pl.ds(base, _CHUNK)], sem_o[b])

        def out_wait(b):
            pltpu.make_async_copy(sc_v.at[b], out_hbm.at[pl.ds(0, _CHUNK)], sem_o[b]).wait()

        def compute(b):
            lane = lax.iota(jnp.int32, _L)
            himask = jnp.full((_L,), -65536, jnp.int32)

            def expand(v):
                iv = plsc.bitcast(v, jnp.int32)
                lo = plsc.bitcast(lax.shift_left(iv, 16), jnp.float32)
                hi = plsc.bitcast(jnp.bitwise_and(iv, himask), jnp.float32)
                return lo, hi

            def group_body(g, carry):
                acc = jnp.zeros((_L,), jnp.float32)
                for e in range(_L):
                    row = g * _L + e
                    p = jnp.zeros((_L,), jnp.float32)
                    for j in range(_ADIM // (2 * _L)):
                        q0, q1 = expand(qr[b][row, pl.ds(j * 2 * _L, 2 * _L)])
                        k0, k1 = expand(kr[b][row, pl.ds(j * 2 * _L, 2 * _L)])
                        p = p + q0 * k0 + q1 * k1
                    s = jnp.sum(p)
                    acc = jnp.where(lane == e, s, acc)
                sc_v[b, pl.ds(g * _L, _L)] = acc
                return carry

            lax.fori_loop(0, _CHUNK // _L, group_body, 0)

        ci_s = pltpu.async_copy(ei_hbm.at[pl.ds(w_base, per_w)], src_all, sem_i)
        ci_t = pltpu.async_copy(ei_hbm.at[pl.ds(n_edges + w_base, per_w)], tgt_all, sem_i)

        @pl.when(lax.axis_index("s") == 0)
        def _():
            pltpu.sync_copy(q_hbm, q_sh)
            pltpu.sync_copy(k_hbm, k_sh)

        ci_s.wait()
        ci_t.wait()
        plsc.subcore_barrier()
        gather_start(0, 0)

        def pair_body(p, carry):
            for b in (0, 1):
                c = p * 2 + b

                @pl.when(c < n_chunks)
                def _():
                    @pl.when(c + 1 < n_chunks)
                    def _():
                        gather_start(c + 1, 1 - b)

                    gather_wait(b)

                    @pl.when(c >= 2)
                    def _():
                        out_wait(b)

                    compute(b)
                    out_start(c, b)
            return carry

        lax.fori_loop(0, (n_chunks + 1) // 2, pair_body, 0)
        out_wait(0)
        out_wait(1)

    return edge_scores


def kernel(node_embeddings, edge_index, W_q, W_k):
    n_nodes = node_embeddings.shape[0]
    n_edges = edge_index.shape[1]
    project = _make_project(n_nodes, 2000)
    q_tab, k_tab = project(node_embeddings, W_q, W_k)
    edge_scores = _make_edge_scores(n_edges, n_nodes)
    ei = edge_index.astype(jnp.int32).reshape(2 * n_edges)
    return edge_scores(q_tab, k_tab, ei)

# --- scband reference (transcript-rebuilt; emitter-appended) ---
"""Pipeline reference for scband-decoder-10539849744629 (READ-ONLY COPY).

The authoritative reference and input builder live on the scoring server;
editing this copy changes nothing except your own understanding.
"""

import jax, jax.numpy as jnp
import numpy as np

EMBED_DIM = 128
ATTN_DIM = 64
N_NODES = 10000
N_EDGES = 320000

def setup_inputs(seed: int = 0) -> dict:
    key = jax.random.key(seed)
    k1, k2, k3, k4 = jax.random.split(key, 4)
    node_embeddings = jax.random.normal(k1, (N_NODES, EMBED_DIM), dtype=jnp.float32)
    edge_index = jax.random.randint(k2, (2, N_EDGES), 0, N_NODES, dtype=jnp.int64 if jax.config.read('jax_enable_x64') else jnp.int32)
    # xavier_uniform with gain=0.1 for Linear(weight shape [out, in])
    def xavier_uniform(k, out_dim, in_dim, gain):
        limit = gain * np.sqrt(6.0 / (in_dim + out_dim))
        return jax.random.uniform(k, (out_dim, in_dim), minval=-limit, maxval=limit, dtype=jnp.float32)
    W_q = xavier_uniform(k3, ATTN_DIM, EMBED_DIM, 0.1)
    W_k = xavier_uniform(k4, ATTN_DIM, EMBED_DIM, 0.1)
    return {"node_embeddings": node_embeddings, "edge_index": edge_index, "W_q": W_q, "W_k": W_k}

def reference(node_embeddings, edge_index, W_q, W_k):
    # F.normalize(x, p=2, dim=1): x / max(||x||_2, eps), eps=1e-12
    norms = jnp.linalg.norm(node_embeddings, axis=1, keepdims=True)
    x = node_embeddings / jnp.maximum(norms, 1e-12)
    # nn.Linear(bias=False): y = x @ W.T
    queries = x @ W_q.T
    keys = x @ W_k.T
    src_queries = jnp.take(queries, edge_index[0], axis=0)
    tgt_keys = jnp.take(keys, edge_index[1], axis=0)
    scale = 1.0 / (ATTN_DIM ** 0.5)
    scores = jnp.sum(src_queries * tgt_keys, axis=1) * scale
    return scores

if __name__ == "__main__":
    import jax
    _d = setup_inputs()
    print(jax.jit(kernel)(*tuple(_d.values())))

</pallas_src>

<mosaic_0001>
#map = affine_map<(d0, d1) -> (0, 0)>
#map1 = affine_map<(d0, d1) -> (0)>
module attributes {stable_mosaic.version = 14 : i64} {
  func.func @edge_scores(%arg0: i32, %arg1: i32, %arg2: memref<10000x64xbf16, #tpu.memory_space<hbm>>, %arg3: memref<10000x64xbf16, #tpu.memory_space<hbm>>, %arg4: memref<640000xi32, #tpu.memory_space<hbm>>, %arg5: memref<320000xf32, #tpu.memory_space<hbm>>, %arg6: memref<10000x64xbf16, #tpu.memory_space<vmem_shared>>, %arg7: memref<10000x64xbf16, #tpu.memory_space<vmem_shared>>, %arg8: memref<10000xi32, #tpu.memory_space<vmem>>, %arg9: memref<10000xi32, #tpu.memory_space<vmem>>, %arg10: memref<400x64xbf16, #tpu.memory_space<vmem>>, %arg11: memref<400x64xbf16, #tpu.memory_space<vmem>>, %arg12: memref<400x64xbf16, #tpu.memory_space<vmem>>, %arg13: memref<400x64xbf16, #tpu.memory_space<vmem>>, %arg14: memref<2x400xf32, #tpu.memory_space<vmem>>, %arg15: memref<!tpu.dma_semaphore, #tpu.memory_space<semaphore_mem>>, %arg16: memref<!tpu.dma_semaphore, #tpu.memory_space<semaphore_mem>>, %arg17: memref<!tpu.dma_semaphore, #tpu.memory_space<semaphore_mem>>, %arg18: memref<!tpu.dma_semaphore, #tpu.memory_space<semaphore_mem>>, %arg19: memref<!tpu.dma_semaphore, #tpu.memory_space<semaphore_mem>>) attributes {dimension_semantics = [#tpu.dimension_semantics<core_parallel>, #tpu.dimension_semantics<subcore_parallel>], iteration_bounds = array<i64: 2, 16>, scalar_prefetch = 0 : i64, scratch_operands = 14 : i64, tpu.core_type = #tpu.core_type<sc_vector_subcore>, window_params = [{transform_indices = #map}, {transform_indices = #map}, {transform_indices = #map1}, {transform_indices = #map1}]} {
    %mul3A = arith.constant 2 : i32
    %mul3A_0 = arith.muli %arg1, %mul3A : i32
    %add3A = arith.addi %mul3A_0, %arg0 : i32
    %mul3A_1 = arith.constant 10000 : i32
    %mul3A_2 = arith.muli %add3A, %mul3A_1 : i32
    %dma_start3A = tpu.memref_slice %arg4[%mul3A_2] : memref<640000xi32, #tpu.memory_space<hbm>> -> memref<10000xi32, #tpu.memory_space<hbm>>
    %dma_start3A_3 = tpu.memref_slice %arg4[%mul3A_2] : memref<640000xi32, #tpu.memory_space<hbm>> -> memref<10000xi32, #tpu.memory_space<hbm>>
    tpu.enqueue_dma source(%dma_start3A_3 : memref<10000xi32, #tpu.memory_space<hbm>>) target(%arg8 : memref<10000xi32, #tpu.memory_space<vmem>>) target_semaphore(%arg15 : memref<!tpu.dma_semaphore, #tpu.memory_space<semaphore_mem>>)
    %add3A_4 = arith.constant 320000 : i32
    %add3A_5 = arith.addi %add3A_4, %mul3A_2 : i32
    %dma_start3A_6 = tpu.memref_slice %arg4[%add3A_5] : memref<640000xi32, #tpu.memory_space<hbm>> -> memref<10000xi32, #tpu.memory_space<hbm>>
    %dma_start3A_7 = tpu.memref_slice %arg4[%add3A_5] : memref<640000xi32, #tpu.memory_space<hbm>> -> memref<10000xi32, #tpu.memory_space<hbm>>
    tpu.enqueue_dma source(%dma_start3A_7 : memref<10000xi32, #tpu.memory_space<hbm>>) target(%arg9 : memref<10000xi32, #tpu.memory_space<vmem>>) target_semaphore(%arg15 : memref<!tpu.dma_semaphore, #tpu.memory_space<semaphore_mem>>)
    %eq3A = arith.constant 0 : i32
    %eq3A_8 = arith.cmpi eq, %arg1, %eq3A : i32
    %convert_element_type3A = arith.extui %eq3A_8 : i1 to i32
    %cond3A = arith.constant 0 : i32
    %cond3A_9 = arith.cmpi ne, %convert_element_type3A, %cond3A : i32
    scf.if %cond3A_9 {
      "tpu.region"() ({
        %run_scoped3A = tpu.sem_alloc : memref<!tpu.dma_semaphore, #tpu.memory_space<semaphore_mem>>
        tpu.enqueue_dma source(%arg2 : memref<10000x64xbf16, #tpu.memory_space<hbm>>) target(%arg6 : memref<10000x64xbf16, #tpu.memory_space<vmem_shared>>) target_semaphore(%run_scoped3A : memref<!tpu.dma_semaphore, #tpu.memory_space<semaphore_mem>>)
        tpu.wait_dma2 semaphore(%run_scoped3A : memref<!tpu.dma_semaphore, #tpu.memory_space<semaphore_mem>>) src(%arg2 : memref<10000x64xbf16, #tpu.memory_space<hbm>>) dst(%arg6 : memref<10000x64xbf16, #tpu.memory_space<vmem_shared>>)
        tpu.yield
      }) : () -> ()
      "tpu.region"() ({
        %run_scoped3A = tpu.sem_alloc : memref<!tpu.dma_semaphore, #tpu.memory_space<semaphore_mem>>
        tpu.enqueue_dma source(%arg3 : memref<10000x64xbf16, #tpu.memory_space<hbm>>) target(%arg7 : memref<10000x64xbf16, #tpu.memory_space<vmem_shared>>) target_semaphore(%run_scoped3A : memref<!tpu.dma_semaphore, #tpu.memory_space<semaphore_mem>>)
        tpu.wait_dma2 semaphore(%run_scoped3A : memref<!tpu.dma_semaphore, #tpu.memory_space<semaphore_mem>>) src(%arg3 : memref<10000x64xbf16, #tpu.memory_space<hbm>>) dst(%arg7 : memref<10000x64xbf16, #tpu.memory_space<vmem_shared>>)
        tpu.yield
      }) : () -> ()
    } else {
    }
    %dma_wait3A = tpu.memref_slice %arg4[%mul3A_2] : memref<640000xi32, #tpu.memory_space<hbm>> -> memref<10000xi32, #tpu.memory_space<hbm>>
    %dma_wait3A_10 = tpu.memref_slice %arg4[%mul3A_2] : memref<640000xi32, #tpu.memory_space<hbm>> -> memref<10000xi32, #tpu.memory_space<hbm>>
    tpu.wait_dma2 semaphore(%arg15 : memref<!tpu.dma_semaphore, #tpu.memory_space<semaphore_mem>>) src(%dma_wait3A_10 : memref<10000xi32, #tpu.memory_space<hbm>>) dst(%arg8 : memref<10000xi32, #tpu.memory_space<vmem>>)
    %dma_wait3A_11 = tpu.memref_slice %arg4[%add3A_5] : memref<640000xi32, #tpu.memory_space<hbm>> -> memref<10000xi32, #tpu.memory_space<hbm>>
    %dma_wait3A_12 = tpu.memref_slice %arg4[%add3A_5] : memref<640000xi32, #tpu.memory_space<hbm>> -> memref<10000xi32, #tpu.memory_space<hbm>>
    tpu.wait_dma2 semaphore(%arg15 : memref<!tpu.dma_semaphore, #tpu.memory_space<semaphore_mem>>) src(%dma_wait3A_12 : memref<10000xi32, #tpu.memory_space<hbm>>) dst(%arg9 : memref<10000xi32, #tpu.memory_space<vmem>>)
    %barrier3A = arith.constant 0 : index
    tpu.barrier barrier_id(%barrier3A)
    %dma_start3A_13 = arith.constant 0 : i32
    %dma_start3A_14 = arith.constant 0 : i32
    %dma_start3A_15 = tpu.memref_slice %arg10[%dma_start3A_13, %dma_start3A_14] : memref<400x64xbf16, #tpu.memory_space<vmem>> -> memref<80x64xbf16, #tpu.memory_space<vmem>>
    %dma_start3A_16 = arith.constant 0 : i32
    %dma_start3A_17 = tpu.memref_slice %arg8[%dma_start3A_16] : memref<10000xi32, #tpu.memory_space<vmem>> -> memref<80xi32, #tpu.memory_space<vmem>>
    %dma_start3A_18 = arith.constant 0 : i32
    %dma_start3A_19 = arith.constant 0 : i32
    %dma_start3A_20 = tpu.memref_slice %arg6[%dma_start3A_18, %dma_start3A_19] : memref<10000x64xbf16, #tpu.memory_space<vmem_shared>> -> memref<10000x64xbf16, #tpu.memory_space<vmem_shared>>
    tpu.enqueue_indirect_dma source(%dma_start3A_20 : memref<10000x64xbf16, #tpu.memory_space<vmem_shared>>) target(%dma_start3A_15 : memref<80x64xbf16, #tpu.memory_space<vmem>>) offsets(%dma_start3A_17 : memref<80xi32, #tpu.memory_space<vmem>>) semaphore(%arg16 : memref<!tpu.dma_semaphore, #tpu.memory_space<semaphore_mem>>)
    %dma_start3A_21 = arith.constant 0 : i32
    %dma_start3A_22 = arith.constant 0 : i32
    %dma_start3A_23 = tpu.memref_slice %arg12[%dma_start3A_21, %dma_start3A_22] : memref<400x64xbf16, #tpu.memory_space<vmem>> -> memref<80x64xbf16, #tpu.memory_space<vmem>>
    %dma_start3A_24 = arith.constant 0 : i32
    %dma_start3A_25 = tpu.memref_slice %arg9[%dma_start3A_24] : memref<10000xi32, #tpu.memory_space<vmem>> -> memref<80xi32, #tpu.memory_space<vmem>>
    %dma_start3A_26 = arith.constant 0 : i32
    %dma_start3A_27 = arith.constant 0 : i32
    %dma_start3A_28 = tpu.memref_slice %arg7[%dma_start3A_26, %dma_start3A_27] : memref<10000x64xbf16, #tpu.memory_space<vmem_shared>> -> memref<10000x64xbf16, #tpu.memory_space<vmem_shared>>
    tpu.enqueue_indirect_dma source(%dma_start3A_28 : memref<10000x64xbf16, #tpu.memory_space<vmem_shared>>) target(%dma_start3A_23 : memref<80x64xbf16, #tpu.memory_space<vmem>>) offsets(%dma_start3A_25 : memref<80xi32, #tpu.memory_space<vmem>>) semaphore(%arg16 : memref<!tpu.dma_semaphore, #tpu.memory_space<semaphore_mem>>)
    %dma_start3A_29 = arith.constant 80 : i32
    %dma_start3A_30 = arith.constant 0 : i32
    %dma_start3A_31 = tpu.memref_slice %arg10[%dma_start3A_29, %dma_start3A_30] : memref<400x64xbf16, #tpu.memory_space<vmem>> -> memref<80x64xbf16, #tpu.memory_space<vmem>>
    %dma_start3A_32 = arith.constant 80 : i32
    %dma_start3A_33 = tpu.memref_slice %arg8[%dma_start3A_32] : memref<10000xi32, #tpu.memory_space<vmem>> -> memref<80xi32, #tpu.memory_space<vmem>>
    %dma_start3A_34 = arith.constant 0 : i32
    %dma_start3A_35 = arith.constant 0 : i32
    %dma_start3A_36 = tpu.memref_slice %arg6[%dma_start3A_34, %dma_start3A_35] : memref<10000x64xbf16, #tpu.memory_space<vmem_shared>> -> memref<10000x64xbf16, #tpu.memory_space<vmem_shared>>
    tpu.enqueue_indirect_dma source(%dma_start3A_36 : memref<10000x64xbf16, #tpu.memory_space<vmem_shared>>) target(%dma_start3A_31 : memref<80x64xbf16, #tpu.memory_space<vmem>>) offsets(%dma_start3A_33 : memref<80xi32, #tpu.memory_space<vmem>>) semaphore(%arg16 : memref<!tpu.dma_semaphore, #tpu.memory_space<semaphore_mem>>)
    %dma_start3A_37 = arith.constant 80 : i32
    %dma_start3A_38 = arith.constant 0 : i32
    %dma_start3A_39 = tpu.memref_slice %arg12[%dma_start3A_37, %dma_start3A_38] : memref<400x64xbf16, #tpu.memory_space<vmem>> -> memref<80x64xbf16, #tpu.memory_space<vmem>>
    %dma_start3A_40 = arith.constant 80 : i32
    %dma_start3A_41 = tpu.memref_slice %arg9[%dma_start3A_40] : memref<10000xi32, #tpu.memory_space<vmem>> -> memref<80xi32, #tpu.memory_space<vmem>>
    %dma_start3A_42 = arith.constant 0 : i32
    %dma_start3A_43 = arith.constant 0 : i32
    %dma_start3A_44 = tpu.memref_slice %arg7[%dma_start3A_42, %dma_start3A_43] : memref<10000x64xbf16, #tpu.memory_space<vmem_shared>> -> memref<10000x64xbf16, #tpu.memory_space<vmem_shared>>
    tpu.enqueue_indirect_dma source(%dma_start3A_44 : memref<10000x64xbf16, #tpu.memory_space<vmem_shared>>) target(%dma_start3A_39 : memref<80x64xbf16, #tpu.memory_space<vmem>>) offsets(%dma_start3A_41 : memref<80xi32, #tpu.memory_space<vmem>>) semaphore(%arg16 : memref<!tpu.dma_semaphore, #tpu.memory_space<semaphore_mem>>)
    %dma_start3A_45 = arith.constant 160 : i32
    %dma_start3A_46 = arith.constant 0 : i32
    %dma_start3A_47 = tpu.memref_slice %arg10[%dma_start3A_45, %dma_start3A_46] : memref<400x64xbf16, #tpu.memory_space<vmem>> -> memref<80x64xbf16, #tpu.memory_space<vmem>>
    %dma_start3A_48 = arith.constant 160 : i32
    %dma_start3A_49 = tpu.memref_slice %arg8[%dma_start3A_48] : memref<10000xi32, #tpu.memory_space<vmem>> -> memref<80xi32, #tpu.memory_space<vmem>>
    %dma_start3A_50 = arith.constant 0 : i32
    %dma_start3A_51 = arith.constant 0 : i32
    %dma_start3A_52 = tpu.memref_slice %arg6[%dma_start3A_50, %dma_start3A_51] : memref<10000x64xbf16, #tpu.memory_space<vmem_shared>> -> memref<10000x64xbf16, #tpu.memory_space<vmem_shared>>
    tpu.enqueue_indirect_dma source(%dma_start3A_52 : memref<10000x64xbf16, #tpu.memory_space<vmem_shared>>) target(%dma_start3A_47 : memref<80x64xbf16, #tpu.memory_space<vmem>>) offsets(%dma_start3A_49 : memref<80xi32, #tpu.memory_space<vmem>>) semaphore(%arg16 : memref<!tpu.dma_semaphore, #tpu.memory_space<semaphore_mem>>)
    %dma_start3A_53 = arith.constant 160 : i32
    %dma_start3A_54 = arith.constant 0 : i32
    %dma_start3A_55 = tpu.memref_slice %arg12[%dma_start3A_53, %dma_start3A_54] : memref<400x64xbf16, #tpu.memory_space<vmem>> -> memref<80x64xbf16, #tpu.memory_space<vmem>>
    %dma_start3A_56 = arith.constant 160 : i32
    %dma_start3A_57 = tpu.memref_slice %arg9[%dma_start3A_56] : memref<10000xi32, #tpu.memory_space<vmem>> -> memref<80xi32, #tpu.memory_space<vmem>>
    %dma_start3A_58 = arith.constant 0 : i32
    %dma_start3A_59 = arith.constant 0 : i32
    %dma_start3A_60 = tpu.memref_slice %arg7[%dma_start3A_58, %dma_start3A_59] : memref<10000x64xbf16, #tpu.memory_space<vmem_shared>> -> memref<10000x64xbf16, #tpu.memory_space<vmem_shared>>
    tpu.enqueue_indirect_dma source(%dma_start3A_60 : memref<10000x64xbf16, #tpu.memory_space<vmem_shared>>) target(%dma_start3A_55 : memref<80x64xbf16, #tpu.memory_space<vmem>>) offsets(%dma_start3A_57 : memref<80xi32, #tpu.memory_space<vmem>>) semaphore(%arg16 : memref<!tpu.dma_semaphore, #tpu.memory_space<semaphore_mem>>)
    %dma_start3A_61 = arith.constant 240 : i32
    %dma_start3A_62 = arith.constant 0 : i32
    %dma_start3A_63 = tpu.memref_slice %arg10[%dma_start3A_61, %dma_start3A_62] : memref<400x64xbf16, #tpu.memory_space<vmem>> -> memref<80x64xbf16, #tpu.memory_space<vmem>>
    %dma_start3A_64 = arith.constant 240 : i32
    %dma_start3A_65 = tpu.memref_slice %arg8[%dma_start3A_64] : memref<10000xi32, #tpu.memory_space<vmem>> -> memref<80xi32, #tpu.memory_space<vmem>>
    %dma_start3A_66 = arith.constant 0 : i32
    %dma_start3A_67 = arith.constant 0 : i32
    %dma_start3A_68 = tpu.memref_slice %arg6[%dma_start3A_66, %dma_start3A_67] : memref<10000x64xbf16, #tpu.memory_space<vmem_shared>> -> memref<10000x64xbf16, #tpu.memory_space<vmem_shared>>
    tpu.enqueue_indirect_dma source(%dma_start3A_68 : memref<10000x64xbf16, #tpu.memory_space<vmem_shared>>) target(%dma_start3A_63 : memref<80x64xbf16, #tpu.memory_space<vmem>>) offsets(%dma_start3A_65 : memref<80xi32, #tpu.memory_space<vmem>>) semaphore(%arg16 : memref<!tpu.dma_semaphore, #tpu.memory_space<semaphore_mem>>)
    %dma_start3A_69 = arith.constant 240 : i32
    %dma_start3A_70 = arith.constant 0 : i32
    %dma_start3A_71 = tpu.memref_slice %arg12[%dma_start3A_69, %dma_start3A_70] : memref<400x64xbf16, #tpu.memory_space<vmem>> -> memref<80x64xbf16, #tpu.memory_space<vmem>>
    %dma_start3A_72 = arith.constant 240 : i32
    %dma_start3A_73 = tpu.memref_slice %arg9[%dma_start3A_72] : memref<10000xi32, #tpu.memory_space<vmem>> -> memref<80xi32, #tpu.memory_space<vmem>>
    %dma_start3A_74 = arith.constant 0 : i32
    %dma_start3A_75 = arith.constant 0 : i32
    %dma_start3A_76 = tpu.memref_slice %arg7[%dma_start3A_74, %dma_start3A_75] : memref<10000x64xbf16, #tpu.memory_space<vmem_shared>> -> memref<10000x64xbf16, #tpu.memory_space<vmem_shared>>
    tpu.enqueue_indirect_dma source(%dma_start3A_76 : memref<10000x64xbf16, #tpu.memory_space<vmem_shared>>) target(%dma_start3A_71 : memref<80x64xbf16, #tpu.memory_space<vmem>>) offsets(%dma_start3A_73 : memref<80xi32, #tpu.memory_space<vmem>>) semaphore(%arg16 : memref<!tpu.dma_semaphore, #tpu.memory_space<semaphore_mem>>)
    %dma_start3A_77 = arith.constant 320 : i32
    %dma_start3A_78 = arith.constant 0 : i32
    %dma_start3A_79 = tpu.memref_slice %arg10[%dma_start3A_77, %dma_start3A_78] : memref<400x64xbf16, #tpu.memory_space<vmem>> -> memref<80x64xbf16, #tpu.memory_space<vmem>>
    %dma_start3A_80 = arith.constant 320 : i32
    %dma_start3A_81 = tpu.memref_slice %arg8[%dma_start3A_80] : memref<10000xi32, #tpu.memory_space<vmem>> -> memref<80xi32, #tpu.memory_space<vmem>>
    %dma_start3A_82 = arith.constant 0 : i32
    %dma_start3A_83 = arith.constant 0 : i32
    %dma_start3A_84 = tpu.memref_slice %arg6[%dma_start3A_82, %dma_start3A_83] : memref<10000x64xbf16, #tpu.memory_space<vmem_shared>> -> memref<10000x64xbf16, #tpu.memory_space<vmem_shared>>
    tpu.enqueue_indirect_dma source(%dma_start3A_84 : memref<10000x64xbf16, #tpu.memory_space<vmem_shared>>) target(%dma_start3A_79 : memref<80x64xbf16, #tpu.memory_space<vmem>>) offsets(%dma_start3A_81 : memref<80xi32, #tpu.memory_space<vmem>>) semaphore(%arg16 : memref<!tpu.dma_semaphore, #tpu.memory_space<semaphore_mem>>)
    %dma_start3A_85 = arith.constant 320 : i32
    %dma_start3A_86 = arith.constant 0 : i32
    %dma_start3A_87 = tpu.memref_slice %arg12[%dma_start3A_85, %dma_start3A_86] : memref<400x64xbf16, #tpu.memory_space<vmem>> -> memref<80x64xbf16, #tpu.memory_space<vmem>>
    %dma_start3A_88 = arith.constant 320 : i32
    %dma_start3A_89 = tpu.memref_slice %arg9[%dma_start3A_88] : memref<10000xi32, #tpu.memory_space<vmem>> -> memref<80xi32, #tpu.memory_space<vmem>>
    %dma_start3A_90 = arith.constant 0 : i32
    %dma_start3A_91 = arith.constant 0 : i32
    %dma_start3A_92 = tpu.memref_slice %arg7[%dma_start3A_90, %dma_start3A_91] : memref<10000x64xbf16, #tpu.memory_space<vmem_shared>> -> memref<10000x64xbf16, #tpu.memory_space<vmem_shared>>
    tpu.enqueue_indirect_dma source(%dma_start3A_92 : memref<10000x64xbf16, #tpu.memory_space<vmem_shared>>) target(%dma_start3A_87 : memref<80x64xbf16, #tpu.memory_space<vmem>>) offsets(%dma_start3A_89 : memref<80xi32, #tpu.memory_space<vmem>>) semaphore(%arg16 : memref<!tpu.dma_semaphore, #tpu.memory_space<semaphore_mem>>)
    %scan3A = arith.constant 0 : i32
    %scan3A_93 = arith.constant 0 : i32
    %scan3A_94 = arith.constant 13 : i32
    %scan3A_95 = arith.addi %scan3A_93, %scan3A_94 : i32
    %scan3A_96 = arith.constant 1 : i32
    scf.for %scan3A_120 = %scan3A_93 to %scan3A_95 step %scan3A_96  : i32 {
      %mul3A_121 = arith.constant 2 : i32
      %mul3A_122 = arith.muli %scan3A_120, %mul3A_121 : i32
      %add3A_123 = arith.constant 0 : i32
      %add3A_124 = arith.addi %mul3A_122, %add3A_123 : i32
      %lt3A = arith.constant 25 : i32
      %lt3A_125 = arith.cmpi slt, %add3A_124, %lt3A : i32
      %convert_element_type3A_126 = arith.extui %lt3A_125 : i1 to i32
      %cond3A_127 = arith.constant 0 : i32
      %cond3A_128 = arith.cmpi ne, %convert_element_type3A_126, %cond3A_127 : i32
      scf.if %cond3A_128 {
        %add3A_138 = arith.constant 1 : i32
        %add3A_139 = arith.addi %add3A_124, %add3A_138 : i32
        %lt3A_140 = arith.constant 25 : i32
        %lt3A_141 = arith.cmpi slt, %add3A_139, %lt3A_140 : i32
        %convert_element_type3A_142 = arith.extui %lt3A_141 : i1 to i32
        %cond3A_143 = arith.constant 0 : i32
        %cond3A_144 = arith.cmpi ne, %convert_element_type3A_142, %cond3A_143 : i32
        scf.if %cond3A_144 {
          %add3A_248 = arith.constant 1 : i32
          %add3A_249 = arith.addi %add3A_124, %add3A_248 : i32
          %mul3A_250 = arith.constant 400 : i32
          %mul3A_251 = arith.muli %add3A_249, %mul3A_250 : i32
          %add3A_252 = arith.constant 0 : i32
          %add3A_253 = arith.addi %mul3A_251, %add3A_252 : i32
          %dma_start3A_254 = arith.constant 0 : i32
          %dma_start3A_255 = arith.constant 0 : i32
          %dma_start3A_256 = tpu.memref_slice %arg11[%dma_start3A_254, %dma_start3A_255] : memref<400x64xbf16, #tpu.memory_space<vmem>> -> memref<80x64xbf16, #tpu.memory_space<vmem>>
          %dma_start3A_257 = tpu.memref_slice %arg8[%add3A_253] : memref<10000xi32, #tpu.memory_space<vmem>> -> memref<80xi32, #tpu.memory_space<vmem>>
          %dma_start3A_258 = arith.constant 0 : i32
          %dma_start3A_259 = arith.constant 0 : i32
          %dma_start3A_260 = tpu.memref_slice %arg6[%dma_start3A_258, %dma_start3A_259] : memref<10000x64xbf16, #tpu.memory_space<vmem_shared>> -> memref<10000x64xbf16, #tpu.memory_space<vmem_shared>>
          tpu.enqueue_indirect_dma source(%dma_start3A_260 : memref<10000x64xbf16, #tpu.memory_space<vmem_shared>>) target(%dma_start3A_256 : memref<80x64xbf16, #tpu.memory_space<vmem>>) offsets(%dma_start3A_257 : memref<80xi32, #tpu.memory_space<vmem>>) semaphore(%arg17 : memref<!tpu.dma_semaphore, #tpu.memory_space<semaphore_mem>>)
          %dma_start3A_261 = arith.constant 0 : i32
          %dma_start3A_262 = arith.constant 0 : i32
          %dma_start3A_263 = tpu.memref_slice %arg13[%dma_start3A_261, %dma_start3A_262] : memref<400x64xbf16, #tpu.memory_space<vmem>> -> memref<80x64xbf16, #tpu.memory_space<vmem>>
          %dma_start3A_264 = tpu.memref_slice %arg9[%add3A_253] : memref<10000xi32, #tpu.memory_space<vmem>> -> memref<80xi32, #tpu.memory_space<vmem>>
          %dma_start3A_265 = arith.constant 0 : i32
          %dma_start3A_266 = arith.constant 0 : i32
          %dma_start3A_267 = tpu.memref_slice %arg7[%dma_start3A_265, %dma_start3A_266] : memref<10000x64xbf16, #tpu.memory_space<vmem_shared>> -> memref<10000x64xbf16, #tpu.memory_space<vmem_shared>>
          tpu.enqueue_indirect_dma source(%dma_start3A_267 : memref<10000x64xbf16, #tpu.memory_space<vmem_shared>>) target(%dma_start3A_263 : memref<80x64xbf16, #tpu.memory_space<vmem>>) offsets(%dma_start3A_264 : memref<80xi32, #tpu.memory_space<vmem>>) semaphore(%arg17 : memref<!tpu.dma_semaphore, #tpu.memory_space<semaphore_mem>>)
          %mul3A_268 = arith.constant 400 : i32
          %mul3A_269 = arith.muli %add3A_249, %mul3A_268 : i32
          %add3A_270 = arith.constant 80 : i32
          %add3A_271 = arith.addi %mul3A_269, %add3A_270 : i32
          %dma_start3A_272 = arith.constant 80 : i32
          %dma_start3A_273 = arith.constant 0 : i32
          %dma_start3A_274 = tpu.memref_slice %arg11[%dma_start3A_272, %dma_start3A_273] : memref<400x64xbf16, #tpu.memory_space<vmem>> -> memref<80x64xbf16, #tpu.memory_space<vmem>>
          %dma_start3A_275 = tpu.memref_slice %arg8[%add3A_271] : memref<10000xi32, #tpu.memory_space<vmem>> -> memref<80xi32, #tpu.memory_space<vmem>>
          %dma_start3A_276 = arith.constant 0 : i32
          %dma_start3A_277 = arith.constant 0 : i32
          %dma_start3A_278 = tpu.memref_slice %arg6[%dma_start3A_276, %dma_start3A_277] : memref<10000x64xbf16, #tpu.memory_space<vmem_shared>> -> memref<10000x64xbf16, #tpu.memory_space<vmem_shared>>
          tpu.enqueue_indirect_dma source(%dma_start3A_278 : memref<10000x64xbf16, #tpu.memory_space<vmem_shared>>) target(%dma_start3A_274 : memref<80x64xbf16, #tpu.memory_space<vmem>>) offsets(%dma_start3A_275 : memref<80xi32, #tpu.memory_space<vmem>>) semaphore(%arg17 : memref<!tpu.dma_semaphore, #tpu.memory_space<semaphore_mem>>)
          %dma_start3A_279 = arith.constant 80 : i32
          %dma_start3A_280 = arith.constant 0 : i32
          %dma_start3A_281 = tpu.memref_slice %arg13[%dma_start3A_279, %dma_start3A_280] : memref<400x64xbf16, #tpu.memory_space<vmem>> -> memref<80x64xbf16, #tpu.memory_space<vmem>>
          %dma_start3A_282 = tpu.memref_slice %arg9[%add3A_271] : memref<10000xi32, #tpu.memory_space<vmem>> -> memref<80xi32, #tpu.memory_space<vmem>>
          %dma_start3A_283 = arith.constant 0 : i32
          %dma_start3A_284 = arith.constant 0 : i32
          %dma_start3A_285 = tpu.memref_slice %arg7[%dma_start3A_283, %dma_start3A_284] : memref<10000x64xbf16, #tpu.memory_space<vmem_shared>> -> memref<10000x64xbf16, #tpu.memory_space<vmem_shared>>
          tpu.enqueue_indirect_dma source(%dma_start3A_285 : memref<10000x64xbf16, #tpu.memory_space<vmem_shared>>) target(%dma_start3A_281 : memref<80x64xbf16, #tpu.memory_space<vmem>>) offsets(%dma_start3A_282 : memref<80xi32, #tpu.memory_space<vmem>>) semaphore(%arg17 : memref<!tpu.dma_semaphore, #tpu.memory_space<semaphore_mem>>)
          %mul3A_286 = arith.constant 400 : i32
          %mul3A_287 = arith.muli %add3A_249, %mul3A_286 : i32
          %add3A_288 = arith.constant 160 : i32
          %add3A_289 = arith.addi %mul3A_287, %add3A_288 : i32
          %dma_start3A_290 = arith.constant 160 : i32
          %dma_start3A_291 = arith.constant 0 : i32
          %dma_start3A_292 = tpu.memref_slice %arg11[%dma_start3A_290, %dma_start3A_291] : memref<400x64xbf16, #tpu.memory_space<vmem>> -> memref<80x64xbf16, #tpu.memory_space<vmem>>
          %dma_start3A_293 = tpu.memref_slice %arg8[%add3A_289] : memref<10000xi32, #tpu.memory_space<vmem>> -> memref<80xi32, #tpu.memory_space<vmem>>
          %dma_start3A_294 = arith.constant 0 : i32
          %dma_start3A_295 = arith.constant 0 : i32
          %dma_start3A_296 = tpu.memref_slice %arg6[%dma_start3A_294, %dma_start3A_295] : memref<10000x64xbf16, #tpu.memory_space<vmem_shared>> -> memref<10000x64xbf16, #tpu.memory_space<vmem_shared>>
          tpu.enqueue_indirect_dma source(%dma_start3A_296 : memref<10000x64xbf16, #tpu.memory_space<vmem_shared>>) target(%dma_start3A_292 : memref<80x64xbf16, #tpu.memory_space<vmem>>) offsets(%dma_start3A_293 : memref<80xi32, #tpu.memory_space<vmem>>) semaphore(%arg17 : memref<!tpu.dma_semaphore, #tpu.memory_space<semaphore_mem>>)
          %dma_start3A_297 = arith.constant 160 : i32
          %dma_start3A_298 = arith.constant 0 : i32
          %dma_start3A_299 = tpu.memref_slice %arg13[%dma_start3A_297, %dma_start3A_298] : memref<400x64xbf16, #tpu.memory_space<vmem>> -> memref<80x64xbf16, #tpu.memory_space<vmem>>
          %dma_start3A_300 = tpu.memref_slice %arg9[%add3A_289] : memref<10000xi32, #tpu.memory_space<vmem>> -> memref<80xi32, #tpu.memory_space<vmem>>
          %dma_start3A_301 = arith.constant 0 : i32
          %dma_start3A_302 = arith.constant 0 : i32
          %dma_start3A_303 = tpu.memref_slice %arg7[%dma_start3A_301, %dma_start3A_302] : memref<10000x64xbf16, #tpu.memory_space<vmem_shared>> -> memref<10000x64xbf16, #tpu.memory_space<vmem_shared>>
          tpu.enqueue_indirect_dma source(%dma_start3A_303 : memref<10000x64xbf16, #tpu.memory_space<vmem_shared>>) target(%dma_start3A_299 : memref<80x64xbf16, #tpu.memory_space<vmem>>) offsets(%dma_start3A_300 : memref<80xi32, #tpu.memory_space<vmem>>) semaphore(%arg17 : memref<!tpu.dma_semaphore, #tpu.memory_space<semaphore_mem>>)
          %mul3A_304 = arith.constant 400 : i32
          %mul3A_305 = arith.muli %add3A_249, %mul3A_304 : i32
          %add3A_306 = arith.constant 240 : i32
          %add3A_307 = arith.addi %mul3A_305, %add3A_306 : i32
          %dma_start3A_308 = arith.constant 240 : i32
          %dma_start3A_309 = arith.constant 0 : i32
          %dma_start3A_310 = tpu.memref_slice %arg11[%dma_start3A_308, %dma_start3A_309] : memref<400x64xbf16, #tpu.memory_space<vmem>> -> memref<80x64xbf16, #tpu.memory_space<vmem>>
          %dma_start3A_311 = tpu.memref_slice %arg8[%add3A_307] : memref<10000xi32, #tpu.memory_space<vmem>> -> memref<80xi32, #tpu.memory_space<vmem>>
          %dma_start3A_312 = arith.constant 0 : i32
          %dma_start3A_313 = arith.constant 0 : i32
          %dma_start3A_314 = tpu.memref_slice %arg6[%dma_start3A_312, %dma_start3A_313] : memref<10000x64xbf16, #tpu.memory_space<vmem_shared>> -> memref<10000x64xbf16, #tpu.memory_space<vmem_shared>>
          tpu.enqueue_indirect_dma source(%dma_start3A_314 : memref<10000x64xbf16, #tpu.memory_space<vmem_shared>>) target(%dma_start3A_310 : memref<80x64xbf16, #tpu.memory_space<vmem>>) offsets(%dma_start3A_311 : memref<80xi32, #tpu.memory_space<vmem>>) semaphore(%arg17 : memref<!tpu.dma_semaphore, #tpu.memory_space<semaphore_mem>>)
          %dma_start3A_315 = arith.constant 240 : i32
          %dma_start3A_316 = arith.constant 0 : i32
          %dma_start3A_317 = tpu.memref_slice %arg13[%dma_start3A_315, %dma_start3A_316] : memref<400x64xbf16, #tpu.memory_space<vmem>> -> memref<80x64xbf16, #tpu.memory_space<vmem>>
          %dma_start3A_318 = tpu.memref_slice %arg9[%add3A_307] : memref<10000xi32, #tpu.memory_space<vmem>> -> memref<80xi32, #tpu.memory_space<vmem>>
          %dma_start3A_319 = arith.constant 0 : i32
          %dma_start3A_320 = arith.constant 0 : i32
          %dma_start3A_321 = tpu.memref_slice %arg7[%dma_start3A_319, %dma_start3A_320] : memref<10000x64xbf16, #tpu.memory_space<vmem_shared>> -> memref<10000x64xbf16, #tpu.memory_space<vmem_shared>>
          tpu.enqueue_indirect_dma source(%dma_start3A_321 : memref<10000x64xbf16, #tpu.memory_space<vmem_shared>>) target(%dma_start3A_317 : memref<80x64xbf16, #tpu.memory_space<vmem>>) offsets(%dma_start3A_318 : memref<80xi32, #tpu.memory_space<vmem>>) semaphore(%arg17 : memref<!tpu.dma_semaphore, #tpu.memory_space<semaphore_mem>>)
          %mul3A_322 = arith.constant 400 : i32
          %mul3A_323 = arith.muli %add3A_249, %mul3A_322 : i32
          %add3A_324 = arith.constant 320 : i32
          %add3A_325 = arith.addi %mul3A_323, %add3A_324 : i32
          %dma_start3A_326 = arith.constant 320 : i32
          %dma_start3A_327 = arith.constant 0 : i32
          %dma_start3A_328 = tpu.memref_slice %arg11[%dma_start3A_326, %dma_start3A_327] : memref<400x64xbf16, #tpu.memory_space<vmem>> -> memref<80x64xbf16, #tpu.memory_space<vmem>>
          %dma_start3A_329 = tpu.memref_slice %arg8[%add3A_325] : memref<10000xi32, #tpu.memory_space<vmem>> -> memref<80xi32, #tpu.memory_space<vmem>>
          %dma_start3A_330 = arith.constant 0 : i32
          %dma_start3A_331 = arith.constant 0 : i32
          %dma_start3A_332 = tpu.memref_slice %arg6[%dma_start3A_330, %dma_start3A_331] : memref<10000x64xbf16, #tpu.memory_space<vmem_shared>> -> memref<10000x64xbf16, #tpu.memory_space<vmem_shared>>
          tpu.enqueue_indirect_dma source(%dma_start3A_332 : memref<10000x64xbf16, #tpu.memory_space<vmem_shared>>) target(%dma_start3A_328 : memref<80x64xbf16, #tpu.memory_space<vmem>>) offsets(%dma_start3A_329 : memref<80xi32, #tpu.memory_space<vmem>>) semaphore(%arg17 : memref<!tpu.dma_semaphore, #tpu.memory_space<semaphore_mem>>)
          %dma_start3A_333 = arith.constant 320 : i32
          %dma_start3A_334 = arith.constant 0 : i32
          %dma_start3A_335 = tpu.memref_slice %arg13[%dma_start3A_333, %dma_start3A_334] : memref<400x64xbf16, #tpu.memory_space<vmem>> -> memref<80x64xbf16, #tpu.memory_space<vmem>>
          %dma_start3A_336 = tpu.memref_slice %arg9[%add3A_325] : memref<10000xi32, #tpu.memory_space<vmem>> -> memref<80xi32, #tpu.memory_space<vmem>>
          %dma_start3A_337 = arith.constant 0 : i32
          %dma_start3A_338 = arith.constant 0 : i32
          %dma_start3A_339 = tpu.memref_slice %arg7[%dma_start3A_337, %dma_start3A_338] : memref<10000x64xbf16, #tpu.memory_space<vmem_shared>> -> memref<10000x64xbf16, #tpu.memory_space<vmem_shared>>
          tpu.enqueue_indirect_dma source(%dma_start3A_339 : memref<10000x64xbf16, #tpu.memory_space<vmem_shared>>) target(%dma_start3A_335 : memref<80x64xbf16, #tpu.memory_space<vmem>>) offsets(%dma_start3A_336 : memref<80xi32, #tpu.memory_space<vmem>>) semaphore(%arg17 : memref<!tpu.dma_semaphore, #tpu.memory_space<semaphore_mem>>)
        } else {
        }
        %dma_wait3A_145 = arith.constant 0 : i32
        %dma_wait3A_146 = arith.constant 0 : i32
        %dma_wait3A_147 = tpu.memref_slice %arg10[%dma_wait3A_145, %dma_wait3A_146] : memref<400x64xbf16, #tpu.memory_space<vmem>> -> memref<80x64xbf16, #tpu.memory_space<vmem>>
        %dma_wait3A_148 = arith.constant 0 : i32
        %dma_wait3A_149 = tpu.memref_slice %arg8[%dma_wait3A_148] : memref<10000xi32, #tpu.memory_space<vmem>> -> memref<80xi32, #tpu.memory_space<vmem>>
        %dma_wait3A_150 = arith.constant 0 : i32
        %dma_wait3A_151 = arith.constant 0 : i32
        %dma_wait3A_152 = tpu.memref_slice %arg6[%dma_wait3A_150, %dma_wait3A_151] : memref<10000x64xbf16, #tpu.memory_space<vmem_shared>> -> memref<10000x64xbf16, #tpu.memory_space<vmem_shared>>
        tpu.wait_indirect_dma semaphore(%arg16 : memref<!tpu.dma_semaphore, #tpu.memory_space<semaphore_mem>>) src(%dma_wait3A_152 : memref<10000x64xbf16, #tpu.memory_space<vmem_shared>>) dst(%dma_wait3A_147 : memref<80x64xbf16, #tpu.memory_space<vmem>>)
        %dma_wait3A_153 = arith.constant 0 : i32
        %dma_wait3A_154 = arith.constant 0 : i32
        %dma_wait3A_155 = tpu.memref_slice %arg12[%dma_wait3A_153, %dma_wait3A_154] : memref<400x64xbf16, #tpu.memory_space<vmem>> -> memref<80x64xbf16, #tpu.memory_space<vmem>>
        %dma_wait3A_156 = arith.constant 0 : i32
        %dma_wait3A_157 = tpu.memref_slice %arg9[%dma_wait3A_156] : memref<10000xi32, #tpu.memory_space<vmem>> -> memref<80xi32, #tpu.memory_space<vmem>>
        %dma_wait3A_158 = arith.constant 0 : i32
        %dma_wait3A_159 = arith.constant 0 : i32
        %dma_wait3A_160 = tpu.memref_slice %arg7[%dma_wait3A_158, %dma_wait3A_159] : memref<10000x64xbf16, #tpu.memory_space<vmem_shared>> -> memref<10000x64xbf16, #tpu.memory_space<vmem_shared>>
        tpu.wait_indirect_dma semaphore(%arg16 : memref<!tpu.dma_semaphore, #tpu.memory_space<semaphore_mem>>) src(%dma_wait3A_160 : memref<10000x64xbf16, #tpu.memory_space<vmem_shared>>) dst(%dma_wait3A_155 : memref<80x64xbf16, #tpu.memory_space<vmem>>)
        %dma_wait3A_161 = arith.constant 80 : i32
        %dma_wait3A_162 = arith.constant 0 : i32
        %dma_wait3A_163 = tpu.memref_slice %arg10[%dma_wait3A_161, %dma_wait3A_162] : memref<400x64xbf16, #tpu.memory_space<vmem>> -> memref<80x64xbf16, #tpu.memory_space<vmem>>
        %dma_wait3A_164 = arith.constant 0 : i32
        %dma_wait3A_165 = tpu.memref_slice %arg8[%dma_wait3A_164] : memref<10000xi32, #tpu.memory_space<vmem>> -> memref<80xi32, #tpu.memory_space<vmem>>
        %dma_wait3A_166 = arith.constant 0 : i32
        %dma_wait3A_167 = arith.constant 0 : i32
        %dma_wait3A_168 = tpu.memref_slice %arg6[%dma_wait3A_166, %dma_wait3A_167] : memref<10000x64xbf16, #tpu.memory_space<vmem_shared>> -> memref<10000x64xbf16, #tpu.memory_space<vmem_shared>>
        tpu.wait_indirect_dma semaphore(%arg16 : memref<!tpu.dma_semaphore, #tpu.memory_space<semaphore_mem>>) src(%dma_wait3A_168 : memref<10000x64xbf16, #tpu.memory_space<vmem_shared>>) dst(%dma_wait3A_163 : memref<80x64xbf16, #tpu.memory_space<vmem>>)
        %dma_wait3A_169 = arith.constant 80 : i32
        %dma_wait3A_170 = arith.constant 0 : i32
        %dma_wait3A_171 = tpu.memref_slice %arg12[%dma_wait3A_169, %dma_wait3A_170] : memref<400x64xbf16, #tpu.memory_space<vmem>> -> memref<80x64xbf16, #tpu.memory_space<vmem>>
        %dma_wait3A_172 = arith.constant 0 : i32
        %dma_wait3A_173 = tpu.memref_slice %arg9[%dma_wait3A_172] : memref<10000xi32, #tpu.memory_space<vmem>> -> memref<80xi32, #tpu.memory_space<vmem>>
        %dma_wait3A_174 = arith.constant 0 : i32
        %dma_wait3A_175 = arith.constant 0 : i32
        %dma_wait3A_176 = tpu.memref_slice %arg7[%dma_wait3A_174, %dma_wait3A_175] : memref<10000x64xbf16, #tpu.memory_space<vmem_shared>> -> memref<10000x64xbf16, #tpu.memory_space<vmem_shared>>
        tpu.wait_indirect_dma semaphore(%arg16 : memref<!tpu.dma_semaphore, #tpu.memory_space<semaphore_mem>>) src(%dma_wait3A_176 : memref<10000x64xbf16, #tpu.memory_space<vmem_shared>>) dst(%dma_wait3A_171 : memref<80x64xbf16, #tpu.memory_space<vmem>>)
        %dma_wait3A_177 = arith.constant 160 : i32
        %dma_wait3A_178 = arith.constant 0 : i32
        %dma_wait3A_179 = tpu.memref_slice %arg10[%dma_wait3A_177, %dma_wait3A_178] : memref<400x64xbf16, #tpu.memory_space<vmem>> -> memref<80x64xbf16, #tpu.memory_space<vmem>>
        %dma_wait3A_180 = arith.constant 0 : i32
        %dma_wait3A_181 = tpu.memref_slice %arg8[%dma_wait3A_180] : memref<10000xi32, #tpu.memory_space<vmem>> -> memref<80xi32, #tpu.memory_space<vmem>>
        %dma_wait3A_182 = arith.constant 0 : i32
        %dma_wait3A_183 = arith.constant 0 : i32
        %dma_wait3A_184 = tpu.memref_slice %arg6[%dma_wait3A_182, %dma_wait3A_183] : memref<10000x64xbf16, #tpu.memory_space<vmem_shared>> -> memref<10000x64xbf16, #tpu.memory_space<vmem_shared>>
        tpu.wait_indirect_dma semaphore(%arg16 : memref<!tpu.dma_semaphore, #tpu.memory_space<semaphore_mem>>) src(%dma_wait3A_184 : memref<10000x64xbf16, #tpu.memory_space<vmem_shared>>) dst(%dma_wait3A_179 : memref<80x64xbf16, #tpu.memory_space<vmem>>)
        %dma_wait3A_185 = arith.constant 160 : i32
        %dma_wait3A_186 = arith.constant 0 : i32
        %dma_wait3A_187 = tpu.memref_slice %arg12[%dma_wait3A_185, %dma_wait3A_186] : memref<400x64xbf16, #tpu.memory_space<vmem>> -> memref<80x64xbf16, #tpu.memory_space<vmem>>
        %dma_wait3A_188 = arith.constant 0 : i32
        %dma_wait3A_189 = tpu.memref_slice %arg9[%dma_wait3A_188] : memref<10000xi32, #tpu.memory_space<vmem>> -> memref<80xi32, #tpu.memory_space<vmem>>
        %dma_wait3A_190 = arith.constant 0 : i32
        %dma_wait3A_191 = arith.constant 0 : i32
        %dma_wait3A_192 = tpu.memref_slice %arg7[%dma_wait3A_190, %dma_wait3A_191] : memref<10000x64xbf16, #tpu.memory_space<vmem_shared>> -> memref<10000x64xbf16, #tpu.memory_space<vmem_shared>>
        tpu.wait_indirect_dma semaphore(%arg16 : memref<!tpu.dma_semaphore, #tpu.memory_space<semaphore_mem>>) src(%dma_wait3A_192 : memref<10000x64xbf16, #tpu.memory_space<vmem_shared>>) dst(%dma_wait3A_187 : memref<80x64xbf16, #tpu.memory_space<vmem>>)
        %dma_wait3A_193 = arith.constant 240 : i32
        %dma_wait3A_194 = arith.constant 0 : i32
        %dma_wait3A_195 = tpu.memref_slice %arg10[%dma_wait3A_193, %dma_wait3A_194] : memref<400x64xbf16, #tpu.memory_space<vmem>> -> memref<80x64xbf16, #tpu.memory_space<vmem>>
        %dma_wait3A_196 = arith.constant 0 : i32
        %dma_wait3A_197 = tpu.memref_slice %arg8[%dma_wait3A_196] : memref<10000xi32, #tpu.memory_space<vmem>> -> memref<80xi32, #tpu.memory_space<vmem>>
        %dma_wait3A_198 = arith.constant 0 : i32
        %dma_wait3A_199 = arith.constant 0 : i32
        %dma_wait3A_200 = tpu.memref_slice %arg6[%dma_wait3A_198, %dma_wait3A_199] : memref<10000x64xbf16, #tpu.memory_space<vmem_shared>> -> memref<10000x64xbf16, #tpu.memory_space<vmem_shared>>
        tpu.wait_indirect_dma semaphore(%arg16 : memref<!tpu.dma_semaphore, #tpu.memory_space<semaphore_mem>>) src(%dma_wait3A_200 : memref<10000x64xbf16, #tpu.memory_space<vmem_shared>>) dst(%dma_wait3A_195 : memref<80x64xbf16, #tpu.memory_space<vmem>>)
        %dma_wait3A_201 = arith.constant 240 : i32
        %dma_wait3A_202 = arith.constant 0 : i32
        %dma_wait3A_203 = tpu.memref_slice %arg12[%dma_wait3A_201, %dma_wait3A_202] : memref<400x64xbf16, #tpu.memory_space<vmem>> -> memref<80x64xbf16, #tpu.memory_space<vmem>>
        %dma_wait3A_204 = arith.constant 0 : i32
        %dma_wait3A_205 = tpu.memref_slice %arg9[%dma_wait3A_204] : memref<10000xi32, #tpu.memory_space<vmem>> -> memref<80xi32, #tpu.memory_space<vmem>>
        %dma_wait3A_206 = arith.constant 0 : i32
        %dma_wait3A_207 = arith.constant 0 : i32
        %dma_wait3A_208 = tpu.memref_slice %arg7[%dma_wait3A_206, %dma_wait3A_207] : memref<10000x64xbf16, #tpu.memory_space<vmem_shared>> -> memref<10000x64xbf16, #tpu.memory_space<vmem_shared>>
        tpu.wait_indirect_dma semaphore(%arg16 : memref<!tpu.dma_semaphore, #tpu.memory_space<semaphore_mem>>) src(%dma_wait3A_208 : memref<10000x64xbf16, #tpu.memory_space<vmem_shared>>) dst(%dma_wait3A_203 : memref<80x64xbf16, #tpu.memory_space<vmem>>)
        %dma_wait3A_209 = arith.constant 320 : i32
        %dma_wait3A_210 = arith.constant 0 : i32
        %dma_wait3A_211 = tpu.memref_slice %arg10[%dma_wait3A_209, %dma_wait3A_210] : memref<400x64xbf16, #tpu.memory_space<vmem>> -> memref<80x64xbf16, #tpu.memory_space<vmem>>
        %dma_wait3A_212 = arith.constant 0 : i32
        %dma_wait3A_213 = tpu.memref_slice %arg8[%dma_wait3A_212] : memref<10000xi32, #tpu.memory_space<vmem>> -> memref<80xi32, #tpu.memory_space<vmem>>
        %dma_wait3A_214 = arith.constant 0 : i32
        %dma_wait3A_215 = arith.constant 0 : i32
        %dma_wait3A_216 = tpu.memref_slice %arg6[%dma_wait3A_214, %dma_wait3A_215] : memref<10000x64xbf16, #tpu.memory_space<vmem_shared>> -> memref<10000x64xbf16, #tpu.memory_space<vmem_shared>>
        tpu.wait_indirect_dma semaphore(%arg16 : memref<!tpu.dma_semaphore, #tpu.memory_space<semaphore_mem>>) src(%dma_wait3A_216 : memref<10000x64xbf16, #tpu.memory_space<vmem_shared>>) dst(%dma_wait3A_211 : memref<80x64xbf16, #tpu.memory_space<vmem>>)
        %dma_wait3A_217 = arith.constant 320 : i32
        %dma_wait3A_218 = arith.constant 0 : i32
        %dma_wait3A_219 = tpu.memref_slice %arg12[%dma_wait3A_217, %dma_wait3A_218] : memref<400x64xbf16, #tpu.memory_space<vmem>> -> memref<80x64xbf16, #tpu.memory_space<vmem>>
        %dma_wait3A_220 = arith.constant 0 : i32
        %dma_wait3A_221 = tpu.memref_slice %arg9[%dma_wait3A_220] : memref<10000xi32, #tpu.memory_space<vmem>> -> memref<80xi32, #tpu.memory_space<vmem>>
        %dma_wait3A_222 = arith.constant 0 : i32
        %dma_wait3A_223 = arith.constant 0 : i32
        %dma_wait3A_224 = tpu.memref_slice %arg7[%dma_wait3A_222, %dma_wait3A_223] : memref<10000x64xbf16, #tpu.memory_space<vmem_shared>> -> memref<10000x64xbf16, #tpu.memory_space<vmem_shared>>
        tpu.wait_indirect_dma semaphore(%arg16 : memref<!tpu.dma_semaphore, #tpu.memory_space<semaphore_mem>>) src(%dma_wait3A_224 : memref<10000x64xbf16, #tpu.memory_space<vmem_shared>>) dst(%dma_wait3A_219 : memref<80x64xbf16, #tpu.memory_space<vmem>>)
        %ge3A = arith.constant 2 : i32
        %ge3A_225 = arith.cmpi sge, %add3A_124, %ge3A : i32
        %convert_element_type3A_226 = arith.extui %ge3A_225 : i1 to i32
        %cond3A_227 = arith.constant 0 : i32
        %cond3A_228 = arith.cmpi ne, %convert_element_type3A_226, %cond3A_227 : i32
        scf.if %cond3A_228 {
          %dma_wait3A_248 = arith.constant 0 : i32
          %dma_wait3A_249 = arith.constant 0 : i32
          %dma_wait3A_250 = tpu.memref_slice %arg14[%dma_wait3A_248, %dma_wait3A_249] : memref<2x400xf32, #tpu.memory_space<vmem>> -> memref<1x400xf32, #tpu.memory_space<vmem>>
          %dma_wait3A_251 = tpu.memref_squeeze %dma_wait3A_250 : memref<1x400xf32, #tpu.memory_space<vmem>> -> memref<400xf32, #tpu.memory_space<vmem>>
          %dma_wait3A_252 = arith.constant 0 : i32
          %dma_wait3A_253 = tpu.memref_slice %arg5[%dma_wait3A_252] : memref<320000xf32, #tpu.memory_space<hbm>> -> memref<400xf32, #tpu.memory_space<hbm>>
          %dma_wait3A_254 = arith.constant 0 : i32
          %dma_wait3A_255 = tpu.memref_slice %arg5[%dma_wait3A_254] : memref<320000xf32, #tpu.memory_space<hbm>> -> memref<400xf32, #tpu.memory_space<hbm>>
          %dma_wait3A_256 = arith.constant 0 : i32
          %dma_wait3A_257 = tpu.memref_slice %arg14[%dma_wait3A_248, %dma_wait3A_256] : memref<2x400xf32, #tpu.memory_space<vmem>> -> memref<1x400xf32, #tpu.memory_space<vmem>>
          %dma_wait3A_258 = tpu.memref_squeeze %dma_wait3A_257 : memref<1x400xf32, #tpu.memory_space<vmem>> -> memref<400xf32, #tpu.memory_space<vmem>>
          tpu.wait_dma2 semaphore(%arg18 : memref<!tpu.dma_semaphore, #tpu.memory_space<semaphore_mem>>) src(%dma_wait3A_258 : memref<400xf32, #tpu.memory_space<vmem>>) dst(%dma_wait3A_255 : memref<400xf32, #tpu.memory_space<hbm>>)
        } else {
        }
        %iota3A = tpu.iota {dimensions = array<i32: 0>} : vector<16xi32>
        %broadcast_in_dim3A = arith.constant -65536 : i32
        %broadcast_in_dim3A_229 = vector.broadcast %broadcast_in_dim3A : i32 to vector<16xi32>
        %scan3A_230 = arith.constant 0 : i32
        %scan3A_231 = arith.constant 0 : i32
        %scan3A_232 = arith.constant 25 : i32
        %scan3A_233 = arith.addi %scan3A_231, %scan3A_232 : i32
        %scan3A_234 = arith.constant 1 : i32
        scf.for %scan3A_248 = %scan3A_231 to %scan3A_233 step %scan3A_234  : i32 {
          %broadcast_in_dim3A_249 = arith.constant 0.000000e+00 : f32
          %broadcast_in_dim3A_250 = vector.broadcast %broadcast_in_dim3A_249 : f32 to vector<16xf32>
          %mul3A_251 = arith.constant 16 : i32
          %mul3A_252 = arith.muli %scan3A_248, %mul3A_251 : i32
          %add3A_253 = arith.constant 0 : i32
          %add3A_254 = arith.addi %mul3A_252, %add3A_253 : i32
          %broadcast_in_dim3A_255 = arith.constant 0.000000e+00 : f32
          %broadcast_in_dim3A_256 = vector.broadcast %broadcast_in_dim3A_255 : f32 to vector<16xf32>
          %get3A = arith.index_cast %add3A_254 : i32 to index
          %get3A_257 = arith.constant 0 : index
          %get3A_258 = tpu.vector_load %arg10[%get3A, %get3A_257] {strides = array<i32>} : memref<400x64xbf16, #tpu.memory_space<vmem>>, vector<32xbf16>,
          %bitcast3A = vector.bitcast %get3A_258 : vector<32xbf16> to vector<16xi32>
          %shift_left3A = arith.constant 16 : i32
          %shift_left3A_259 = vector.broadcast %shift_left3A : i32 to vector<16xi32>
          %shift_left3A_260 = arith.shli %bitcast3A, %shift_left3A_259 : vector<16xi32>
          %bitcast3A_261 = vector.bitcast %shift_left3A_260 : vector<16xi32> to vector<16xf32>
          %and3A = arith.andi %bitcast3A, %broadcast_in_dim3A_229 : vector<16xi32>
          %bitcast3A_262 = vector.bitcast %and3A : vector<16xi32> to vector<16xf32>
          %get3A_263 = arith.index_cast %add3A_254 : i32 to index
          %get3A_264 = arith.constant 0 : index
          %get3A_265 = tpu.vector_load %arg12[%get3A_263, %get3A_264] {strides = array<i32>} : memref<400x64xbf16, #tpu.memory_space<vmem>>, vector<32xbf16>,
          %bitcast3A_266 = vector.bitcast %get3A_265 : vector<32xbf16> to vector<16xi32>
          %shift_left3A_267 = arith.constant 16 : i32
          %shift_left3A_268 = vector.broadcast %shift_left3A_267 : i32 to vector<16xi32>
          %shift_left3A_269 = arith.shli %bitcast3A_266, %shift_left3A_268 : vector<16xi32>
          %bitcast3A_270 = vector.bitcast %shift_left3A_269 : vector<16xi32> to vector<16xf32>
          %and3A_271 = arith.andi %bitcast3A_266, %broadcast_in_dim3A_229 : vector<16xi32>
          %bitcast3A_272 = vector.bitcast %and3A_271 : vector<16xi32> to vector<16xf32>
          %mul3A_273 = arith.mulf %bitcast3A_261, %bitcast3A_270 : vector<16xf32>
          %add3A_274 = arith.addf %broadcast_in_dim3A_256, %mul3A_273 : vector<16xf32>
          %mul3A_275 = arith.mulf %bitcast3A_262, %bitcast3A_272 : vector<16xf32>
          %add3A_276 = arith.addf %add3A_274, %mul3A_275 : vector<16xf32>
          %get3A_277 = arith.index_cast %add3A_254 : i32 to index
          %get3A_278 = arith.constant 32 : index
          %get3A_279 = tpu.vector_load %arg10[%get3A_277, %get3A_278] {strides = array<i32>} : memref<400x64xbf16, #tpu.memory_space<vmem>>, vector<32xbf16>,
          %bitcast3A_280 = vector.bitcast %get3A_279 : vector<32xbf16> to vector<16xi32>
          %shift_left3A_281 = arith.constant 16 : i32
          %shift_left3A_282 = vector.broadcast %shift_left3A_281 : i32 to vector<16xi32>
          %shift_left3A_283 = arith.shli %bitcast3A_280, %shift_left3A_282 : vector<16xi32>
          %bitcast3A_284 = vector.bitcast %shift_left3A_283 : vector<16xi32> to vector<16xf32>
          %and3A_285 = arith.andi %bitcast3A_280, %broadcast_in_dim3A_229 : vector<16xi32>
          %bitcast3A_286 = vector.bitcast %and3A_285 : vector<16xi32> to vector<16xf32>
          %get3A_287 = arith.index_cast %add3A_254 : i32 to index
          %get3A_288 = arith.constant 32 : index
          %get3A_289 = tpu.vector_load %arg12[%get3A_287, %get3A_288] {strides = array<i32>} : memref<400x64xbf16, #tpu.memory_space<vmem>>, vector<32xbf16>,
          %bitcast3A_290 = vector.bitcast %get3A_289 : vector<32xbf16> to vector<16xi32>
          %shift_left3A_291 = arith.constant 16 : i32
          %shift_left3A_292 = vector.broadcast %shift_left3A_291 : i32 to vector<16xi32>
          %shift_left3A_293 = arith.shli %bitcast3A_290, %shift_left3A_292 : vector<16xi32>
          %bitcast3A_294 = vector.bitcast %shift_left3A_293 : vector<16xi32> to vector<16xf32>
          %and3A_295 = arith.andi %bitcast3A_290, %broadcast_in_dim3A_229 : vector<16xi32>
          %bitcast3A_296 = vector.bitcast %and3A_295 : vector<16xi32> to vector<16xf32>
          %mul3A_297 = arith.mulf %bitcast3A_284, %bitcast3A_294 : vector<16xf32>
          %add3A_298 = arith.addf %add3A_276, %mul3A_297 : vector<16xf32>
          %mul3A_299 = arith.mulf %bitcast3A_286, %bitcast3A_296 : vector<16xf32>
          %add3A_300 = arith.addf %add3A_298, %mul3A_299 : vector<16xf32>
          %reduce_sum3A = arith.constant true
          %reduce_sum3A_301 = vector.broadcast %reduce_sum3A : i1 to vector<16xi1>
          %reduce_sum3A_302 = tpu.scan <sum>, %add3A_300 masked %reduce_sum3A_301 : vector<16xf32>, vector<16xi1> -> vector<16xf32>
          %reduce_sum3A_303 = vector.extract %reduce_sum3A_302[15] : f32 from vector<16xf32>
          %eq3A_304 = arith.constant 0 : i32
          %eq3A_305 = vector.broadcast %eq3A_304 : i32 to vector<16xi32>
          %eq3A_306 = arith.cmpi eq, %iota3A, %eq3A_305 : vector<16xi32>
          %broadcast_in_dim3A_307 = vector.broadcast %reduce_sum3A_303 : f32 to vector<16xf32>
          %select_n3A = arith.select %eq3A_306, %broadcast_in_dim3A_307, %broadcast_in_dim3A_250 : vector<16xi1>, vector<16xf32>
          %mul3A_308 = arith.constant 16 : i32
          %mul3A_309 = arith.muli %scan3A_248, %mul3A_308 : i32
          %add3A_310 = arith.constant 1 : i32
          %add3A_311 = arith.addi %mul3A_309, %add3A_310 : i32
          %broadcast_in_dim3A_312 = arith.constant 0.000000e+00 : f32
          %broadcast_in_dim3A_313 = vector.broadcast %broadcast_in_dim3A_312 : f32 to vector<16xf32>
          %get3A_314 = arith.index_cast %add3A_311 : i32 to index
          %get3A_315 = arith.constant 0 : index
          %get3A_316 = tpu.vector_load %arg10[%get3A_314, %get3A_315] {strides = array<i32>} : memref<400x64xbf16, #tpu.memory_space<vmem>>, vector<32xbf16>,
          %bitcast3A_317 = vector.bitcast %get3A_316 : vector<32xbf16> to vector<16xi32>
          %shift_left3A_318 = arith.constant 16 : i32
          %shift_left3A_319 = vector.broadcast %shift_left3A_318 : i32 to vector<16xi32>
          %shift_left3A_320 = arith.shli %bitcast3A_317, %shift_left3A_319 : vector<16xi32>
          %bitcast3A_321 = vector.bitcast %shift_left3A_320 : vector<16xi32> to vector<16xf32>
          %and3A_322 = arith.andi %bitcast3A_317, %broadcast_in_dim3A_229 : vector<16xi32>
          %bitcast3A_323 = vector.bitcast %and3A_322 : vector<16xi32> to vector<16xf32>
          %get3A_324 = arith.index_cast %add3A_311 : i32 to index
          %get3A_325 = arith.constant 0 : index
          %get3A_326 = tpu.vector_load %arg12[%get3A_324, %get3A_325] {strides = array<i32>} : memref<400x64xbf16, #tpu.memory_space<vmem>>, vector<32xbf16>,
          %bitcast3A_327 = vector.bitcast %get3A_326 : vector<32xbf16> to vector<16xi32>
          %shift_left3A_328 = arith.constant 16 : i32
          %shift_left3A_329 = vector.broadcast %shift_left3A_328 : i32 to vector<16xi32>
          %shift_left3A_330 = arith.shli %bitcast3A_327, %shift_left3A_329 : vector<16xi32>
          %bitcast3A_331 = vector.bitcast %shift_left3A_330 : vector<16xi32> to vector<16xf32>
          %and3A_332 = arith.andi %bitcast3A_327, %broadcast_in_dim3A_229 : vector<16xi32>
          %bitcast3A_333 = vector.bitcast %and3A_332 : vector<16xi32> to vector<16xf32>
          %mul3A_334 = arith.mulf %bitcast3A_321, %bitcast3A_331 : vector<16xf32>
          %add3A_335 = arith.addf %broadcast_in_dim3A_313, %mul3A_334 : vector<16xf32>
          %mul3A_336 = arith.mulf %bitcast3A_323, %bitcast3A_333 : vector<16xf32>
          %add3A_337 = arith.addf %add3A_335, %mul3A_336 : vector<16xf32>
          %get3A_338 = arith.index_cast %add3A_311 : i32 to index
          %get3A_339 = arith.constant 32 : index
          %get3A_340 = tpu.vector_load %arg10[%get3A_338, %get3A_339] {strides = array<i32>} : memref<400x64xbf16, #tpu.memory_space<vmem>>, vector<32xbf16>,
          %bitcast3A_341 = vector.bitcast %get3A_340 : vector<32xbf16> to vector<16xi32>
          %shift_left3A_342 = arith.constant 16 : i32
          %shift_left3A_343 = vector.broadcast %shift_left3A_342 : i32 to vector<16xi32>
          %shift_left3A_344 = arith.shli %bitcast3A_341, %shift_left3A_343 : vector<16xi32>
          %bitcast3A_345 = vector.bitcast %shift_left3A_344 : vector<16xi32> to vector<16xf32>
          %and3A_346 = arith.andi %bitcast3A_341, %broadcast_in_dim3A_229 : vector<16xi32>
          %bitcast3A_347 = vector.bitcast %and3A_346 : vector<16xi32> to vector<16xf32>
          %get3A_348 = arith.index_cast %add3A_311 : i32 to index
          %get3A_349 = arith.constant 32 : index
          %get3A_350 = tpu.vector_load %arg12[%get3A_348, %get3A_349] {strides = array<i32>} : memref<400x64xbf16, #tpu.memory_space<vmem>>, vector<32xbf16>,
          %bitcast3A_351 = vector.bitcast %get3A_350 : vector<32xbf16> to vector<16xi32>
          %shift_left3A_352 = arith.constant 16 : i32
          %shift_left3A_353 = vector.broadcast %shift_left3A_352 : i32 to vector<16xi32>
          %shift_left3A_354 = arith.shli %bitcast3A_351, %shift_left3A_353 : vector<16xi32>
          %bitcast3A_355 = vector.bitcast %shift_left3A_354 : vector<16xi32> to vector<16xf32>
          %and3A_356 = arith.andi %bitcast3A_351, %broadcast_in_dim3A_229 : vector<16xi32>
          %bitcast3A_357 = vector.bitcast %and3A_356 : vector<16xi32> to vector<16xf32>
          %mul3A_358 = arith.mulf %bitcast3A_345, %bitcast3A_355 : vector<16xf32>
          %add3A_359 = arith.addf %add3A_337, %mul3A_358 : vector<16xf32>
          %mul3A_360 = arith.mulf %bitcast3A_347, %bitcast3A_357 : vector<16xf32>
          %add3A_361 = arith.addf %add3A_359, %mul3A_360 : vector<16xf32>
          %reduce_sum3A_362 = arith.constant true
          %reduce_sum3A_363 = vector.broadcast %reduce_sum3A_362 : i1 to vector<16xi1>
          %reduce_sum3A_364 = tpu.scan <sum>, %add3A_361 masked %reduce_sum3A_363 : vector<16xf32>, vector<16xi1> -> vector<16xf32>
          %reduce_sum3A_365 = vector.extract %reduce_sum3A_364[15] : f32 from vector<16xf32>
          %eq3A_366 = arith.constant 1 : i32
          %eq3A_367 = vector.broadcast %eq3A_366 : i32 to vector<16xi32>
          %eq3A_368 = arith.cmpi eq, %iota3A, %eq3A_367 : vector<16xi32>
          %broadcast_in_dim3A_369 = vector.broadcast %reduce_sum3A_365 : f32 to vector<16xf32>
          %select_n3A_370 = arith.select %eq3A_368, %broadcast_in_dim3A_369, %select_n3A : vector<16xi1>, vector<16xf32>
          %mul3A_371 = arith.constant 16 : i32
          %mul3A_372 = arith.muli %scan3A_248, %mul3A_371 : i32
          %add3A_373 = arith.constant 2 : i32
          %add3A_374 = arith.addi %mul3A_372, %add3A_373 : i32
          %broadcast_in_dim3A_375 = arith.constant 0.000000e+00 : f32
          %broadcast_in_dim3A_376 = vector.broadcast %broadcast_in_dim3A_375 : f32 to vector<16xf32>
          %get3A_377 = arith.index_cast %add3A_374 : i32 to index
          %get3A_378 = arith.constant 0 : index
          %get3A_379 = tpu.vector_load %arg10[%get3A_377, %get3A_378] {strides = array<i32>} : memref<400x64xbf16, #tpu.memory_space<vmem>>, vector<32xbf16>,
          %bitcast3A_380 = vector.bitcast %get3A_379 : vector<32xbf16> to vector<16xi32>
          %shift_left3A_381 = arith.constant 16 : i32
          %shift_left3A_382 = vector.broadcast %shift_left3A_381 : i32 to vector<16xi32>
          %shift_left3A_383 = arith.shli %bitcast3A_380, %shift_left3A_382 : vector<16xi32>
          %bitcast3A_384 = vector.bitcast %shift_left3A_383 : vector<16xi32> to vector<16xf32>
          %and3A_385 = arith.andi %bitcast3A_380, %broadcast_in_dim3A_229 : vector<16xi32>
          %bitcast3A_386 = vector.bitcast %and3A_385 : vector<16xi32> to vector<16xf32>
          %get3A_387 = arith.index_cast %add3A_374 : i32 to index
          %get3A_388 = arith.constant 0 : index
          %get3A_389 = tpu.vector_load %arg12[%get3A_387, %get3A_388] {strides = array<i32>} : memref<400x64xbf16, #tpu.memory_space<vmem>>, vector<32xbf16>,
          %bitcast3A_390 = vector.bitcast %get3A_389 : vector<32xbf16> to vector<16xi32>
          %shift_left3A_391 = arith.constant 16 : i32
          %shift_left3A_392 = vector.broadcast %shift_left3A_391 : i32 to vector<16xi32>
          %shift_left3A_393 = arith.shli %bitcast3A_390, %shift_left3A_392 : vector<16xi32>
          %bitcast3A_394 = vector.bitcast %shift_left3A_393 : vector<16xi32> to vector<16xf32>
          %and3A_395 = arith.andi %bitcast3A_390, %broadcast_in_dim3A_229 : vector<16xi32>
          %bitcast3A_396 = vector.bitcast %and3A_395 : vector<16xi32> to vector<16xf32>
          %mul3A_397 = arith.mulf %bitcast3A_384, %bitcast3A_394 : vector<16xf32>
          %add3A_398 = arith.addf %broadcast_in_dim3A_376, %mul3A_397 : vector<16xf32>
          %mul3A_399 = arith.mulf %bitcast3A_386, %bitcast3A_396 : vector<16xf32>
          %add3A_400 = arith.addf %add3A_398, %mul3A_399 : vector<16xf32>
          %get3A_401 = arith.index_cast %add3A_374 : i32 to index
          %get3A_402 = arith.constant 32 : index
          %get3A_403 = tpu.vector_load %arg10[%get3A_401, %get3A_402] {strides = array<i32>} : memref<400x64xbf16, #tpu.memory_space<vmem>>, vector<32xbf16>,
          %bitcast3A_404 = vector.bitcast %get3A_403 : vector<32xbf16> to vector<16xi32>
          %shift_left3A_405 = arith.constant 16 : i32
          %shift_left3A_406 = vector.broadcast %shift_left3A_405 : i32 to vector<16xi32>
          %shift_left3A_407 = arith.shli %bitcast3A_404, %shift_left3A_406 : vector<16xi32>
          %bitcast3A_408 = vector.bitcast %shift_left3A_407 : vector<16xi32> to vector<16xf32>
          %and3A_409 = arith.andi %bitcast3A_404, %broadcast_in_dim3A_229 : vector<16xi32>
          %bitcast3A_410 = vector.bitcast %and3A_409 : vector<16xi32> to vector<16xf32>
          %get3A_411 = arith.index_cast %add3A_374 : i32 to index
          %get3A_412 = arith.constant 32 : index
          %get3A_413 = tpu.vector_load %arg12[%get3A_411, %get3A_412] {strides = array<i32>} : memref<400x64xbf16, #tpu.memory_space<vmem>>, vector<32xbf16>,
          %bitcast3A_414 = vector.bitcast %get3A_413 : vector<32xbf16> to vector<16xi32>
          %shift_left3A_415 = arith.constant 16 : i32
          %shift_left3A_416 = vector.broadcast %shift_left3A_415 : i32 to vector<16xi32>
          %shift_left3A_417 = arith.shli %bitcast3A_414, %shift_left3A_416 : vector<16xi32>
          %bitcast3A_418 = vector.bitcast %shift_left3A_417 : vector<16xi32> to vector<16xf32>
          %and3A_419 = arith.andi %bitcast3A_414, %broadcast_in_dim3A_229 : vector<16xi32>
          %bitcast3A_420 = vector.bitcast %and3A_419 : vector<16xi32> to vector<16xf32>
          %mul3A_421 = arith.mulf %bitcast3A_408, %bitcast3A_418 : vector<16xf32>
          %add3A_422 = arith.addf %add3A_400, %mul3A_421 : vector<16xf32>
          %mul3A_423 = arith.mulf %bitcast3A_410, %bitcast3A_420 : vector<16xf32>
          %add3A_424 = arith.addf %add3A_422, %mul3A_423 : vector<16xf32>
          %reduce_sum3A_425 = arith.constant true
          %reduce_sum3A_426 = vector.broadcast %reduce_sum3A_425 : i1 to vector<16xi1>
          %reduce_sum3A_427 = tpu.scan <sum>, %add3A_424 masked %reduce_sum3A_426 : vector<16xf32>, vector<16xi1> -> vector<16xf32>
          %reduce_sum3A_428 = vector.extract %reduce_sum3A_427[15] : f32 from vector<16xf32>
          %eq3A_429 = arith.constant 2 : i32
          %eq3A_430 = vector.broadcast %eq3A_429 : i32 to vector<16xi32>
          %eq3A_431 = arith.cmpi eq, %iota3A, %eq3A_430 : vector<16xi32>
          %broadcast_in_dim3A_432 = vector.broadcast %reduce_sum3A_428 : f32 to vector<16xf32>
          %select_n3A_433 = arith.select %eq3A_431, %broadcast_in_dim3A_432, %select_n3A_370 : vector<16xi1>, vector<16xf32>
          %mul3A_434 = arith.constant 16 : i32
          %mul3A_435 = arith.muli %scan3A_248, %mul3A_434 : i32
          %add3A_436 = arith.constant 3 : i32
          %add3A_437 = arith.addi %mul3A_435, %add3A_436 : i32
          %broadcast_in_dim3A_438 = arith.constant 0.000000e+00 : f32
          %broadcast_in_dim3A_439 = vector.broadcast %broadcast_in_dim3A_438 : f32 to vector<16xf32>
          %get3A_440 = arith.index_cast %add3A_437 : i32 to index
          %get3A_441 = arith.constant 0 : index
          %get3A_442 = tpu.vector_load %arg10[%get3A_440, %get3A_441] {strides = array<i32>} : memref<400x64xbf16, #tpu.memory_space<vmem>>, vector<32xbf16>,
          %bitcast3A_443 = vector.bitcast %get3A_442 : vector<32xbf16> to vector<16xi32>
          %shift_left3A_444 = arith.constant 16 : i32
          %shift_left3A_445 = vector.broadcast %shift_left3A_444 : i32 to vector<16xi32>
          %shift_left3A_446 = arith.shli %bitcast3A_443, %shift_left3A_445 : vector<16xi32>
          %bitcast3A_447 = vector.bitcast %shift_left3A_446 : vector<16xi32> to vector<16xf32>
          %and3A_448 = arith.andi %bitcast3A_443, %broadcast_in_dim3A_229 : vector<16xi32>
          %bitcast3A_449 = vector.bitcast %and3A_448 : vector<16xi32> to vector<16xf32>
          %get3A_450 = arith.index_cast %add3A_437 : i32 to index
          %get3A_451 = arith.constant 0 : index
          %get3A_452 = tpu.vector_load %arg12[%get3A_450, %get3A_451] {strides = array<i32>} : memref<400x64xbf16, #tpu.memory_space<vmem>>, vector<32xbf16>,
          %bitcast3A_453 = vector.bitcast %get3A_452 : vector<32xbf16> to vector<16xi32>
          %shift_left3A_454 = arith.constant 16 : i32
          %shift_left3A_455 = vector.broadcast %shift_left3A_454 : i32 to vector<16xi32>
          %shift_left3A_456 = arith.shli %bitcast3A_453, %shift_left3A_455 : vector<16xi32>
          %bitcast3A_457 = vector.bitcast %shift_left3A_456 : vector<16xi32> to vector<16xf32>
          %and3A_458 = arith.andi %bitcast3A_453, %broadcast_in_dim3A_229 : vector<16xi32>
          %bitcast3A_459 = vector.bitcast %and3A_458 : vector<16xi32> to vector<16xf32>
          %mul3A_460 = arith.mulf %bitcast3A_447, %bitcast3A_457 : vector<16xf32>
          %add3A_461 = arith.addf %broadcast_in_dim3A_439, %mul3A_460 : vector<16xf32>
          %mul3A_462 = arith.mulf %bitcast3A_449, %bitcast3A_459 : vector<16xf32>
          %add3A_463 = arith.addf %add3A_461, %mul3A_462 : vector<16xf32>
          %get3A_464 = arith.index_cast %add3A_437 : i32 to index
          %get3A_465 = arith.constant 32 : index
          %get3A_466 = tpu.vector_load %arg10[%get3A_464, %get3A_465] {strides = array<i32>} : memref<400x64xbf16, #tpu.memory_space<vmem>>, vector<32xbf16>,
          %bitcast3A_467 = vector.bitcast %get3A_466 : vector<32xbf16> to vector<16xi32>
          %shift_left3A_468 = arith.constant 16 : i32
          %shift_left3A_469 = vector.broadcast %shift_left3A_468 : i32 to vector<16xi32>
          %shift_left3A_470 = arith.shli %bitcast3A_467, %shift_left3A_469 : vector<16xi32>
          %bitcast3A_471 = vector.bitcast %shift_left3A_470 : vector<16xi32> to vector<16xf32>
          %and3A_472 = arith.andi %bitcast3A_467, %broadcast_in_dim3A_229 : vector<16xi32>
          %bitcast3A_473 = vector.bitcast %and3A_472 : vector<16xi32> to vector<16xf32>
          %get3A_474 = arith.index_cast %add3A_437 : i32 to index
          %get3A_475 = arith.constant 32 : index
          %get3A_476 = tpu.vector_load %arg12[%get3A_474, %get3A_475] {strides = array<i32>} : memref<400x64xbf16, #tpu.memory_space<vmem>>, vector<32xbf16>,
          %bitcast3A_477 = vector.bitcast %get3A_476 : vector<32xbf16> to vector<16xi32>
          %shift_left3A_478 = arith.constant 16 : i32
          %shift_left3A_479 = vector.broadcast %shift_left3A_478 : i32 to vector<16xi32>
          %shift_left3A_480 = arith.shli %bitcast3A_477, %shift_left3A_479 : vector<16xi32>
          %bitcast3A_481 = vector.bitcast %shift_left3A_480 : vector<16xi32> to vector<16xf32>
          %and3A_482 = arith.andi %bitcast3A_477, %broadcast_in_dim3A_229 : vector<16xi32>
          %bitcast3A_483 = vector.bitcast %and3A_482 : vector<16xi32> to vector<16xf32>
          %mul3A_484 = arith.mulf %bitcast3A_471, %bitcast3A_481 : vector<16xf32>
          %add3A_485 = arith.addf %add3A_463, %mul3A_484 : vector<16xf32>
          %mul3A_486 = arith.mulf %bitcast3A_473, %bitcast3A_483 : vector<16xf32>
          %add3A_487 = arith.addf %add3A_485, %mul3A_486 : vector<16xf32>
          %reduce_sum3A_488 = arith.constant true
          %reduce_sum3A_489 = vector.broadcast %reduce_sum3A_488 : i1 to vector<16xi1>
          %reduce_sum3A_490 = tpu.scan <sum>, %add3A_487 masked %reduce_sum3A_489 : vector<16xf32>, vector<16xi1> -> vector<16xf32>
          %reduce_sum3A_491 = vector.extract %reduce_sum3A_490[15] : f32 from vector<16xf32>
          %eq3A_492 = arith.constant 3 : i32
          %eq3A_493 = vector.broadcast %eq3A_492 : i32 to vector<16xi32>
          %eq3A_494 = arith.cmpi eq, %iota3A, %eq3A_493 : vector<16xi32>
          %broadcast_in_dim3A_495 = vector.broadcast %reduce_sum3A_491 : f32 to vector<16xf32>
          %select_n3A_496 = arith.select %eq3A_494, %broadcast_in_dim3A_495, %select_n3A_433 : vector<16xi1>, vector<16xf32>
          %mul3A_497 = arith.constant 16 : i32
          %mul3A_498 = arith.muli %scan3A_248, %mul3A_497 : i32
          %add3A_499 = arith.constant 4 : i32
          %add3A_500 = arith.addi %mul3A_498, %add3A_499 : i32
          %broadcast_in_dim3A_501 = arith.constant 0.000000e+00 : f32
          %broadcast_in_dim3A_502 = vector.broadcast %broadcast_in_dim3A_501 : f32 to vector<16xf32>
          %get3A_503 = arith.index_cast %add3A_500 : i32 to index
          %get3A_504 = arith.constant 0 : index
          %get3A_505 = tpu.vector_load %arg10[%get3A_503, %get3A_504] {strides = array<i32>} : memref<400x64xbf16, #tpu.memory_space<vmem>>, vector<32xbf16>,
          %bitcast3A_506 = vector.bitcast %get3A_505 : vector<32xbf16> to vector<16xi32>
          %shift_left3A_507 = arith.constant 16 : i32
          %shift_left3A_508 = vector.broadcast %shift_left3A_507 : i32 to vector<16xi32>
          %shift_left3A_509 = arith.shli %bitcast3A_506, %shift_left3A_508 : vector<16xi32>
          %bitcast3A_510 = vector.bitcast %shift_left3A_509 : vector<16xi32> to vector<16xf32>
          %and3A_511 = arith.andi %bitcast3A_506, %broadcast_in_dim3A_229 : vector<16xi32>
          %bitcast3A_512 = vector.bitcast %and3A_511 : vector<16xi32> to vector<16xf32>
          %get3A_513 = arith.index_cast %add3A_500 : i32 to index
          %get3A_514 = arith.constant 0 : index
          %get3A_515 = tpu.vector_load %arg12[%get3A_513, %get3A_514] {strides = array<i32>} : memref<400x64xbf16, #tpu.memory_space<vmem>>, vector<32xbf16>,
          %bitcast3A_516 = vector.bitcast %get3A_515 : vector<32xbf16> to vector<16xi32>
          %shift_left3A_517 = arith.constant 16 : i32
          %shift_left3A_518 = vector.broadcast %shift_left3A_517 : i32 to vector<16xi32>
          %shift_left3A_519 = arith.shli %bitcast3A_516, %shift_left3A_518 : vector<16xi32>
          %bitcast3A_520 = vector.bitcast %shift_left3A_519 : vector<16xi32> to vector<16xf32>
          %and3A_521 = arith.andi %bitcast3A_516, %broadcast_in_dim3A_229 : vector<16xi32>
          %bitcast3A_522 = vector.bitcast %and3A_521 : vector<16xi32> to vector<16xf32>
          %mul3A_523 = arith.mulf %bitcast3A_510, %bitcast3A_520 : vector<16xf32>
          %add3A_524 = arith.addf %broadcast_in_dim3A_502, %mul3A_523 : vector<16xf32>
          %mul3A_525 = arith.mulf %bitcast3A_512, %bitcast3A_522 : vector<16xf32>
          %add3A_526 = arith.addf %add3A_524, %mul3A_525 : vector<16xf32>
          %get3A_527 = arith.index_cast %add3A_500 : i32 to index
          %get3A_528 = arith.constant 32 : index
          %get3A_529 = tpu.vector_load %arg10[%get3A_527, %get3A_528] {strides = array<i32>} : memref<400x64xbf16, #tpu.memory_space<vmem>>, vector<32xbf16>,
          %bitcast3A_530 = vector.bitcast %get3A_529 : vector<32xbf16> to vector<16xi32>
          %shift_left3A_531 = arith.constant 16 : i32
          %shift_left3A_532 = vector.broadcast %shift_left3A_531 : i32 to vector<16xi32>
          %shift_left3A_533 = arith.shli %bitcast3A_530, %shift_left3A_532 : vector<16xi32>
          %bitcast3A_534 = vector.bitcast %shift_left3A_533 : vector<16xi32> to vector<16xf32>
          %and3A_535 = arith.andi %bitcast3A_530, %broadcast_in_dim3A_229 : vector<16xi32>
          %bitcast3A_536 = vector.bitcast %and3A_535 : vector<16xi32> to vector<16xf32>
          %get3A_537 = arith.index_cast %add3A_500 : i32 to index
          %get3A_538 = arith.constant 32 : index
          %get3A_539 = tpu.vector_load %arg12[%get3A_537, %get3A_538] {strides = array<i32>} : memref<400x64xbf16, #tpu.memory_space<vmem>>, vector<32xbf16>,
          %bitcast3A_540 = vector.bitcast %get3A_539 : vector<32xbf16> to vector<16xi32>
          %shift_left3A_541 = arith.constant 16 : i32
          %shift_left3A_542 = vector.broadcast %shift_left3A_541 : i32 to vector<16xi32>
          %shift_left3A_543 = arith.shli %bitcast3A_540, %shift_left3A_542 : vector<16xi32>
          %bitcast3A_544 = vector.bitcast %shift_left3A_543 : vector<16xi32> to vector<16xf32>
          %and3A_545 = arith.andi %bitcast3A_540, %broadcast_in_dim3A_229 : vector<16xi32>
          %bitcast3A_546 = vector.bitcast %and3A_545 : vector<16xi32> to vector<16xf32>
          %mul3A_547 = arith.mulf %bitcast3A_534, %bitcast3A_544 : vector<16xf32>
          %add3A_548 = arith.addf %add3A_526, %mul3A_547 : vector<16xf32>
          %mul3A_549 = arith.mulf %bitcast3A_536, %bitcast3A_546 : vector<16xf32>
          %add3A_550 = arith.addf %add3A_548, %mul3A_549 : vector<16xf32>
          %reduce_sum3A_551 = arith.constant true
          %reduce_sum3A_552 = vector.broadcast %reduce_sum3A_551 : i1 to vector<16xi1>
          %reduce_sum3A_553 = tpu.scan <sum>, %add3A_550 masked %reduce_sum3A_552 : vector<16xf32>, vector<16xi1> -> vector<16xf32>
          %reduce_sum3A_554 = vector.extract %reduce_sum3A_553[15] : f32 from vector<16xf32>
          %eq3A_555 = arith.constant 4 : i32
          %eq3A_556 = vector.broadcast %eq3A_555 : i32 to vector<16xi32>
          %eq3A_557 = arith.cmpi eq, %iota3A, %eq3A_556 : vector<16xi32>
          %broadcast_in_dim3A_558 = vector.broadcast %reduce_sum3A_554 : f32 to vector<16xf32>
          %select_n3A_559 = arith.select %eq3A_557, %broadcast_in_dim3A_558, %select_n3A_496 : vector<16xi1>, vector<16xf32>
          %mul3A_560 = arith.constant 16 : i32
          %mul3A_561 = arith.muli %scan3A_248, %mul3A_560 : i32
          %add3A_562 = arith.constant 5 : i32
          %add3A_563 = arith.addi %mul3A_561, %add3A_562 : i32
          %broadcast_in_dim3A_564 = arith.constant 0.000000e+00 : f32
          %broadcast_in_dim3A_565 = vector.broadcast %broadcast_in_dim3A_564 : f32 to vector<16xf32>
          %get3A_566 = arith.index_cast %add3A_563 : i32 to index
          %get3A_567 = arith.constant 0 : index
          %get3A_568 = tpu.vector_load %arg10[%get3A_566, %get3A_567] {strides = array<i32>} : memref<400x64xbf16, #tpu.memory_space<vmem>>, vector<32xbf16>,
          %bitcast3A_569 = vector.bitcast %get3A_568 : vector<32xbf16> to vector<16xi32>
          %shift_left3A_570 = arith.constant 16 : i32
          %shift_left3A_571 = vector.broadcast %shift_left3A_570 : i32 to vector<16xi32>
          %shift_left3A_572 = arith.shli %bitcast3A_569, %shift_left3A_571 : vector<16xi32>
          %bitcast3A_573 = vector.bitcast %shift_left3A_572 : vector<16xi32> to vector<16xf32>
          %and3A_574 = arith.andi %bitcast3A_569, %broadcast_in_dim3A_229 : vector<16xi32>
          %bitcast3A_575 = vector.bitcast %and3A_574 : vector<16xi32> to vector<16xf32>
          %get3A_576 = arith.index_cast %add3A_563 : i32 to index
          %get3A_577 = arith.constant 0 : index
          %get3A_578 = tpu.vector_load %arg12[%get3A_576, %get3A_577] {strides = array<i32>} : memref<400x64xbf16, #tpu.memory_space<vmem>>, vector<32xbf16>,
          %bitcast3A_579 = vector.bitcast %get3A_578 : vector<32xbf16> to vector<16xi32>
          %shift_left3A_580 = arith.constant 16 : i32
          %shift_left3A_581 = vector.broadcast %shift_left3A_580 : i32 to vector<16xi32>
          %shift_left3A_582 = arith.shli %bitcast3A_579, %shift_left3A_581 : vector<16xi32>
          %bitcast3A_583 = vector.bitcast %shift_left3A_582 : vector<16xi32> to vector<16xf32>
          %and3A_584 = arith.andi %bitcast3A_579, %broadcast_in_dim3A_229 : vector<16xi32>
          %bitcast3A_585 = vector.bitcast %and3A_584 : vector<16xi32> to vector<16xf32>
          %mul3A_586 = arith.mulf %bitcast3A_573, %bitcast3A_583 : vector<16xf32>
          %add3A_587 = arith.addf %broadcast_in_dim3A_565, %mul3A_586 : vector<16xf32>
          %mul3A_588 = arith.mulf %bitcast3A_575, %bitcast3A_585 : vector<16xf32>
          %add3A_589 = arith.addf %add3A_587, %mul3A_588 : vector<16xf32>
          %get3A_590 = arith.index_cast %add3A_563 : i32 to index
          %get3A_591 = arith.constant 32 : index
          %get3A_592 = tpu.vector_load %arg10[%get3A_590, %get3A_591] {strides = array<i32>} : memref<400x64xbf16, #tpu.memory_space<vmem>>, vector<32xbf16>,
          %bitcast3A_593 = vector.bitcast %get3A_592 : vector<32xbf16> to vector<16xi32>
          %shift_left3A_594 = arith.constant 16 : i32
          %shift_left3A_595 = vector.broadcast %shift_left3A_594 : i32 to vector<16xi32>
          %shift_left3A_596 = arith.shli %bitcast3A_593, %shift_left3A_595 : vector<16xi32>
          %bitcast3A_597 = vector.bitcast %shift_left3A_596 : vector<16xi32> to vector<16xf32>
          %and3A_598 = arith.andi %bitcast3A_593, %broadcast_in_dim3A_229 : vector<16xi32>
          %bitcast3A_599 = vector.bitcast %and3A_598 : vector<16xi32> to vector<16xf32>
          %get3A_600 = arith.index_cast %add3A_563 : i32 to index
          %get3A_601 = arith.constant 32 : index
          %get3A_602 = tpu.vector_load %arg12[%get3A_600, %get3A_601] {strides = array<i32>} : memref<400x64xbf16, #tpu.memory_space<vmem>>, vector<32xbf16>,
          %bitcast3A_603 = vector.bitcast %get3A_602 : vector<32xbf16> to vector<16xi32>
          %shift_left3A_604 = arith.constant 16 : i32
          %shift_left3A_605 = vector.broadcast %shift_left3A_604 : i32 to vector<16xi32>
          %shift_left3A_606 = arith.shli %bitcast3A_603, %shift_left3A_605 : vector<16xi32>
          %bitcast3A_607 = vector.bitcast %shift_left3A_606 : vector<16xi32> to vector<16xf32>
          %and3A_608 = arith.andi %bitcast3A_603, %broadcast_in_dim3A_229 : vector<16xi32>
          %bitcast3A_609 = vector.bitcast %and3A_608 : vector<16xi32> to vector<16xf32>
          %mul3A_610 = arith.mulf %bitcast3A_597, %bitcast3A_607 : vector<16xf32>
          %add3A_611 = arith.addf %add3A_589, %mul3A_610 : vector<16xf32>
          %mul3A_612 = arith.mulf %bitcast3A_599, %bitcast3A_609 : vector<16xf32>
          %add3A_613 = arith.addf %add3A_611, %mul3A_612 : vector<16xf32>
          %reduce_sum3A_614 = arith.constant true
          %reduce_sum3A_615 = vector.broadcast %reduce_sum3A_614 : i1 to vector<16xi1>
          %reduce_sum3A_616 = tpu.scan <sum>, %add3A_613 masked %reduce_sum3A_615 : vector<16xf32>, vector<16xi1> -> vector<16xf32>
          %reduce_sum3A_617 = vector.extract %reduce_sum3A_616[15] : f32 from vector<16xf32>
          %eq3A_618 = arith.constant 5 : i32
          %eq3A_619 = vector.broadcast %eq3A_618 : i32 to vector<16xi32>
          %eq3A_620 = arith.cmpi eq, %iota3A, %eq3A_619 : vector<16xi32>
          %broadcast_in_dim3A_621 = vector.broadcast %reduce_sum3A_617 : f32 to vector<16xf32>
          %select_n3A_622 = arith.select %eq3A_620, %broadcast_in_dim3A_621, %select_n3A_559 : vector<16xi1>, vector<16xf32>
          %mul3A_623 = arith.constant 16 : i32
          %mul3A_624 = arith.muli %scan3A_248, %mul3A_623 : i32
          %add3A_625 = arith.constant 6 : i32
          %add3A_626 = arith.addi %mul3A_624, %add3A_625 : i32
          %broadcast_in_dim3A_627 = arith.constant 0.000000e+00 : f32
          %broadcast_in_dim3A_628 = vector.broadcast %broadcast_in_dim3A_627 : f32 to vector<16xf32>
          %get3A_629 = arith.index_cast %add3A_626 : i32 to index
          %get3A_630 = arith.constant 0 : index
          %get3A_631 = tpu.vector_load %arg10[%get3A_629, %get3A_630] {strides = array<i32>} : memref<400x64xbf16, #tpu.memory_space<vmem>>, vector<32xbf16>,
          %bitcast3A_632 = vector.bitcast %get3A_631 : vector<32xbf16> to vector<16xi32>
          %shift_left3A_633 = arith.constant 16 : i32
          %shift_left3A_634 = vector.broadcast %shift_left3A_633 : i32 to vector<16xi32>
          %shift_left3A_635 = arith.shli %bitcast3A_632, %shift_left3A_634 : vector<16xi32>
          %bitcast3A_636 = vector.bitcast %shift_left3A_635 : vector<16xi32> to vector<16xf32>
          %and3A_637 = arith.andi %bitcast3A_632, %broadcast_in_dim3A_229 : vector<16xi32>
          %bitcast3A_638 = vector.bitcast %and3A_637 : vector<16xi32> to vector<16xf32>
          %get3A_639 = arith.index_cast %add3A_626 : i32 to index
          %get3A_640 = arith.constant 0 : index
          %get3A_641 = tpu.vector_load %arg12[%get3A_639, %get3A_640] {strides = array<i32>} : memref<400x64xbf16, #tpu.memory_space<vmem>>, vector<32xbf16>,
          %bitcast3A_642 = vector.bitcast %get3A_641 : vector<32xbf16> to vector<16xi32>
          %shift_left3A_643 = arith.constant 16 : i32
          %shift_left3A_644 = vector.broadcast %shift_left3A_643 : i32 to vector<16xi32>
          %shift_left3A_645 = arith.shli %bitcast3A_642, %shift_left3A_644 : vector<16xi32>
          %bitcast3A_646 = vector.bitcast %shift_left3A_645 : vector<16xi32> to vector<16xf32>
          %and3A_647 = arith.andi %bitcast3A_642, %broadcast_in_dim3A_229 : vector<16xi32>
          %bitcast3A_648 = vector.bitcast %and3A_647 : vector<16xi32> to vector<16xf32>
          %mul3A_649 = arith.mulf %bitcast3A_636, %bitcast3A_646 : vector<16xf32>
          %add3A_650 = arith.addf %broadcast_in_dim3A_628, %mul3A_649 : vector<16xf32>
          %mul3A_651 = arith.mulf %bitcast3A_638, %bitcast3A_648 : vector<16xf32>
          %add3A_652 = arith.addf %add3A_650, %mul3A_651 : vector<16xf32>
          %get3A_653 = arith.index_cast %add3A_626 : i32 to index
          %get3A_654 = arith.constant 32 : index
          %get3A_655 = tpu.vector_load %arg10[%get3A_653, %get3A_654] {strides = array<i32>} : memref<400x64xbf16, #tpu.memory_space<vmem>>, vector<32xbf16>,
          %bitcast3A_656 = vector.bitcast %get3A_655 : vector<32xbf16> to vector<16xi32>
          %shift_left3A_657 = arith.constant 16 : i32
          %shift_left3A_658 = vector.broadcast %shift_left3A_657 : i32 to vector<16xi32>
          %shift_left3A_659 = arith.shli %bitcast3A_656, %shift_left3A_658 : vector<16xi32>
          %bitcast3A_660 = vector.bitcast %shift_left3A_659 : vector<16xi32> to vector<16xf32>
          %and3A_661 = arith.andi %bitcast3A_656, %broadcast_in_dim3A_229 : vector<16xi32>
          %bitcast3A_662 = vector.bitcast %and3A_661 : vector<16xi32> to vector<16xf32>
          %get3A_663 = arith.index_cast %add3A_626 : i32 to index
          %get3A_664 = arith.constant 32 : index
          %get3A_665 = tpu.vector_load %arg12[%get3A_663, %get3A_664] {strides = array<i32>} : memref<400x64xbf16, #tpu.memory_space<vmem>>, vector<32xbf16>,
          %bitcast3A_666 = vector.bitcast %get3A_665 : vector<32xbf16> to vector<16xi32>
          %shift_left3A_667 = arith.constant 16 : i32
          %shift_left3A_668 = vector.broadcast %shift_left3A_667 : i32 to vector<16xi32>
          %shift_left3A_669 = arith.shli %bitcast3A_666, %shift_left3A_668 : vector<16xi32>
          %bitcast3A_670 = vector.bitcast %shift_left3A_669 : vector<16xi32> to vector<16xf32>
          %and3A_671 = arith.andi %bitcast3A_666, %broadcast_in_dim3A_229 : vector<16xi32>
          %bitcast3A_672 = vector.bitcast %and3A_671 : vector<16xi32> to vector<16xf32>
          %mul3A_673 = arith.mulf %bitcast3A_660, %bitcast3A_670 : vector<16xf32>
          %add3A_674 = arith.addf %add3A_652, %mul3A_673 : vector<16xf32>
          %mul3A_675 = arith.mulf %bitcast3A_662, %bitcast3A_672 : vector<16xf32>
          %add3A_676 = arith.addf %add3A_674, %mul3A_675 : vector<16xf32>
          %reduce_sum3A_677 = arith.constant true
          %reduce_sum3A_678 = vector.broadcast %reduce_sum3A_677 : i1 to vector<16xi1>
          %reduce_sum3A_679 = tpu.scan <sum>, %add3A_676 masked %reduce_sum3A_678 : vector<16xf32>, vector<16xi1> -> vector<16xf32>
          %reduce_sum3A_680 = vector.extract %reduce_sum3A_679[15] : f32 from vector<16xf32>
          %eq3A_681 = arith.constant 6 : i32
          %eq3A_682 = vector.broadcast %eq3A_681 : i32 to vector<16xi32>
          %eq3A_683 = arith.cmpi eq, %iota3A, %eq3A_682 : vector<16xi32>
          %broadcast_in_dim3A_684 = vector.broadcast %reduce_sum3A_680 : f32 to vector<16xf32>
          %select_n3A_685 = arith.select %eq3A_683, %broadcast_in_dim3A_684, %select_n3A_622 : vector<16xi1>, vector<16xf32>
          %mul3A_686 = arith.constant 16 : i32
          %mul3A_687 = arith.muli %scan3A_248, %mul3A_686 : i32
          %add3A_688 = arith.constant 7 : i32
          %add3A_689 = arith.addi %mul3A_687, %add3A_688 : i32
          %broadcast_in_dim3A_690 = arith.constant 0.000000e+00 : f32
          %broadcast_in_dim3A_691 = vector.broadcast %broadcast_in_dim3A_690 : f32 to vector<16xf32>
          %get3A_692 = arith.index_cast %add3A_689 : i32 to index
          %get3A_693 = arith.constant 0 : index
          %get3A_694 = tpu.vector_load %arg10[%get3A_692, %get3A_693] {strides = array<i32>} : memref<400x64xbf16, #tpu.memory_space<vmem>>, vector<32xbf16>,
          %bitcast3A_695 = vector.bitcast %get3A_694 : vector<32xbf16> to vector<16xi32>
          %shift_left3A_696 = arith.constant 16 : i32
          %shift_left3A_697 = vector.broadcast %shift_left3A_696 : i32 to vector<16xi32>
          %shift_left3A_698 = arith.shli %bitcast3A_695, %shift_left3A_697 : vector<16xi32>
          %bitcast3A_699 = vector.bitcast %shift_left3A_698 : vector<16xi32> to vector<16xf32>
          %and3A_700 = arith.andi %bitcast3A_695, %broadcast_in_dim3A_229 : vector<16xi32>
          %bitcast3A_701 = vector.bitcast %and3A_700 : vector<16xi32> to vector<16xf32>
          %get3A_702 = arith.index_cast %add3A_689 : i32 to index
          %get3A_703 = arith.constant 0 : index
          %get3A_704 = tpu.vector_load %arg12[%get3A_702, %get3A_703] {strides = array<i32>} : memref<400x64xbf16, #tpu.memory_space<vmem>>, vector<32xbf16>,
          %bitcast3A_705 = vector.bitcast %get3A_704 : vector<32xbf16> to vector<16xi32>
          %shift_left3A_706 = arith.constant 16 : i32
          %shift_left3A_707 = vector.broadcast %shift_left3A_706 : i32 to vector<16xi32>
          %shift_left3A_708 = arith.shli %bitcast3A_705, %shift_left3A_707 : vector<16xi32>
          %bitcast3A_709 = vector.bitcast %shift_left3A_708 : vector<16xi32> to vector<16xf32>
          %and3A_710 = arith.andi %bitcast3A_705, %broadcast_in_dim3A_229 : vector<16xi32>
          %bitcast3A_711 = vector.bitcast %and3A_710 : vector<16xi32> to vector<16xf32>
          %mul3A_712 = arith.mulf %bitcast3A_699, %bitcast3A_709 : vector<16xf32>
          %add3A_713 = arith.addf %broadcast_in_dim3A_691, %mul3A_712 : vector<16xf32>
          %mul3A_714 = arith.mulf %bitcast3A_701, %bitcast3A_711 : vector<16xf32>
          %add3A_715 = arith.addf %add3A_713, %mul3A_714 : vector<16xf32>
          %get3A_716 = arith.index_cast %add3A_689 : i32 to index
          %get3A_717 = arith.constant 32 : index
          %get3A_718 = tpu.vector_load %arg10[%get3A_716, %get3A_717] {strides = array<i32>} : memref<400x64xbf16, #tpu.memory_space<vmem>>, vector<32xbf16>,
          %bitcast3A_719 = vector.bitcast %get3A_718 : vector<32xbf16> to vector<16xi32>
          %shift_left3A_720 = arith.constant 16 : i32
          %shift_left3A_721 = vector.broadcast %shift_left3A_720 : i32 to vector<16xi32>
          %shift_left3A_722 = arith.shli %bitcast3A_719, %shift_left3A_721 : vector<16xi32>
          %bitcast3A_723 = vector.bitcast %shift_left3A_722 : vector<16xi32> to vector<16xf32>
          %and3A_724 = arith.andi %bitcast3A_719, %broadcast_in_dim3A_229 : vector<16xi32>
          %bitcast3A_725 = vector.bitcast %and3A_724 : vector<16xi32> to vector<16xf32>
          %get3A_726 = arith.index_cast %add3A_689 : i32 to index
          %get3A_727 = arith.constant 32 : index
          %get3A_728 = tpu.vector_load %arg12[%get3A_726, %get3A_727] {strides = array<i32>} : memref<400x64xbf16, #tpu.memory_space<vmem>>, vector<32xbf16>,
          %bitcast3A_729 = vector.bitcast %get3A_728 : vector<32xbf16> to vector<16xi32>
          %shift_left3A_730 = arith.constant 16 : i32
          %shift_left3A_731 = vector.broadcast %shift_left3A_730 : i32 to vector<16xi32>
          %shift_left3A_732 = arith.shli %bitcast3A_729, %shift_left3A_731 : vector<16xi32>
          %bitcast3A_733 = vector.bitcast %shift_left3A_732 : vector<16xi32> to vector<16xf32>
          %and3A_734 = arith.andi %bitcast3A_729, %broadcast_in_dim3A_229 : vector<16xi32>
          %bitcast3A_735 = vector.bitcast %and3A_734 : vector<16xi32> to vector<16xf32>
          %mul3A_736 = arith.mulf %bitcast3A_723, %bitcast3A_733 : vector<16xf32>
          %add3A_737 = arith.addf %add3A_715, %mul3A_736 : vector<16xf32>
          %mul3A_738 = arith.mulf %bitcast3A_725, %bitcast3A_735 : vector<16xf32>
          %add3A_739 = arith.addf %add3A_737, %mul3A_738 : vector<16xf32>
          %reduce_sum3A_740 = arith.constant true
          %reduce_sum3A_741 = vector.broadcast %reduce_sum3A_740 : i1 to vector<16xi1>
          %reduce_sum3A_742 = tpu.scan <sum>, %add3A_739 masked %reduce_sum3A_741 : vector<16xf32>, vector<16xi1> -> vector<16xf32>
          %reduce_sum3A_743 = vector.extract %reduce_sum3A_742[15] : f32 from vector<16xf32>
          %eq3A_744 = arith.constant 7 : i32
          %eq3A_745 = vector.broadcast %eq3A_744 : i32 to vector<16xi32>
          %eq3A_746 = arith.cmpi eq, %iota3A, %eq3A_745 : vector<16xi32>
          %broadcast_in_dim3A_747 = vector.broadcast %reduce_sum3A_743 : f32 to vector<16xf32>
          %select_n3A_748 = arith.select %eq3A_746, %broadcast_in_dim3A_747, %select_n3A_685 : vector<16xi1>, vector<16xf32>
          %mul3A_749 = arith.constant 16 : i32
          %mul3A_750 = arith.muli %scan3A_248, %mul3A_749 : i32
          %add3A_751 = arith.constant 8 : i32
          %add3A_752 = arith.addi %mul3A_750, %add3A_751 : i32
          %broadcast_in_dim3A_753 = arith.constant 0.000000e+00 : f32
          %broadcast_in_dim3A_754 = vector.broadcast %broadcast_in_dim3A_753 : f32 to vector<16xf32>
          %get3A_755 = arith.index_cast %add3A_752 : i32 to index
          %get3A_756 = arith.constant 0 : index
          %get3A_757 = tpu.vector_load %arg10[%get3A_755, %get3A_756] {strides = array<i32>} : memref<400x64xbf16, #tpu.memory_space<vmem>>, vector<32xbf16>,
          %bitcast3A_758 = vector.bitcast %get3A_757 : vector<32xbf16> to vector<16xi32>
          %shift_left3A_759 = arith.constant 16 : i32
          %shift_left3A_760 = vector.broadcast %shift_left3A_759 : i32 to vector<16xi32>
          %shift_left3A_761 = arith.shli %bitcast3A_758, %shift_left3A_760 : vector<16xi32>
          %bitcast3A_762 = vector.bitcast %shift_left3A_761 : vector<16xi32> to vector<16xf32>
          %and3A_763 = arith.andi %bitcast3A_758, %broadcast_in_dim3A_229 : vector<16xi32>
          %bitcast3A_764 = vector.bitcast %and3A_763 : vector<16xi32> to vector<16xf32>
          %get3A_765 = arith.index_cast %add3A_752 : i32 to index
          %get3A_766 = arith.constant 0 : index
          %get3A_767 = tpu.vector_load %arg12[%get3A_765, %get3A_766] {strides = array<i32>} : memref<400x64xbf16, #tpu.memory_space<vmem>>, vector<32xbf16>,
          %bitcast3A_768 = vector.bitcast %get3A_767 : vector<32xbf16> to vector<16xi32>
          %shift_left3A_769 = arith.constant 16 : i32
          %shift_left3A_770 = vector.broadcast %shift_left3A_769 : i32 to vector<16xi32>
          %shift_left3A_771 = arith.shli %bitcast3A_768, %shift_left3A_770 : vector<16xi32>
          %bitcast3A_772 = vector.bitcast %shift_left3A_771 : vector<16xi32> to vector<16xf32>
          %and3A_773 = arith.andi %bitcast3A_768, %broadcast_in_dim3A_229 : vector<16xi32>
          %bitcast3A_774 = vector.bitcast %and3A_773 : vector<16xi32> to vector<16xf32>
          %mul3A_775 = arith.mulf %bitcast3A_762, %bitcast3A_772 : vector<16xf32>
          %add3A_776 = arith.addf %broadcast_in_dim3A_754, %mul3A_775 : vector<16xf32>
          %mul3A_777 = arith.mulf %bitcast3A_764, %bitcast3A_774 : vector<16xf32>
          %add3A_778 = arith.addf %add3A_776, %mul3A_777 : vector<16xf32>
          %get3A_779 = arith.index_cast %add3A_752 : i32 to index
          %get3A_780 = arith.constant 32 : index
          %get3A_781 = tpu.vector_load %arg10[%get3A_779, %get3A_780] {strides = array<i32>} : memref<400x64xbf16, #tpu.memory_space<vmem>>, vector<32xbf16>,
          %bitcast3A_782 = vector.bitcast %get3A_781 : vector<32xbf16> to vector<16xi32>
          %shift_left3A_783 = arith.constant 16 : i32
          %shift_left3A_784 = vector.broadcast %shift_left3A_783 : i32 to vector<16xi32>
          %shift_left3A_785 = arith.shli %bitcast3A_782, %shift_left3A_784 : vector<16xi32>
          %bitcast3A_786 = vector.bitcast %shift_left3A_785 : vector<16xi32> to vector<16xf32>
          %and3A_787 = arith.andi %bitcast3A_782, %broadcast_in_dim3A_229 : vector<16xi32>
          %bitcast3A_788 = vector.bitcast %and3A_787 : vector<16xi32> to vector<16xf32>
          %get3A_789 = arith.index_cast %add3A_752 : i32 to index
          %get3A_790 = arith.constant 32 : index
          %get3A_791 = tpu.vector_load %arg12[%get3A_789, %get3A_790] {strides = array<i32>} : memref<400x64xbf16, #tpu.memory_space<vmem>>, vector<32xbf16>,
          %bitcast3A_792 = vector.bitcast %get3A_791 : vector<32xbf16> to vector<16xi32>
          %shift_left3A_793 = arith.constant 16 : i32
          %shift_left3A_794 = vector.broadcast %shift_left3A_793 : i32 to vector<16xi32>
          %shift_left3A_795 = arith.shli %bitcast3A_792, %shift_left3A_794 : vector<16xi32>
          %bitcast3A_796 = vector.bitcast %shift_left3A_795 : vector<16xi32> to vector<16xf32>
          %and3A_797 = arith.andi %bitcast3A_792, %broadcast_in_dim3A_229 : vector<16xi32>
          %bitcast3A_798 = vector.bitcast %and3A_797 : vector<16xi32> to vector<16xf32>
          %mul3A_799 = arith.mulf %bitcast3A_786, %bitcast3A_796 : vector<16xf32>
          %add3A_800 = arith.addf %add3A_778, %mul3A_799 : vector<16xf32>
          %mul3A_801 = arith.mulf %bitcast3A_788, %bitcast3A_798 : vector<16xf32>
          %add3A_802 = arith.addf %add3A_800, %mul3A_801 : vector<16xf32>
          %reduce_sum3A_803 = arith.constant true
          %reduce_sum3A_804 = vector.broadcast %reduce_sum3A_803 : i1 to vector<16xi1>
          %reduce_sum3A_805 = tpu.scan <sum>, %add3A_802 masked %reduce_sum3A_804 : vector<16xf32>, vector<16xi1> -> vector<16xf32>
          %reduce_sum3A_806 = vector.extract %reduce_sum3A_805[15] : f32 from vector<16xf32>
          %eq3A_807 = arith.constant 8 : i32
          %eq3A_808 = vector.broadcast %eq3A_807 : i32 to vector<16xi32>
          %eq3A_809 = arith.cmpi eq, %iota3A, %eq3A_808 : vector<16xi32>
          %broadcast_in_dim3A_810 = vector.broadcast %reduce_sum3A_806 : f32 to vector<16xf32>
          %select_n3A_811 = arith.select %eq3A_809, %broadcast_in_dim3A_810, %select_n3A_748 : vector<16xi1>, vector<16xf32>
          %mul3A_812 = arith.constant 16 : i32
          %mul3A_813 = arith.muli %scan3A_248, %mul3A_812 : i32
          %add3A_814 = arith.constant 9 : i32
          %add3A_815 = arith.addi %mul3A_813, %add3A_814 : i32
          %broadcast_in_dim3A_816 = arith.constant 0.000000e+00 : f32
          %broadcast_in_dim3A_817 = vector.broadcast %broadcast_in_dim3A_816 : f32 to vector<16xf32>
          %get3A_818 = arith.index_cast %add3A_815 : i32 to index
          %get3A_819 = arith.constant 0 : index
          %get3A_820 = tpu.vector_load %arg10[%get3A_818, %get3A_819] {strides = array<i32>} : memref<400x64xbf16, #tpu.memory_space<vmem>>, vector<32xbf16>,
          %bitcast3A_821 = vector.bitcast %get3A_820 : vector<32xbf16> to vector<16xi32>
          %shift_left3A_822 = arith.constant 16 : i32
          %shift_left3A_823 = vector.broadcast %shift_left3A_822 : i32 to vector<16xi32>
          %shift_left3A_824 = arith.shli %bitcast3A_821, %shift_left3A_823 : vector<16xi32>
          %bitcast3A_825 = vector.bitcast %shift_left3A_824 : vector<16xi32> to vector<16xf32>
          %and3A_826 = arith.andi %bitcast3A_821, %broadcast_in_dim3A_229 : vector<16xi32>
          %bitcast3A_827 = vector.bitcast %and3A_826 : vector<16xi32> to vector<16xf32>
          %get3A_828 = arith.index_cast %add3A_815 : i32 to index
          %get3A_829 = arith.constant 0 : index
          %get3A_830 = tpu.vector_load %arg12[%get3A_828, %get3A_829] {strides = array<i32>} : memref<400x64xbf16, #tpu.memory_space<vmem>>, vector<32xbf16>,
          %bitcast3A_831 = vector.bitcast %get3A_830 : vector<32xbf16> to vector<16xi32>
          %shift_left3A_832 = arith.constant 16 : i32
          %shift_left3A_833 = vector.broadcast %shift_left3A_832 : i32 to vector<16xi32>
          %shift_left3A_834 = arith.shli %bitcast3A_831, %shift_left3A_833 : vector<16xi32>
          %bitcast3A_835 = vector.bitcast %shift_left3A_834 : vector<16xi32> to vector<16xf32>
          %and3A_836 = arith.andi %bitcast3A_831, %broadcast_in_dim3A_229 : vector<16xi32>
          %bitcast3A_837 = vector.bitcast %and3A_836 : vector<16xi32> to vector<16xf32>
          %mul3A_838 = arith.mulf %bitcast3A_825, %bitcast3A_835 : vector<16xf32>
          %add3A_839 = arith.addf %broadcast_in_dim3A_817, %mul3A_838 : vector<16xf32>
          %mul3A_840 = arith.mulf %bitcast3A_827, %bitcast3A_837 : vector<16xf32>
          %add3A_841 = arith.addf %add3A_839, %mul3A_840 : vector<16xf32>
          %get3A_842 = arith.index_cast %add3A_815 : i32 to index
          %get3A_843 = arith.constant 32 : index
          %get3A_844 = tpu.vector_load %arg10[%get3A_842, %get3A_843] {strides = array<i32>} : memref<400x64xbf16, #tpu.memory_space<vmem>>, vector<32xbf16>,
          %bitcast3A_845 = vector.bitcast %get3A_844 : vector<32xbf16> to vector<16xi32>
          %shift_left3A_846 = arith.constant 16 : i32
          %shift_left3A_847 = vector.broadcast %shift_left3A_846 : i32 to vector<16xi32>
          %shift_left3A_848 = arith.shli %bitcast3A_845, %shift_left3A_847 : vector<16xi32>
          %bitcast3A_849 = vector.bitcast %shift_left3A_848 : vector<16xi32> to vector<16xf32>
          %and3A_850 = arith.andi %bitcast3A_845, %broadcast_in_dim3A_229 : vector<16xi32>
          %bitcast3A_851 = vector.bitcast %and3A_850 : vector<16xi32> to vector<16xf32>
          %get3A_852 = arith.index_cast %add3A_815 : i32 to index
          %get3A_853 = arith.constant 32 : index
          %get3A_854 = tpu.vector_load %arg12[%get3A_852, %get3A_853] {strides = array<i32>} : memref<400x64xbf16, #tpu.memory_space<vmem>>, vector<32xbf16>,
          %bitcast3A_855 = vector.bitcast %get3A_854 : vector<32xbf16> to vector<16xi32>
          %shift_left3A_856 = arith.constant 16 : i32
          %shift_left3A_857 = vector.broadcast %shift_left3A_856 : i32 to vector<16xi32>
          %shift_left3A_858 = arith.shli %bitcast3A_855, %shift_left3A_857 : vector<16xi32>
          %bitcast3A_859 = vector.bitcast %shift_left3A_858 : vector<16xi32> to vector<16xf32>
          %and3A_860 = arith.andi %bitcast3A_855, %broadcast_in_dim3A_229 : vector<16xi32>
          %bitcast3A_861 = vector.bitcast %and3A_860 : vector<16xi32> to vector<16xf32>
          %mul3A_862 = arith.mulf %bitcast3A_849, %bitcast3A_859 : vector<16xf32>
          %add3A_863 = arith.addf %add3A_841, %mul3A_862 : vector<16xf32>
          %mul3A_864 = arith.mulf %bitcast3A_851, %bitcast3A_861 : vector<16xf32>
          %add3A_865 = arith.addf %add3A_863, %mul3A_864 : vector<16xf32>
          %reduce_sum3A_866 = arith.constant true
          %reduce_sum3A_867 = vector.broadcast %reduce_sum3A_866 : i1 to vector<16xi1>
          %reduce_sum3A_868 = tpu.scan <sum>, %add3A_865 masked %reduce_sum3A_867 : vector<16xf32>, vector<16xi1> -> vector<16xf32>
          %reduce_sum3A_869 = vector.extract %reduce_sum3A_868[15] : f32 from vector<16xf32>
          %eq3A_870 = arith.constant 9 : i32
          %eq3A_871 = vector.broadcast %eq3A_870 : i32 to vector<16xi32>
          %eq3A_872 = arith.cmpi eq, %iota3A, %eq3A_871 : vector<16xi32>
          %broadcast_in_dim3A_873 = vector.broadcast %reduce_sum3A_869 : f32 to vector<16xf32>
          %select_n3A_874 = arith.select %eq3A_872, %broadcast_in_dim3A_873, %select_n3A_811 : vector<16xi1>, vector<16xf32>
          %mul3A_875 = arith.constant 16 : i32
          %mul3A_876 = arith.muli %scan3A_248, %mul3A_875 : i32
          %add3A_877 = arith.constant 10 : i32
          %add3A_878 = arith.addi %mul3A_876, %add3A_877 : i32
          %broadcast_in_dim3A_879 = arith.constant 0.000000e+00 : f32
          %broadcast_in_dim3A_880 = vector.broadcast %broadcast_in_dim3A_879 : f32 to vector<16xf32>
          %get3A_881 = arith.index_cast %add3A_878 : i32 to index
          %get3A_882 = arith.constant 0 : index
          %get3A_883 = tpu.vector_load %arg10[%get3A_881, %get3A_882] {strides = array<i32>} : memref<400x64xbf16, #tpu.memory_space<vmem>>, vector<32xbf16>,
          %bitcast3A_884 = vector.bitcast %get3A_883 : vector<32xbf16> to vector<16xi32>
          %shift_left3A_885 = arith.constant 16 : i32
          %shift_left3A_886 = vector.broadcast %shift_left3A_885 : i32 to vector<16xi32>
          %shift_left3A_887 = arith.shli %bitcast3A_884, %shift_left3A_886 : vector<16xi32>
          %bitcast3A_888 = vector.bitcast %shift_left3A_887 : vector<16xi32> to vector<16xf32>
          %and3A_889 = arith.andi %bitcast3A_884, %broadcast_in_dim3A_229 : vector<16xi32>
          %bitcast3A_890 = vector.bitcast %and3A_889 : vector<16xi32> to vector<16xf32>
          %get3A_891 = arith.index_cast %add3A_878 : i32 to index
          %get3A_892 = arith.constant 0 : index
          %get3A_893 = tpu.vector_load %arg12[%get3A_891, %get3A_892] {strides = array<i32>} : memref<400x64xbf16, #tpu.memory_space<vmem>>, vector<32xbf16>,
          %bitcast3A_894 = vector.bitcast %get3A_893 : vector<32xbf16> to vector<16xi32>
          %shift_left3A_895 = arith.constant 16 : i32
          %shift_left3A_896 = vector.broadcast %shift_left3A_895 : i32 to vector<16xi32>
          %shift_left3A_897 = arith.shli %bitcast3A_894, %shift_left3A_896 : vector<16xi32>
          %bitcast3A_898 = vector.bitcast %shift_left3A_897 : vector<16xi32> to vector<16xf32>
          %and3A_899 = arith.andi %bitcast3A_894, %broadcast_in_dim3A_229 : vector<16xi32>
          %bitcast3A_900 = vector.bitcast %and3A_899 : vector<16xi32> to vector<16xf32>
          %mul3A_901 = arith.mulf %bitcast3A_888, %bitcast3A_898 : vector<16xf32>
          %add3A_902 = arith.addf %broadcast_in_dim3A_880, %mul3A_901 : vector<16xf32>
          %mul3A_903 = arith.mulf %bitcast3A_890, %bitcast3A_900 : vector<16xf32>
          %add3A_904 = arith.addf %add3A_902, %mul3A_903 : vector<16xf32>
          %get3A_905 = arith.index_cast %add3A_878 : i32 to index
          %get3A_906 = arith.constant 32 : index
          %get3A_907 = tpu.vector_load %arg10[%get3A_905, %get3A_906] {strides = array<i32>} : memref<400x64xbf16, #tpu.memory_space<vmem>>, vector<32xbf16>,
          %bitcast3A_908 = vector.bitcast %get3A_907 : vector<32xbf16> to vector<16xi32>
          %shift_left3A_909 = arith.constant 16 : i32
          %shift_left3A_910 = vector.broadcast %shift_left3A_909 : i32 to vector<16xi32>
          %shift_left3A_911 = arith.shli %bitcast3A_908, %shift_left3A_910 : vector<16xi32>
          %bitcast3A_912 = vector.bitcast %shift_left3A_911 : vector<16xi32> to vector<16xf32>
          %and3A_913 = arith.andi %bitcast3A_908, %broadcast_in_dim3A_229 : vector<16xi32>
          %bitcast3A_914 = vector.bitcast %and3A_913 : vector<16xi32> to vector<16xf32>
          %get3A_915 = arith.index_cast %add3A_878 : i32 to index
          %get3A_916 = arith.constant 32 : index
          %get3A_917 = tpu.vector_load %arg12[%get3A_915, %get3A_916] {strides = array<i32>} : memref<400x64xbf16, #tpu.memory_space<vmem>>, vector<32xbf16>,
          %bitcast3A_918 = vector.bitcast %get3A_917 : vector<32xbf16> to vector<16xi32>
          %shift_left3A_919 = arith.constant 16 : i32
          %shift_left3A_920 = vector.broadcast %shift_left3A_919 : i32 to vector<16xi32>
          %shift_left3A_921 = arith.shli %bitcast3A_918, %shift_left3A_920 : vector<16xi32>
          %bitcast3A_922 = vector.bitcast %shift_left3A_921 : vector<16xi32> to vector<16xf32>
          %and3A_923 = arith.andi %bitcast3A_918, %broadcast_in_dim3A_229 : vector<16xi32>
          %bitcast3A_924 = vector.bitcast %and3A_923 : vector<16xi32> to vector<16xf32>
          %mul3A_925 = arith.mulf %bitcast3A_912, %bitcast3A_922 : vector<16xf32>
          %add3A_926 = arith.addf %add3A_904, %mul3A_925 : vector<16xf32>
          %mul3A_927 = arith.mulf %bitcast3A_914, %bitcast3A_924 : vector<16xf32>
          %add3A_928 = arith.addf %add3A_926, %mul3A_927 : vector<16xf32>
          %reduce_sum3A_929 = arith.constant true
          %reduce_sum3A_930 = vector.broadcast %reduce_sum3A_929 : i1 to vector<16xi1>
          %reduce_sum3A_931 = tpu.scan <sum>, %add3A_928 masked %reduce_sum3A_930 : vector<16xf32>, vector<16xi1> -> vector<16xf32>
          %reduce_sum3A_932 = vector.extract %reduce_sum3A_931[15] : f32 from vector<16xf32>
          %eq3A_933 = arith.constant 10 : i32
          %eq3A_934 = vector.broadcast %eq3A_933 : i32 to vector<16xi32>
          %eq3A_935 = arith.cmpi eq, %iota3A, %eq3A_934 : vector<16xi32>
          %broadcast_in_dim3A_936 = vector.broadcast %reduce_sum3A_932 : f32 to vector<16xf32>
          %select_n3A_937 = arith.select %eq3A_935, %broadcast_in_dim3A_936, %select_n3A_874 : vector<16xi1>, vector<16xf32>
          %mul3A_938 = arith.constant 16 : i32
          %mul3A_939 = arith.muli %scan3A_248, %mul3A_938 : i32
          %add3A_940 = arith.constant 11 : i32
          %add3A_941 = arith.addi %mul3A_939, %add3A_940 : i32
          %broadcast_in_dim3A_942 = arith.constant 0.000000e+00 : f32
          %broadcast_in_dim3A_943 = vector.broadcast %broadcast_in_dim3A_942 : f32 to vector<16xf32>
          %get3A_944 = arith.index_cast %add3A_941 : i32 to index
          %get3A_945 = arith.constant 0 : index
          %get3A_946 = tpu.vector_load %arg10[%get3A_944, %get3A_945] {strides = array<i32>} : memref<400x64xbf16, #tpu.memory_space<vmem>>, vector<32xbf16>,
          %bitcast3A_947 = vector.bitcast %get3A_946 : vector<32xbf16> to vector<16xi32>
          %shift_left3A_948 = arith.constant 16 : i32
          %shift_left3A_949 = vector.broadcast %shift_left3A_948 : i32 to vector<16xi32>
          %shift_left3A_950 = arith.shli %bitcast3A_947, %shift_left3A_949 : vector<16xi32>
          %bitcast3A_951 = vector.bitcast %shift_left3A_950 : vector<16xi32> to vector<16xf32>
          %and3A_952 = arith.andi %bitcast3A_947, %broadcast_in_dim3A_229 : vector<16xi32>
          %bitcast3A_953 = vector.bitcast %and3A_952 : vector<16xi32> to vector<16xf32>
          %get3A_954 = arith.index_cast %add3A_941 : i32 to index
          %get3A_955 = arith.constant 0 : index
          %get3A_956 = tpu.vector_load %arg12[%get3A_954, %get3A_955] {strides = array<i32>} : memref<400x64xbf16, #tpu.memory_space<vmem>>, vector<32xbf16>,
          %bitcast3A_957 = vector.bitcast %get3A_956 : vector<32xbf16> to vector<16xi32>
          %shift_left3A_958 = arith.constant 16 : i32
          %shift_left3A_959 = vector.broadcast %shift_left3A_958 : i32 to vector<16xi32>
          %shift_left3A_960 = arith.shli %bitcast3A_957, %shift_left3A_959 : vector<16xi32>
          %bitcast3A_961 = vector.bitcast %shift_left3A_960 : vector<16xi32> to vector<16xf32>
          %and3A_962 = arith.andi %bitcast3A_957, %broadcast_in_dim3A_229 : vector<16xi32>
          %bitcast3A_963 = vector.bitcast %and3A_962 : vector<16xi32> to vector<16xf32>
          %mul3A_964 = arith.mulf %bitcast3A_951, %bitcast3A_961 : vector<16xf32>
          %add3A_965 = arith.addf %broadcast_in_dim3A_943, %mul3A_964 : vector<16xf32>
          %mul3A_966 = arith.mulf %bitcast3A_953, %bitcast3A_963 : vector<16xf32>
          %add3A_967 = arith.addf %add3A_965, %mul3A_966 : vector<16xf32>
          %get3A_968 = arith.index_cast %add3A_941 : i32 to index
          %get3A_969 = arith.constant 32 : index
          %get3A_970 = tpu.vector_load %arg10[%get3A_968, %get3A_969] {strides = array<i32>} : memref<400x64xbf16, #tpu.memory_space<vmem>>, vector<32xbf16>,
          %bitcast3A_971 = vector.bitcast %get3A_970 : vector<32xbf16> to vector<16xi32>
          %shift_left3A_972 = arith.constant 16 : i32
          %shift_left3A_973 = vector.broadcast %shift_left3A_972 : i32 to vector<16xi32>
          %shift_left3A_974 = arith.shli %bitcast3A_971, %shift_left3A_973 : vector<16xi32>
          %bitcast3A_975 = vector.bitcast %shift_left3A_974 : vector<16xi32> to vector<16xf32>
          %and3A_976 = arith.andi %bitcast3A_971, %broadcast_in_dim3A_229 : vector<16xi32>
          %bitcast3A_977 = vector.bitcast %and3A_976 : vector<16xi32> to vector<16xf32>
          %get3A_978 = arith.index_cast %add3A_941 : i32 to index
          %get3A_979 = arith.constant 32 : index
          %get3A_980 = tpu.vector_load %arg12[%get3A_978, %get3A_979] {strides = array<i32>} : memref<400x64xbf16, #tpu.memory_space<vmem>>, vector<32xbf16>,
          %bitcast3A_981 = vector.bitcast %get3A_980 : vector<32xbf16> to vector<16xi32>
          %shift_left3A_982 = arith.constant 16 : i32
          %shift_left3A_983 = vector.broadcast %shift_left3A_982 : i32 to vector<16xi32>
          %shift_left3A_984 = arith.shli %bitcast3A_981, %shift_left3A_983 : vector<16xi32>
          %bitcast3A_985 = vector.bitcast %shift_left3A_984 : vector<16xi32> to vector<16xf32>
          %and3A_986 = arith.andi %bitcast3A_981, %broadcast_in_dim3A_229 : vector<16xi32>
          %bitcast3A_987 = vector.bitcast %and3A_986 : vector<16xi32> to vector<16xf32>
          %mul3A_988 = arith.mulf %bitcast3A_975, %bitcast3A_985 : vector<16xf32>
          %add3A_989 = arith.addf %add3A_967, %mul3A_988 : vector<16xf32>
          %mul3A_990 = arith.mulf %bitcast3A_977, %bitcast3A_987 : vector<16xf32>
          %add3A_991 = arith.addf %add3A_989, %mul3A_990 : vector<16xf32>
          %reduce_sum3A_992 = arith.constant true
          %reduce_sum3A_993 = vector.broadcast %reduce_sum3A_992 : i1 to vector<16xi1>
          %reduce_sum3A_994 = tpu.scan <sum>, %add3A_991 masked %reduce_sum3A_993 : vector<16xf32>, vector<16xi1> -> vector<16xf32>
          %reduce_sum3A_995 = vector.extract %reduce_sum3A_994[15] : f32 from vector<16xf32>
          %eq3A_996 = arith.constant 11 : i32
          %eq3A_997 = vector.broadcast %eq3A_996 : i32 to vector<16xi32>
          %eq3A_998 = arith.cmpi eq, %iota3A, %eq3A_997 : vector<16xi32>
          %broadcast_in_dim3A_999 = vector.broadcast %reduce_sum3A_995 : f32 to vector<16xf32>
          %select_n3A_1000 = arith.select %eq3A_998, %broadcast_in_dim3A_999, %select_n3A_937 : vector<16xi1>, vector<16xf32>
          %mul3A_1001 = arith.constant 16 : i32
          %mul3A_1002 = arith.muli %scan3A_248, %mul3A_1001 : i32
          %add3A_1003 = arith.constant 12 : i32
          %add3A_1004 = arith.addi %mul3A_1002, %add3A_1003 : i32
          %broadcast_in_dim3A_1005 = arith.constant 0.000000e+00 : f32
          %broadcast_in_dim3A_1006 = vector.broadcast %broadcast_in_dim3A_1005 : f32 to vector<16xf32>
          %get3A_1007 = arith.index_cast %add3A_1004 : i32 to index
          %get3A_1008 = arith.constant 0 : index
          %get3A_1009 = tpu.vector_load %arg10[%get3A_1007, %get3A_1008] {strides = array<i32>} : memref<400x64xbf16, #tpu.memory_space<vmem>>, vector<32xbf16>,
          %bitcast3A_1010 = vector.bitcast %get3A_1009 : vector<32xbf16> to vector<16xi32>
          %shift_left3A_1011 = arith.constant 16 : i32
          %shift_left3A_1012 = vector.broadcast %shift_left3A_1011 : i32 to vector<16xi32>
          %shift_left3A_1013 = arith.shli %bitcast3A_1010, %shift_left3A_1012 : vector<16xi32>
          %bitcast3A_1014 = vector.bitcast %shift_left3A_1013 : vector<16xi32> to vector<16xf32>
          %and3A_1015 = arith.andi %bitcast3A_1010, %broadcast_in_dim3A_229 : vector<16xi32>
          %bitcast3A_1016 = vector.bitcast %and3A_1015 : vector<16xi32> to vector<16xf32>
          %get3A_1017 = arith.index_cast %add3A_1004 : i32 to index
          %get3A_1018 = arith.constant 0 : index
          %get3A_1019 = tpu.vector_load %arg12[%get3A_1017, %get3A_1018] {strides = array<i32>} : memref<400x64xbf16, #tpu.memory_space<vmem>>, vector<32xbf16>,
          %bitcast3A_1020 = vector.bitcast %get3A_1019 : vector<32xbf16> to vector<16xi32>
          %shift_left3A_1021 = arith.constant 16 : i32
          %shift_left3A_1022 = vector.broadcast %shift_left3A_1021 : i32 to vector<16xi32>
          %shift_left3A_1023 = arith.shli %bitcast3A_1020, %shift_left3A_1022 : vector<16xi32>
          %bitcast3A_1024 = vector.bitcast %shift_left3A_1023 : vector<16xi32> to vector<16xf32>
          %and3A_1025 = arith.andi %bitcast3A_1020, %broadcast_in_dim3A_229 : vector<16xi32>
          %bitcast3A_1026 = vector.bitcast %and3A_1025 : vector<16xi32> to vector<16xf32>
          %mul3A_1027 = arith.mulf %bitcast3A_1014, %bitcast3A_1024 : vector<16xf32>
          %add3A_1028 = arith.addf %broadcast_in_dim3A_1006, %mul3A_1027 : vector<16xf32>
          %mul3A_1029 = arith.mulf %bitcast3A_1016, %bitcast3A_1026 : vector<16xf32>
          %add3A_1030 = arith.addf %add3A_1028, %mul3A_1029 : vector<16xf32>
          %get3A_1031 = arith.index_cast %add3A_1004 : i32 to index
          %get3A_1032 = arith.constant 32 : index
          %get3A_1033 = tpu.vector_load %arg10[%get3A_1031, %get3A_1032] {strides = array<i32>} : memref<400x64xbf16, #tpu.memory_space<vmem>>, vector<32xbf16>,
          %bitcast3A_1034 = vector.bitcast %get3A_1033 : vector<32xbf16> to vector<16xi32>
          %shift_left3A_1035 = arith.constant 16 : i32
          %shift_left3A_1036 = vector.broadcast %shift_left3A_1035 : i32 to vector<16xi32>
          %shift_left3A_1037 = arith.shli %bitcast3A_1034, %shift_left3A_1036 : vector<16xi32>
          %bitcast3A_1038 = vector.bitcast %shift_left3A_1037 : vector<16xi32> to vector<16xf32>
          %and3A_1039 = arith.andi %bitcast3A_1034, %broadcast_in_dim3A_229 : vector<16xi32>
          %bitcast3A_1040 = vector.bitcast %and3A_1039 : vector<16xi32> to vector<16xf32>
          %get3A_1041 = arith.index_cast %add3A_1004 : i32 to index
          %get3A_1042 = arith.constant 32 : index
          %get3A_1043 = tpu.vector_load %arg12[%get3A_1041, %get3A_1042] {strides = array<i32>} : memref<400x64xbf16, #tpu.memory_space<vmem>>, vector<32xbf16>,
          %bitcast3A_1044 = vector.bitcast %get3A_1043 : vector<32xbf16> to vector<16xi32>
          %shift_left3A_1045 = arith.constant 16 : i32
          %shift_left3A_1046 = vector.broadcast %shift_left3A_1045 : i32 to vector<16xi32>
          %shift_left3A_1047 = arith.shli %bitcast3A_1044, %shift_left3A_1046 : vector<16xi32>
          %bitcast3A_1048 = vector.bitcast %shift_left3A_1047 : vector<16xi32> to vector<16xf32>
          %and3A_1049 = arith.andi %bitcast3A_1044, %broadcast_in_dim3A_229 : vector<16xi32>
          %bitcast3A_1050 = vector.bitcast %and3A_1049 : vector<16xi32> to vector<16xf32>
          %mul3A_1051 = arith.mulf %bitcast3A_1038, %bitcast3A_1048 : vector<16xf32>
          %add3A_1052 = arith.addf %add3A_1030, %mul3A_1051 : vector<16xf32>
          %mul3A_1053 = arith.mulf %bitcast3A_1040, %bitcast3A_1050 : vector<16xf32>
          %add3A_1054 = arith.addf %add3A_1052, %mul3A_1053 : vector<16xf32>
          %reduce_sum3A_1055 = arith.constant true
          %reduce_sum3A_1056 = vector.broadcast %reduce_sum3A_1055 : i1 to vector<16xi1>
          %reduce_sum3A_1057 = tpu.scan <sum>, %add3A_1054 masked %reduce_sum3A_1056 : vector<16xf32>, vector<16xi1> -> vector<16xf32>
          %reduce_sum3A_1058 = vector.extract %reduce_sum3A_1057[15] : f32 from vector<16xf32>
          %eq3A_1059 = arith.constant 12 : i32
          %eq3A_1060 = vector.broadcast %eq3A_1059 : i32 to vector<16xi32>
          %eq3A_1061 = arith.cmpi eq, %iota3A, %eq3A_1060 : vector<16xi32>
          %broadcast_in_dim3A_1062 = vector.broadcast %reduce_sum3A_1058 : f32 to vector<16xf32>
          %select_n3A_1063 = arith.select %eq3A_1061, %broadcast_in_dim3A_1062, %select_n3A_1000 : vector<16xi1>, vector<16xf32>
          %mul3A_1064 = arith.constant 16 : i32
          %mul3A_1065 = arith.muli %scan3A_248, %mul3A_1064 : i32
          %add3A_1066 = arith.constant 13 : i32
          %add3A_1067 = arith.addi %mul3A_1065, %add3A_1066 : i32
          %broadcast_in_dim3A_1068 = arith.constant 0.000000e+00 : f32
          %broadcast_in_dim3A_1069 = vector.broadcast %broadcast_in_dim3A_1068 : f32 to vector<16xf32>
          %get3A_1070 = arith.index_cast %add3A_1067 : i32 to index
          %get3A_1071 = arith.constant 0 : index
          %get3A_1072 = tpu.vector_load %arg10[%get3A_1070, %get3A_1071] {strides = array<i32>} : memref<400x64xbf16, #tpu.memory_space<vmem>>, vector<32xbf16>,
          %bitcast3A_1073 = vector.bitcast %get3A_1072 : vector<32xbf16> to vector<16xi32>
          %shift_left3A_1074 = arith.constant 16 : i32
          %shift_left3A_1075 = vector.broadcast %shift_left3A_1074 : i32 to vector<16xi32>
          %shift_left3A_1076 = arith.shli %bitcast3A_1073, %shift_left3A_1075 : vector<16xi32>
          %bitcast3A_1077 = vector.bitcast %shift_left3A_1076 : vector<16xi32> to vector<16xf32>
          %and3A_1078 = arith.andi %bitcast3A_1073, %broadcast_in_dim3A_229 : vector<16xi32>
          %bitcast3A_1079 = vector.bitcast %and3A_1078 : vector<16xi32> to vector<16xf32>
          %get3A_1080 = arith.index_cast %add3A_1067 : i32 to index
          %get3A_1081 = arith.constant 0 : index
          %get3A_1082 = tpu.vector_load %arg12[%get3A_1080, %get3A_1081] {strides = array<i32>} : memref<400x64xbf16, #tpu.memory_space<vmem>>, vector<32xbf16>,
          %bitcast3A_1083 = vector.bitcast %get3A_1082 : vector<32xbf16> to vector<16xi32>
          %shift_left3A_1084 = arith.constant 16 : i32
          %shift_left3A_1085 = vector.broadcast %shift_left3A_1084 : i32 to vector<16xi32>
          %shift_left3A_1086 = arith.shli %bitcast3A_1083, %shift_left3A_1085 : vector<16xi32>
          %bitcast3A_1087 = vector.bitcast %shift_left3A_1086 : vector<16xi32> to vector<16xf32>
          %and3A_1088 = arith.andi %bitcast3A_1083, %broadcast_in_dim3A_229 : vector<16xi32>
          %bitcast3A_1089 = vector.bitcast %and3A_1088 : vector<16xi32> to vector<16xf32>
          %mul3A_1090 = arith.mulf %bitcast3A_1077, %bitcast3A_1087 : vector<16xf32>
          %add3A_1091 = arith.addf %broadcast_in_dim3A_1069, %mul3A_1090 : vector<16xf32>
          %mul3A_1092 = arith.mulf %bitcast3A_1079, %bitcast3A_1089 : vector<16xf32>
          %add3A_1093 = arith.addf %add3A_1091, %mul3A_1092 : vector<16xf32>
          %get3A_1094 = arith.index_cast %add3A_1067 : i32 to index
          %get3A_1095 = arith.constant 32 : index
          %get3A_1096 = tpu.vector_load %arg10[%get3A_1094, %get3A_1095] {strides = array<i32>} : memref<400x64xbf16, #tpu.memory_space<vmem>>, vector<32xbf16>,
          %bitcast3A_1097 = vector.bitcast %get3A_1096 : vector<32xbf16> to vector<16xi32>
          %shift_left3A_1098 = arith.constant 16 : i32
          %shift_left3A_1099 = vector.broadcast %shift_left3A_1098 : i32 to vector<16xi32>
          %shift_left3A_1100 = arith.shli %bitcast3A_1097, %shift_left3A_1099 : vector<16xi32>
          %bitcast3A_1101 = vector.bitcast %shift_left3A_1100 : vector<16xi32> to vector<16xf32>
          %and3A_1102 = arith.andi %bitcast3A_1097, %broadcast_in_dim3A_229 : vector<16xi32>
          %bitcast3A_1103 = vector.bitcast %and3A_1102 : vector<16xi32> to vector<16xf32>
          %get3A_1104 = arith.index_cast %add3A_1067 : i32 to index
          %get3A_1105 = arith.constant 32 : index
          %get3A_1106 = tpu.vector_load %arg12[%get3A_1104, %get3A_1105] {strides = array<i32>} : memref<400x64xbf16, #tpu.memory_space<vmem>>, vector<32xbf16>,
          %bitcast3A_1107 = vector.bitcast %get3A_1106 : vector<32xbf16> to vector<16xi32>
          %shift_left3A_1108 = arith.constant 16 : i32
          %shift_left3A_1109 = vector.broadcast %shift_left3A_1108 : i32 to vector<16xi32>
          %shift_left3A_1110 = arith.shli %bitcast3A_1107, %shift_left3A_1109 : vector<16xi32>
          %bitcast3A_1111 = vector.bitcast %shift_left3A_1110 : vector<16xi32> to vector<16xf32>
          %and3A_1112 = arith.andi %bitcast3A_1107, %broadcast_in_dim3A_229 : vector<16xi32>
          %bitcast3A_1113 = vector.bitcast %and3A_1112 : vector<16xi32> to vector<16xf32>
          %mul3A_1114 = arith.mulf %bitcast3A_1101, %bitcast3A_1111 : vector<16xf32>
          %add3A_1115 = arith.addf %add3A_1093, %mul3A_1114 : vector<16xf32>
          %mul3A_1116 = arith.mulf %bitcast3A_1103, %bitcast3A_1113 : vector<16xf32>
          %add3A_1117 = arith.addf %add3A_1115, %mul3A_1116 : vector<16xf32>
          %reduce_sum3A_1118 = arith.constant true
          %reduce_sum3A_1119 = vector.broadcast %reduce_sum3A_1118 : i1 to vector<16xi1>
          %reduce_sum3A_1120 = tpu.scan <sum>, %add3A_1117 masked %reduce_sum3A_1119 : vector<16xf32>, vector<16xi1> -> vector<16xf32>
          %reduce_sum3A_1121 = vector.extract %reduce_sum3A_1120[15] : f32 from vector<16xf32>
          %eq3A_1122 = arith.constant 13 : i32
          %eq3A_1123 = vector.broadcast %eq3A_1122 : i32 to vector<16xi32>
          %eq3A_1124 = arith.cmpi eq, %iota3A, %eq3A_1123 : vector<16xi32>
          %broadcast_in_dim3A_1125 = vector.broadcast %reduce_sum3A_1121 : f32 to vector<16xf32>
          %select_n3A_1126 = arith.select %eq3A_1124, %broadcast_in_dim3A_1125, %select_n3A_1063 : vector<16xi1>, vector<16xf32>
          %mul3A_1127 = arith.constant 16 : i32
          %mul3A_1128 = arith.muli %scan3A_248, %mul3A_1127 : i32
          %add3A_1129 = arith.constant 14 : i32
          %add3A_1130 = arith.addi %mul3A_1128, %add3A_1129 : i32
          %broadcast_in_dim3A_1131 = arith.constant 0.000000e+00 : f32
          %broadcast_in_dim3A_1132 = vector.broadcast %broadcast_in_dim3A_1131 : f32 to vector<16xf32>
          %get3A_1133 = arith.index_cast %add3A_1130 : i32 to index
          %get3A_1134 = arith.constant 0 : index
          %get3A_1135 = tpu.vector_load %arg10[%get3A_1133, %get3A_1134] {strides = array<i32>} : memref<400x64xbf16, #tpu.memory_space<vmem>>, vector<32xbf16>,
          %bitcast3A_1136 = vector.bitcast %get3A_1135 : vector<32xbf16> to vector<16xi32>
          %shift_left3A_1137 = arith.constant 16 : i32
          %shift_left3A_1138 = vector.broadcast %shift_left3A_1137 : i32 to vector<16xi32>
          %shift_left3A_1139 = arith.shli %bitcast3A_1136, %shift_left3A_1138 : vector<16xi32>
          %bitcast3A_1140 = vector.bitcast %shift_left3A_1139 : vector<16xi32> to vector<16xf32>
          %and3A_1141 = arith.andi %bitcast3A_1136, %broadcast_in_dim3A_229 : vector<16xi32>
          %bitcast3A_1142 = vector.bitcast %and3A_1141 : vector<16xi32> to vector<16xf32>
          %get3A_1143 = arith.index_cast %add3A_1130 : i32 to index
          %get3A_1144 = arith.constant 0 : index
          %get3A_1145 = tpu.vector_load %arg12[%get3A_1143, %get3A_1144] {strides = array<i32>} : memref<400x64xbf16, #tpu.memory_space<vmem>>, vector<32xbf16>,
          %bitcast3A_1146 = vector.bitcast %get3A_1145 : vector<32xbf16> to vector<16xi32>
          %shift_left3A_1147 = arith.constant 16 : i32
          %shift_left3A_1148 = vector.broadcast %shift_left3A_1147 : i32 to vector<16xi32>
          %shift_left3A_1149 = arith.shli %bitcast3A_1146, %shift_left3A_1148 : vector<16xi32>
          %bitcast3A_1150 = vector.bitcast %shift_left3A_1149 : vector<16xi32> to vector<16xf32>
          %and3A_1151 = arith.andi %bitcast3A_1146, %broadcast_in_dim3A_229 : vector<16xi32>
          %bitcast3A_1152 = vector.bitcast %and3A_1151 : vector<16xi32> to vector<16xf32>
          %mul3A_1153 = arith.mulf %bitcast3A_1140, %bitcast3A_1150 : vector<16xf32>
          %add3A_1154 = arith.addf %broadcast_in_dim3A_1132, %mul3A_1153 : vector<16xf32>
          %mul3A_1155 = arith.mulf %bitcast3A_1142, %bitcast3A_1152 : vector<16xf32>
          %add3A_1156 = arith.addf %add3A_1154, %mul3A_1155 : vector<16xf32>
          %get3A_1157 = arith.index_cast %add3A_1130 : i32 to index
          %get3A_1158 = arith.constant 32 : index
          %get3A_1159 = tpu.vector_load %arg10[%get3A_1157, %get3A_1158] {strides = array<i32>} : memref<400x64xbf16, #tpu.memory_space<vmem>>, vector<32xbf16>,
          %bitcast3A_1160 = vector.bitcast %get3A_1159 : vector<32xbf16> to vector<16xi32>
          %shift_left3A_1161 = arith.constant 16 : i32
          %shift_left3A_1162 = vector.broadcast %shift_left3A_1161 : i32 to vector<16xi32>
          %shift_left3A_1163 = arith.shli %bitcast3A_1160, %shift_left3A_1162 : vector<16xi32>
          %bitcast3A_1164 = vector.bitcast %shift_left3A_1163 : vector<16xi32> to vector<16xf32>
          %and3A_1165 = arith.andi %bitcast3A_1160, %broadcast_in_dim3A_229 : vector<16xi32>
          %bitcast3A_1166 = vector.bitcast %and3A_1165 : vector<16xi32> to vector<16xf32>
          %get3A_1167 = arith.index_cast %add3A_1130 : i32 to index
          %get3A_1168 = arith.constant 32 : index
          %get3A_1169 = tpu.vector_load %arg12[%get3A_1167, %get3A_1168] {strides = array<i32>} : memref<400x64xbf16, #tpu.memory_space<vmem>>, vector<32xbf16>,
          %bitcast3A_1170 = vector.bitcast %get3A_1169 : vector<32xbf16> to vector<16xi32>
          %shift_left3A_1171 = arith.constant 16 : i32
          %shift_left3A_1172 = vector.broadcast %shift_left3A_1171 : i32 to vector<16xi32>
          %shift_left3A_1173 = arith.shli %bitcast3A_1170, %shift_left3A_1172 : vector<16xi32>
          %bitcast3A_1174 = vector.bitcast %shift_left3A_1173 : vector<16xi32> to vector<16xf32>
          %and3A_1175 = arith.andi %bitcast3A_1170, %broadcast_in_dim3A_229 : vector<16xi32>
          %bitcast3A_1176 = vector.bitcast %and3A_1175 : vector<16xi32> to vector<16xf32>
          %mul3A_1177 = arith.mulf %bitcast3A_1164, %bitcast3A_1174 : vector<16xf32>
          %add3A_1178 = arith.addf %add3A_1156, %mul3A_1177 : vector<16xf32>
          %mul3A_1179 = arith.mulf %bitcast3A_1166, %bitcast3A_1176 : vector<16xf32>
          %add3A_1180 = arith.addf %add3A_1178, %mul3A_1179 : vector<16xf32>
          %reduce_sum3A_1181 = arith.constant true
          %reduce_sum3A_1182 = vector.broadcast %reduce_sum3A_1181 : i1 to vector<16xi1>
          %reduce_sum3A_1183 = tpu.scan <sum>, %add3A_1180 masked %reduce_sum3A_1182 : vector<16xf32>, vector<16xi1> -> vector<16xf32>
          %reduce_sum3A_1184 = vector.extract %reduce_sum3A_1183[15] : f32 from vector<16xf32>
          %eq3A_1185 = arith.constant 14 : i32
          %eq3A_1186 = vector.broadcast %eq3A_1185 : i32 to vector<16xi32>
          %eq3A_1187 = arith.cmpi eq, %iota3A, %eq3A_1186 : vector<16xi32>
          %broadcast_in_dim3A_1188 = vector.broadcast %reduce_sum3A_1184 : f32 to vector<16xf32>
          %select_n3A_1189 = arith.select %eq3A_1187, %broadcast_in_dim3A_1188, %select_n3A_1126 : vector<16xi1>, vector<16xf32>
          %mul3A_1190 = arith.constant 16 : i32
          %mul3A_1191 = arith.muli %scan3A_248, %mul3A_1190 : i32
          %add3A_1192 = arith.constant 15 : i32
          %add3A_1193 = arith.addi %mul3A_1191, %add3A_1192 : i32
          %broadcast_in_dim3A_1194 = arith.constant 0.000000e+00 : f32
          %broadcast_in_dim3A_1195 = vector.broadcast %broadcast_in_dim3A_1194 : f32 to vector<16xf32>
          %get3A_1196 = arith.index_cast %add3A_1193 : i32 to index
          %get3A_1197 = arith.constant 0 : index
          %get3A_1198 = tpu.vector_load %arg10[%get3A_1196, %get3A_1197] {strides = array<i32>} : memref<400x64xbf16, #tpu.memory_space<vmem>>, vector<32xbf16>,
          %bitcast3A_1199 = vector.bitcast %get3A_1198 : vector<32xbf16> to vector<16xi32>
          %shift_left3A_1200 = arith.constant 16 : i32
          %shift_left3A_1201 = vector.broadcast %shift_left3A_1200 : i32 to vector<16xi32>
          %shift_left3A_1202 = arith.shli %bitcast3A_1199, %shift_left3A_1201 : vector<16xi32>
          %bitcast3A_1203 = vector.bitcast %shift_left3A_1202 : vector<16xi32> to vector<16xf32>
          %and3A_1204 = arith.andi %bitcast3A_1199, %broadcast_in_dim3A_229 : vector<16xi32>
          %bitcast3A_1205 = vector.bitcast %and3A_1204 : vector<16xi32> to vector<16xf32>
          %get3A_1206 = arith.index_cast %add3A_1193 : i32 to index
          %get3A_1207 = arith.constant 0 : index
          %get3A_1208 = tpu.vector_load %arg12[%get3A_1206, %get3A_1207] {strides = array<i32>} : memref<400x64xbf16, #tpu.memory_space<vmem>>, vector<32xbf16>,
          %bitcast3A_1209 = vector.bitcast %get3A_1208 : vector<32xbf16> to vector<16xi32>
          %shift_left3A_1210 = arith.constant 16 : i32
          %shift_left3A_1211 = vector.broadcast %shift_left3A_1210 : i32 to vector<16xi32>
          %shift_left3A_1212 = arith.shli %bitcast3A_1209, %shift_left3A_1211 : vector<16xi32>
          %bitcast3A_1213 = vector.bitcast %shift_left3A_1212 : vector<16xi32> to vector<16xf32>
          %and3A_1214 = arith.andi %bitcast3A_1209, %broadcast_in_dim3A_229 : vector<16xi32>
          %bitcast3A_1215 = vector.bitcast %and3A_1214 : vector<16xi32> to vector<16xf32>
          %mul3A_1216 = arith.mulf %bitcast3A_1203, %bitcast3A_1213 : vector<16xf32>
          %add3A_1217 = arith.addf %broadcast_in_dim3A_1195, %mul3A_1216 : vector<16xf32>
          %mul3A_1218 = arith.mulf %bitcast3A_1205, %bitcast3A_1215 : vector<16xf32>
          %add3A_1219 = arith.addf %add3A_1217, %mul3A_1218 : vector<16xf32>
          %get3A_1220 = arith.index_cast %add3A_1193 : i32 to index
          %get3A_1221 = arith.constant 32 : index
          %get3A_1222 = tpu.vector_load %arg10[%get3A_1220, %get3A_1221] {strides = array<i32>} : memref<400x64xbf16, #tpu.memory_space<vmem>>, vector<32xbf16>,
          %bitcast3A_1223 = vector.bitcast %get3A_1222 : vector<32xbf16> to vector<16xi32>
          %shift_left3A_1224 = arith.constant 16 : i32
          %shift_left3A_1225 = vector.broadcast %shift_left3A_1224 : i32 to vector<16xi32>
          %shift_left3A_1226 = arith.shli %bitcast3A_1223, %shift_left3A_1225 : vector<16xi32>
          %bitcast3A_1227 = vector.bitcast %shift_left3A_1226 : vector<16xi32> to vector<16xf32>
          %and3A_1228 = arith.andi %bitcast3A_1223, %broadcast_in_dim3A_229 : vector<16xi32>
          %bitcast3A_1229 = vector.bitcast %and3A_1228 : vector<16xi32> to vector<16xf32>
          %get3A_1230 = arith.index_cast %add3A_1193 : i32 to index
          %get3A_1231 = arith.constant 32 : index
          %get3A_1232 = tpu.vector_load %arg12[%get3A_1230, %get3A_1231] {strides = array<i32>} : memref<400x64xbf16, #tpu.memory_space<vmem>>, vector<32xbf16>,
          %bitcast3A_1233 = vector.bitcast %get3A_1232 : vector<32xbf16> to vector<16xi32>
          %shift_left3A_1234 = arith.constant 16 : i32
          %shift_left3A_1235 = vector.broadcast %shift_left3A_1234 : i32 to vector<16xi32>
          %shift_left3A_1236 = arith.shli %bitcast3A_1233, %shift_left3A_1235 : vector<16xi32>
          %bitcast3A_1237 = vector.bitcast %shift_left3A_1236 : vector<16xi32> to vector<16xf32>
          %and3A_1238 = arith.andi %bitcast3A_1233, %broadcast_in_dim3A_229 : vector<16xi32>
          %bitcast3A_1239 = vector.bitcast %and3A_1238 : vector<16xi32> to vector<16xf32>
          %mul3A_1240 = arith.mulf %bitcast3A_1227, %bitcast3A_1237 : vector<16xf32>
          %add3A_1241 = arith.addf %add3A_1219, %mul3A_1240 : vector<16xf32>
          %mul3A_1242 = arith.mulf %bitcast3A_1229, %bitcast3A_1239 : vector<16xf32>
          %add3A_1243 = arith.addf %add3A_1241, %mul3A_1242 : vector<16xf32>
          %reduce_sum3A_1244 = arith.constant true
          %reduce_sum3A_1245 = vector.broadcast %reduce_sum3A_1244 : i1 to vector<16xi1>
          %reduce_sum3A_1246 = tpu.scan <sum>, %add3A_1243 masked %reduce_sum3A_1245 : vector<16xf32>, vector<16xi1> -> vector<16xf32>
          %reduce_sum3A_1247 = vector.extract %reduce_sum3A_1246[15] : f32 from vector<16xf32>
          %eq3A_1248 = arith.constant 15 : i32
          %eq3A_1249 = vector.broadcast %eq3A_1248 : i32 to vector<16xi32>
          %eq3A_1250 = arith.cmpi eq, %iota3A, %eq3A_1249 : vector<16xi32>
          %broadcast_in_dim3A_1251 = vector.broadcast %reduce_sum3A_1247 : f32 to vector<16xf32>
          %select_n3A_1252 = arith.select %eq3A_1250, %broadcast_in_dim3A_1251, %select_n3A_1189 : vector<16xi1>, vector<16xf32>
          %mul3A_1253 = arith.constant 16 : i32
          %mul3A_1254 = arith.muli %scan3A_248, %mul3A_1253 : i32
          %swap3A = arith.constant 0 : i32
          %swap3A_1255 = arith.index_cast %swap3A : i32 to index
          %swap3A_1256 = arith.index_cast %mul3A_1254 : i32 to index
          %swap3A_1257 = tpu.vector_load %arg14[%swap3A_1255, %swap3A_1256] {strides = array<i32>} : memref<2x400xf32, #tpu.memory_space<vmem>>, vector<16xf32>,
          tpu.vector_store %arg14[%swap3A_1255, %swap3A_1256], %select_n3A_1252 {strides = array<i32>} : memref<2x400xf32, #tpu.memory_space<vmem>>, vector<16xf32>,
        }
        %scan3A_235 = arith.constant 25 : i32
        %mul3A_236 = arith.constant 400 : i32
        %mul3A_237 = arith.muli %add3A_124, %mul3A_236 : i32
        %add3A_238 = arith.addi %mul3A_2, %mul3A_237 : i32
        %dma_start3A_239 = arith.constant 0 : i32
        %dma_start3A_240 = arith.constant 0 : i32
        %dma_start3A_241 = tpu.memref_slice %arg14[%dma_start3A_239, %dma_start3A_240] : memref<2x400xf32, #tpu.memory_space<vmem>> -> memref<1x400xf32, #tpu.memory_space<vmem>>
        %dma_start3A_242 = tpu.memref_squeeze %dma_start3A_241 : memref<1x400xf32, #tpu.memory_space<vmem>> -> memref<400xf32, #tpu.memory_space<vmem>>
        %dma_start3A_243 = tpu.memref_slice %arg5[%add3A_238] : memref<320000xf32, #tpu.memory_space<hbm>> -> memref<400xf32, #tpu.memory_space<hbm>>
        %dma_start3A_244 = tpu.memref_slice %arg5[%add3A_238] : memref<320000xf32, #tpu.memory_space<hbm>> -> memref<400xf32, #tpu.memory_space<hbm>>
        %dma_start3A_245 = arith.constant 0 : i32
        %dma_start3A_246 = tpu.memref_slice %arg14[%dma_start3A_239, %dma_start3A_245] : memref<2x400xf32, #tpu.memory_space<vmem>> -> memref<1x400xf32, #tpu.memory_space<vmem>>
        %dma_start3A_247 = tpu.memref_squeeze %dma_start3A_246 : memref<1x400xf32, #tpu.memory_space<vmem>> -> memref<400xf32, #tpu.memory_space<vmem>>
        tpu.enqueue_dma source(%dma_start3A_247 : memref<400xf32, #tpu.memory_space<vmem>>) target(%dma_start3A_244 : memref<400xf32, #tpu.memory_space<hbm>>) target_semaphore(%arg18 : memref<!tpu.dma_semaphore, #tpu.memory_space<semaphore_mem>>)
      } else {
      }
      %mul3A_129 = arith.constant 2 : i32
      %mul3A_130 = arith.muli %scan3A_120, %mul3A_129 : i32
      %add3A_131 = arith.constant 1 : i32
      %add3A_132 = arith.addi %mul3A_130, %add3A_131 : i32
      %lt3A_133 = arith.constant 25 : i32
      %lt3A_134 = arith.cmpi slt, %add3A_132, %lt3A_133 : i32
      %convert_element_type3A_135 = arith.extui %lt3A_134 : i1 to i32
      %cond3A_136 = arith.constant 0 : i32
      %cond3A_137 = arith.cmpi ne, %convert_element_type3A_135, %cond3A_136 : i32
      scf.if %cond3A_137 {
        %add3A_138 = arith.constant 1 : i32
        %add3A_139 = arith.addi %add3A_132, %add3A_138 : i32
        %lt3A_140 = arith.constant 25 : i32
        %lt3A_141 = arith.cmpi slt, %add3A_139, %lt3A_140 : i32
        %convert_element_type3A_142 = arith.extui %lt3A_141 : i1 to i32
        %cond3A_143 = arith.constant 0 : i32
        %cond3A_144 = arith.cmpi ne, %convert_element_type3A_142, %cond3A_143 : i32
        scf.if %cond3A_144 {
          %add3A_248 = arith.constant 1 : i32
          %add3A_249 = arith.addi %add3A_132, %add3A_248 : i32
          %mul3A_250 = arith.constant 400 : i32
          %mul3A_251 = arith.muli %add3A_249, %mul3A_250 : i32
          %add3A_252 = arith.constant 0 : i32
          %add3A_253 = arith.addi %mul3A_251, %add3A_252 : i32
          %dma_start3A_254 = arith.constant 0 : i32
          %dma_start3A_255 = arith.constant 0 : i32
          %dma_start3A_256 = tpu.memref_slice %arg10[%dma_start3A_254, %dma_start3A_255] : memref<400x64xbf16, #tpu.memory_space<vmem>> -> memref<80x64xbf16, #tpu.memory_space<vmem>>
          %dma_start3A_257 = tpu.memref_slice %arg8[%add3A_253] : memref<10000xi32, #tpu.memory_space<vmem>> -> memref<80xi32, #tpu.memory_space<vmem>>
          %dma_start3A_258 = arith.constant 0 : i32
          %dma_start3A_259 = arith.constant 0 : i32
          %dma_start3A_260 = tpu.memref_slice %arg6[%dma_start3A_258, %dma_start3A_259] : memref<10000x64xbf16, #tpu.memory_space<vmem_shared>> -> memref<10000x64xbf16, #tpu.memory_space<vmem_shared>>
          tpu.enqueue_indirect_dma source(%dma_start3A_260 : memref<10000x64xbf16, #tpu.memory_space<vmem_shared>>) target(%dma_start3A_256 : memref<80x64xbf16, #tpu.memory_space<vmem>>) offsets(%dma_start3A_257 : memref<80xi32, #tpu.memory_space<vmem>>) semaphore(%arg16 : memref<!tpu.dma_semaphore, #tpu.memory_space<semaphore_mem>>)
          %dma_start3A_261 = arith.constant 0 : i32
          %dma_start3A_262 = arith.constant 0 : i32
          %dma_start3A_263 = tpu.memref_slice %arg12[%dma_start3A_261, %dma_start3A_262] : memref<400x64xbf16, #tpu.memory_space<vmem>> -> memref<80x64xbf16, #tpu.memory_space<vmem>>
          %dma_start3A_264 = tpu.memref_slice %arg9[%add3A_253] : memref<10000xi32, #tpu.memory_space<vmem>> -> memref<80xi32, #tpu.memory_space<vmem>>
          %dma_start3A_265 = arith.constant 0 : i32
          %dma_start3A_266 = arith.constant 0 : i32
          %dma_start3A_267 = tpu.memref_slice %arg7[%dma_start3A_265, %dma_start3A_266] : memref<10000x64xbf16, #tpu.memory_space<vmem_shared>> -> memref<10000x64xbf16, #tpu.memory_space<vmem_shared>>
          tpu.enqueue_indirect_dma source(%dma_start3A_267 : memref<10000x64xbf16, #tpu.memory_space<vmem_shared>>) target(%dma_start3A_263 : memref<80x64xbf16, #tpu.memory_space<vmem>>) offsets(%dma_start3A_264 : memref<80xi32, #tpu.memory_space<vmem>>) semaphore(%arg16 : memref<!tpu.dma_semaphore, #tpu.memory_space<semaphore_mem>>)
          %mul3A_268 = arith.constant 400 : i32
          %mul3A_269 = arith.muli %add3A_249, %mul3A_268 : i32
          %add3A_270 = arith.constant 80 : i32
          %add3A_271 = arith.addi %mul3A_269, %add3A_270 : i32
          %dma_start3A_272 = arith.constant 80 : i32
          %dma_start3A_273 = arith.constant 0 : i32
          %dma_start3A_274 = tpu.memref_slice %arg10[%dma_start3A_272, %dma_start3A_273] : memref<400x64xbf16, #tpu.memory_space<vmem>> -> memref<80x64xbf16, #tpu.memory_space<vmem>>
          %dma_start3A_275 = tpu.memref_slice %arg8[%add3A_271] : memref<10000xi32, #tpu.memory_space<vmem>> -> memref<80xi32, #tpu.memory_space<vmem>>
          %dma_start3A_276 = arith.constant 0 : i32
          %dma_start3A_277 = arith.constant 0 : i32
          %dma_start3A_278 = tpu.memref_slice %arg6[%dma_start3A_276, %dma_start3A_277] : memref<10000x64xbf16, #tpu.memory_space<vmem_shared>> -> memref<10000x64xbf16, #tpu.memory_space<vmem_shared>>
          tpu.enqueue_indirect_dma source(%dma_start3A_278 : memref<10000x64xbf16, #tpu.memory_space<vmem_shared>>) target(%dma_start3A_274 : memref<80x64xbf16, #tpu.memory_space<vmem>>) offsets(%dma_start3A_275 : memref<80xi32, #tpu.memory_space<vmem>>) semaphore(%arg16 : memref<!tpu.dma_semaphore, #tpu.memory_space<semaphore_mem>>)
          %dma_start3A_279 = arith.constant 80 : i32
          %dma_start3A_280 = arith.constant 0 : i32
          %dma_start3A_281 = tpu.memref_slice %arg12[%dma_start3A_279, %dma_start3A_280] : memref<400x64xbf16, #tpu.memory_space<vmem>> -> memref<80x64xbf16, #tpu.memory_space<vmem>>
          %dma_start3A_282 = tpu.memref_slice %arg9[%add3A_271] : memref<10000xi32, #tpu.memory_space<vmem>> -> memref<80xi32, #tpu.memory_space<vmem>>
          %dma_start3A_283 = arith.constant 0 : i32
          %dma_start3A_284 = arith.constant 0 : i32
          %dma_start3A_285 = tpu.memref_slice %arg7[%dma_start3A_283, %dma_start3A_284] : memref<10000x64xbf16, #tpu.memory_space<vmem_shared>> -> memref<10000x64xbf16, #tpu.memory_space<vmem_shared>>
          tpu.enqueue_indirect_dma source(%dma_start3A_285 : memref<10000x64xbf16, #tpu.memory_space<vmem_shared>>) target(%dma_start3A_281 : memref<80x64xbf16, #tpu.memory_space<vmem>>) offsets(%dma_start3A_282 : memref<80xi32, #tpu.memory_space<vmem>>) semaphore(%arg16 : memref<!tpu.dma_semaphore, #tpu.memory_space<semaphore_mem>>)
          %mul3A_286 = arith.constant 400 : i32
          %mul3A_287 = arith.muli %add3A_249, %mul3A_286 : i32
          %add3A_288 = arith.constant 160 : i32
          %add3A_289 = arith.addi %mul3A_287, %add3A_288 : i32
          %dma_start3A_290 = arith.constant 160 : i32
          %dma_start3A_291 = arith.constant 0 : i32
          %dma_start3A_292 = tpu.memref_slice %arg10[%dma_start3A_290, %dma_start3A_291] : memref<400x64xbf16, #tpu.memory_space<vmem>> -> memref<80x64xbf16, #tpu.memory_space<vmem>>
          %dma_start3A_293 = tpu.memref_slice %arg8[%add3A_289] : memref<10000xi32, #tpu.memory_space<vmem>> -> memref<80xi32, #tpu.memory_space<vmem>>
          %dma_start3A_294 = arith.constant 0 : i32
          %dma_start3A_295 = arith.constant 0 : i32
          %dma_start3A_296 = tpu.memref_slice %arg6[%dma_start3A_294, %dma_start3A_295] : memref<10000x64xbf16, #tpu.memory_space<vmem_shared>> -> memref<10000x64xbf16, #tpu.memory_space<vmem_shared>>
          tpu.enqueue_indirect_dma source(%dma_start3A_296 : memref<10000x64xbf16, #tpu.memory_space<vmem_shared>>) target(%dma_start3A_292 : memref<80x64xbf16, #tpu.memory_space<vmem>>) offsets(%dma_start3A_293 : memref<80xi32, #tpu.memory_space<vmem>>) semaphore(%arg16 : memref<!tpu.dma_semaphore, #tpu.memory_space<semaphore_mem>>)
          %dma_start3A_297 = arith.constant 160 : i32
          %dma_start3A_298 = arith.constant 0 : i32
          %dma_start3A_299 = tpu.memref_slice %arg12[%dma_start3A_297, %dma_start3A_298] : memref<400x64xbf16, #tpu.memory_space<vmem>> -> memref<80x64xbf16, #tpu.memory_space<vmem>>
          %dma_start3A_300 = tpu.memref_slice %arg9[%add3A_289] : memref<10000xi32, #tpu.memory_space<vmem>> -> memref<80xi32, #tpu.memory_space<vmem>>
          %dma_start3A_301 = arith.constant 0 : i32
          %dma_start3A_302 = arith.constant 0 : i32
          %dma_start3A_303 = tpu.memref_slice %arg7[%dma_start3A_301, %dma_start3A_302] : memref<10000x64xbf16, #tpu.memory_space<vmem_shared>> -> memref<10000x64xbf16, #tpu.memory_space<vmem_shared>>
          tpu.enqueue_indirect_dma source(%dma_start3A_303 : memref<10000x64xbf16, #tpu.memory_space<vmem_shared>>) target(%dma_start3A_299 : memref<80x64xbf16, #tpu.memory_space<vmem>>) offsets(%dma_start3A_300 : memref<80xi32, #tpu.memory_space<vmem>>) semaphore(%arg16 : memref<!tpu.dma_semaphore, #tpu.memory_space<semaphore_mem>>)
          %mul3A_304 = arith.constant 400 : i32
          %mul3A_305 = arith.muli %add3A_249, %mul3A_304 : i32
          %add3A_306 = arith.constant 240 : i32
          %add3A_307 = arith.addi %mul3A_305, %add3A_306 : i32
          %dma_start3A_308 = arith.constant 240 : i32
          %dma_start3A_309 = arith.constant 0 : i32
          %dma_start3A_310 = tpu.memref_slice %arg10[%dma_start3A_308, %dma_start3A_309] : memref<400x64xbf16, #tpu.memory_space<vmem>> -> memref<80x64xbf16, #tpu.memory_space<vmem>>
          %dma_start3A_311 = tpu.memref_slice %arg8[%add3A_307] : memref<10000xi32, #tpu.memory_space<vmem>> -> memref<80xi32, #tpu.memory_space<vmem>>
          %dma_start3A_312 = arith.constant 0 : i32
          %dma_start3A_313 = arith.constant 0 : i32
          %dma_start3A_314 = tpu.memref_slice %arg6[%dma_start3A_312, %dma_start3A_313] : memref<10000x64xbf16, #tpu.memory_space<vmem_shared>> -> memref<10000x64xbf16, #tpu.memory_space<vmem_shared>>
          tpu.enqueue_indirect_dma source(%dma_start3A_314 : memref<10000x64xbf16, #tpu.memory_space<vmem_shared>>) target(%dma_start3A_310 : memref<80x64xbf16, #tpu.memory_space<vmem>>) offsets(%dma_start3A_311 : memref<80xi32, #tpu.memory_space<vmem>>) semaphore(%arg16 : memref<!tpu.dma_semaphore, #tpu.memory_space<semaphore_mem>>)
          %dma_start3A_315 = arith.constant 240 : i32
          %dma_start3A_316 = arith.constant 0 : i32
          %dma_start3A_317 = tpu.memref_slice %arg12[%dma_start3A_315, %dma_start3A_316] : memref<400x64xbf16, #tpu.memory_space<vmem>> -> memref<80x64xbf16, #tpu.memory_space<vmem>>
          %dma_start3A_318 = tpu.memref_slice %arg9[%add3A_307] : memref<10000xi32, #tpu.memory_space<vmem>> -> memref<80xi32, #tpu.memory_space<vmem>>
          %dma_start3A_319 = arith.constant 0 : i32
          %dma_start3A_320 = arith.constant 0 : i32
          %dma_start3A_321 = tpu.memref_slice %arg7[%dma_start3A_319, %dma_start3A_320] : memref<10000x64xbf16, #tpu.memory_space<vmem_shared>> -> memref<10000x64xbf16, #tpu.memory_space<vmem_shared>>
          tpu.enqueue_indirect_dma source(%dma_start3A_321 : memref<10000x64xbf16, #tpu.memory_space<vmem_shared>>) target(%dma_start3A_317 : memref<80x64xbf16, #tpu.memory_space<vmem>>) offsets(%dma_start3A_318 : memref<80xi32, #tpu.memory_space<vmem>>) semaphore(%arg16 : memref<!tpu.dma_semaphore, #tpu.memory_space<semaphore_mem>>)
          %mul3A_322 = arith.constant 400 : i32
          %mul3A_323 = arith.muli %add3A_249, %mul3A_322 : i32
          %add3A_324 = arith.constant 320 : i32
          %add3A_325 = arith.addi %mul3A_323, %add3A_324 : i32
          %dma_start3A_326 = arith.constant 320 : i32
          %dma_start3A_327 = arith.constant 0 : i32
          %dma_start3A_328 = tpu.memref_slice %arg10[%dma_start3A_326, %dma_start3A_327] : memref<400x64xbf16, #tpu.memory_space<vmem>> -> memref<80x64xbf16, #tpu.memory_space<vmem>>
          %dma_start3A_329 = tpu.memref_slice %arg8[%add3A_325] : memref<10000xi32, #tpu.memory_space<vmem>> -> memref<80xi32, #tpu.memory_space<vmem>>
          %dma_start3A_330 = arith.constant 0 : i32
          %dma_start3A_331 = arith.constant 0 : i32
          %dma_start3A_332 = tpu.memref_slice %arg6[%dma_start3A_330, %dma_start3A_331] : memref<10000x64xbf16, #tpu.memory_space<vmem_shared>> -> memref<10000x64xbf16, #tpu.memory_space<vmem_shared>>
          tpu.enqueue_indirect_dma source(%dma_start3A_332 : memref<10000x64xbf16, #tpu.memory_space<vmem_shared>>) target(%dma_start3A_328 : memref<80x64xbf16, #tpu.memory_space<vmem>>) offsets(%dma_start3A_329 : memref<80xi32, #tpu.memory_space<vmem>>) semaphore(%arg16 : memref<!tpu.dma_semaphore, #tpu.memory_space<semaphore_mem>>)
          %dma_start3A_333 = arith.constant 320 : i32
          %dma_start3A_334 = arith.constant 0 : i32
          %dma_start3A_335 = tpu.memref_slice %arg12[%dma_start3A_333, %dma_start3A_334] : memref<400x64xbf16, #tpu.memory_space<vmem>> -> memref<80x64xbf16, #tpu.memory_space<vmem>>
          %dma_start3A_336 = tpu.memref_slice %arg9[%add3A_325] : memref<10000xi32, #tpu.memory_space<vmem>> -> memref<80xi32, #tpu.memory_space<vmem>>
          %dma_start3A_337 = arith.constant 0 : i32
          %dma_start3A_338 = arith.constant 0 : i32
          %dma_start3A_339 = tpu.memref_slice %arg7[%dma_start3A_337, %dma_start3A_338] : memref<10000x64xbf16, #tpu.memory_space<vmem_shared>> -> memref<10000x64xbf16, #tpu.memory_space<vmem_shared>>
          tpu.enqueue_indirect_dma source(%dma_start3A_339 : memref<10000x64xbf16, #tpu.memory_space<vmem_shared>>) target(%dma_start3A_335 : memref<80x64xbf16, #tpu.memory_space<vmem>>) offsets(%dma_start3A_336 : memref<80xi32, #tpu.memory_space<vmem>>) semaphore(%arg16 : memref<!tpu.dma_semaphore, #tpu.memory_space<semaphore_mem>>)
        } else {
        }
        %dma_wait3A_145 = arith.constant 0 : i32
        %dma_wait3A_146 = arith.constant 0 : i32
        %dma_wait3A_147 = tpu.memref_slice %arg11[%dma_wait3A_145, %dma_wait3A_146] : memref<400x64xbf16, #tpu.memory_space<vmem>> -> memref<80x64xbf16, #tpu.memory_space<vmem>>
        %dma_wait3A_148 = arith.constant 0 : i32
        %dma_wait3A_149 = tpu.memref_slice %arg8[%dma_wait3A_148] : memref<10000xi32, #tpu.memory_space<vmem>> -> memref<80xi32, #tpu.memory_space<vmem>>
        %dma_wait3A_150 = arith.constant 0 : i32
        %dma_wait3A_151 = arith.constant 0 : i32
        %dma_wait3A_152 = tpu.memref_slice %arg6[%dma_wait3A_150, %dma_wait3A_151] : memref<10000x64xbf16, #tpu.memory_space<vmem_shared>> -> memref<10000x64xbf16, #tpu.memory_space<vmem_shared>>
        tpu.wait_indirect_dma semaphore(%arg17 : memref<!tpu.dma_semaphore, #tpu.memory_space<semaphore_mem>>) src(%dma_wait3A_152 : memref<10000x64xbf16, #tpu.memory_space<vmem_shared>>) dst(%dma_wait3A_147 : memref<80x64xbf16, #tpu.memory_space<vmem>>)
        %dma_wait3A_153 = arith.constant 0 : i32
        %dma_wait3A_154 = arith.constant 0 : i32
        %dma_wait3A_155 = tpu.memref_slice %arg13[%dma_wait3A_153, %dma_wait3A_154] : memref<400x64xbf16, #tpu.memory_space<vmem>> -> memref<80x64xbf16, #tpu.memory_space<vmem>>
        %dma_wait3A_156 = arith.constant 0 : i32
        %dma_wait3A_157 = tpu.memref_slice %arg9[%dma_wait3A_156] : memref<10000xi32, #tpu.memory_space<vmem>> -> memref<80xi32, #tpu.memory_space<vmem>>
        %dma_wait3A_158 = arith.constant 0 : i32
        %dma_wait3A_159 = arith.constant 0 : i32
        %dma_wait3A_160 = tpu.memref_slice %arg7[%dma_wait3A_158, %dma_wait3A_159] : memref<10000x64xbf16, #tpu.memory_space<vmem_shared>> -> memref<10000x64xbf16, #tpu.memory_space<vmem_shared>>
        tpu.wait_indirect_dma semaphore(%arg17 : memref<!tpu.dma_semaphore, #tpu.memory_space<semaphore_mem>>) src(%dma_wait3A_160 : memref<10000x64xbf16, #tpu.memory_space<vmem_shared>>) dst(%dma_wait3A_155 : memref<80x64xbf16, #tpu.memory_space<vmem>>)
        %dma_wait3A_161 = arith.constant 80 : i32
        %dma_wait3A_162 = arith.constant 0 : i32
        %dma_wait3A_163 = tpu.memref_slice %arg11[%dma_wait3A_161, %dma_wait3A_162] : memref<400x64xbf16, #tpu.memory_space<vmem>> -> memref<80x64xbf16, #tpu.memory_space<vmem>>
        %dma_wait3A_164 = arith.constant 0 : i32
        %dma_wait3A_165 = tpu.memref_slice %arg8[%dma_wait3A_164] : memref<10000xi32, #tpu.memory_space<vmem>> -> memref<80xi32, #tpu.memory_space<vmem>>
        %dma_wait3A_166 = arith.constant 0 : i32
        %dma_wait3A_167 = arith.constant 0 : i32
        %dma_wait3A_168 = tpu.memref_slice %arg6[%dma_wait3A_166, %dma_wait3A_167] : memref<10000x64xbf16, #tpu.memory_space<vmem_shared>> -> memref<10000x64xbf16, #tpu.memory_space<vmem_shared>>
        tpu.wait_indirect_dma semaphore(%arg17 : memref<!tpu.dma_semaphore, #tpu.memory_space<semaphore_mem>>) src(%dma_wait3A_168 : memref<10000x64xbf16, #tpu.memory_space<vmem_shared>>) dst(%dma_wait3A_163 : memref<80x64xbf16, #tpu.memory_space<vmem>>)
        %dma_wait3A_169 = arith.constant 80 : i32
        %dma_wait3A_170 = arith.constant 0 : i32
        %dma_wait3A_171 = tpu.memref_slice %arg13[%dma_wait3A_169, %dma_wait3A_170] : memref<400x64xbf16, #tpu.memory_space<vmem>> -> memref<80x64xbf16, #tpu.memory_space<vmem>>
        %dma_wait3A_172 = arith.constant 0 : i32
        %dma_wait3A_173 = tpu.memref_slice %arg9[%dma_wait3A_172] : memref<10000xi32, #tpu.memory_space<vmem>> -> memref<80xi32, #tpu.memory_space<vmem>>
        %dma_wait3A_174 = arith.constant 0 : i32
        %dma_wait3A_175 = arith.constant 0 : i32
        %dma_wait3A_176 = tpu.memref_slice %arg7[%dma_wait3A_174, %dma_wait3A_175] : memref<10000x64xbf16, #tpu.memory_space<vmem_shared>> -> memref<10000x64xbf16, #tpu.memory_space<vmem_shared>>
        tpu.wait_indirect_dma semaphore(%arg17 : memref<!tpu.dma_semaphore, #tpu.memory_space<semaphore_mem>>) src(%dma_wait3A_176 : memref<10000x64xbf16, #tpu.memory_space<vmem_shared>>) dst(%dma_wait3A_171 : memref<80x64xbf16, #tpu.memory_space<vmem>>)
        %dma_wait3A_177 = arith.constant 160 : i32
        %dma_wait3A_178 = arith.constant 0 : i32
        %dma_wait3A_179 = tpu.memref_slice %arg11[%dma_wait3A_177, %dma_wait3A_178] : memref<400x64xbf16, #tpu.memory_space<vmem>> -> memref<80x64xbf16, #tpu.memory_space<vmem>>
        %dma_wait3A_180 = arith.constant 0 : i32
        %dma_wait3A_181 = tpu.memref_slice %arg8[%dma_wait3A_180] : memref<10000xi32, #tpu.memory_space<vmem>> -> memref<80xi32, #tpu.memory_space<vmem>>
        %dma_wait3A_182 = arith.constant 0 : i32
        %dma_wait3A_183 = arith.constant 0 : i32
        %dma_wait3A_184 = tpu.memref_slice %arg6[%dma_wait3A_182, %dma_wait3A_183] : memref<10000x64xbf16, #tpu.memory_space<vmem_shared>> -> memref<10000x64xbf16, #tpu.memory_space<vmem_shared>>
        tpu.wait_indirect_dma semaphore(%arg17 : memref<!tpu.dma_semaphore, #tpu.memory_space<semaphore_mem>>) src(%dma_wait3A_184 : memref<10000x64xbf16, #tpu.memory_space<vmem_shared>>) dst(%dma_wait3A_179 : memref<80x64xbf16, #tpu.memory_space<vmem>>)
        %dma_wait3A_185 = arith.constant 160 : i32
        %dma_wait3A_186 = arith.constant 0 : i32
        %dma_wait3A_187 = tpu.memref_slice %arg13[%dma_wait3A_185, %dma_wait3A_186] : memref<400x64xbf16, #tpu.memory_space<vmem>> -> memref<80x64xbf16, #tpu.memory_space<vmem>>
        %dma_wait3A_188 = arith.constant 0 : i32
        %dma_wait3A_189 = tpu.memref_slice %arg9[%dma_wait3A_188] : memref<10000xi32, #tpu.memory_space<vmem>> -> memref<80xi32, #tpu.memory_space<vmem>>
        %dma_wait3A_190 = arith.constant 0 : i32
        %dma_wait3A_191 = arith.constant 0 : i32
        %dma_wait3A_192 = tpu.memref_slice %arg7[%dma_wait3A_190, %dma_wait3A_191] : memref<10000x64xbf16, #tpu.memory_space<vmem_shared>> -> memref<10000x64xbf16, #tpu.memory_space<vmem_shared>>
        tpu.wait_indirect_dma semaphore(%arg17 : memref<!tpu.dma_semaphore, #tpu.memory_space<semaphore_mem>>) src(%dma_wait3A_192 : memref<10000x64xbf16, #tpu.memory_space<vmem_shared>>) dst(%dma_wait3A_187 : memref<80x64xbf16, #tpu.memory_space<vmem>>)
        %dma_wait3A_193 = arith.constant 240 : i32
        %dma_wait3A_194 = arith.constant 0 : i32
        %dma_wait3A_195 = tpu.memref_slice %arg11[%dma_wait3A_193, %dma_wait3A_194] : memref<400x64xbf16, #tpu.memory_space<vmem>> -> memref<80x64xbf16, #tpu.memory_space<vmem>>
        %dma_wait3A_196 = arith.constant 0 : i32
        %dma_wait3A_197 = tpu.memref_slice %arg8[%dma_wait3A_196] : memref<10000xi32, #tpu.memory_space<vmem>> -> memref<80xi32, #tpu.memory_space<vmem>>
        %dma_wait3A_198 = arith.constant 0 : i32
        %dma_wait3A_199 = arith.constant 0 : i32
        %dma_wait3A_200 = tpu.memref_slice %arg6[%dma_wait3A_198, %dma_wait3A_199] : memref<10000x64xbf16, #tpu.memory_space<vmem_shared>> -> memref<10000x64xbf16, #tpu.memory_space<vmem_shared>>
        tpu.wait_indirect_dma semaphore(%arg17 : memref<!tpu.dma_semaphore, #tpu.memory_space<semaphore_mem>>) src(%dma_wait3A_200 : memref<10000x64xbf16, #tpu.memory_space<vmem_shared>>) dst(%dma_wait3A_195 : memref<80x64xbf16, #tpu.memory_space<vmem>>)
        %dma_wait3A_201 = arith.constant 240 : i32
        %dma_wait3A_202 = arith.constant 0 : i32
        %dma_wait3A_203 = tpu.memref_slice %arg13[%dma_wait3A_201, %dma_wait3A_202] : memref<400x64xbf16, #tpu.memory_space<vmem>> -> memref<80x64xbf16, #tpu.memory_space<vmem>>
        %dma_wait3A_204 = arith.constant 0 : i32
        %dma_wait3A_205 = tpu.memref_slice %arg9[%dma_wait3A_204] : memref<10000xi32, #tpu.memory_space<vmem>> -> memref<80xi32, #tpu.memory_space<vmem>>
        %dma_wait3A_206 = arith.constant 0 : i32
        %dma_wait3A_207 = arith.constant 0 : i32
        %dma_wait3A_208 = tpu.memref_slice %arg7[%dma_wait3A_206, %dma_wait3A_207] : memref<10000x64xbf16, #tpu.memory_space<vmem_shared>> -> memref<10000x64xbf16, #tpu.memory_space<vmem_shared>>
        tpu.wait_indirect_dma semaphore(%arg17 : memref<!tpu.dma_semaphore, #tpu.memory_space<semaphore_mem>>) src(%dma_wait3A_208 : memref<10000x64xbf16, #tpu.memory_space<vmem_shared>>) dst(%dma_wait3A_203 : memref<80x64xbf16, #tpu.memory_space<vmem>>)
        %dma_wait3A_209 = arith.constant 320 : i32
        %dma_wait3A_210 = arith.constant 0 : i32
        %dma_wait3A_211 = tpu.memref_slice %arg11[%dma_wait3A_209, %dma_wait3A_210] : memref<400x64xbf16, #tpu.memory_space<vmem>> -> memref<80x64xbf16, #tpu.memory_space<vmem>>
        %dma_wait3A_212 = arith.constant 0 : i32
        %dma_wait3A_213 = tpu.memref_slice %arg8[%dma_wait3A_212] : memref<10000xi32, #tpu.memory_space<vmem>> -> memref<80xi32, #tpu.memory_space<vmem>>
        %dma_wait3A_214 = arith.constant 0 : i32
        %dma_wait3A_215 = arith.constant 0 : i32
        %dma_wait3A_216 = tpu.memref_slice %arg6[%dma_wait3A_214, %dma_wait3A_215] : memref<10000x64xbf16, #tpu.memory_space<vmem_shared>> -> memref<10000x64xbf16, #tpu.memory_space<vmem_shared>>
        tpu.wait_indirect_dma semaphore(%arg17 : memref<!tpu.dma_semaphore, #tpu.memory_space<semaphore_mem>>) src(%dma_wait3A_216 : memref<10000x64xbf16, #tpu.memory_space<vmem_shared>>) dst(%dma_wait3A_211 : memref<80x64xbf16, #tpu.memory_space<vmem>>)
        %dma_wait3A_217 = arith.constant 320 : i32
        %dma_wait3A_218 = arith.constant 0 : i32
        %dma_wait3A_219 = tpu.memref_slice %arg13[%dma_wait3A_217, %dma_wait3A_218] : memref<400x64xbf16, #tpu.memory_space<vmem>> -> memref<80x64xbf16, #tpu.memory_space<vmem>>
        %dma_wait3A_220 = arith.constant 0 : i32
        %dma_wait3A_221 = tpu.memref_slice %arg9[%dma_wait3A_220] : memref<10000xi32, #tpu.memory_space<vmem>> -> memref<80xi32, #tpu.memory_space<vmem>>
        %dma_wait3A_222 = arith.constant 0 : i32
        %dma_wait3A_223 = arith.constant 0 : i32
        %dma_wait3A_224 = tpu.memref_slice %arg7[%dma_wait3A_222, %dma_wait3A_223] : memref<10000x64xbf16, #tpu.memory_space<vmem_shared>> -> memref<10000x64xbf16, #tpu.memory_space<vmem_shared>>
        tpu.wait_indirect_dma semaphore(%arg17 : memref<!tpu.dma_semaphore, #tpu.memory_space<semaphore_mem>>) src(%dma_wait3A_224 : memref<10000x64xbf16, #tpu.memory_space<vmem_shared>>) dst(%dma_wait3A_219 : memref<80x64xbf16, #tpu.memory_space<vmem>>)
        %ge3A = arith.constant 2 : i32
        %ge3A_225 = arith.cmpi sge, %add3A_132, %ge3A : i32
        %convert_element_type3A_226 = arith.extui %ge3A_225 : i1 to i32
        %cond3A_227 = arith.constant 0 : i32
        %cond3A_228 = arith.cmpi ne, %convert_element_type3A_226, %cond3A_227 : i32
        scf.if %cond3A_228 {
          %dma_wait3A_248 = arith.constant 1 : i32
          %dma_wait3A_249 = arith.constant 0 : i32
          %dma_wait3A_250 = tpu.memref_slice %arg14[%dma_wait3A_248, %dma_wait3A_249] : memref<2x400xf32, #tpu.memory_space<vmem>> -> memref<1x400xf32, #tpu.memory_space<vmem>>
          %dma_wait3A_251 = tpu.memref_squeeze %dma_wait3A_250 : memref<1x400xf32, #tpu.memory_space<vmem>> -> memref<400xf32, #tpu.memory_space<vmem>>
          %dma_wait3A_252 = arith.constant 0 : i32
          %dma_wait3A_253 = tpu.memref_slice %arg5[%dma_wait3A_252] : memref<320000xf32, #tpu.memory_space<hbm>> -> memref<400xf32, #tpu.memory_space<hbm>>
          %dma_wait3A_254 = arith.constant 0 : i32
          %dma_wait3A_255 = tpu.memref_slice %arg5[%dma_wait3A_254] : memref<320000xf32, #tpu.memory_space<hbm>> -> memref<400xf32, #tpu.memory_space<hbm>>
          %dma_wait3A_256 = arith.constant 0 : i32
          %dma_wait3A_257 = tpu.memref_slice %arg14[%dma_wait3A_248, %dma_wait3A_256] : memref<2x400xf32, #tpu.memory_space<vmem>> -> memref<1x400xf32, #tpu.memory_space<vmem>>
          %dma_wait3A_258 = tpu.memref_squeeze %dma_wait3A_257 : memref<1x400xf32, #tpu.memory_space<vmem>> -> memref<400xf32, #tpu.memory_space<vmem>>
          tpu.wait_dma2 semaphore(%arg19 : memref<!tpu.dma_semaphore, #tpu.memory_space<semaphore_mem>>) src(%dma_wait3A_258 : memref<400xf32, #tpu.memory_space<vmem>>) dst(%dma_wait3A_255 : memref<400xf32, #tpu.memory_space<hbm>>)
        } else {
        }
        %iota3A = tpu.iota {dimensions = array<i32: 0>} : vector<16xi32>
        %broadcast_in_dim3A = arith.constant -65536 : i32
        %broadcast_in_dim3A_229 = vector.broadcast %broadcast_in_dim3A : i32 to vector<16xi32>
        %scan3A_230 = arith.constant 0 : i32
        %scan3A_231 = arith.constant 0 : i32
        %scan3A_232 = arith.constant 25 : i32
        %scan3A_233 = arith.addi %scan3A_231, %scan3A_232 : i32
        %scan3A_234 = arith.constant 1 : i32
        scf.for %scan3A_248 = %scan3A_231 to %scan3A_233 step %scan3A_234  : i32 {
          %broadcast_in_dim3A_249 = arith.constant 0.000000e+00 : f32
          %broadcast_in_dim3A_250 = vector.broadcast %broadcast_in_dim3A_249 : f32 to vector<16xf32>
          %mul3A_251 = arith.constant 16 : i32
          %mul3A_252 = arith.muli %scan3A_248, %mul3A_251 : i32
          %add3A_253 = arith.constant 0 : i32
          %add3A_254 = arith.addi %mul3A_252, %add3A_253 : i32
          %broadcast_in_dim3A_255 = arith.constant 0.000000e+00 : f32
          %broadcast_in_dim3A_256 = vector.broadcast %broadcast_in_dim3A_255 : f32 to vector<16xf32>
          %get3A = arith.index_cast %add3A_254 : i32 to index
          %get3A_257 = arith.constant 0 : index
          %get3A_258 = tpu.vector_load %arg11[%get3A, %get3A_257] {strides = array<i32>} : memref<400x64xbf16, #tpu.memory_space<vmem>>, vector<32xbf16>,
          %bitcast3A = vector.bitcast %get3A_258 : vector<32xbf16> to vector<16xi32>
          %shift_left3A = arith.constant 16 : i32
          %shift_left3A_259 = vector.broadcast %shift_left3A : i32 to vector<16xi32>
          %shift_left3A_260 = arith.shli %bitcast3A, %shift_left3A_259 : vector<16xi32>
          %bitcast3A_261 = vector.bitcast %shift_left3A_260 : vector<16xi32> to vector<16xf32>
          %and3A = arith.andi %bitcast3A, %broadcast_in_dim3A_229 : vector<16xi32>
          %bitcast3A_262 = vector.bitcast %and3A : vector<16xi32> to vector<16xf32>
          %get3A_263 = arith.index_cast %add3A_254 : i32 to index
          %get3A_264 = arith.constant 0 : index
          %get3A_265 = tpu.vector_load %arg13[%get3A_263, %get3A_264] {strides = array<i32>} : memref<400x64xbf16, #tpu.memory_space<vmem>>, vector<32xbf16>,
          %bitcast3A_266 = vector.bitcast %get3A_265 : vector<32xbf16> to vector<16xi32>
          %shift_left3A_267 = arith.constant 16 : i32
          %shift_left3A_268 = vector.broadcast %shift_left3A_267 : i32 to vector<16xi32>
          %shift_left3A_269 = arith.shli %bitcast3A_266, %shift_left3A_268 : vector<16xi32>
          %bitcast3A_270 = vector.bitcast %shift_left3A_269 : vector<16xi32> to vector<16xf32>
          %and3A_271 = arith.andi %bitcast3A_266, %broadcast_in_dim3A_229 : vector<16xi32>
          %bitcast3A_272 = vector.bitcast %and3A_271 : vector<16xi32> to vector<16xf32>
          %mul3A_273 = arith.mulf %bitcast3A_261, %bitcast3A_270 : vector<16xf32>
          %add3A_274 = arith.addf %broadcast_in_dim3A_256, %mul3A_273 : vector<16xf32>
          %mul3A_275 = arith.mulf %bitcast3A_262, %bitcast3A_272 : vector<16xf32>
          %add3A_276 = arith.addf %add3A_274, %mul3A_275 : vector<16xf32>
          %get3A_277 = arith.index_cast %add3A_254 : i32 to index
          %get3A_278 = arith.constant 32 : index
          %get3A_279 = tpu.vector_load %arg11[%get3A_277, %get3A_278] {strides = array<i32>} : memref<400x64xbf16, #tpu.memory_space<vmem>>, vector<32xbf16>,
          %bitcast3A_280 = vector.bitcast %get3A_279 : vector<32xbf16> to vector<16xi32>
          %shift_left3A_281 = arith.constant 16 : i32
          %shift_left3A_282 = vector.broadcast %shift_left3A_281 : i32 to vector<16xi32>
          %shift_left3A_283 = arith.shli %bitcast3A_280, %shift_left3A_282 : vector<16xi32>
          %bitcast3A_284 = vector.bitcast %shift_left3A_283 : vector<16xi32> to vector<16xf32>
          %and3A_285 = arith.andi %bitcast3A_280, %broadcast_in_dim3A_229 : vector<16xi32>
          %bitcast3A_286 = vector.bitcast %and3A_285 : vector<16xi32> to vector<16xf32>
          %get3A_287 = arith.index_cast %add3A_254 : i32 to index
          %get3A_288 = arith.constant 32 : index
          %get3A_289 = tpu.vector_load %arg13[%get3A_287, %get3A_288] {strides = array<i32>} : memref<400x64xbf16, #tpu.memory_space<vmem>>, vector<32xbf16>,
          %bitcast3A_290 = vector.bitcast %get3A_289 : vector<32xbf16> to vector<16xi32>
          %shift_left3A_291 = arith.constant 16 : i32
          %shift_left3A_292 = vector.broadcast %shift_left3A_291 : i32 to vector<16xi32>
          %shift_left3A_293 = arith.shli %bitcast3A_290, %shift_left3A_292 : vector<16xi32>
          %bitcast3A_294 = vector.bitcast %shift_left3A_293 : vector<16xi32> to vector<16xf32>
          %and3A_295 = arith.andi %bitcast3A_290, %broadcast_in_dim3A_229 : vector<16xi32>
          %bitcast3A_296 = vector.bitcast %and3A_295 : vector<16xi32> to vector<16xf32>
          %mul3A_297 = arith.mulf %bitcast3A_284, %bitcast3A_294 : vector<16xf32>
          %add3A_298 = arith.addf %add3A_276, %mul3A_297 : vector<16xf32>
          %mul3A_299 = arith.mulf %bitcast3A_286, %bitcast3A_296 : vector<16xf32>
          %add3A_300 = arith.addf %add3A_298, %mul3A_299 : vector<16xf32>
          %reduce_sum3A = arith.constant true
          %reduce_sum3A_301 = vector.broadcast %reduce_sum3A : i1 to vector<16xi1>
          %reduce_sum3A_302 = tpu.scan <sum>, %add3A_300 masked %reduce_sum3A_301 : vector<16xf32>, vector<16xi1> -> vector<16xf32>
          %reduce_sum3A_303 = vector.extract %reduce_sum3A_302[15] : f32 from vector<16xf32>
          %eq3A_304 = arith.constant 0 : i32
          %eq3A_305 = vector.broadcast %eq3A_304 : i32 to vector<16xi32>
          %eq3A_306 = arith.cmpi eq, %iota3A, %eq3A_305 : vector<16xi32>
          %broadcast_in_dim3A_307 = vector.broadcast %reduce_sum3A_303 : f32 to vector<16xf32>
          %select_n3A = arith.select %eq3A_306, %broadcast_in_dim3A_307, %broadcast_in_dim3A_250 : vector<16xi1>, vector<16xf32>
          %mul3A_308 = arith.constant 16 : i32
          %mul3A_309 = arith.muli %scan3A_248, %mul3A_308 : i32
          %add3A_310 = arith.constant 1 : i32
          %add3A_311 = arith.addi %mul3A_309, %add3A_310 : i32
          %broadcast_in_dim3A_312 = arith.constant 0.000000e+00 : f32
          %broadcast_in_dim3A_313 = vector.broadcast %broadcast_in_dim3A_312 : f32 to vector<16xf32>
          %get3A_314 = arith.index_cast %add3A_311 : i32 to index
          %get3A_315 = arith.constant 0 : index
          %get3A_316 = tpu.vector_load %arg11[%get3A_314, %get3A_315] {strides = array<i32>} : memref<400x64xbf16, #tpu.memory_space<vmem>>, vector<32xbf16>,
          %bitcast3A_317 = vector.bitcast %get3A_316 : vector<32xbf16> to vector<16xi32>
          %shift_left3A_318 = arith.constant 16 : i32
          %shift_left3A_319 = vector.broadcast %shift_left3A_318 : i32 to vector<16xi32>
          %shift_left3A_320 = arith.shli %bitcast3A_317, %shift_left3A_319 : vector<16xi32>
          %bitcast3A_321 = vector.bitcast %shift_left3A_320 : vector<16xi32> to vector<16xf32>
          %and3A_322 = arith.andi %bitcast3A_317, %broadcast_in_dim3A_229 : vector<16xi32>
          %bitcast3A_323 = vector.bitcast %and3A_322 : vector<16xi32> to vector<16xf32>
          %get3A_324 = arith.index_cast %add3A_311 : i32 to index
          %get3A_325 = arith.constant 0 : index
          %get3A_326 = tpu.vector_load %arg13[%get3A_324, %get3A_325] {strides = array<i32>} : memref<400x64xbf16, #tpu.memory_space<vmem>>, vector<32xbf16>,
          %bitcast3A_327 = vector.bitcast %get3A_326 : vector<32xbf16> to vector<16xi32>
          %shift_left3A_328 = arith.constant 16 : i32
          %shift_left3A_329 = vector.broadcast %shift_left3A_328 : i32 to vector<16xi32>
          %shift_left3A_330 = arith.shli %bitcast3A_327, %shift_left3A_329 : vector<16xi32>
          %bitcast3A_331 = vector.bitcast %shift_left3A_330 : vector<16xi32> to vector<16xf32>
          %and3A_332 = arith.andi %bitcast3A_327, %broadcast_in_dim3A_229 : vector<16xi32>
          %bitcast3A_333 = vector.bitcast %and3A_332 : vector<16xi32> to vector<16xf32>
          %mul3A_334 = arith.mulf %bitcast3A_321, %bitcast3A_331 : vector<16xf32>
          %add3A_335 = arith.addf %broadcast_in_dim3A_313, %mul3A_334 : vector<16xf32>
          %mul3A_336 = arith.mulf %bitcast3A_323, %bitcast3A_333 : vector<16xf32>
          %add3A_337 = arith.addf %add3A_335, %mul3A_336 : vector<16xf32>
          %get3A_338 = arith.index_cast %add3A_311 : i32 to index
          %get3A_339 = arith.constant 32 : index
          %get3A_340 = tpu.vector_load %arg11[%get3A_338, %get3A_339] {strides = array<i32>} : memref<400x64xbf16, #tpu.memory_space<vmem>>, vector<32xbf16>,
          %bitcast3A_341 = vector.bitcast %get3A_340 : vector<32xbf16> to vector<16xi32>
          %shift_left3A_342 = arith.constant 16 : i32
          %shift_left3A_343 = vector.broadcast %shift_left3A_342 : i32 to vector<16xi32>
          %shift_left3A_344 = arith.shli %bitcast3A_341, %shift_left3A_343 : vector<16xi32>
          %bitcast3A_345 = vector.bitcast %shift_left3A_344 : vector<16xi32> to vector<16xf32>
          %and3A_346 = arith.andi %bitcast3A_341, %broadcast_in_dim3A_229 : vector<16xi32>
          %bitcast3A_347 = vector.bitcast %and3A_346 : vector<16xi32> to vector<16xf32>
          %get3A_348 = arith.index_cast %add3A_311 : i32 to index
          %get3A_349 = arith.constant 32 : index
          %get3A_350 = tpu.vector_load %arg13[%get3A_348, %get3A_349] {strides = array<i32>} : memref<400x64xbf16, #tpu.memory_space<vmem>>, vector<32xbf16>,
          %bitcast3A_351 = vector.bitcast %get3A_350 : vector<32xbf16> to vector<16xi32>
          %shift_left3A_352 = arith.constant 16 : i32
          %shift_left3A_353 = vector.broadcast %shift_left3A_352 : i32 to vector<16xi32>
          %shift_left3A_354 = arith.shli %bitcast3A_351, %shift_left3A_353 : vector<16xi32>
          %bitcast3A_355 = vector.bitcast %shift_left3A_354 : vector<16xi32> to vector<16xf32>
          %and3A_356 = arith.andi %bitcast3A_351, %broadcast_in_dim3A_229 : vector<16xi32>
          %bitcast3A_357 = vector.bitcast %and3A_356 : vector<16xi32> to vector<16xf32>
          %mul3A_358 = arith.mulf %bitcast3A_345, %bitcast3A_355 : vector<16xf32>
          %add3A_359 = arith.addf %add3A_337, %mul3A_358 : vector<16xf32>
          %mul3A_360 = arith.mulf %bitcast3A_347, %bitcast3A_357 : vector<16xf32>
          %add3A_361 = arith.addf %add3A_359, %mul3A_360 : vector<16xf32>
          %reduce_sum3A_362 = arith.constant true
          %reduce_sum3A_363 = vector.broadcast %reduce_sum3A_362 : i1 to vector<16xi1>
          %reduce_sum3A_364 = tpu.scan <sum>, %add3A_361 masked %reduce_sum3A_363 : vector<16xf32>, vector<16xi1> -> vector<16xf32>
          %reduce_sum3A_365 = vector.extract %reduce_sum3A_364[15] : f32 from vector<16xf32>
          %eq3A_366 = arith.constant 1 : i32
          %eq3A_367 = vector.broadcast %eq3A_366 : i32 to vector<16xi32>
          %eq3A_368 = arith.cmpi eq, %iota3A, %eq3A_367 : vector<16xi32>
          %broadcast_in_dim3A_369 = vector.broadcast %reduce_sum3A_365 : f32 to vector<16xf32>
          %select_n3A_370 = arith.select %eq3A_368, %broadcast_in_dim3A_369, %select_n3A : vector<16xi1>, vector<16xf32>
          %mul3A_371 = arith.constant 16 : i32
          %mul3A_372 = arith.muli %scan3A_248, %mul3A_371 : i32
          %add3A_373 = arith.constant 2 : i32
          %add3A_374 = arith.addi %mul3A_372, %add3A_373 : i32
          %broadcast_in_dim3A_375 = arith.constant 0.000000e+00 : f32
          %broadcast_in_dim3A_376 = vector.broadcast %broadcast_in_dim3A_375 : f32 to vector<16xf32>
          %get3A_377 = arith.index_cast %add3A_374 : i32 to index
          %get3A_378 = arith.constant 0 : index
          %get3A_379 = tpu.vector_load %arg11[%get3A_377, %get3A_378] {strides = array<i32>} : memref<400x64xbf16, #tpu.memory_space<vmem>>, vector<32xbf16>,
          %bitcast3A_380 = vector.bitcast %get3A_379 : vector<32xbf16> to vector<16xi32>
          %shift_left3A_381 = arith.constant 16 : i32
          %shift_left3A_382 = vector.broadcast %shift_left3A_381 : i32 to vector<16xi32>
          %shift_left3A_383 = arith.shli %bitcast3A_380, %shift_left3A_382 : vector<16xi32>
          %bitcast3A_384 = vector.bitcast %shift_left3A_383 : vector<16xi32> to vector<16xf32>
          %and3A_385 = arith.andi %bitcast3A_380, %broadcast_in_dim3A_229 : vector<16xi32>
          %bitcast3A_386 = vector.bitcast %and3A_385 : vector<16xi32> to vector<16xf32>
          %get3A_387 = arith.index_cast %add3A_374 : i32 to index
          %get3A_388 = arith.constant 0 : index
          %get3A_389 = tpu.vector_load %arg13[%get3A_387, %get3A_388] {strides = array<i32>} : memref<400x64xbf16, #tpu.memory_space<vmem>>, vector<32xbf16>,
          %bitcast3A_390 = vector.bitcast %get3A_389 : vector<32xbf16> to vector<16xi32>
          %shift_left3A_391 = arith.constant 16 : i32
          %shift_left3A_392 = vector.broadcast %shift_left3A_391 : i32 to vector<16xi32>
          %shift_left3A_393 = arith.shli %bitcast3A_390, %shift_left3A_392 : vector<16xi32>
          %bitcast3A_394 = vector.bitcast %shift_left3A_393 : vector<16xi32> to vector<16xf32>
          %and3A_395 = arith.andi %bitcast3A_390, %broadcast_in_dim3A_229 : vector<16xi32>
          %bitcast3A_396 = vector.bitcast %and3A_395 : vector<16xi32> to vector<16xf32>
          %mul3A_397 = arith.mulf %bitcast3A_384, %bitcast3A_394 : vector<16xf32>
          %add3A_398 = arith.addf %broadcast_in_dim3A_376, %mul3A_397 : vector<16xf32>
          %mul3A_399 = arith.mulf %bitcast3A_386, %bitcast3A_396 : vector<16xf32>
          %add3A_400 = arith.addf %add3A_398, %mul3A_399 : vector<16xf32>
          %get3A_401 = arith.index_cast %add3A_374 : i32 to index
          %get3A_402 = arith.constant 32 : index
          %get3A_403 = tpu.vector_load %arg11[%get3A_401, %get3A_402] {strides = array<i32>} : memref<400x64xbf16, #tpu.memory_space<vmem>>, vector<32xbf16>,
          %bitcast3A_404 = vector.bitcast %get3A_403 : vector<32xbf16> to vector<16xi32>
          %shift_left3A_405 = arith.constant 16 : i32
          %shift_left3A_406 = vector.broadcast %shift_left3A_405 : i32 to vector<16xi32>
          %shift_left3A_407 = arith.shli %bitcast3A_404, %shift_left3A_406 : vector<16xi32>
          %bitcast3A_408 = vector.bitcast %shift_left3A_407 : vector<16xi32> to vector<16xf32>
          %and3A_409 = arith.andi %bitcast3A_404, %broadcast_in_dim3A_229 : vector<16xi32>
          %bitcast3A_410 = vector.bitcast %and3A_409 : vector<16xi32> to vector<16xf32>
          %get3A_411 = arith.index_cast %add3A_374 : i32 to index
          %get3A_412 = arith.constant 32 : index
          %get3A_413 = tpu.vector_load %arg13[%get3A_411, %get3A_412] {strides = array<i32>} : memref<400x64xbf16, #tpu.memory_space<vmem>>, vector<32xbf16>,
          %bitcast3A_414 = vector.bitcast %get3A_413 : vector<32xbf16> to vector<16xi32>
          %shift_left3A_415 = arith.constant 16 : i32
          %shift_left3A_416 = vector.broadcast %shift_left3A_415 : i32 to vector<16xi32>
          %shift_left3A_417 = arith.shli %bitcast3A_414, %shift_left3A_416 : vector<16xi32>
          %bitcast3A_418 = vector.bitcast %shift_left3A_417 : vector<16xi32> to vector<16xf32>
          %and3A_419 = arith.andi %bitcast3A_414, %broadcast_in_dim3A_229 : vector<16xi32>
          %bitcast3A_420 = vector.bitcast %and3A_419 : vector<16xi32> to vector<16xf32>
          %mul3A_421 = arith.mulf %bitcast3A_408, %bitcast3A_418 : vector<16xf32>
          %add3A_422 = arith.addf %add3A_400, %mul3A_421 : vector<16xf32>
          %mul3A_423 = arith.mulf %bitcast3A_410, %bitcast3A_420 : vector<16xf32>
          %add3A_424 = arith.addf %add3A_422, %mul3A_423 : vector<16xf32>
          %reduce_sum3A_425 = arith.constant true
          %reduce_sum3A_426 = vector.broadcast %reduce_sum3A_425 : i1 to vector<16xi1>
          %reduce_sum3A_427 = tpu.scan <sum>, %add3A_424 masked %reduce_sum3A_426 : vector<16xf32>, vector<16xi1> -> vector<16xf32>
          %reduce_sum3A_428 = vector.extract %reduce_sum3A_427[15] : f32 from vector<16xf32>
          %eq3A_429 = arith.constant 2 : i32
          %eq3A_430 = vector.broadcast %eq3A_429 : i32 to vector<16xi32>
          %eq3A_431 = arith.cmpi eq, %iota3A, %eq3A_430 : vector<16xi32>
          %broadcast_in_dim3A_432 = vector.broadcast %reduce_sum3A_428 : f32 to vector<16xf32>
          %select_n3A_433 = arith.select %eq3A_431, %broadcast_in_dim3A_432, %select_n3A_370 : vector<16xi1>, vector<16xf32>
          %mul3A_434 = arith.constant 16 : i32
          %mul3A_435 = arith.muli %scan3A_248, %mul3A_434 : i32
          %add3A_436 = arith.constant 3 : i32
          %add3A_437 = arith.addi %mul3A_435, %add3A_436 : i32
          %broadcast_in_dim3A_438 = arith.constant 0.000000e+00 : f32
          %broadcast_in_dim3A_439 = vector.broadcast %broadcast_in_dim3A_438 : f32 to vector<16xf32>
          %get3A_440 = arith.index_cast %add3A_437 : i32 to index
          %get3A_441 = arith.constant 0 : index
          %get3A_442 = tpu.vector_load %arg11[%get3A_440, %get3A_441] {strides = array<i32>} : memref<400x64xbf16, #tpu.memory_space<vmem>>, vector<32xbf16>,
          %bitcast3A_443 = vector.bitcast %get3A_442 : vector<32xbf16> to vector<16xi32>
          %shift_left3A_444 = arith.constant 16 : i32
          %shift_left3A_445 = vector.broadcast %shift_left3A_444 : i32 to vector<16xi32>
          %shift_left3A_446 = arith.shli %bitcast3A_443, %shift_left3A_445 : vector<16xi32>
          %bitcast3A_447 = vector.bitcast %shift_left3A_446 : vector<16xi32> to vector<16xf32>
          %and3A_448 = arith.andi %bitcast3A_443, %broadcast_in_dim3A_229 : vector<16xi32>
          %bitcast3A_449 = vector.bitcast %and3A_448 : vector<16xi32> to vector<16xf32>
          %get3A_450 = arith.index_cast %add3A_437 : i32 to index
          %get3A_451 = arith.constant 0 : index
          %get3A_452 = tpu.vector_load %arg13[%get3A_450, %get3A_451] {strides = array<i32>} : memref<400x64xbf16, #tpu.memory_space<vmem>>, vector<32xbf16>,
          %bitcast3A_453 = vector.bitcast %get3A_452 : vector<32xbf16> to vector<16xi32>
          %shift_left3A_454 = arith.constant 16 : i32
          %shift_left3A_455 = vector.broadcast %shift_left3A_454 : i32 to vector<16xi32>
          %shift_left3A_456 = arith.shli %bitcast3A_453, %shift_left3A_455 : vector<16xi32>
          %bitcast3A_457 = vector.bitcast %shift_left3A_456 : vector<16xi32> to vector<16xf32>
          %and3A_458 = arith.andi %bitcast3A_453, %broadcast_in_dim3A_229 : vector<16xi32>
          %bitcast3A_459 = vector.bitcast %and3A_458 : vector<16xi32> to vector<16xf32>
          %mul3A_460 = arith.mulf %bitcast3A_447, %bitcast3A_457 : vector<16xf32>
          %add3A_461 = arith.addf %broadcast_in_dim3A_439, %mul3A_460 : vector<16xf32>
          %mul3A_462 = arith.mulf %bitcast3A_449, %bitcast3A_459 : vector<16xf32>
          %add3A_463 = arith.addf %add3A_461, %mul3A_462 : vector<16xf32>
          %get3A_464 = arith.index_cast %add3A_437 : i32 to index
          %get3A_465 = arith.constant 32 : index
          %get3A_466 = tpu.vector_load %arg11[%get3A_464, %get3A_465] {strides = array<i32>} : memref<400x64xbf16, #tpu.memory_space<vmem>>, vector<32xbf16>,
          %bitcast3A_467 = vector.bitcast %get3A_466 : vector<32xbf16> to vector<16xi32>
          %shift_left3A_468 = arith.constant 16 : i32
          %shift_left3A_469 = vector.broadcast %shift_left3A_468 : i32 to vector<16xi32>
          %shift_left3A_470 = arith.shli %bitcast3A_467, %shift_left3A_469 : vector<16xi32>
          %bitcast3A_471 = vector.bitcast %shift_left3A_470 : vector<16xi32> to vector<16xf32>
          %and3A_472 = arith.andi %bitcast3A_467, %broadcast_in_dim3A_229 : vector<16xi32>
          %bitcast3A_473 = vector.bitcast %and3A_472 : vector<16xi32> to vector<16xf32>
          %get3A_474 = arith.index_cast %add3A_437 : i32 to index
          %get3A_475 = arith.constant 32 : index
          %get3A_476 = tpu.vector_load %arg13[%get3A_474, %get3A_475] {strides = array<i32>} : memref<400x64xbf16, #tpu.memory_space<vmem>>, vector<32xbf16>,
          %bitcast3A_477 = vector.bitcast %get3A_476 : vector<32xbf16> to vector<16xi32>
          %shift_left3A_478 = arith.constant 16 : i32
          %shift_left3A_479 = vector.broadcast %shift_left3A_478 : i32 to vector<16xi32>
          %shift_left3A_480 = arith.shli %bitcast3A_477, %shift_left3A_479 : vector<16xi32>
          %bitcast3A_481 = vector.bitcast %shift_left3A_480 : vector<16xi32> to vector<16xf32>
          %and3A_482 = arith.andi %bitcast3A_477, %broadcast_in_dim3A_229 : vector<16xi32>
          %bitcast3A_483 = vector.bitcast %and3A_482 : vector<16xi32> to vector<16xf32>
          %mul3A_484 = arith.mulf %bitcast3A_471, %bitcast3A_481 : vector<16xf32>
          %add3A_485 = arith.addf %add3A_463, %mul3A_484 : vector<16xf32>
          %mul3A_486 = arith.mulf %bitcast3A_473, %bitcast3A_483 : vector<16xf32>
          %add3A_487 = arith.addf %add3A_485, %mul3A_486 : vector<16xf32>
          %reduce_sum3A_488 = arith.constant true
          %reduce_sum3A_489 = vector.broadcast %reduce_sum3A_488 : i1 to vector<16xi1>
          %reduce_sum3A_490 = tpu.scan <sum>, %add3A_487 masked %reduce_sum3A_489 : vector<16xf32>, vector<16xi1> -> vector<16xf32>
          %reduce_sum3A_491 = vector.extract %reduce_sum3A_490[15] : f32 from vector<16xf32>
          %eq3A_492 = arith.constant 3 : i32
          %eq3A_493 = vector.broadcast %eq3A_492 : i32 to vector<16xi32>
          %eq3A_494 = arith.cmpi eq, %iota3A, %eq3A_493 : vector<16xi32>
          %broadcast_in_dim3A_495 = vector.broadcast %reduce_sum3A_491 : f32 to vector<16xf32>
          %select_n3A_496 = arith.select %eq3A_494, %broadcast_in_dim3A_495, %select_n3A_433 : vector<16xi1>, vector<16xf32>
          %mul3A_497 = arith.constant 16 : i32
          %mul3A_498 = arith.muli %scan3A_248, %mul3A_497 : i32
          %add3A_499 = arith.constant 4 : i32
          %add3A_500 = arith.addi %mul3A_498, %add3A_499 : i32
          %broadcast_in_dim3A_501 = arith.constant 0.000000e+00 : f32
          %broadcast_in_dim3A_502 = vector.broadcast %broadcast_in_dim3A_501 : f32 to vector<16xf32>
          %get3A_503 = arith.index_cast %add3A_500 : i32 to index
          %get3A_504 = arith.constant 0 : index
          %get3A_505 = tpu.vector_load %arg11[%get3A_503, %get3A_504] {strides = array<i32>} : memref<400x64xbf16, #tpu.memory_space<vmem>>, vector<32xbf16>,
          %bitcast3A_506 = vector.bitcast %get3A_505 : vector<32xbf16> to vector<16xi32>
          %shift_left3A_507 = arith.constant 16 : i32
          %shift_left3A_508 = vector.broadcast %shift_left3A_507 : i32 to vector<16xi32>
          %shift_left3A_509 = arith.shli %bitcast3A_506, %shift_left3A_508 : vector<16xi32>
          %bitcast3A_510 = vector.bitcast %shift_left3A_509 : vector<16xi32> to vector<16xf32>
          %and3A_511 = arith.andi %bitcast3A_506, %broadcast_in_dim3A_229 : vector<16xi32>
          %bitcast3A_512 = vector.bitcast %and3A_511 : vector<16xi32> to vector<16xf32>
          %get3A_513 = arith.index_cast %add3A_500 : i32 to index
          %get3A_514 = arith.constant 0 : index
          %get3A_515 = tpu.vector_load %arg13[%get3A_513, %get3A_514] {strides = array<i32>} : memref<400x64xbf16, #tpu.memory_space<vmem>>, vector<32xbf16>,
          %bitcast3A_516 = vector.bitcast %get3A_515 : vector<32xbf16> to vector<16xi32>
          %shift_left3A_517 = arith.constant 16 : i32
          %shift_left3A_518 = vector.broadcast %shift_left3A_517 : i32 to vector<16xi32>
          %shift_left3A_519 = arith.shli %bitcast3A_516, %shift_left3A_518 : vector<16xi32>
          %bitcast3A_520 = vector.bitcast %shift_left3A_519 : vector<16xi32> to vector<16xf32>
          %and3A_521 = arith.andi %bitcast3A_516, %broadcast_in_dim3A_229 : vector<16xi32>
          %bitcast3A_522 = vector.bitcast %and3A_521 : vector<16xi32> to vector<16xf32>
          %mul3A_523 = arith.mulf %bitcast3A_510, %bitcast3A_520 : vector<16xf32>
          %add3A_524 = arith.addf %broadcast_in_dim3A_502, %mul3A_523 : vector<16xf32>
          %mul3A_525 = arith.mulf %bitcast3A_512, %bitcast3A_522 : vector<16xf32>
          %add3A_526 = arith.addf %add3A_524, %mul3A_525 : vector<16xf32>
          %get3A_527 = arith.index_cast %add3A_500 : i32 to index
          %get3A_528 = arith.constant 32 : index
          %get3A_529 = tpu.vector_load %arg11[%get3A_527, %get3A_528] {strides = array<i32>} : memref<400x64xbf16, #tpu.memory_space<vmem>>, vector<32xbf16>,
          %bitcast3A_530 = vector.bitcast %get3A_529 : vector<32xbf16> to vector<16xi32>
          %shift_left3A_531 = arith.constant 16 : i32
          %shift_left3A_532 = vector.broadcast %shift_left3A_531 : i32 to vector<16xi32>
          %shift_left3A_533 = arith.shli %bitcast3A_530, %shift_left3A_532 : vector<16xi32>
          %bitcast3A_534 = vector.bitcast %shift_left3A_533 : vector<16xi32> to vector<16xf32>
          %and3A_535 = arith.andi %bitcast3A_530, %broadcast_in_dim3A_229 : vector<16xi32>
          %bitcast3A_536 = vector.bitcast %and3A_535 : vector<16xi32> to vector<16xf32>
          %get3A_537 = arith.index_cast %add3A_500 : i32 to index
          %get3A_538 = arith.constant 32 : index
          %get3A_539 = tpu.vector_load %arg13[%get3A_537, %get3A_538] {strides = array<i32>} : memref<400x64xbf16, #tpu.memory_space<vmem>>, vector<32xbf16>,
          %bitcast3A_540 = vector.bitcast %get3A_539 : vector<32xbf16> to vector<16xi32>
          %shift_left3A_541 = arith.constant 16 : i32
          %shift_left3A_542 = vector.broadcast %shift_left3A_541 : i32 to vector<16xi32>
          %shift_left3A_543 = arith.shli %bitcast3A_540, %shift_left3A_542 : vector<16xi32>
          %bitcast3A_544 = vector.bitcast %shift_left3A_543 : vector<16xi32> to vector<16xf32>
          %and3A_545 = arith.andi %bitcast3A_540, %broadcast_in_dim3A_229 : vector<16xi32>
          %bitcast3A_546 = vector.bitcast %and3A_545 : vector<16xi32> to vector<16xf32>
          %mul3A_547 = arith.mulf %bitcast3A_534, %bitcast3A_544 : vector<16xf32>
          %add3A_548 = arith.addf %add3A_526, %mul3A_547 : vector<16xf32>
          %mul3A_549 = arith.mulf %bitcast3A_536, %bitcast3A_546 : vector<16xf32>
          %add3A_550 = arith.addf %add3A_548, %mul3A_549 : vector<16xf32>
          %reduce_sum3A_551 = arith.constant true
          %reduce_sum3A_552 = vector.broadcast %reduce_sum3A_551 : i1 to vector<16xi1>
          %reduce_sum3A_553 = tpu.scan <sum>, %add3A_550 masked %reduce_sum3A_552 : vector<16xf32>, vector<16xi1> -> vector<16xf32>
          %reduce_sum3A_554 = vector.extract %reduce_sum3A_553[15] : f32 from vector<16xf32>
          %eq3A_555 = arith.constant 4 : i32
          %eq3A_556 = vector.broadcast %eq3A_555 : i32 to vector<16xi32>
          %eq3A_557 = arith.cmpi eq, %iota3A, %eq3A_556 : vector<16xi32>
          %broadcast_in_dim3A_558 = vector.broadcast %reduce_sum3A_554 : f32 to vector<16xf32>
          %select_n3A_559 = arith.select %eq3A_557, %broadcast_in_dim3A_558, %select_n3A_496 : vector<16xi1>, vector<16xf32>
          %mul3A_560 = arith.constant 16 : i32
          %mul3A_561 = arith.muli %scan3A_248, %mul3A_560 : i32
          %add3A_562 = arith.constant 5 : i32
          %add3A_563 = arith.addi %mul3A_561, %add3A_562 : i32
          %broadcast_in_dim3A_564 = arith.constant 0.000000e+00 : f32
          %broadcast_in_dim3A_565 = vector.broadcast %broadcast_in_dim3A_564 : f32 to vector<16xf32>
          %get3A_566 = arith.index_cast %add3A_563 : i32 to index
          %get3A_567 = arith.constant 0 : index
          %get3A_568 = tpu.vector_load %arg11[%get3A_566, %get3A_567] {strides = array<i32>} : memref<400x64xbf16, #tpu.memory_space<vmem>>, vector<32xbf16>,
          %bitcast3A_569 = vector.bitcast %get3A_568 : vector<32xbf16> to vector<16xi32>
          %shift_left3A_570 = arith.constant 16 : i32
          %shift_left3A_571 = vector.broadcast %shift_left3A_570 : i32 to vector<16xi32>
          %shift_left3A_572 = arith.shli %bitcast3A_569, %shift_left3A_571 : vector<16xi32>
          %bitcast3A_573 = vector.bitcast %shift_left3A_572 : vector<16xi32> to vector<16xf32>
          %and3A_574 = arith.andi %bitcast3A_569, %broadcast_in_dim3A_229 : vector<16xi32>
          %bitcast3A_575 = vector.bitcast %and3A_574 : vector<16xi32> to vector<16xf32>
          %get3A_576 = arith.index_cast %add3A_563 : i32 to index
          %get3A_577 = arith.constant 0 : index
          %get3A_578 = tpu.vector_load %arg13[%get3A_576, %get3A_577] {strides = array<i32>} : memref<400x64xbf16, #tpu.memory_space<vmem>>, vector<32xbf16>,
          %bitcast3A_579 = vector.bitcast %get3A_578 : vector<32xbf16> to vector<16xi32>
          %shift_left3A_580 = arith.constant 16 : i32
          %shift_left3A_581 = vector.broadcast %shift_left3A_580 : i32 to vector<16xi32>
          %shift_left3A_582 = arith.shli %bitcast3A_579, %shift_left3A_581 : vector<16xi32>
          %bitcast3A_583 = vector.bitcast %shift_left3A_582 : vector<16xi32> to vector<16xf32>
          %and3A_584 = arith.andi %bitcast3A_579, %broadcast_in_dim3A_229 : vector<16xi32>
          %bitcast3A_585 = vector.bitcast %and3A_584 : vector<16xi32> to vector<16xf32>
          %mul3A_586 = arith.mulf %bitcast3A_573, %bitcast3A_583 : vector<16xf32>
          %add3A_587 = arith.addf %broadcast_in_dim3A_565, %mul3A_586 : vector<16xf32>
          %mul3A_588 = arith.mulf %bitcast3A_575, %bitcast3A_585 : vector<16xf32>
          %add3A_589 = arith.addf %add3A_587, %mul3A_588 : vector<16xf32>
          %get3A_590 = arith.index_cast %add3A_563 : i32 to index
          %get3A_591 = arith.constant 32 : index
          %get3A_592 = tpu.vector_load %arg11[%get3A_590, %get3A_591] {strides = array<i32>} : memref<400x64xbf16, #tpu.memory_space<vmem>>, vector<32xbf16>,
          %bitcast3A_593 = vector.bitcast %get3A_592 : vector<32xbf16> to vector<16xi32>
          %shift_left3A_594 = arith.constant 16 : i32
          %shift_left3A_595 = vector.broadcast %shift_left3A_594 : i32 to vector<16xi32>
          %shift_left3A_596 = arith.shli %bitcast3A_593, %shift_left3A_595 : vector<16xi32>
          %bitcast3A_597 = vector.bitcast %shift_left3A_596 : vector<16xi32> to vector<16xf32>
          %and3A_598 = arith.andi %bitcast3A_593, %broadcast_in_dim3A_229 : vector<16xi32>
          %bitcast3A_599 = vector.bitcast %and3A_598 : vector<16xi32> to vector<16xf32>
          %get3A_600 = arith.index_cast %add3A_563 : i32 to index
          %get3A_601 = arith.constant 32 : index
          %get3A_602 = tpu.vector_load %arg13[%get3A_600, %get3A_601] {strides = array<i32>} : memref<400x64xbf16, #tpu.memory_space<vmem>>, vector<32xbf16>,
          %bitcast3A_603 = vector.bitcast %get3A_602 : vector<32xbf16> to vector<16xi32>
          %shift_left3A_604 = arith.constant 16 : i32
          %shift_left3A_605 = vector.broadcast %shift_left3A_604 : i32 to vector<16xi32>
          %shift_left3A_606 = arith.shli %bitcast3A_603, %shift_left3A_605 : vector<16xi32>
          %bitcast3A_607 = vector.bitcast %shift_left3A_606 : vector<16xi32> to vector<16xf32>
          %and3A_608 = arith.andi %bitcast3A_603, %broadcast_in_dim3A_229 : vector<16xi32>
          %bitcast3A_609 = vector.bitcast %and3A_608 : vector<16xi32> to vector<16xf32>
          %mul3A_610 = arith.mulf %bitcast3A_597, %bitcast3A_607 : vector<16xf32>
          %add3A_611 = arith.addf %add3A_589, %mul3A_610 : vector<16xf32>
          %mul3A_612 = arith.mulf %bitcast3A_599, %bitcast3A_609 : vector<16xf32>
          %add3A_613 = arith.addf %add3A_611, %mul3A_612 : vector<16xf32>
          %reduce_sum3A_614 = arith.constant true
          %reduce_sum3A_615 = vector.broadcast %reduce_sum3A_614 : i1 to vector<16xi1>
          %reduce_sum3A_616 = tpu.scan <sum>, %add3A_613 masked %reduce_sum3A_615 : vector<16xf32>, vector<16xi1> -> vector<16xf32>
          %reduce_sum3A_617 = vector.extract %reduce_sum3A_616[15] : f32 from vector<16xf32>
          %eq3A_618 = arith.constant 5 : i32
          %eq3A_619 = vector.broadcast %eq3A_618 : i32 to vector<16xi32>
          %eq3A_620 = arith.cmpi eq, %iota3A, %eq3A_619 : vector<16xi32>
          %broadcast_in_dim3A_621 = vector.broadcast %reduce_sum3A_617 : f32 to vector<16xf32>
          %select_n3A_622 = arith.select %eq3A_620, %broadcast_in_dim3A_621, %select_n3A_559 : vector<16xi1>, vector<16xf32>
          %mul3A_623 = arith.constant 16 : i32
          %mul3A_624 = arith.muli %scan3A_248, %mul3A_623 : i32
          %add3A_625 = arith.constant 6 : i32
          %add3A_626 = arith.addi %mul3A_624, %add3A_625 : i32
          %broadcast_in_dim3A_627 = arith.constant 0.000000e+00 : f32
          %broadcast_in_dim3A_628 = vector.broadcast %broadcast_in_dim3A_627 : f32 to vector<16xf32>
          %get3A_629 = arith.index_cast %add3A_626 : i32 to index
          %get3A_630 = arith.constant 0 : index
          %get3A_631 = tpu.vector_load %arg11[%get3A_629, %get3A_630] {strides = array<i32>} : memref<400x64xbf16, #tpu.memory_space<vmem>>, vector<32xbf16>,
          %bitcast3A_632 = vector.bitcast %get3A_631 : vector<32xbf16> to vector<16xi32>
          %shift_left3A_633 = arith.constant 16 : i32
          %shift_left3A_634 = vector.broadcast %shift_left3A_633 : i32 to vector<16xi32>
          %shift_left3A_635 = arith.shli %bitcast3A_632, %shift_left3A_634 : vector<16xi32>
          %bitcast3A_636 = vector.bitcast %shift_left3A_635 : vector<16xi32> to vector<16xf32>
          %and3A_637 = arith.andi %bitcast3A_632, %broadcast_in_dim3A_229 : vector<16xi32>
          %bitcast3A_638 = vector.bitcast %and3A_637 : vector<16xi32> to vector<16xf32>
          %get3A_639 = arith.index_cast %add3A_626 : i32 to index
          %get3A_640 = arith.constant 0 : index
          %get3A_641 = tpu.vector_load %arg13[%get3A_639, %get3A_640] {strides = array<i32>} : memref<400x64xbf16, #tpu.memory_space<vmem>>, vector<32xbf16>,
          %bitcast3A_642 = vector.bitcast %get3A_641 : vector<32xbf16> to vector<16xi32>
          %shift_left3A_643 = arith.constant 16 : i32
          %shift_left3A_644 = vector.broadcast %shift_left3A_643 : i32 to vector<16xi32>
          %shift_left3A_645 = arith.shli %bitcast3A_642, %shift_left3A_644 : vector<16xi32>
          %bitcast3A_646 = vector.bitcast %shift_left3A_645 : vector<16xi32> to vector<16xf32>
          %and3A_647 = arith.andi %bitcast3A_642, %broadcast_in_dim3A_229 : vector<16xi32>
          %bitcast3A_648 = vector.bitcast %and3A_647 : vector<16xi32> to vector<16xf32>
          %mul3A_649 = arith.mulf %bitcast3A_636, %bitcast3A_646 : vector<16xf32>
          %add3A_650 = arith.addf %broadcast_in_dim3A_628, %mul3A_649 : vector<16xf32>
          %mul3A_651 = arith.mulf %bitcast3A_638, %bitcast3A_648 : vector<16xf32>
          %add3A_652 = arith.addf %add3A_650, %mul3A_651 : vector<16xf32>
          %get3A_653 = arith.index_cast %add3A_626 : i32 to index
          %get3A_654 = arith.constant 32 : index
          %get3A_655 = tpu.vector_load %arg11[%get3A_653, %get3A_654] {strides = array<i32>} : memref<400x64xbf16, #tpu.memory_space<vmem>>, vector<32xbf16>,
          %bitcast3A_656 = vector.bitcast %get3A_655 : vector<32xbf16> to vector<16xi32>
          %shift_left3A_657 = arith.constant 16 : i32
          %shift_left3A_658 = vector.broadcast %shift_left3A_657 : i32 to vector<16xi32>
          %shift_left3A_659 = arith.shli %bitcast3A_656, %shift_left3A_658 : vector<16xi32>
          %bitcast3A_660 = vector.bitcast %shift_left3A_659 : vector<16xi32> to vector<16xf32>
          %and3A_661 = arith.andi %bitcast3A_656, %broadcast_in_dim3A_229 : vector<16xi32>
          %bitcast3A_662 = vector.bitcast %and3A_661 : vector<16xi32> to vector<16xf32>
          %get3A_663 = arith.index_cast %add3A_626 : i32 to index
          %get3A_664 = arith.constant 32 : index
          %get3A_665 = tpu.vector_load %arg13[%get3A_663, %get3A_664] {strides = array<i32>} : memref<400x64xbf16, #tpu.memory_space<vmem>>, vector<32xbf16>,
          %bitcast3A_666 = vector.bitcast %get3A_665 : vector<32xbf16> to vector<16xi32>
          %shift_left3A_667 = arith.constant 16 : i32
          %shift_left3A_668 = vector.broadcast %shift_left3A_667 : i32 to vector<16xi32>
          %shift_left3A_669 = arith.shli %bitcast3A_666, %shift_left3A_668 : vector<16xi32>
          %bitcast3A_670 = vector.bitcast %shift_left3A_669 : vector<16xi32> to vector<16xf32>
          %and3A_671 = arith.andi %bitcast3A_666, %broadcast_in_dim3A_229 : vector<16xi32>
          %bitcast3A_672 = vector.bitcast %and3A_671 : vector<16xi32> to vector<16xf32>
          %mul3A_673 = arith.mulf %bitcast3A_660, %bitcast3A_670 : vector<16xf32>
          %add3A_674 = arith.addf %add3A_652, %mul3A_673 : vector<16xf32>
          %mul3A_675 = arith.mulf %bitcast3A_662, %bitcast3A_672 : vector<16xf32>
          %add3A_676 = arith.addf %add3A_674, %mul3A_675 : vector<16xf32>
          %reduce_sum3A_677 = arith.constant true
          %reduce_sum3A_678 = vector.broadcast %reduce_sum3A_677 : i1 to vector<16xi1>
          %reduce_sum3A_679 = tpu.scan <sum>, %add3A_676 masked %reduce_sum3A_678 : vector<16xf32>, vector<16xi1> -> vector<16xf32>
          %reduce_sum3A_680 = vector.extract %reduce_sum3A_679[15] : f32 from vector<16xf32>
          %eq3A_681 = arith.constant 6 : i32
          %eq3A_682 = vector.broadcast %eq3A_681 : i32 to vector<16xi32>
          %eq3A_683 = arith.cmpi eq, %iota3A, %eq3A_682 : vector<16xi32>
          %broadcast_in_dim3A_684 = vector.broadcast %reduce_sum3A_680 : f32 to vector<16xf32>
          %select_n3A_685 = arith.select %eq3A_683, %broadcast_in_dim3A_684, %select_n3A_622 : vector<16xi1>, vector<16xf32>
          %mul3A_686 = arith.constant 16 : i32
          %mul3A_687 = arith.muli %scan3A_248, %mul3A_686 : i32
          %add3A_688 = arith.constant 7 : i32
          %add3A_689 = arith.addi %mul3A_687, %add3A_688 : i32
          %broadcast_in_dim3A_690 = arith.constant 0.000000e+00 : f32
          %broadcast_in_dim3A_691 = vector.broadcast %broadcast_in_dim3A_690 : f32 to vector<16xf32>
          %get3A_692 = arith.index_cast %add3A_689 : i32 to index
          %get3A_693 = arith.constant 0 : index
          %get3A_694 = tpu.vector_load %arg11[%get3A_692, %get3A_693] {strides = array<i32>} : memref<400x64xbf16, #tpu.memory_space<vmem>>, vector<32xbf16>,
          %bitcast3A_695 = vector.bitcast %get3A_694 : vector<32xbf16> to vector<16xi32>
          %shift_left3A_696 = arith.constant 16 : i32
          %shift_left3A_697 = vector.broadcast %shift_left3A_696 : i32 to vector<16xi32>
          %shift_left3A_698 = arith.shli %bitcast3A_695, %shift_left3A_697 : vector<16xi32>
          %bitcast3A_699 = vector.bitcast %shift_left3A_698 : vector<16xi32> to vector<16xf32>
          %and3A_700 = arith.andi %bitcast3A_695, %broadcast_in_dim3A_229 : vector<16xi32>
          %bitcast3A_701 = vector.bitcast %and3A_700 : vector<16xi32> to vector<16xf32>
          %get3A_702 = arith.index_cast %add3A_689 : i32 to index
          %get3A_703 = arith.constant 0 : index
          %get3A_704 = tpu.vector_load %arg13[%get3A_702, %get3A_703] {strides = array<i32>} : memref<400x64xbf16, #tpu.memory_space<vmem>>, vector<32xbf16>,
          %bitcast3A_705 = vector.bitcast %get3A_704 : vector<32xbf16> to vector<16xi32>
          %shift_left3A_706 = arith.constant 16 : i32
          %shift_left3A_707 = vector.broadcast %shift_left3A_706 : i32 to vector<16xi32>
          %shift_left3A_708 = arith.shli %bitcast3A_705, %shift_left3A_707 : vector<16xi32>
          %bitcast3A_709 = vector.bitcast %shift_left3A_708 : vector<16xi32> to vector<16xf32>
          %and3A_710 = arith.andi %bitcast3A_705, %broadcast_in_dim3A_229 : vector<16xi32>
          %bitcast3A_711 = vector.bitcast %and3A_710 : vector<16xi32> to vector<16xf32>
          %mul3A_712 = arith.mulf %bitcast3A_699, %bitcast3A_709 : vector<16xf32>
          %add3A_713 = arith.addf %broadcast_in_dim3A_691, %mul3A_712 : vector<16xf32>
          %mul3A_714 = arith.mulf %bitcast3A_701, %bitcast3A_711 : vector<16xf32>
          %add3A_715 = arith.addf %add3A_713, %mul3A_714 : vector<16xf32>
          %get3A_716 = arith.index_cast %add3A_689 : i32 to index
          %get3A_717 = arith.constant 32 : index
          %get3A_718 = tpu.vector_load %arg11[%get3A_716, %get3A_717] {strides = array<i32>} : memref<400x64xbf16, #tpu.memory_space<vmem>>, vector<32xbf16>,
          %bitcast3A_719 = vector.bitcast %get3A_718 : vector<32xbf16> to vector<16xi32>
          %shift_left3A_720 = arith.constant 16 : i32
          %shift_left3A_721 = vector.broadcast %shift_left3A_720 : i32 to vector<16xi32>
          %shift_left3A_722 = arith.shli %bitcast3A_719, %shift_left3A_721 : vector<16xi32>
          %bitcast3A_723 = vector.bitcast %shift_left3A_722 : vector<16xi32> to vector<16xf32>
          %and3A_724 = arith.andi %bitcast3A_719, %broadcast_in_dim3A_229 : vector<16xi32>
          %bitcast3A_725 = vector.bitcast %and3A_724 : vector<16xi32> to vector<16xf32>
          %get3A_726 = arith.index_cast %add3A_689 : i32 to index
          %get3A_727 = arith.constant 32 : index
          %get3A_728 = tpu.vector_load %arg13[%get3A_726, %get3A_727] {strides = array<i32>} : memref<400x64xbf16, #tpu.memory_space<vmem>>, vector<32xbf16>,
          %bitcast3A_729 = vector.bitcast %get3A_728 : vector<32xbf16> to vector<16xi32>
          %shift_left3A_730 = arith.constant 16 : i32
          %shift_left3A_731 = vector.broadcast %shift_left3A_730 : i32 to vector<16xi32>
          %shift_left3A_732 = arith.shli %bitcast3A_729, %shift_left3A_731 : vector<16xi32>
          %bitcast3A_733 = vector.bitcast %shift_left3A_732 : vector<16xi32> to vector<16xf32>
          %and3A_734 = arith.andi %bitcast3A_729, %broadcast_in_dim3A_229 : vector<16xi32>
          %bitcast3A_735 = vector.bitcast %and3A_734 : vector<16xi32> to vector<16xf32>
          %mul3A_736 = arith.mulf %bitcast3A_723, %bitcast3A_733 : vector<16xf32>
          %add3A_737 = arith.addf %add3A_715, %mul3A_736 : vector<16xf32>
          %mul3A_738 = arith.mulf %bitcast3A_725, %bitcast3A_735 : vector<16xf32>
          %add3A_739 = arith.addf %add3A_737, %mul3A_738 : vector<16xf32>
          %reduce_sum3A_740 = arith.constant true
          %reduce_sum3A_741 = vector.broadcast %reduce_sum3A_740 : i1 to vector<16xi1>
          %reduce_sum3A_742 = tpu.scan <sum>, %add3A_739 masked %reduce_sum3A_741 : vector<16xf32>, vector<16xi1> -> vector<16xf32>
          %reduce_sum3A_743 = vector.extract %reduce_sum3A_742[15] : f32 from vector<16xf32>
          %eq3A_744 = arith.constant 7 : i32
          %eq3A_745 = vector.broadcast %eq3A_744 : i32 to vector<16xi32>
          %eq3A_746 = arith.cmpi eq, %iota3A, %eq3A_745 : vector<16xi32>
          %broadcast_in_dim3A_747 = vector.broadcast %reduce_sum3A_743 : f32 to vector<16xf32>
          %select_n3A_748 = arith.select %eq3A_746, %broadcast_in_dim3A_747, %select_n3A_685 : vector<16xi1>, vector<16xf32>
          %mul3A_749 = arith.constant 16 : i32
          %mul3A_750 = arith.muli %scan3A_248, %mul3A_749 : i32
          %add3A_751 = arith.constant 8 : i32
          %add3A_752 = arith.addi %mul3A_750, %add3A_751 : i32
          %broadcast_in_dim3A_753 = arith.constant 0.000000e+00 : f32
          %broadcast_in_dim3A_754 = vector.broadcast %broadcast_in_dim3A_753 : f32 to vector<16xf32>
          %get3A_755 = arith.index_cast %add3A_752 : i32 to index
          %get3A_756 = arith.constant 0 : index
          %get3A_757 = tpu.vector_load %arg11[%get3A_755, %get3A_756] {strides = array<i32>} : memref<400x64xbf16, #tpu.memory_space<vmem>>, vector<32xbf16>,
          %bitcast3A_758 = vector.bitcast %get3A_757 : vector<32xbf16> to vector<16xi32>
          %shift_left3A_759 = arith.constant 16 : i32
          %shift_left3A_760 = vector.broadcast %shift_left3A_759 : i32 to vector<16xi32>
          %shift_left3A_761 = arith.shli %bitcast3A_758, %shift_left3A_760 : vector<16xi32>
          %bitcast3A_762 = vector.bitcast %shift_left3A_761 : vector<16xi32> to vector<16xf32>
          %and3A_763 = arith.andi %bitcast3A_758, %broadcast_in_dim3A_229 : vector<16xi32>
          %bitcast3A_764 = vector.bitcast %and3A_763 : vector<16xi32> to vector<16xf32>
          %get3A_765 = arith.index_cast %add3A_752 : i32 to index
          %get3A_766 = arith.constant 0 : index
          %get3A_767 = tpu.vector_load %arg13[%get3A_765, %get3A_766] {strides = array<i32>} : memref<400x64xbf16, #tpu.memory_space<vmem>>, vector<32xbf16>,
          %bitcast3A_768 = vector.bitcast %get3A_767 : vector<32xbf16> to vector<16xi32>
          %shift_left3A_769 = arith.constant 16 : i32
          %shift_left3A_770 = vector.broadcast %shift_left3A_769 : i32 to vector<16xi32>
          %shift_left3A_771 = arith.shli %bitcast3A_768, %shift_left3A_770 : vector<16xi32>
          %bitcast3A_772 = vector.bitcast %shift_left3A_771 : vector<16xi32> to vector<16xf32>
          %and3A_773 = arith.andi %bitcast3A_768, %broadcast_in_dim3A_229 : vector<16xi32>
          %bitcast3A_774 = vector.bitcast %and3A_773 : vector<16xi32> to vector<16xf32>
          %mul3A_775 = arith.mulf %bitcast3A_762, %bitcast3A_772 : vector<16xf32>
          %add3A_776 = arith.addf %broadcast_in_dim3A_754, %mul3A_775 : vector<16xf32>
          %mul3A_777 = arith.mulf %bitcast3A_764, %bitcast3A_774 : vector<16xf32>
          %add3A_778 = arith.addf %add3A_776, %mul3A_777 : vector<16xf32>
          %get3A_779 = arith.index_cast %add3A_752 : i32 to index
          %get3A_780 = arith.constant 32 : index
          %get3A_781 = tpu.vector_load %arg11[%get3A_779, %get3A_780] {strides = array<i32>} : memref<400x64xbf16, #tpu.memory_space<vmem>>, vector<32xbf16>,
          %bitcast3A_782 = vector.bitcast %get3A_781 : vector<32xbf16> to vector<16xi32>
          %shift_left3A_783 = arith.constant 16 : i32
          %shift_left3A_784 = vector.broadcast %shift_left3A_783 : i32 to vector<16xi32>
          %shift_left3A_785 = arith.shli %bitcast3A_782, %shift_left3A_784 : vector<16xi32>
          %bitcast3A_786 = vector.bitcast %shift_left3A_785 : vector<16xi32> to vector<16xf32>
          %and3A_787 = arith.andi %bitcast3A_782, %broadcast_in_dim3A_229 : vector<16xi32>
          %bitcast3A_788 = vector.bitcast %and3A_787 : vector<16xi32> to vector<16xf32>
          %get3A_789 = arith.index_cast %add3A_752 : i32 to index
          %get3A_790 = arith.constant 32 : index
          %get3A_791 = tpu.vector_load %arg13[%get3A_789, %get3A_790] {strides = array<i32>} : memref<400x64xbf16, #tpu.memory_space<vmem>>, vector<32xbf16>,
          %bitcast3A_792 = vector.bitcast %get3A_791 : vector<32xbf16> to vector<16xi32>
          %shift_left3A_793 = arith.constant 16 : i32
          %shift_left3A_794 = vector.broadcast %shift_left3A_793 : i32 to vector<16xi32>
          %shift_left3A_795 = arith.shli %bitcast3A_792, %shift_left3A_794 : vector<16xi32>
          %bitcast3A_796 = vector.bitcast %shift_left3A_795 : vector<16xi32> to vector<16xf32>
          %and3A_797 = arith.andi %bitcast3A_792, %broadcast_in_dim3A_229 : vector<16xi32>
          %bitcast3A_798 = vector.bitcast %and3A_797 : vector<16xi32> to vector<16xf32>
          %mul3A_799 = arith.mulf %bitcast3A_786, %bitcast3A_796 : vector<16xf32>
          %add3A_800 = arith.addf %add3A_778, %mul3A_799 : vector<16xf32>
          %mul3A_801 = arith.mulf %bitcast3A_788, %bitcast3A_798 : vector<16xf32>
          %add3A_802 = arith.addf %add3A_800, %mul3A_801 : vector<16xf32>
          %reduce_sum3A_803 = arith.constant true
          %reduce_sum3A_804 = vector.broadcast %reduce_sum3A_803 : i1 to vector<16xi1>
          %reduce_sum3A_805 = tpu.scan <sum>, %add3A_802 masked %reduce_sum3A_804 : vector<16xf32>, vector<16xi1> -> vector<16xf32>
          %reduce_sum3A_806 = vector.extract %reduce_sum3A_805[15] : f32 from vector<16xf32>
          %eq3A_807 = arith.constant 8 : i32
          %eq3A_808 = vector.broadcast %eq3A_807 : i32 to vector<16xi32>
          %eq3A_809 = arith.cmpi eq, %iota3A, %eq3A_808 : vector<16xi32>
          %broadcast_in_dim3A_810 = vector.broadcast %reduce_sum3A_806 : f32 to vector<16xf32>
          %select_n3A_811 = arith.select %eq3A_809, %broadcast_in_dim3A_810, %select_n3A_748 : vector<16xi1>, vector<16xf32>
          %mul3A_812 = arith.constant 16 : i32
          %mul3A_813 = arith.muli %scan3A_248, %mul3A_812 : i32
          %add3A_814 = arith.constant 9 : i32
          %add3A_815 = arith.addi %mul3A_813, %add3A_814 : i32
          %broadcast_in_dim3A_816 = arith.constant 0.000000e+00 : f32
          %broadcast_in_dim3A_817 = vector.broadcast %broadcast_in_dim3A_816 : f32 to vector<16xf32>
          %get3A_818 = arith.index_cast %add3A_815 : i32 to index
          %get3A_819 = arith.constant 0 : index
          %get3A_820 = tpu.vector_load %arg11[%get3A_818, %get3A_819] {strides = array<i32>} : memref<400x64xbf16, #tpu.memory_space<vmem>>, vector<32xbf16>,
          %bitcast3A_821 = vector.bitcast %get3A_820 : vector<32xbf16> to vector<16xi32>
          %shift_left3A_822 = arith.constant 16 : i32
          %shift_left3A_823 = vector.broadcast %shift_left3A_822 : i32 to vector<16xi32>
          %shift_left3A_824 = arith.shli %bitcast3A_821, %shift_left3A_823 : vector<16xi32>
          %bitcast3A_825 = vector.bitcast %shift_left3A_824 : vector<16xi32> to vector<16xf32>
          %and3A_826 = arith.andi %bitcast3A_821, %broadcast_in_dim3A_229 : vector<16xi32>
          %bitcast3A_827 = vector.bitcast %and3A_826 : vector<16xi32> to vector<16xf32>
          %get3A_828 = arith.index_cast %add3A_815 : i32 to index
          %get3A_829 = arith.constant 0 : index
          %get3A_830 = tpu.vector_load %arg13[%get3A_828, %get3A_829] {strides = array<i32>} : memref<400x64xbf16, #tpu.memory_space<vmem>>, vector<32xbf16>,
          %bitcast3A_831 = vector.bitcast %get3A_830 : vector<32xbf16> to vector<16xi32>
          %shift_left3A_832 = arith.constant 16 : i32
          %shift_left3A_833 = vector.broadcast %shift_left3A_832 : i32 to vector<16xi32>
          %shift_left3A_834 = arith.shli %bitcast3A_831, %shift_left3A_833 : vector<16xi32>
          %bitcast3A_835 = vector.bitcast %shift_left3A_834 : vector<16xi32> to vector<16xf32>
          %and3A_836 = arith.andi %bitcast3A_831, %broadcast_in_dim3A_229 : vector<16xi32>
          %bitcast3A_837 = vector.bitcast %and3A_836 : vector<16xi32> to vector<16xf32>
          %mul3A_838 = arith.mulf %bitcast3A_825, %bitcast3A_835 : vector<16xf32>
          %add3A_839 = arith.addf %broadcast_in_dim3A_817, %mul3A_838 : vector<16xf32>
          %mul3A_840 = arith.mulf %bitcast3A_827, %bitcast3A_837 : vector<16xf32>
          %add3A_841 = arith.addf %add3A_839, %mul3A_840 : vector<16xf32>
          %get3A_842 = arith.index_cast %add3A_815 : i32 to index
          %get3A_843 = arith.constant 32 : index
          %get3A_844 = tpu.vector_load %arg11[%get3A_842, %get3A_843] {strides = array<i32>} : memref<400x64xbf16, #tpu.memory_space<vmem>>, vector<32xbf16>,
          %bitcast3A_845 = vector.bitcast %get3A_844 : vector<32xbf16> to vector<16xi32>
          %shift_left3A_846 = arith.constant 16 : i32
          %shift_left3A_847 = vector.broadcast %shift_left3A_846 : i32 to vector<16xi32>
          %shift_left3A_848 = arith.shli %bitcast3A_845, %shift_left3A_847 : vector<16xi32>
          %bitcast3A_849 = vector.bitcast %shift_left3A_848 : vector<16xi32> to vector<16xf32>
          %and3A_850 = arith.andi %bitcast3A_845, %broadcast_in_dim3A_229 : vector<16xi32>
          %bitcast3A_851 = vector.bitcast %and3A_850 : vector<16xi32> to vector<16xf32>
          %get3A_852 = arith.index_cast %add3A_815 : i32 to index
          %get3A_853 = arith.constant 32 : index
          %get3A_854 = tpu.vector_load %arg13[%get3A_852, %get3A_853] {strides = array<i32>} : memref<400x64xbf16, #tpu.memory_space<vmem>>, vector<32xbf16>,
          %bitcast3A_855 = vector.bitcast %get3A_854 : vector<32xbf16> to vector<16xi32>
          %shift_left3A_856 = arith.constant 16 : i32
          %shift_left3A_857 = vector.broadcast %shift_left3A_856 : i32 to vector<16xi32>
          %shift_left3A_858 = arith.shli %bitcast3A_855, %shift_left3A_857 : vector<16xi32>
          %bitcast3A_859 = vector.bitcast %shift_left3A_858 : vector<16xi32> to vector<16xf32>
          %and3A_860 = arith.andi %bitcast3A_855, %broadcast_in_dim3A_229 : vector<16xi32>
          %bitcast3A_861 = vector.bitcast %and3A_860 : vector<16xi32> to vector<16xf32>
          %mul3A_862 = arith.mulf %bitcast3A_849, %bitcast3A_859 : vector<16xf32>
          %add3A_863 = arith.addf %add3A_841, %mul3A_862 : vector<16xf32>
          %mul3A_864 = arith.mulf %bitcast3A_851, %bitcast3A_861 : vector<16xf32>
          %add3A_865 = arith.addf %add3A_863, %mul3A_864 : vector<16xf32>
          %reduce_sum3A_866 = arith.constant true
          %reduce_sum3A_867 = vector.broadcast %reduce_sum3A_866 : i1 to vector<16xi1>
          %reduce_sum3A_868 = tpu.scan <sum>, %add3A_865 masked %reduce_sum3A_867 : vector<16xf32>, vector<16xi1> -> vector<16xf32>
          %reduce_sum3A_869 = vector.extract %reduce_sum3A_868[15] : f32 from vector<16xf32>
          %eq3A_870 = arith.constant 9 : i32
          %eq3A_871 = vector.broadcast %eq3A_870 : i32 to vector<16xi32>
          %eq3A_872 = arith.cmpi eq, %iota3A, %eq3A_871 : vector<16xi32>
          %broadcast_in_dim3A_873 = vector.broadcast %reduce_sum3A_869 : f32 to vector<16xf32>
          %select_n3A_874 = arith.select %eq3A_872, %broadcast_in_dim3A_873, %select_n3A_811 : vector<16xi1>, vector<16xf32>
          %mul3A_875 = arith.constant 16 : i32
          %mul3A_876 = arith.muli %scan3A_248, %mul3A_875 : i32
          %add3A_877 = arith.constant 10 : i32
          %add3A_878 = arith.addi %mul3A_876, %add3A_877 : i32
          %broadcast_in_dim3A_879 = arith.constant 0.000000e+00 : f32
          %broadcast_in_dim3A_880 = vector.broadcast %broadcast_in_dim3A_879 : f32 to vector<16xf32>
          %get3A_881 = arith.index_cast %add3A_878 : i32 to index
          %get3A_882 = arith.constant 0 : index
          %get3A_883 = tpu.vector_load %arg11[%get3A_881, %get3A_882] {strides = array<i32>} : memref<400x64xbf16, #tpu.memory_space<vmem>>, vector<32xbf16>,
          %bitcast3A_884 = vector.bitcast %get3A_883 : vector<32xbf16> to vector<16xi32>
          %shift_left3A_885 = arith.constant 16 : i32
          %shift_left3A_886 = vector.broadcast %shift_left3A_885 : i32 to vector<16xi32>
          %shift_left3A_887 = arith.shli %bitcast3A_884, %shift_left3A_886 : vector<16xi32>
          %bitcast3A_888 = vector.bitcast %shift_left3A_887 : vector<16xi32> to vector<16xf32>
          %and3A_889 = arith.andi %bitcast3A_884, %broadcast_in_dim3A_229 : vector<16xi32>
          %bitcast3A_890 = vector.bitcast %and3A_889 : vector<16xi32> to vector<16xf32>
          %get3A_891 = arith.index_cast %add3A_878 : i32 to index
          %get3A_892 = arith.constant 0 : index
          %get3A_893 = tpu.vector_load %arg13[%get3A_891, %get3A_892] {strides = array<i32>} : memref<400x64xbf16, #tpu.memory_space<vmem>>, vector<32xbf16>,
          %bitcast3A_894 = vector.bitcast %get3A_893 : vector<32xbf16> to vector<16xi32>
          %shift_left3A_895 = arith.constant 16 : i32
          %shift_left3A_896 = vector.broadcast %shift_left3A_895 : i32 to vector<16xi32>
          %shift_left3A_897 = arith.shli %bitcast3A_894, %shift_left3A_896 : vector<16xi32>
          %bitcast3A_898 = vector.bitcast %shift_left3A_897 : vector<16xi32> to vector<16xf32>
          %and3A_899 = arith.andi %bitcast3A_894, %broadcast_in_dim3A_229 : vector<16xi32>
          %bitcast3A_900 = vector.bitcast %and3A_899 : vector<16xi32> to vector<16xf32>
          %mul3A_901 = arith.mulf %bitcast3A_888, %bitcast3A_898 : vector<16xf32>
          %add3A_902 = arith.addf %broadcast_in_dim3A_880, %mul3A_901 : vector<16xf32>
          %mul3A_903 = arith.mulf %bitcast3A_890, %bitcast3A_900 : vector<16xf32>
          %add3A_904 = arith.addf %add3A_902, %mul3A_903 : vector<16xf32>
          %get3A_905 = arith.index_cast %add3A_878 : i32 to index
          %get3A_906 = arith.constant 32 : index
          %get3A_907 = tpu.vector_load %arg11[%get3A_905, %get3A_906] {strides = array<i32>} : memref<400x64xbf16, #tpu.memory_space<vmem>>, vector<32xbf16>,
          %bitcast3A_908 = vector.bitcast %get3A_907 : vector<32xbf16> to vector<16xi32>
          %shift_left3A_909 = arith.constant 16 : i32
          %shift_left3A_910 = vector.broadcast %shift_left3A_909 : i32 to vector<16xi32>
          %shift_left3A_911 = arith.shli %bitcast3A_908, %shift_left3A_910 : vector<16xi32>
          %bitcast3A_912 = vector.bitcast %shift_left3A_911 : vector<16xi32> to vector<16xf32>
          %and3A_913 = arith.andi %bitcast3A_908, %broadcast_in_dim3A_229 : vector<16xi32>
          %bitcast3A_914 = vector.bitcast %and3A_913 : vector<16xi32> to vector<16xf32>
          %get3A_915 = arith.index_cast %add3A_878 : i32 to index
          %get3A_916 = arith.constant 32 : index
          %get3A_917 = tpu.vector_load %arg13[%get3A_915, %get3A_916] {strides = array<i32>} : memref<400x64xbf16, #tpu.memory_space<vmem>>, vector<32xbf16>,
          %bitcast3A_918 = vector.bitcast %get3A_917 : vector<32xbf16> to vector<16xi32>
          %shift_left3A_919 = arith.constant 16 : i32
          %shift_left3A_920 = vector.broadcast %shift_left3A_919 : i32 to vector<16xi32>
          %shift_left3A_921 = arith.shli %bitcast3A_918, %shift_left3A_920 : vector<16xi32>
          %bitcast3A_922 = vector.bitcast %shift_left3A_921 : vector<16xi32> to vector<16xf32>
          %and3A_923 = arith.andi %bitcast3A_918, %broadcast_in_dim3A_229 : vector<16xi32>
          %bitcast3A_924 = vector.bitcast %and3A_923 : vector<16xi32> to vector<16xf32>
          %mul3A_925 = arith.mulf %bitcast3A_912, %bitcast3A_922 : vector<16xf32>
          %add3A_926 = arith.addf %add3A_904, %mul3A_925 : vector<16xf32>
          %mul3A_927 = arith.mulf %bitcast3A_914, %bitcast3A_924 : vector<16xf32>
          %add3A_928 = arith.addf %add3A_926, %mul3A_927 : vector<16xf32>
          %reduce_sum3A_929 = arith.constant true
          %reduce_sum3A_930 = vector.broadcast %reduce_sum3A_929 : i1 to vector<16xi1>
          %reduce_sum3A_931 = tpu.scan <sum>, %add3A_928 masked %reduce_sum3A_930 : vector<16xf32>, vector<16xi1> -> vector<16xf32>
          %reduce_sum3A_932 = vector.extract %reduce_sum3A_931[15] : f32 from vector<16xf32>
          %eq3A_933 = arith.constant 10 : i32
          %eq3A_934 = vector.broadcast %eq3A_933 : i32 to vector<16xi32>
          %eq3A_935 = arith.cmpi eq, %iota3A, %eq3A_934 : vector<16xi32>
          %broadcast_in_dim3A_936 = vector.broadcast %reduce_sum3A_932 : f32 to vector<16xf32>
          %select_n3A_937 = arith.select %eq3A_935, %broadcast_in_dim3A_936, %select_n3A_874 : vector<16xi1>, vector<16xf32>
          %mul3A_938 = arith.constant 16 : i32
          %mul3A_939 = arith.muli %scan3A_248, %mul3A_938 : i32
          %add3A_940 = arith.constant 11 : i32
          %add3A_941 = arith.addi %mul3A_939, %add3A_940 : i32
          %broadcast_in_dim3A_942 = arith.constant 0.000000e+00 : f32
          %broadcast_in_dim3A_943 = vector.broadcast %broadcast_in_dim3A_942 : f32 to vector<16xf32>
          %get3A_944 = arith.index_cast %add3A_941 : i32 to index
          %get3A_945 = arith.constant 0 : index
          %get3A_946 = tpu.vector_load %arg11[%get3A_944, %get3A_945] {strides = array<i32>} : memref<400x64xbf16, #tpu.memory_space<vmem>>, vector<32xbf16>,
          %bitcast3A_947 = vector.bitcast %get3A_946 : vector<32xbf16> to vector<16xi32>
          %shift_left3A_948 = arith.constant 16 : i32
          %shift_left3A_949 = vector.broadcast %shift_left3A_948 : i32 to vector<16xi32>
          %shift_left3A_950 = arith.shli %bitcast3A_947, %shift_left3A_949 : vector<16xi32>
          %bitcast3A_951 = vector.bitcast %shift_left3A_950 : vector<16xi32> to vector<16xf32>
          %and3A_952 = arith.andi %bitcast3A_947, %broadcast_in_dim3A_229 : vector<16xi32>
          %bitcast3A_953 = vector.bitcast %and3A_952 : vector<16xi32> to vector<16xf32>
          %get3A_954 = arith.index_cast %add3A_941 : i32 to index
          %get3A_955 = arith.constant 0 : index
          %get3A_956 = tpu.vector_load %arg13[%get3A_954, %get3A_955] {strides = array<i32>} : memref<400x64xbf16, #tpu.memory_space<vmem>>, vector<32xbf16>,
          %bitcast3A_957 = vector.bitcast %get3A_956 : vector<32xbf16> to vector<16xi32>
          %shift_left3A_958 = arith.constant 16 : i32
          %shift_left3A_959 = vector.broadcast %shift_left3A_958 : i32 to vector<16xi32>
          %shift_left3A_960 = arith.shli %bitcast3A_957, %shift_left3A_959 : vector<16xi32>
          %bitcast3A_961 = vector.bitcast %shift_left3A_960 : vector<16xi32> to vector<16xf32>
          %and3A_962 = arith.andi %bitcast3A_957, %broadcast_in_dim3A_229 : vector<16xi32>
          %bitcast3A_963 = vector.bitcast %and3A_962 : vector<16xi32> to vector<16xf32>
          %mul3A_964 = arith.mulf %bitcast3A_951, %bitcast3A_961 : vector<16xf32>
          %add3A_965 = arith.addf %broadcast_in_dim3A_943, %mul3A_964 : vector<16xf32>
          %mul3A_966 = arith.mulf %bitcast3A_953, %bitcast3A_963 : vector<16xf32>
          %add3A_967 = arith.addf %add3A_965, %mul3A_966 : vector<16xf32>
          %get3A_968 = arith.index_cast %add3A_941 : i32 to index
          %get3A_969 = arith.constant 32 : index
          %get3A_970 = tpu.vector_load %arg11[%get3A_968, %get3A_969] {strides = array<i32>} : memref<400x64xbf16, #tpu.memory_space<vmem>>, vector<32xbf16>,
          %bitcast3A_971 = vector.bitcast %get3A_970 : vector<32xbf16> to vector<16xi32>
          %shift_left3A_972 = arith.constant 16 : i32
          %shift_left3A_973 = vector.broadcast %shift_left3A_972 : i32 to vector<16xi32>
          %shift_left3A_974 = arith.shli %bitcast3A_971, %shift_left3A_973 : vector<16xi32>
          %bitcast3A_975 = vector.bitcast %shift_left3A_974 : vector<16xi32> to vector<16xf32>
          %and3A_976 = arith.andi %bitcast3A_971, %broadcast_in_dim3A_229 : vector<16xi32>
          %bitcast3A_977 = vector.bitcast %and3A_976 : vector<16xi32> to vector<16xf32>
          %get3A_978 = arith.index_cast %add3A_941 : i32 to index
          %get3A_979 = arith.constant 32 : index
          %get3A_980 = tpu.vector_load %arg13[%get3A_978, %get3A_979] {strides = array<i32>} : memref<400x64xbf16, #tpu.memory_space<vmem>>, vector<32xbf16>,
          %bitcast3A_981 = vector.bitcast %get3A_980 : vector<32xbf16> to vector<16xi32>
          %shift_left3A_982 = arith.constant 16 : i32
          %shift_left3A_983 = vector.broadcast %shift_left3A_982 : i32 to vector<16xi32>
          %shift_left3A_984 = arith.shli %bitcast3A_981, %shift_left3A_983 : vector<16xi32>
          %bitcast3A_985 = vector.bitcast %shift_left3A_984 : vector<16xi32> to vector<16xf32>
          %and3A_986 = arith.andi %bitcast3A_981, %broadcast_in_dim3A_229 : vector<16xi32>
          %bitcast3A_987 = vector.bitcast %and3A_986 : vector<16xi32> to vector<16xf32>
          %mul3A_988 = arith.mulf %bitcast3A_975, %bitcast3A_985 : vector<16xf32>
          %add3A_989 = arith.addf %add3A_967, %mul3A_988 : vector<16xf32>
          %mul3A_990 = arith.mulf %bitcast3A_977, %bitcast3A_987 : vector<16xf32>
          %add3A_991 = arith.addf %add3A_989, %mul3A_990 : vector<16xf32>
          %reduce_sum3A_992 = arith.constant true
          %reduce_sum3A_993 = vector.broadcast %reduce_sum3A_992 : i1 to vector<16xi1>
          %reduce_sum3A_994 = tpu.scan <sum>, %add3A_991 masked %reduce_sum3A_993 : vector<16xf32>, vector<16xi1> -> vector<16xf32>
          %reduce_sum3A_995 = vector.extract %reduce_sum3A_994[15] : f32 from vector<16xf32>
          %eq3A_996 = arith.constant 11 : i32
          %eq3A_997 = vector.broadcast %eq3A_996 : i32 to vector<16xi32>
          %eq3A_998 = arith.cmpi eq, %iota3A, %eq3A_997 : vector<16xi32>
          %broadcast_in_dim3A_999 = vector.broadcast %reduce_sum3A_995 : f32 to vector<16xf32>
          %select_n3A_1000 = arith.select %eq3A_998, %broadcast_in_dim3A_999, %select_n3A_937 : vector<16xi1>, vector<16xf32>
          %mul3A_1001 = arith.constant 16 : i32
          %mul3A_1002 = arith.muli %scan3A_248, %mul3A_1001 : i32
          %add3A_1003 = arith.constant 12 : i32
          %add3A_1004 = arith.addi %mul3A_1002, %add3A_1003 : i32
          %broadcast_in_dim3A_1005 = arith.constant 0.000000e+00 : f32
          %broadcast_in_dim3A_1006 = vector.broadcast %broadcast_in_dim3A_1005 : f32 to vector<16xf32>
          %get3A_1007 = arith.index_cast %add3A_1004 : i32 to index
          %get3A_1008 = arith.constant 0 : index
          %get3A_1009 = tpu.vector_load %arg11[%get3A_1007, %get3A_1008] {strides = array<i32>} : memref<400x64xbf16, #tpu.memory_space<vmem>>, vector<32xbf16>,
          %bitcast3A_1010 = vector.bitcast %get3A_1009 : vector<32xbf16> to vector<16xi32>
          %shift_left3A_1011 = arith.constant 16 : i32
          %shift_left3A_1012 = vector.broadcast %shift_left3A_1011 : i32 to vector<16xi32>
          %shift_left3A_1013 = arith.shli %bitcast3A_1010, %shift_left3A_1012 : vector<16xi32>
          %bitcast3A_1014 = vector.bitcast %shift_left3A_1013 : vector<16xi32> to vector<16xf32>
          %and3A_1015 = arith.andi %bitcast3A_1010, %broadcast_in_dim3A_229 : vector<16xi32>
          %bitcast3A_1016 = vector.bitcast %and3A_1015 : vector<16xi32> to vector<16xf32>
          %get3A_1017 = arith.index_cast %add3A_1004 : i32 to index
          %get3A_1018 = arith.constant 0 : index
          %get3A_1019 = tpu.vector_load %arg13[%get3A_1017, %get3A_1018] {strides = array<i32>} : memref<400x64xbf16, #tpu.memory_space<vmem>>, vector<32xbf16>,
          %bitcast3A_1020 = vector.bitcast %get3A_1019 : vector<32xbf16> to vector<16xi32>
          %shift_left3A_1021 = arith.constant 16 : i32
          %shift_left3A_1022 = vector.broadcast %shift_left3A_1021 : i32 to vector<16xi32>
          %shift_left3A_1023 = arith.shli %bitcast3A_1020, %shift_left3A_1022 : vector<16xi32>
          %bitcast3A_1024 = vector.bitcast %shift_left3A_1023 : vector<16xi32> to vector<16xf32>
          %and3A_1025 = arith.andi %bitcast3A_1020, %broadcast_in_dim3A_229 : vector<16xi32>
          %bitcast3A_1026 = vector.bitcast %and3A_1025 : vector<16xi32> to vector<16xf32>
          %mul3A_1027 = arith.mulf %bitcast3A_1014, %bitcast3A_1024 : vector<16xf32>
          %add3A_1028 = arith.addf %broadcast_in_dim3A_1006, %mul3A_1027 : vector<16xf32>
          %mul3A_1029 = arith.mulf %bitcast3A_1016, %bitcast3A_1026 : vector<16xf32>
          %add3A_1030 = arith.addf %add3A_1028, %mul3A_1029 : vector<16xf32>
          %get3A_1031 = arith.index_cast %add3A_1004 : i32 to index
          %get3A_1032 = arith.constant 32 : index
          %get3A_1033 = tpu.vector_load %arg11[%get3A_1031, %get3A_1032] {strides = array<i32>} : memref<400x64xbf16, #tpu.memory_space<vmem>>, vector<32xbf16>,
          %bitcast3A_1034 = vector.bitcast %get3A_1033 : vector<32xbf16> to vector<16xi32>
          %shift_left3A_1035 = arith.constant 16 : i32
          %shift_left3A_1036 = vector.broadcast %shift_left3A_1035 : i32 to vector<16xi32>
          %shift_left3A_1037 = arith.shli %bitcast3A_1034, %shift_left3A_1036 : vector<16xi32>
          %bitcast3A_1038 = vector.bitcast %shift_left3A_1037 : vector<16xi32> to vector<16xf32>
          %and3A_1039 = arith.andi %bitcast3A_1034, %broadcast_in_dim3A_229 : vector<16xi32>
          %bitcast3A_1040 = vector.bitcast %and3A_1039 : vector<16xi32> to vector<16xf32>
          %get3A_1041 = arith.index_cast %add3A_1004 : i32 to index
          %get3A_1042 = arith.constant 32 : index
          %get3A_1043 = tpu.vector_load %arg13[%get3A_1041, %get3A_1042] {strides = array<i32>} : memref<400x64xbf16, #tpu.memory_space<vmem>>, vector<32xbf16>,
          %bitcast3A_1044 = vector.bitcast %get3A_1043 : vector<32xbf16> to vector<16xi32>
          %shift_left3A_1045 = arith.constant 16 : i32
          %shift_left3A_1046 = vector.broadcast %shift_left3A_1045 : i32 to vector<16xi32>
          %shift_left3A_1047 = arith.shli %bitcast3A_1044, %shift_left3A_1046 : vector<16xi32>
          %bitcast3A_1048 = vector.bitcast %shift_left3A_1047 : vector<16xi32> to vector<16xf32>
          %and3A_1049 = arith.andi %bitcast3A_1044, %broadcast_in_dim3A_229 : vector<16xi32>
          %bitcast3A_1050 = vector.bitcast %and3A_1049 : vector<16xi32> to vector<16xf32>
          %mul3A_1051 = arith.mulf %bitcast3A_1038, %bitcast3A_1048 : vector<16xf32>
          %add3A_1052 = arith.addf %add3A_1030, %mul3A_1051 : vector<16xf32>
          %mul3A_1053 = arith.mulf %bitcast3A_1040, %bitcast3A_1050 : vector<16xf32>
          %add3A_1054 = arith.addf %add3A_1052, %mul3A_1053 : vector<16xf32>
          %reduce_sum3A_1055 = arith.constant true
          %reduce_sum3A_1056 = vector.broadcast %reduce_sum3A_1055 : i1 to vector<16xi1>
          %reduce_sum3A_1057 = tpu.scan <sum>, %add3A_1054 masked %reduce_sum3A_1056 : vector<16xf32>, vector<16xi1> -> vector<16xf32>
          %reduce_sum3A_1058 = vector.extract %reduce_sum3A_1057[15] : f32 from vector<16xf32>
          %eq3A_1059 = arith.constant 12 : i32
          %eq3A_1060 = vector.broadcast %eq3A_1059 : i32 to vector<16xi32>
          %eq3A_1061 = arith.cmpi eq, %iota3A, %eq3A_1060 : vector<16xi32>
          %broadcast_in_dim3A_1062 = vector.broadcast %reduce_sum3A_1058 : f32 to vector<16xf32>
          %select_n3A_1063 = arith.select %eq3A_1061, %broadcast_in_dim3A_1062, %select_n3A_1000 : vector<16xi1>, vector<16xf32>
          %mul3A_1064 = arith.constant 16 : i32
          %mul3A_1065 = arith.muli %scan3A_248, %mul3A_1064 : i32
          %add3A_1066 = arith.constant 13 : i32
          %add3A_1067 = arith.addi %mul3A_1065, %add3A_1066 : i32
          %broadcast_in_dim3A_1068 = arith.constant 0.000000e+00 : f32
          %broadcast_in_dim3A_1069 = vector.broadcast %broadcast_in_dim3A_1068 : f32 to vector<16xf32>
          %get3A_1070 = arith.index_cast %add3A_1067 : i32 to index
          %get3A_1071 = arith.constant 0 : index
          %get3A_1072 = tpu.vector_load %arg11[%get3A_1070, %get3A_1071] {strides = array<i32>} : memref<400x64xbf16, #tpu.memory_space<vmem>>, vector<32xbf16>,
          %bitcast3A_1073 = vector.bitcast %get3A_1072 : vector<32xbf16> to vector<16xi32>
          %shift_left3A_1074 = arith.constant 16 : i32
          %shift_left3A_1075 = vector.broadcast %shift_left3A_1074 : i32 to vector<16xi32>
          %shift_left3A_1076 = arith.shli %bitcast3A_1073, %shift_left3A_1075 : vector<16xi32>
          %bitcast3A_1077 = vector.bitcast %shift_left3A_1076 : vector<16xi32> to vector<16xf32>
          %and3A_1078 = arith.andi %bitcast3A_1073, %broadcast_in_dim3A_229 : vector<16xi32>
          %bitcast3A_1079 = vector.bitcast %and3A_1078 : vector<16xi32> to vector<16xf32>
          %get3A_1080 = arith.index_cast %add3A_1067 : i32 to index
          %get3A_1081 = arith.constant 0 : index
          %get3A_1082 = tpu.vector_load %arg13[%get3A_1080, %get3A_1081] {strides = array<i32>} : memref<400x64xbf16, #tpu.memory_space<vmem>>, vector<32xbf16>,
          %bitcast3A_1083 = vector.bitcast %get3A_1082 : vector<32xbf16> to vector<16xi32>
          %shift_left3A_1084 = arith.constant 16 : i32
          %shift_left3A_1085 = vector.broadcast %shift_left3A_1084 : i32 to vector<16xi32>
          %shift_left3A_1086 = arith.shli %bitcast3A_1083, %shift_left3A_1085 : vector<16xi32>
          %bitcast3A_1087 = vector.bitcast %shift_left3A_1086 : vector<16xi32> to vector<16xf32>
          %and3A_1088 = arith.andi %bitcast3A_1083, %broadcast_in_dim3A_229 : vector<16xi32>
          %bitcast3A_1089 = vector.bitcast %and3A_1088 : vector<16xi32> to vector<16xf32>
          %mul3A_1090 = arith.mulf %bitcast3A_1077, %bitcast3A_1087 : vector<16xf32>
          %add3A_1091 = arith.addf %broadcast_in_dim3A_1069, %mul3A_1090 : vector<16xf32>
          %mul3A_1092 = arith.mulf %bitcast3A_1079, %bitcast3A_1089 : vector<16xf32>
          %add3A_1093 = arith.addf %add3A_1091, %mul3A_1092 : vector<16xf32>
          %get3A_1094 = arith.index_cast %add3A_1067 : i32 to index
          %get3A_1095 = arith.constant 32 : index
          %get3A_1096 = tpu.vector_load %arg11[%get3A_1094, %get3A_1095] {strides = array<i32>} : memref<400x64xbf16, #tpu.memory_space<vmem>>, vector<32xbf16>,
          %bitcast3A_1097 = vector.bitcast %get3A_1096 : vector<32xbf16> to vector<16xi32>
          %shift_left3A_1098 = arith.constant 16 : i32
          %shift_left3A_1099 = vector.broadcast %shift_left3A_1098 : i32 to vector<16xi32>
          %shift_left3A_1100 = arith.shli %bitcast3A_1097, %shift_left3A_1099 : vector<16xi32>
          %bitcast3A_1101 = vector.bitcast %shift_left3A_1100 : vector<16xi32> to vector<16xf32>
          %and3A_1102 = arith.andi %bitcast3A_1097, %broadcast_in_dim3A_229 : vector<16xi32>
          %bitcast3A_1103 = vector.bitcast %and3A_1102 : vector<16xi32> to vector<16xf32>
          %get3A_1104 = arith.index_cast %add3A_1067 : i32 to index
          %get3A_1105 = arith.constant 32 : index
          %get3A_1106 = tpu.vector_load %arg13[%get3A_1104, %get3A_1105] {strides = array<i32>} : memref<400x64xbf16, #tpu.memory_space<vmem>>, vector<32xbf16>,
          %bitcast3A_1107 = vector.bitcast %get3A_1106 : vector<32xbf16> to vector<16xi32>
          %shift_left3A_1108 = arith.constant 16 : i32
          %shift_left3A_1109 = vector.broadcast %shift_left3A_1108 : i32 to vector<16xi32>
          %shift_left3A_1110 = arith.shli %bitcast3A_1107, %shift_left3A_1109 : vector<16xi32>
          %bitcast3A_1111 = vector.bitcast %shift_left3A_1110 : vector<16xi32> to vector<16xf32>
          %and3A_1112 = arith.andi %bitcast3A_1107, %broadcast_in_dim3A_229 : vector<16xi32>
          %bitcast3A_1113 = vector.bitcast %and3A_1112 : vector<16xi32> to vector<16xf32>
          %mul3A_1114 = arith.mulf %bitcast3A_1101, %bitcast3A_1111 : vector<16xf32>
          %add3A_1115 = arith.addf %add3A_1093, %mul3A_1114 : vector<16xf32>
          %mul3A_1116 = arith.mulf %bitcast3A_1103, %bitcast3A_1113 : vector<16xf32>
          %add3A_1117 = arith.addf %add3A_1115, %mul3A_1116 : vector<16xf32>
          %reduce_sum3A_1118 = arith.constant true
          %reduce_sum3A_1119 = vector.broadcast %reduce_sum3A_1118 : i1 to vector<16xi1>
          %reduce_sum3A_1120 = tpu.scan <sum>, %add3A_1117 masked %reduce_sum3A_1119 : vector<16xf32>, vector<16xi1> -> vector<16xf32>
          %reduce_sum3A_1121 = vector.extract %reduce_sum3A_1120[15] : f32 from vector<16xf32>
          %eq3A_1122 = arith.constant 13 : i32
          %eq3A_1123 = vector.broadcast %eq3A_1122 : i32 to vector<16xi32>
          %eq3A_1124 = arith.cmpi eq, %iota3A, %eq3A_1123 : vector<16xi32>
          %broadcast_in_dim3A_1125 = vector.broadcast %reduce_sum3A_1121 : f32 to vector<16xf32>
          %select_n3A_1126 = arith.select %eq3A_1124, %broadcast_in_dim3A_1125, %select_n3A_1063 : vector<16xi1>, vector<16xf32>
          %mul3A_1127 = arith.constant 16 : i32
          %mul3A_1128 = arith.muli %scan3A_248, %mul3A_1127 : i32
          %add3A_1129 = arith.constant 14 : i32
          %add3A_1130 = arith.addi %mul3A_1128, %add3A_1129 : i32
          %broadcast_in_dim3A_1131 = arith.constant 0.000000e+00 : f32
          %broadcast_in_dim3A_1132 = vector.broadcast %broadcast_in_dim3A_1131 : f32 to vector<16xf32>
          %get3A_1133 = arith.index_cast %add3A_1130 : i32 to index
          %get3A_1134 = arith.constant 0 : index
          %get3A_1135 = tpu.vector_load %arg11[%get3A_1133, %get3A_1134] {strides = array<i32>} : memref<400x64xbf16, #tpu.memory_space<vmem>>, vector<32xbf16>,
          %bitcast3A_1136 = vector.bitcast %get3A_1135 : vector<32xbf16> to vector<16xi32>
          %shift_left3A_1137 = arith.constant 16 : i32
          %shift_left3A_1138 = vector.broadcast %shift_left3A_1137 : i32 to vector<16xi32>
          %shift_left3A_1139 = arith.shli %bitcast3A_1136, %shift_left3A_1138 : vector<16xi32>
          %bitcast3A_1140 = vector.bitcast %shift_left3A_1139 : vector<16xi32> to vector<16xf32>
          %and3A_1141 = arith.andi %bitcast3A_1136, %broadcast_in_dim3A_229 : vector<16xi32>
          %bitcast3A_1142 = vector.bitcast %and3A_1141 : vector<16xi32> to vector<16xf32>
          %get3A_1143 = arith.index_cast %add3A_1130 : i32 to index
          %get3A_1144 = arith.constant 0 : index
          %get3A_1145 = tpu.vector_load %arg13[%get3A_1143, %get3A_1144] {strides = array<i32>} : memref<400x64xbf16, #tpu.memory_space<vmem>>, vector<32xbf16>,
          %bitcast3A_1146 = vector.bitcast %get3A_1145 : vector<32xbf16> to vector<16xi32>
          %shift_left3A_1147 = arith.constant 16 : i32
          %shift_left3A_1148 = vector.broadcast %shift_left3A_1147 : i32 to vector<16xi32>
          %shift_left3A_1149 = arith.shli %bitcast3A_1146, %shift_left3A_1148 : vector<16xi32>
          %bitcast3A_1150 = vector.bitcast %shift_left3A_1149 : vector<16xi32> to vector<16xf32>
          %and3A_1151 = arith.andi %bitcast3A_1146, %broadcast_in_dim3A_229 : vector<16xi32>
          %bitcast3A_1152 = vector.bitcast %and3A_1151 : vector<16xi32> to vector<16xf32>
          %mul3A_1153 = arith.mulf %bitcast3A_1140, %bitcast3A_1150 : vector<16xf32>
          %add3A_1154 = arith.addf %broadcast_in_dim3A_1132, %mul3A_1153 : vector<16xf32>
          %mul3A_1155 = arith.mulf %bitcast3A_1142, %bitcast3A_1152 : vector<16xf32>
          %add3A_1156 = arith.addf %add3A_1154, %mul3A_1155 : vector<16xf32>
          %get3A_1157 = arith.index_cast %add3A_1130 : i32 to index
          %get3A_1158 = arith.constant 32 : index
          %get3A_1159 = tpu.vector_load %arg11[%get3A_1157, %get3A_1158] {strides = array<i32>} : memref<400x64xbf16, #tpu.memory_space<vmem>>, vector<32xbf16>,
          %bitcast3A_1160 = vector.bitcast %get3A_1159 : vector<32xbf16> to vector<16xi32>
          %shift_left3A_1161 = arith.constant 16 : i32
          %shift_left3A_1162 = vector.broadcast %shift_left3A_1161 : i32 to vector<16xi32>
          %shift_left3A_1163 = arith.shli %bitcast3A_1160, %shift_left3A_1162 : vector<16xi32>
          %bitcast3A_1164 = vector.bitcast %shift_left3A_1163 : vector<16xi32> to vector<16xf32>
          %and3A_1165 = arith.andi %bitcast3A_1160, %broadcast_in_dim3A_229 : vector<16xi32>
          %bitcast3A_1166 = vector.bitcast %and3A_1165 : vector<16xi32> to vector<16xf32>
          %get3A_1167 = arith.index_cast %add3A_1130 : i32 to index
          %get3A_1168 = arith.constant 32 : index
          %get3A_1169 = tpu.vector_load %arg13[%get3A_1167, %get3A_1168] {strides = array<i32>} : memref<400x64xbf16, #tpu.memory_space<vmem>>, vector<32xbf16>,
          %bitcast3A_1170 = vector.bitcast %get3A_1169 : vector<32xbf16> to vector<16xi32>
          %shift_left3A_1171 = arith.constant 16 : i32
          %shift_left3A_1172 = vector.broadcast %shift_left3A_1171 : i32 to vector<16xi32>
          %shift_left3A_1173 = arith.shli %bitcast3A_1170, %shift_left3A_1172 : vector<16xi32>
          %bitcast3A_1174 = vector.bitcast %shift_left3A_1173 : vector<16xi32> to vector<16xf32>
          %and3A_1175 = arith.andi %bitcast3A_1170, %broadcast_in_dim3A_229 : vector<16xi32>
          %bitcast3A_1176 = vector.bitcast %and3A_1175 : vector<16xi32> to vector<16xf32>
          %mul3A_1177 = arith.mulf %bitcast3A_1164, %bitcast3A_1174 : vector<16xf32>
          %add3A_1178 = arith.addf %add3A_1156, %mul3A_1177 : vector<16xf32>
          %mul3A_1179 = arith.mulf %bitcast3A_1166, %bitcast3A_1176 : vector<16xf32>
          %add3A_1180 = arith.addf %add3A_1178, %mul3A_1179 : vector<16xf32>
          %reduce_sum3A_1181 = arith.constant true
          %reduce_sum3A_1182 = vector.broadcast %reduce_sum3A_1181 : i1 to vector<16xi1>
          %reduce_sum3A_1183 = tpu.scan <sum>, %add3A_1180 masked %reduce_sum3A_1182 : vector<16xf32>, vector<16xi1> -> vector<16xf32>
          %reduce_sum3A_1184 = vector.extract %reduce_sum3A_1183[15] : f32 from vector<16xf32>
          %eq3A_1185 = arith.constant 14 : i32
          %eq3A_1186 = vector.broadcast %eq3A_1185 : i32 to vector<16xi32>
          %eq3A_1187 = arith.cmpi eq, %iota3A, %eq3A_1186 : vector<16xi32>
          %broadcast_in_dim3A_1188 = vector.broadcast %reduce_sum3A_1184 : f32 to vector<16xf32>
          %select_n3A_1189 = arith.select %eq3A_1187, %broadcast_in_dim3A_1188, %select_n3A_1126 : vector<16xi1>, vector<16xf32>
          %mul3A_1190 = arith.constant 16 : i32
          %mul3A_1191 = arith.muli %scan3A_248, %mul3A_1190 : i32
          %add3A_1192 = arith.constant 15 : i32
          %add3A_1193 = arith.addi %mul3A_1191, %add3A_1192 : i32
          %broadcast_in_dim3A_1194 = arith.constant 0.000000e+00 : f32
          %broadcast_in_dim3A_1195 = vector.broadcast %broadcast_in_dim3A_1194 : f32 to vector<16xf32>
          %get3A_1196 = arith.index_cast %add3A_1193 : i32 to index
          %get3A_1197 = arith.constant 0 : index
          %get3A_1198 = tpu.vector_load %arg11[%get3A_1196, %get3A_1197] {strides = array<i32>} : memref<400x64xbf16, #tpu.memory_space<vmem>>, vector<32xbf16>,
          %bitcast3A_1199 = vector.bitcast %get3A_1198 : vector<32xbf16> to vector<16xi32>
          %shift_left3A_1200 = arith.constant 16 : i32
          %shift_left3A_1201 = vector.broadcast %shift_left3A_1200 : i32 to vector<16xi32>
          %shift_left3A_1202 = arith.shli %bitcast3A_1199, %shift_left3A_1201 : vector<16xi32>
          %bitcast3A_1203 = vector.bitcast %shift_left3A_1202 : vector<16xi32> to vector<16xf32>
          %and3A_1204 = arith.andi %bitcast3A_1199, %broadcast_in_dim3A_229 : vector<16xi32>
          %bitcast3A_1205 = vector.bitcast %and3A_1204 : vector<16xi32> to vector<16xf32>
          %get3A_1206 = arith.index_cast %add3A_1193 : i32 to index
          %get3A_1207 = arith.constant 0 : index
          %get3A_1208 = tpu.vector_load %arg13[%get3A_1206, %get3A_1207] {strides = array<i32>} : memref<400x64xbf16, #tpu.memory_space<vmem>>, vector<32xbf16>,
          %bitcast3A_1209 = vector.bitcast %get3A_1208 : vector<32xbf16> to vector<16xi32>
          %shift_left3A_1210 = arith.constant 16 : i32
          %shift_left3A_1211 = vector.broadcast %shift_left3A_1210 : i32 to vector<16xi32>
          %shift_left3A_1212 = arith.shli %bitcast3A_1209, %shift_left3A_1211 : vector<16xi32>
          %bitcast3A_1213 = vector.bitcast %shift_left3A_1212 : vector<16xi32> to vector<16xf32>
          %and3A_1214 = arith.andi %bitcast3A_1209, %broadcast_in_dim3A_229 : vector<16xi32>
          %bitcast3A_1215 = vector.bitcast %and3A_1214 : vector<16xi32> to vector<16xf32>
          %mul3A_1216 = arith.mulf %bitcast3A_1203, %bitcast3A_1213 : vector<16xf32>
          %add3A_1217 = arith.addf %broadcast_in_dim3A_1195, %mul3A_1216 : vector<16xf32>
          %mul3A_1218 = arith.mulf %bitcast3A_1205, %bitcast3A_1215 : vector<16xf32>
          %add3A_1219 = arith.addf %add3A_1217, %mul3A_1218 : vector<16xf32>
          %get3A_1220 = arith.index_cast %add3A_1193 : i32 to index
          %get3A_1221 = arith.constant 32 : index
          %get3A_1222 = tpu.vector_load %arg11[%get3A_1220, %get3A_1221] {strides = array<i32>} : memref<400x64xbf16, #tpu.memory_space<vmem>>, vector<32xbf16>,
          %bitcast3A_1223 = vector.bitcast %get3A_1222 : vector<32xbf16> to vector<16xi32>
          %shift_left3A_1224 = arith.constant 16 : i32
          %shift_left3A_1225 = vector.broadcast %shift_left3A_1224 : i32 to vector<16xi32>
          %shift_left3A_1226 = arith.shli %bitcast3A_1223, %shift_left3A_1225 : vector<16xi32>
          %bitcast3A_1227 = vector.bitcast %shift_left3A_1226 : vector<16xi32> to vector<16xf32>
          %and3A_1228 = arith.andi %bitcast3A_1223, %broadcast_in_dim3A_229 : vector<16xi32>
          %bitcast3A_1229 = vector.bitcast %and3A_1228 : vector<16xi32> to vector<16xf32>
          %get3A_1230 = arith.index_cast %add3A_1193 : i32 to index
          %get3A_1231 = arith.constant 32 : index
          %get3A_1232 = tpu.vector_load %arg13[%get3A_1230, %get3A_1231] {strides = array<i32>} : memref<400x64xbf16, #tpu.memory_space<vmem>>, vector<32xbf16>,
          %bitcast3A_1233 = vector.bitcast %get3A_1232 : vector<32xbf16> to vector<16xi32>
          %shift_left3A_1234 = arith.constant 16 : i32
          %shift_left3A_1235 = vector.broadcast %shift_left3A_1234 : i32 to vector<16xi32>
          %shift_left3A_1236 = arith.shli %bitcast3A_1233, %shift_left3A_1235 : vector<16xi32>
          %bitcast3A_1237 = vector.bitcast %shift_left3A_1236 : vector<16xi32> to vector<16xf32>
          %and3A_1238 = arith.andi %bitcast3A_1233, %broadcast_in_dim3A_229 : vector<16xi32>
          %bitcast3A_1239 = vector.bitcast %and3A_1238 : vector<16xi32> to vector<16xf32>
          %mul3A_1240 = arith.mulf %bitcast3A_1227, %bitcast3A_1237 : vector<16xf32>
          %add3A_1241 = arith.addf %add3A_1219, %mul3A_1240 : vector<16xf32>
          %mul3A_1242 = arith.mulf %bitcast3A_1229, %bitcast3A_1239 : vector<16xf32>
          %add3A_1243 = arith.addf %add3A_1241, %mul3A_1242 : vector<16xf32>
          %reduce_sum3A_1244 = arith.constant true
          %reduce_sum3A_1245 = vector.broadcast %reduce_sum3A_1244 : i1 to vector<16xi1>
          %reduce_sum3A_1246 = tpu.scan <sum>, %add3A_1243 masked %reduce_sum3A_1245 : vector<16xf32>, vector<16xi1> -> vector<16xf32>
          %reduce_sum3A_1247 = vector.extract %reduce_sum3A_1246[15] : f32 from vector<16xf32>
          %eq3A_1248 = arith.constant 15 : i32
          %eq3A_1249 = vector.broadcast %eq3A_1248 : i32 to vector<16xi32>
          %eq3A_1250 = arith.cmpi eq, %iota3A, %eq3A_1249 : vector<16xi32>
          %broadcast_in_dim3A_1251 = vector.broadcast %reduce_sum3A_1247 : f32 to vector<16xf32>
          %select_n3A_1252 = arith.select %eq3A_1250, %broadcast_in_dim3A_1251, %select_n3A_1189 : vector<16xi1>, vector<16xf32>
          %mul3A_1253 = arith.constant 16 : i32
          %mul3A_1254 = arith.muli %scan3A_248, %mul3A_1253 : i32
          %swap3A = arith.constant 1 : i32
          %swap3A_1255 = arith.index_cast %swap3A : i32 to index
          %swap3A_1256 = arith.index_cast %mul3A_1254 : i32 to index
          %swap3A_1257 = tpu.vector_load %arg14[%swap3A_1255, %swap3A_1256] {strides = array<i32>} : memref<2x400xf32, #tpu.memory_space<vmem>>, vector<16xf32>,
          tpu.vector_store %arg14[%swap3A_1255, %swap3A_1256], %select_n3A_1252 {strides = array<i32>} : memref<2x400xf32, #tpu.memory_space<vmem>>, vector<16xf32>,
        }
        %scan3A_235 = arith.constant 25 : i32
        %mul3A_236 = arith.constant 400 : i32
        %mul3A_237 = arith.muli %add3A_132, %mul3A_236 : i32
        %add3A_238 = arith.addi %mul3A_2, %mul3A_237 : i32
        %dma_start3A_239 = arith.constant 1 : i32
        %dma_start3A_240 = arith.constant 0 : i32
        %dma_start3A_241 = tpu.memref_slice %arg14[%dma_start3A_239, %dma_start3A_240] : memref<2x400xf32, #tpu.memory_space<vmem>> -> memref<1x400xf32, #tpu.memory_space<vmem>>
        %dma_start3A_242 = tpu.memref_squeeze %dma_start3A_241 : memref<1x400xf32, #tpu.memory_space<vmem>> -> memref<400xf32, #tpu.memory_space<vmem>>
        %dma_start3A_243 = tpu.memref_slice %arg5[%add3A_238] : memref<320000xf32, #tpu.memory_space<hbm>> -> memref<400xf32, #tpu.memory_space<hbm>>
        %dma_start3A_244 = tpu.memref_slice %arg5[%add3A_238] : memref<320000xf32, #tpu.memory_space<hbm>> -> memref<400xf32, #tpu.memory_space<hbm>>
        %dma_start3A_245 = arith.constant 0 : i32
        %dma_start3A_246 = tpu.memref_slice %arg14[%dma_start3A_239, %dma_start3A_245] : memref<2x400xf32, #tpu.memory_space<vmem>> -> memref<1x400xf32, #tpu.memory_space<vmem>>
        %dma_start3A_247 = tpu.memref_squeeze %dma_start3A_246 : memref<1x400xf32, #tpu.memory_space<vmem>> -> memref<400xf32, #tpu.memory_space<vmem>>
        tpu.enqueue_dma source(%dma_start3A_247 : memref<400xf32, #tpu.memory_space<vmem>>) target(%dma_start3A_244 : memref<400xf32, #tpu.memory_space<hbm>>) target_semaphore(%arg19 : memref<!tpu.dma_semaphore, #tpu.memory_space<semaphore_mem>>)
      } else {
      }
    }
    %scan3A_97 = arith.constant 13 : i32
    %dma_wait3A_98 = arith.constant 0 : i32
    %dma_wait3A_99 = arith.constant 0 : i32
    %dma_wait3A_100 = tpu.memref_slice %arg14[%dma_wait3A_98, %dma_wait3A_99] : memref<2x400xf32, #tpu.memory_space<vmem>> -> memref<1x400xf32, #tpu.memory_space<vmem>>
    %dma_wait3A_101 = tpu.memref_squeeze %dma_wait3A_100 : memref<1x400xf32, #tpu.memory_space<vmem>> -> memref<400xf32, #tpu.memory_space<vmem>>
    %dma_wait3A_102 = arith.constant 0 : i32
    %dma_wait3A_103 = tpu.memref_slice %arg5[%dma_wait3A_102] : memref<320000xf32, #tpu.memory_space<hbm>> -> memref<400xf32, #tpu.memory_space<hbm>>
    %dma_wait3A_104 = arith.constant 0 : i32
    %dma_wait3A_105 = tpu.memref_slice %arg5[%dma_wait3A_104] : memref<320000xf32, #tpu.memory_space<hbm>> -> memref<400xf32, #tpu.memory_space<hbm>>
    %dma_wait3A_106 = arith.constant 0 : i32
    %dma_wait3A_107 = tpu.memref_slice %arg14[%dma_wait3A_98, %dma_wait3A_106] : memref<2x400xf32, #tpu.memory_space<vmem>> -> memref<1x400xf32, #tpu.memory_space<vmem>>
    %dma_wait3A_108 = tpu.memref_squeeze %dma_wait3A_107 : memref<1x400xf32, #tpu.memory_space<vmem>> -> memref<400xf32, #tpu.memory_space<vmem>>
    tpu.wait_dma2 semaphore(%arg18 : memref<!tpu.dma_semaphore, #tpu.memory_space<semaphore_mem>>) src(%dma_wait3A_108 : memref<400xf32, #tpu.memory_space<vmem>>) dst(%dma_wait3A_105 : memref<400xf32, #tpu.memory_space<hbm>>)
    %dma_wait3A_109 = arith.constant 1 : i32
    %dma_wait3A_110 = arith.constant 0 : i32
    %dma_wait3A_111 = tpu.memref_slice %arg14[%dma_wait3A_109, %dma_wait3A_110] : memref<2x400xf32, #tpu.memory_space<vmem>> -> memref<1x400xf32, #tpu.memory_space<vmem>>
    %dma_wait3A_112 = tpu.memref_squeeze %dma_wait3A_111 : memref<1x400xf32, #tpu.memory_space<vmem>> -> memref<400xf32, #tpu.memory_space<vmem>>
    %dma_wait3A_113 = arith.constant 0 : i32
    %dma_wait3A_114 = tpu.memref_slice %arg5[%dma_wait3A_113] : memref<320000xf32, #tpu.memory_space<hbm>> -> memref<400xf32, #tpu.memory_space<hbm>>
    %dma_wait3A_115 = arith.constant 0 : i32
    %dma_wait3A_116 = tpu.memref_slice %arg5[%dma_wait3A_115] : memref<320000xf32, #tpu.memory_space<hbm>> -> memref<400xf32, #tpu.memory_space<hbm>>
    %dma_wait3A_117 = arith.constant 0 : i32
    %dma_wait3A_118 = tpu.memref_slice %arg14[%dma_wait3A_109, %dma_wait3A_117] : memref<2x400xf32, #tpu.memory_space<vmem>> -> memref<1x400xf32, #tpu.memory_space<vmem>>
    %dma_wait3A_119 = tpu.memref_squeeze %dma_wait3A_118 : memref<1x400xf32, #tpu.memory_space<vmem>> -> memref<400xf32, #tpu.memory_space<vmem>>
    tpu.wait_dma2 semaphore(%arg19 : memref<!tpu.dma_semaphore, #tpu.memory_space<semaphore_mem>>) src(%dma_wait3A_119 : memref<400xf32, #tpu.memory_space<vmem>>) dst(%dma_wait3A_116 : memref<400xf32, #tpu.memory_space<hbm>>)
    return
  }
}

module attributes {stable_mosaic.version = 14 : i64} {
  func.func @body(%arg0: i32, %arg1: memref<2000x128xf32, #tpu.memory_space<vmem>>, %arg2: memref<64x128xf32, #tpu.memory_space<vmem>>, %arg3: memref<64x128xf32, #tpu.memory_space<vmem>>, %arg4: memref<2000x64xbf16, #tpu.memory_space<vmem>>, %arg5: memref<2000x64xbf16, #tpu.memory_space<vmem>>) attributes {dimension_semantics = [#tpu.dimension_semantics<arbitrary>], iteration_bounds = array<i64: 5>, scalar_prefetch = 0 : i64, scratch_operands = 0 : i64, tpu.core_type = #tpu.core_type<tc>, window_params = [{transform_indices = @transform_0, window_bounds = array<i64: 2000, 128>}, {pipeline_mode = #tpu.pipeline_mode<synchronous>, transform_indices = @transform_1, window_bounds = array<i64: 64, 128>}, {pipeline_mode = #tpu.pipeline_mode<synchronous>, transform_indices = @transform_2, window_bounds = array<i64: 64, 128>}, {transform_indices = @transform_3, window_bounds = array<i64: 2000, 64>}, {transform_indices = @transform_4, window_bounds = array<i64: 2000, 64>}]} {
    %get3A = arith.constant 0 : index
    %get3A_0 = arith.constant 0 : index
    %get3A_1 = vector.load %arg1[%get3A, %get3A_0] : memref<2000x128xf32, #tpu.memory_space<vmem>>, vector<2000x128xf32>
    %mul3A = arith.mulf %get3A_1, %get3A_1 : vector<2000x128xf32>
    %reduce_sum3A = arith.constant dense<0.000000e+00> : vector<2000xf32>
    %reduce_sum3A_2 = vector.multi_reduction <add>, %mul3A, %reduce_sum3A [1] : vector<2000x128xf32> to vector<2000xf32>
    %broadcast_in_dim3A = vector.shape_cast %reduce_sum3A_2 : vector<2000xf32> to vector<2000x1xf32>
    %sqrt3A = math.sqrt %broadcast_in_dim3A : vector<2000x1xf32>
    %max3A = arith.constant 9.99999996E-13 : f32
    %max3A_3 = vector.broadcast %max3A : f32 to vector<2000x1xf32>
    %max3A_4 = arith.maximumf %sqrt3A, %max3A_3 : vector<2000x1xf32>
    %div3A = arith.constant 1.000000e+00 : f32
    %div3A_5 = vector.broadcast %div3A : f32 to vector<2000x1xf32>
    %div3A_6 = arith.divf %div3A_5, %max3A_4 : vector<2000x1xf32>
    %mul3A_7 = vector.broadcast %div3A_6 : vector<2000x1xf32> to vector<2000x128xf32>
    %mul3A_8 = arith.mulf %get3A_1, %mul3A_7 : vector<2000x128xf32>
    %get3A_9 = arith.constant 0 : index
    %get3A_10 = arith.constant 0 : index
    %get3A_11 = vector.load %arg2[%get3A_9, %get3A_10] : memref<64x128xf32, #tpu.memory_space<vmem>>, vector<64x128xf32>
    %dot_general3A = arith.constant dense<0.000000e+00> : vector<2000x64xf32>
    %dot_general3A_12 = tpu.matmul %mul3A_8, %get3A_11, %dot_general3A {dimension_numbers = #tpu.dot_dimension_numbers<[1], [1], [0], [0], [0, 0, 1, 0], [], []>, transpose_lhs_hint = false} : vector<2000x128xf32>, vector<64x128xf32>, vector<2000x64xf32> -> vector<2000x64xf32>
    %mul3A_13 = arith.constant 1.250000e-01 : f32
    %mul3A_14 = vector.broadcast %mul3A_13 : f32 to vector<2000x64xf32>
    %mul3A_15 = arith.mulf %dot_general3A_12, %mul3A_14 : vector<2000x64xf32>
    %get3A_16 = arith.constant 0 : index
    %get3A_17 = arith.constant 0 : index
    %get3A_18 = vector.load %arg3[%get3A_16, %get3A_17] : memref<64x128xf32, #tpu.memory_space<vmem>>, vector<64x128xf32>
    %dot_general3A_19 = arith.constant dense<0.000000e+00> : vector<2000x64xf32>
    %dot_general3A_20 = tpu.matmul %mul3A_8, %get3A_18, %dot_general3A_19 {dimension_numbers = #tpu.dot_dimension_numbers<[1], [1], [0], [0], [0, 0, 1, 0], [], []>, transpose_lhs_hint = false} : vector<2000x128xf32>, vector<64x128xf32>, vector<2000x64xf32> -> vector<2000x64xf32>
    %convert_element_type3A = arith.truncf %mul3A_15 : vector<2000x64xf32> to vector<2000x64xbf16>
    %swap3A = arith.constant 0 : index
    %swap3A_21 = arith.constant 0 : index
    %swap3A_22 = vector.load %arg4[%swap3A, %swap3A_21] : memref<2000x64xbf16, #tpu.memory_space<vmem>>, vector<2000x64xbf16>
    tpu.vector_store %arg4[%swap3A, %swap3A_21], %convert_element_type3A {strides = array<i32>} : memref<2000x64xbf16, #tpu.memory_space<vmem>>, vector<2000x64xbf16>,
    %convert_element_type3A_23 = arith.truncf %dot_general3A_20 : vector<2000x64xf32> to vector<2000x64xbf16>
    %swap3A_24 = arith.constant 0 : index
    %swap3A_25 = arith.constant 0 : index
    %swap3A_26 = vector.load %arg5[%swap3A_24, %swap3A_25] : memref<2000x64xbf16, #tpu.memory_space<vmem>>, vector<2000x64xbf16>
    tpu.vector_store %arg5[%swap3A_24, %swap3A_25], %convert_element_type3A_23 {strides = array<i32>} : memref<2000x64xbf16, #tpu.memory_space<vmem>>, vector<2000x64xbf16>,
    return
  }
  func.func @transform_0(%arg0: i32) -> (i32, i32) {
    %c0_i32 = arith.constant 0 : i32
    %c0_i32_0 = arith.constant 0 : i32
    return %arg0, %c0_i32 : i32, i32
  }
  func.func @transform_1(%arg0: i32) -> (i32, i32) {
    %c0_i32 = arith.constant 0 : i32
    %c0_i32_0 = arith.constant 0 : i32
    %c0_i32_1 = arith.constant 0 : i32
    return %c0_i32, %c0_i32_0 : i32, i32
  }
  func.func @transform_2(%arg0: i32) -> (i32, i32) {
    %c0_i32 = arith.constant 0 : i32
    %c0_i32_0 = arith.constant 0 : i32
    %c0_i32_1 = arith.constant 0 : i32
    return %c0_i32, %c0_i32_0 : i32, i32
  }
  func.func @transform_3(%arg0: i32) -> (i32, i32) {
    %c0_i32 = arith.constant 0 : i32
    %c0_i32_0 = arith.constant 0 : i32
    return %arg0, %c0_i32 : i32, i32
  }
  func.func @transform_4(%arg0: i32) -> (i32, i32) {
    %c0_i32 = arith.constant 0 : i32
    %c0_i32_0 = arith.constant 0 : i32
    return %arg0, %c0_i32 : i32, i32
  }
}

</mosaic_0001>

<sc_bundles>
// kernel: kernel.4.cloned.1.call-start
scs
__scs_entry_jumppad:
0x0: {  	(pc) =	sbr.rel $0x88, $3  }
0x1: {  	(tag) =	ssettag $0x0;
	lr =	simm.s32 $0x1  }
0x2: {  	[smem:$0x3F9D] =	sst lr;
	_ =	strace $0xD0000000  }
0x3: {  	_ = 	snop  }
0x4: {  	_ = 	snop  }
0x5: {  	_ = 	snop  }
0x6: {  	_ = 	snop  }
0x7: {  	_ = 	snop  }
__scs_overlays_trampoline_lowered:
0x8: {  	[smem:$0x3FAC] =	sst s0  }
0x9: {  	[smem:$0x3FAD] =	sst s1  }
0xa: {  	[smem:$0x3FAE] =	sst s2  }
0xb: {  	[smem:$0x3FAF] =	sst s3  }
0xc: {  	[smem:$0x3FB0] =	sst s4  }
0xd: {  	[smem:$0x3FB1] =	sst s5  }
0xe: {  	[smem:$0x3FB2] =	sst s6  }
0xf: {  	[smem:$0x3FB3] =	sst s7  }
0x10: {  	[smem:$0x3FB4] =	sst s8  }
0x11: {  	[smem:$0x3FB5] =	sst s9;
	s0 =	simm.s32 @!p0 $0x0  }
0x12: {  	s1 =	sld [smem:$0x3F9B];
	s0 =	simm.s32 @p0 $0x1  }
0x13: {  	[smem:$0x3FB6] =	sst s0;
	s0 =	simm.s32 @!p1 $0x0  }
0x14: {  	s2 =	sld [smem:$0x3F9A];
	s0 =	simm.s32 @p1 $0x1  }
0x15: {  	[smem:$0x3FB7] =	sst s0;
	s0 =	simm.s32 @!p2 $0x0  }
0x16: {  	s3 =	sld [smem:$0x3FDB];
	s0 =	simm.s32 @p2 $0x1  }
0x17: {  	s4 =	simm.s32 $0x1BF5;
	[smem:$0x3FB9] =	sst s0  }
0x18: {  	s0 =	sld [smem:$0x3F9C];
	_ =	swait.ge [sflag:s4], $0x0  }
0x19: {  	s7 =	sld [smem:$0x3F9D]  }
0x1a: {  	s8 =	sadd.s32 $0xFFFFE003, lr  }
0x1b: {  	s9 =	sadd.s32 $0xFFFFFEF7, lr;
	s5 =	simm.s32 $0xFFFFFFFF;
	p2 =	slt.u32 s8, $0xFFFFF086  }
0x1c: {  	p1 =	slt.u32 s9, $0xF7A;
	s5 =	simm.s32 @!p2 $0x0  }
0x1d: {  	s5 =	simm.s32 @p1 $0x1;
	p0 =	seq.s32 s7, s2  }
0x1e: {  	s7 =	smul.u32 @!p0 $0xF7A, s2;
	p2 =	seq.s32 @!p0 s5, $0x0  }
0x1f: {  	s9 =	smul.u32 $0xF7A, s1;
	s8 =	simm.s32 @!p0 $0x1BF5;
	p2 =	por !p2, p0  }
0x20: {  	[sflag:s8] =	ssyncset.s32 @!p0 $0xFFFFF086;
	s6 =	sadd.s32 @!p0 s3, s7;
	s7 =	simm.s32 @!p0 $0x108  }
0x21: {  	s3 =	sadd.s32 s3, s9;
	s6 =	sadd.s32 @!p0 $0x88, s6;
	s7 =	simm.s32 @p2 $0x1082  }
0x22: {  	[simem:s7], [sflag:s8] =	dma.local @!p0 [hbm:s6], $0xF7A  }
0x23: {  	s9 =	sor.u32 $0xD0000000, s2;
	s6 =	simm.s32 $0x108;
	_ =	swait.ge @!p0 [sflag:s8], $0x0  }
0x24: {  	s3 =	sadd.s32 $0x88, s3;
	s6 =	simm.s32 @!p1 $0x1082;
	[sflag:s4] =	ssyncset.s32 $0xFFFFF086  }
0x25: {  	[simem:s6], [sflag:s4] =	dma.local [hbm:s3], $0xF7A  }
0x26: {  	[smem:$0x3F9D] =	sst s1;
	(tag) =	ssettag s2;
	_ =	strace s9  }
0x27: {  	s1 =	sld [smem:$0x3FAD]  }
0x28: {  	s2 =	sld [smem:$0x3FAE]  }
0x29: {  	s4 =	sld [smem:$0x3FB0]  }
0x2a: {  	p0 =	seq.s32 s5, $0x0;
	s5 =	sld [smem:$0x3FB1]  }
0x2b: {  	s6 =	sld [smem:$0x3FB2]  }
0x2c: {  	s7 =	sld [smem:$0x3FB3]  }
0x2d: {  	s3 =	simm.s32 $0x108;
	s8 =	sld [smem:$0x3FB4]  }
0x2e: {  	s3 =	simm.s32 @!p0 $0x1082;
	s9 =	sld [smem:$0x3FB5]  }
0x2f: {  	lr =	sadd.s32 s0, s3;
	s0 =	sld [smem:$0x3FAC]  }
0x30: {  	s3 =	sld [smem:$0x3FAF]  }
0x31: {  	[smem:$0x3FB8] =	sst s10  }
0x32: {  	s10 =	sld [smem:$0x3FB6];
	_ =	sdelay $0x3  }
0x33: {  	p0 =	seq.s32 s10, $0x1;
	s10 =	sld [smem:$0x3FB8];
	_ =	sdelay $0x3  }
0x34: {  	[smem:$0x3FB8] =	sst s10  }
0x35: {  	s10 =	sld [smem:$0x3FB7];
	_ =	sdelay $0x3  }
0x36: {  	p1 =	seq.s32 s10, $0x1;
	s10 =	sld [smem:$0x3FB8];
	_ =	sdelay $0x3  }
0x37: {  	[smem:$0x3FB8] =	sst s10  }
0x38: {  	s10 =	sld [smem:$0x3FB9]  }
0x39: {  	_ = 	snop;
	(pc) =	sbr.ind lr, $3  }
0x3a: {  	_ = 	snop  }
0x3b: {  	_ = 	snop  }
0x3c: {  	p2 =	seq.s32 s10, $0x1;
	s10 =	sld [smem:$0x3FB8]  }
0x3d: {  	_ =	shalt  }
0x3e: {  	_ =	shalt  }
0x3f: {  	_ =	shalt  }
0x40: {  	_ =	shalt  }
0x41: {  	_ =	shalt  }
0x42: {  	_ =	shalt  }
0x43: {  	_ =	shalt  }
0x44: {  	_ =	shalt  }
0x45: {  	_ =	shalt  }
0x46: {  	_ =	shalt  }
0x47: {  	_ =	shalt  }
0x48: {  	_ =	shalt  }
0x49: {  	_ =	shalt  }
0x4a: {  	_ =	shalt  }
0x4b: {  	_ =	shalt  }
0x4c: {  	_ =	shalt  }
0x4d: {  	_ =	shalt  }
0x4e: {  	_ =	shalt  }
0x4f: {  	_ =	shalt  }
0x50: {  	_ =	shalt  }
0x51: {  	_ =	shalt  }
0x52: {  	_ =	shalt  }
0x53: {  	_ =	shalt  }
0x54: {  	_ =	shalt  }
0x55: {  	_ =	shalt  }
0x56: {  	_ =	shalt  }
0x57: {  	_ =	shalt  }
0x58: {  	_ =	shalt  }
0x59: {  	_ =	shalt  }
0x5a: {  	_ =	shalt  }
0x5b: {  	_ =	shalt  }
0x5c: {  	_ =	shalt  }
0x5d: {  	_ =	shalt  }
0x5e: {  	_ =	shalt  }
0x5f: {  	_ =	shalt  }
0x60: {  	_ =	shalt  }
0x61: {  	_ =	shalt  }
0x62: {  	_ =	shalt  }
0x63: {  	_ =	shalt  }
0x64: {  	_ =	shalt  }
0x65: {  	_ =	shalt  }
0x66: {  	_ =	shalt  }
0x67: {  	_ =	shalt  }
0x68: {  	_ =	shalt  }
0x69: {  	_ =	shalt  }
0x6a: {  	_ =	shalt  }
0x6b: {  	_ =	shalt  }
0x6c: {  	_ =	shalt  }
0x6d: {  	_ =	shalt  }
0x6e: {  	_ =	shalt  }
0x6f: {  	_ =	shalt  }
0x70: {  	_ =	shalt  }
0x71: {  	_ =	shalt  }
0x72: {  	_ =	shalt  }
0x73: {  	_ =	shalt  }
0x74: {  	_ =	shalt  }
0x75: {  	_ =	shalt  }
0x76: {  	_ =	shalt  }
0x77: {  	_ =	shalt  }
0x78: {  	_ =	shalt  }
0x79: {  	_ =	shalt  }
0x7a: {  	_ =	shalt  }
0x7b: {  	_ =	shalt  }
0x7c: {  	_ =	shalt  }
0x7d: {  	_ =	shalt  }
0x7e: {  	_ =	shalt  }
0x7f: {  	_ =	shalt  }
0x80: {  	_ =	shalt  }
0x81: {  	_ =	shalt  }
0x82: {  	_ =	shalt  }
0x83: {  	_ =	shalt  }
0x84: {  	_ =	shalt  }
0x85: {  	_ =	shalt  }
0x86: {  	_ =	shalt  }
0x87: {  	_ =	shalt  }
.Lfunc_end0:
.L_simem_size_0:
called_computation_lowered:
.L_overlay_start_0:
0x88: {  	s2 =	sld [smem:$0x3FD9]  }
0x89: {  	s3 =	sld [smem:$0x3FFE];
	_ =	sdelay $0x1  }
0x8a: {  	s1 =	srdreg.scid  }
0x8b: {  	s0 =	sand.u32 $0x1, s1  }
0x8c: {  	s17 =	sshll.u32 s0, $0xA;
	s2 =	sadd.s32 s3, s2  }
0x8d: {  	s2 =	sadd.s32 s2, s17  }
0x8e: {  	[smem:$0x3FC4] =	sst s2  }
0x8f: {  	_ = 	snop  }
0x90: {  	s2 =	sld [smem:$0x3FD0];
	(tm) =	ssettm $0x1  }
0x91: {  	s18 =	sld [smem:$0x3FFB];
	_ =	sdelay $0x3  }
0x92: {  	_ =	strace s18  }
0x93: {  	s3 =	sld [smem:$0x3FFC];
	_ =	sdelay $0x3  }
0x94: {  	_ =	strace s3  }
0x95: {  	s3 =	sld [smem:$0x3FFD];
	_ =	sdelay $0x3  }
0x96: {  	_ =	strace s3  }
0x97: {  	_ =	strace $0x8FFFFFFF  }
0x98: {  	s19 =	sld [smem:$0x3FDB];
	_ =	sdelay $0x1  }
0x99: {  	s4 =	simm.s32 $_scs_section_size  }
0x9a: {  	s5 =	simm.s32 $_size__tile_overlayer_lowered;
	s6 =	simm.s32 $_tile_overlayer_lowered  }
0x9b: {  	s22 =	simm.s32 $0x1BFF;
	s21 =	sshll.u32 s6, $0x1;
	s3 =	sadd.s32 s4, s19  }
0x9c: {  	s7 =	simm.s32 $0x0;
	s20 =	sshll.u32 s5, $0x1;
	s5 =	sadd.s32 s21, s3  }
0x9d: {  	[timem:s7], [sflag:s22] =	dma.local [hbm:s5], s20  }
0x9e: {  	_ =	swait.ge [sflag:s22], s20  }
0x9f: {  	s4 =	ssub.s32 $0x0, s20;
	[sflag:s22] =	ssyncset.done $0x0  }
0xa0: {  	[sflag:s22] =	ssyncadd.s32 s4;
	_ =	sdelay $0x1  }
0xa1: {  	s23 =	simm.s32 $0x1B8B  }
0xa2: {  	_ =	swait.ge [sflag:s23], $0x1  }
0xa3: {  	[sflag:s23] =	ssyncset.done $0x0  }
0xa4: {  	s25 =	simm.s32 $0x1B8E;
	s24 =	sld [smem:$0x3FFE];
	[sflag:s23] =	ssyncadd.s32 $0xFFFFFFFF  }
0xa5: {  	s26 =	simm.s32 $execute0_lowered;
	[smem:$0x3FD2] =	sst s25  }
0xa6: {  	s5 =	sshll.u32 s26, $0x1;
	_ =	strace $0x80000046;
	[dreg:$0x1] =	wrdreg $0xFFFFFFFF  }
0xa7: {  	s28 =	simm.s32 $_size_execute0_lowered;
	s3 =	sadd.s32 s3, s5;
	[dreg:$0x0] =	wrdreg $0x0  }
0xa8: {  	s5 =	sshll.u32 s28, $0x1;
	[dreg:$0x2] =	wrdreg s3  }
0xa9: {  	[dreg:$0x3] =	wrdreg s5  }
0xaa: {  	[dreg:$0x4] =	wrdreg $0xC0  }
0xab: {  	_ =	task [dreg:s7], $0x5FFFF  }
0xac: {  	[dreg:$0x1] =	wrdreg $0xFFFFFFFF  }
0xad: {  	[dreg:$0x0] =	wrdreg $0x60  }
0xae: {  	[dreg:$0x2] =	wrdreg s24  }
0xaf: {  	[dreg:$0x3] =	wrdreg s2  }
0xb0: {  	[dreg:$0x4] =	wrdreg $0x0  }
0xb1: {  	[dreg:$0x5] =	wrdreg $0x4E200  }
0xb2: {  	[dreg:$0x6] =	wrdreg $0x9  }
0xb3: {  	_ =	task.clear_ibuf [dreg:s7], $0x7FFFF;
	_ =	strace $0x90000046  }
0xb4: {  	s29 =	simm.s32 $0x9;
	_ =	strace $0x80000048  }
0xb5: {  	_ =	swait.ge [sflag:s29], $0x1  }
0xb6: {  	[sflag:s29] =	ssyncadd.s32 $0xFFFFFFFF  }
0xb7: {  	_ =	strace $0x90000048  }
0xb8: {  	_ =	sfence  }
0xb9: {  	s30 =	sld [smem:$0x0];
	_ =	sdelay $0x2  }
0xba: {  	s31 =	sshll.u32 s1, $0xD;
	s1 =	sshrl.u32 s1, $0x2  }
0xbb: {  	s3 =	sand.u32 $0x4000, s31;
	s1 =	sadd.s32 s1, s30  }
0xbc: {  	s0 =	sor.u32 s3, s0;
	s1 =	sshll.u32 s1, $0x11  }
0xbd: {  	s0 =	sor.u32 s1, s0  }
0xbe: {  	s0 =	sadd.s32 $0x8F2B, s0  }
0xbf: {  	[sflag:s0] =	ssyncadd.remote.s32 $0x1  }
0xc0: {  	_ =	sfence.sel $0xFFFF  }
0xc1: {  	[dreg:$0x0] =	wrdreg $0xFFFFFFFF;
	(pc) =	sbr.abs _section_cstart, $3  }
0xc2: {  	[dreg:$0x1] =	wrdreg $0xFFFFFFFF  }
0xc3: {  	_ =	task.clear_ibuf [dreg:s7], $0x2FFFF;
	_ =	strace $0x9FFFFFFF  }
0xc4: {  	(tm) =	ssettm $0x7FFFFFFF  }
0xc5: {  	_ =	shalt  }
tec
execute0_lowered:
.L_overlay_start_1:
0x0: {  	(tag) =	ssettag $0x1  }
0x1: {  	s2 =	rddreg [dreg:$0x0]  }
0x2: {  	s0 =	rddreg [dreg:$0x1]  }
0x3: {  	s1 =	rddreg [dreg:$0x2];
	s4 =	srdreg.scid  }
0x4: {  	s6 =	stileid.u32;
	s3 =	rddreg [dreg:$0x3];
	s15 =	simm.s32 $0x1  }
0x5: {  	s16 =	simm.s32 $0x50;
	s17 =	simm.s32 $0xEA60;
	s18 =	simm.s32 $0x14E60  }
0x6: {  	s20 =	simm.s32 $0xF460;
	s22 =	simm.s32 $0x15860;
	s29 =	simm.s32 $0x10860  }
0x7: {  	s31 =	simm.s32 $0x16C60;
	s19 =	simm.s32 $0x11260;
	s28 =	simm.s32 $0x1B260  }
0x8: {  	s30 =	simm.s32 $0x3;
	s21 =	simm.s32 $0x4;
	s11 =	simm.s32 $0x5  }
0x9: {  	s12 =	simm.s32 $0x0;
	s7 =	sand.u32 $0x1, s4;
	s5 =	sshll.u32 s6, $0x1  }
0xa: {  	s4 =	simm.s32 $0x0;
	s8 =	sadd.s32 $0xAC00, s2;
	s9 =	sadd.s32 $0xE00, s2  }
0xb: {  	p0 =	sne.s32 s6, $0x0;
	s5 =	sor.u32 s7, s5;
	[smem:$0x7FF] =	sst s4  }
0xc: {  	s7 =	ssub.s32 $0x2, s7;
	s14 =	sshrl.u32 @!p0 s3, $0x3;
	s5 =	smul.u32 $0x2710, s5  }
0xd: {  	_ =	strace $0x80000047;
	[dreg:$0x5] =	wrdreg s8;
	s24 =	sshrl.u32 s7, $0x1  }
0xe: {  	[dreg:$0x6] =	wrdreg s9;
	s7 =	ssub.s32 s7, s24;
	s23 =	sshrl.u32 s5, $0x3  }
.Ltmp0:
0xf: {  	vm0 =	vmmov $0x1;
	vm1 =	vmmov $0x3;
	vm2 =	vmmov $0x7;
	s26 =	smax.u32 s7, $0x1;
	s2 =	sadd.s32 s23, s2;
	(pc) =	sbr.rel .LBB2_1-.Ltmp0, $4  }
0x10: {  	vm3 =	vmmov $0xf;
	vm4 =	vmmov $0x1f;
	vm5 =	vmmov $0x3f;
	s24 =	simm.s32 $0xFE60;
	[dreg:$0x9] =	wrdreg s26;
	s25 =	sadd.s32 $0x14A00, s2  }
0x11: {  	vm6 =	vmmov $0x7f;
	vm7 =	vmmov $0xff;
	vm8 =	vmmov $0x1ff;
	s26 =	simm.s32 $0x16260;
	s2 =	sadd.s32 $0x1E640, s2;
	[dreg:$0x7] =	wrdreg s25  }
0x12: {  	vm9 =	vmmov $0x3ff;
	vm10 =	vmmov $0x7ff;
	vm11 =	vmmov $0xfff;
	s23 =	simm.s32 $0x17660;
	[dreg:$0x8] =	wrdreg s2;
	s2 =	sshrl.u32 @!p0 s1, $0x3  }
0x13: {  	vm12 =	vmmov $0x1fff;
	vm13 =	vmmov $0x3fff;
	vm14 =	vmmov $0x7fff;
	s25 =	simm.s32 $0x2;
	[dreg:$0xa] =	wrdreg s2;
	s2 =	simm.s32 $0x1B3F0  }
.LBB2_9:
0x14: {  	_ =	swait.ge [sflag:s21], $0x190  }
0x15: {  	[sflag:s21] =	ssyncset.done $0x0  }
0x16: {  	[sflag:s21] =	ssyncadd.s32 $0xFFFFFE70  }
0x17: {  	_ =	swait.ge [sflag:s11], $0x190  }
0x18: {  	s12 =	sadd.s32 $0x1, s12;
	s6 =	rddreg [dreg:$0x9]  }
0x19: {  	p1 =	sne.s32 s12, s6  }
.Ltmp1:
0x1a: {  	_ = 	snop;
	(pc) =	sbr.rel @!p1 .LBB2_10-.Ltmp1, $3  }
0x1b: {  	_ =	sdelay $0x1  }
0x1c: {  	[sflag:s11] =	ssyncset.done $0x0  }
0x1d: {  	[sflag:s11] =	ssyncadd.s32 $0xFFFFFE70  }
.LBB2_1:
0x1e: {  	s6 =	rddreg [dreg:$0x7]  }
0x1f: {  	s9 =	simm.s32 $0x9C40;
	s8 =	rddreg [dreg:$0x8]  }
0x20: {  	[tilespmem:s9], [sflag:$0x1] =	stream.linear.gather [hbm4b:s6+s4], $0x2710, $0x38;
	[tilespmem:$0x1B580] =	vst v63  }
0x21: {  	s10 =	simm.s32 $0xC350;
	s7 =	rddreg [dreg:$0x5]  }
0x22: {  	[tilespmem:s10], [sflag:$0x1] =	stream.linear.gather [hbm4b:s8+s4], $0x2710, $0x38;
	[tilespmem:$0x1B580] =	vst v63  }
0x23: {  	s6 =	simm.s32 @!p0 $0x1C06;
	s8 =	rddreg [dreg:$0xa]  }
0x24: {  	[spmem:s8], [sflag:s6] =	dma.local @!p0 [hbm:s7], $0x9C40  }
0x25: {  	s7 =	simm.s32 @!p0 $0x6  }
0x26: {  	_ =	swait.ge @!p0 [sflag:s7], $0x9C40  }
0x27: {  	[sflag:s7] =	ssyncset.done @!p0 $0x0  }
0x28: {  	s8 =	rddreg [dreg:$0x6];
	[sflag:s7] =	ssyncadd.s32 @!p0 $0xFFFF63C0  }
0x29: {  	[spmem:s14], [sflag:s6] =	dma.local @!p0 [hbm:s8], $0x9C40  }
0x2a: {  	_ =	swait.ge @!p0 [sflag:s7], $0x9C40  }
0x2b: {  	[sflag:s7] =	ssyncset.done @!p0 $0x0  }
0x2c: {  	[sflag:s7] =	ssyncadd.s32 @!p0 $0xFFFF63C0  }
0x2d: {  	_ =	swait.ge [sflag:s15], $0x2710  }
0x2e: {  	[sflag:s15] =	ssyncset.done $0x0  }
0x2f: {  	[sflag:s15] =	ssyncadd.s32 $0xFFFFD8F0  }
0x30: {  	_ =	swait.ge [sflag:s15], $0x2710  }
0x31: {  	[sflag:s15] =	ssyncset.done $0x0  }
0x32: {  	[sflag:s15] =	ssyncadd.s32 $0xFFFFD8F0  }
0x33: {  	[bflag:$0x0] =	sbarrier.arrive $0xFFFF  }
0x34: {  	[tilespmem:s17], [sflag:$0x2] =	stream.indirect.gather [spmem:s1], $0x20, s9, s16, $0xb8;
	[tilespmem:$0x1B580] =	vst v63  }
0x35: {  	_ = 	snop  }
0x36: {  	[tilespmem:s18], [sflag:$0x2] =	stream.indirect.gather [spmem:s3], $0x20, s10, s16, $0xb8;
	[tilespmem:$0x1B580] =	vst v63  }
0x37: {  	s9 =	simm.s32 $0x9C90  }
0x38: {  	[tilespmem:s20], [sflag:$0x2] =	stream.indirect.gather [spmem:s1], $0x20, s9, s16, $0xb8;
	[tilespmem:$0x1B580] =	vst v63  }
0x39: {  	s10 =	simm.s32 $0xC3A0  }
0x3a: {  	[tilespmem:s22], [sflag:$0x2] =	stream.indirect.gather [spmem:s3], $0x20, s10, s16, $0xb8;
	[tilespmem:$0x1B580] =	vst v63  }
0x3b: {  	s13 =	simm.s32 $0x9CE0  }
0x3c: {  	[tilespmem:s24], [sflag:$0x2] =	stream.indirect.gather [spmem:s1], $0x20, s13, s16, $0xb8;
	[tilespmem:$0x1B580] =	vst v63  }
0x3d: {  	s7 =	simm.s32 $0xC3F0  }
0x3e: {  	[tilespmem:s26], [sflag:$0x2] =	stream.indirect.gather [spmem:s3], $0x20, s7, s16, $0xb8;
	[tilespmem:$0x1B580] =	vst v63  }
0x3f: {  	s8 =	simm.s32 $0x9D30  }
0x40: {  	[tilespmem:s29], [sflag:$0x2] =	stream.indirect.gather [spmem:s1], $0x20, s8, s16, $0xb8;
	[tilespmem:$0x1B580] =	vst v63  }
0x41: {  	s9 =	simm.s32 $0xC440  }
0x42: {  	[tilespmem:s31], [sflag:$0x2] =	stream.indirect.gather [spmem:s3], $0x20, s9, s16, $0xb8;
	[tilespmem:$0x1B580] =	vst v63  }
.Ltmp2:
0x43: {  	_ = 	snop;
	(pc) =	sbr.rel .LBB2_2-.Ltmp2, $4  }
0x44: {  	s10 =	simm.s32 $0x9D80  }
0x45: {  	[tilespmem:s19], [sflag:$0x2] =	stream.indirect.gather [spmem:s1], $0x20, s10, s16, $0xb8;
	[tilespmem:$0x1B580] =	vst v63  }
0x46: {  	s6 =	simm.s32 $0x0;
	s13 =	simm.s32 $0xC490  }
0x47: {  	[tilespmem:s23], [sflag:$0x2] =	stream.indirect.gather [spmem:s3], $0x20, s13, s16, $0xb8;
	[tilespmem:$0x1B580] =	vst v63  }
.LBB2_8:
0x48: {  	s6 =	sadd.s32 $0x1, s6  }
0x49: {  	p1 =	sne.s32 s6, $0xD  }
.Ltmp3:
0x4a: {  	_ = 	snop;
	(pc) =	sbr.rel @!p1 .LBB2_9-.Ltmp3, $1  }
0x4b: {  	_ =	sdelay $0x3  }
.LBB2_2:
0x4c: {  	s7 =	sshllo.u32 s6, $0x1  }
0x4d: {  	p1 =	sgt.u32 s7, $0x18  }
0x4e: {  	s8 =	smul.u32 @!p1 $0x190, s7;
	_ =	sdelay $0x1  }
0x4f: {  	s10 =	simm.s32 @!p1 $0x50;
	s13 =	simm.s32 @!p1 $0x11C60;
	s9 =	sadd.s32 @!p1 $0x9C40, s8  }
0x50: {  	[tilespmem:s13], [sflag:$0x3] =	stream.indirect.gather @!p1 [spmem:s1], $0x20, s9, s10, $0xb8;
	[tilespmem:$0x1B580] =	vst v63  }
0x51: {  	s9 =	sadd.s32 @!p1 $0xC350, s8;
	s13 =	simm.s32 @!p1 $0x18060  }
0x52: {  	[tilespmem:s13], [sflag:$0x3] =	stream.indirect.gather @!p1 [spmem:s3], $0x20, s9, s10, $0xb8;
	[tilespmem:$0x1B580] =	vst v63  }
0x53: {  	s9 =	sadd.s32 @!p1 $0x9C90, s8;
	s13 =	simm.s32 @!p1 $0x12660  }
0x54: {  	[tilespmem:s13], [sflag:$0x3] =	stream.indirect.gather @!p1 [spmem:s1], $0x20, s9, s10, $0xb8;
	[tilespmem:$0x1B580] =	vst v63  }
0x55: {  	s9 =	sadd.s32 @!p1 $0xC3A0, s8;
	s13 =	simm.s32 @!p1 $0x18A60  }
0x56: {  	[tilespmem:s13], [sflag:$0x3] =	stream.indirect.gather @!p1 [spmem:s3], $0x20, s9, s10, $0xb8;
	[tilespmem:$0x1B580] =	vst v63  }
0x57: {  	s9 =	sadd.s32 @!p1 $0x9CE0, s8;
	s13 =	simm.s32 @!p1 $0x13060  }
0x58: {  	[tilespmem:s13], [sflag:$0x3] =	stream.indirect.gather @!p1 [spmem:s1], $0x20, s9, s10, $0xb8;
	[tilespmem:$0x1B580] =	vst v63  }
0x59: {  	s9 =	sadd.s32 @!p1 $0xC3F0, s8;
	s13 =	simm.s32 @!p1 $0x19460  }
0x5a: {  	[tilespmem:s13], [sflag:$0x3] =	stream.indirect.gather @!p1 [spmem:s3], $0x20, s9, s10, $0xb8;
	[tilespmem:$0x1B580] =	vst v63  }
0x5b: {  	s9 =	sadd.s32 @!p1 $0x9D30, s8;
	s13 =	simm.s32 @!p1 $0x13A60  }
0x5c: {  	[tilespmem:s13], [sflag:$0x3] =	stream.indirect.gather @!p1 [spmem:s1], $0x20, s9, s10, $0xb8;
	[tilespmem:$0x1B580] =	vst v63  }
0x5d: {  	s9 =	sadd.s32 @!p1 $0xC440, s8;
	s13 =	simm.s32 @!p1 $0x19E60  }
0x5e: {  	[tilespmem:s13], [sflag:$0x3] =	stream.indirect.gather @!p1 [spmem:s3], $0x20, s9, s10, $0xb8;
	[tilespmem:$0x1B580] =	vst v63  }
0x5f: {  	s9 =	sadd.s32 @!p1 $0x9D80, s8;
	s13 =	simm.s32 @!p1 $0x14460  }
0x60: {  	[tilespmem:s13], [sflag:$0x3] =	stream.indirect.gather @!p1 [spmem:s1], $0x20, s9, s10, $0xb8;
	[tilespmem:$0x1B580] =	vst v63  }
0x61: {  	s8 =	sadd.s32 @!p1 $0xC490, s8;
	s9 =	simm.s32 @!p1 $0x1A860  }
0x62: {  	[tilespmem:s9], [sflag:$0x3] =	stream.indirect.gather @!p1 [spmem:s3], $0x20, s8, s10, $0xb8;
	[tilespmem:$0x1B580] =	vst v63  }
0x63: {  	_ =	swait.ge [sflag:s25], $0xA00  }
0x64: {  	[sflag:s25] =	ssyncset.done $0x0  }
0x65: {  	[sflag:s25] =	ssyncadd.s32 $0xFFFFF600  }
0x66: {  	_ =	swait.ge [sflag:s25], $0xA00  }
0x67: {  	[sflag:s25] =	ssyncset.done $0x0  }
0x68: {  	[sflag:s25] =	ssyncadd.s32 $0xFFFFF600  }
0x69: {  	_ =	swait.ge [sflag:s25], $0xA00  }
0x6a: {  	[sflag:s25] =	ssyncset.done $0x0  }
0x6b: {  	[sflag:s25] =	ssyncadd.s32 $0xFFFFF600  }
0x6c: {  	_ =	swait.ge [sflag:s25], $0xA00  }
0x6d: {  	[sflag:s25] =	ssyncset.done $0x0  }
0x6e: {  	[sflag:s25] =	ssyncadd.s32 $0xFFFFF600  }
0x6f: {  	_ =	swait.ge [sflag:s25], $0xA00  }
0x70: {  	[sflag:s25] =	ssyncset.done $0x0  }
0x71: {  	[sflag:s25] =	ssyncadd.s32 $0xFFFFF600  }
0x72: {  	_ =	swait.ge [sflag:s25], $0xA00  }
0x73: {  	[sflag:s25] =	ssyncset.done $0x0  }
0x74: {  	[sflag:s25] =	ssyncadd.s32 $0xFFFFF600  }
0x75: {  	_ =	swait.ge [sflag:s25], $0xA00  }
0x76: {  	[sflag:s25] =	ssyncset.done $0x0  }
0x77: {  	[sflag:s25] =	ssyncadd.s32 $0xFFFFF600  }
0x78: {  	_ =	swait.ge [sflag:s25], $0xA00  }
0x79: {  	[sflag:s25] =	ssyncset.done $0x0  }
0x7a: {  	[sflag:s25] =	ssyncadd.s32 $0xFFFFF600  }
0x7b: {  	_ =	swait.ge [sflag:s25], $0xA00  }
0x7c: {  	[sflag:s25] =	ssyncset.done $0x0  }
0x7d: {  	[sflag:s25] =	ssyncadd.s32 $0xFFFFF600  }
0x7e: {  	_ =	swait.ge [sflag:s25], $0xA00  }
0x7f: {  	p2 =	seq.s32 s6, $0x0;
	[sflag:s25] =	ssyncset.done $0x0  }
0x80: {  	s8 =	simm.s32 @!p2 $0x4;
	[sflag:s25] =	ssyncadd.s32 $0xFFFFF600  }
0x81: {  	_ =	swait.ge @!p2 [sflag:s8], $0x190  }
0x82: {  	[sflag:s8] =	ssyncset.done @!p2 $0x0  }
0x83: {  	s13 =	simm.s32 $0x1F0;
	[sflag:s8] =	ssyncadd.s32 @!p2 $0xFFFFFE70  }
0x84: {  	v1 =	vld [tilespmem:s13+$0xEA40]  }
0x85: {  	v2 =	vld [tilespmem:s13+$0xEA30]  }
0x86: {  	v3 =	vld [tilespmem:s13+$0x14E30]  }
0x87: {  	v4 =	vld [tilespmem:s13+$0x14E40]  }
0x88: {  	v7 =	vld [tilespmem:s13+$0xEA00]  }
0x89: {  	v11 =	vld [tilespmem:s13+$0x14E00]  }
0x8a: {  	v17 =	vld [tilespmem:s13+$0x14DD0]  }
0x8b: {  	v24 =	vld [tilespmem:s13+$0xE970]  }
0x8c: {  	v32 =	vld [tilespmem:s13+$0xE8E0]  }
0x8d: {  	v52 =	vld [tilespmem:s13+$0x14CC0];
	v8 =	vshll.u32 v2, $0x10;
	v9 =	vshll.u32 v3, $0x10  }
0x8e: {  	v35 =	vld [tilespmem:s13+$0xE8F0];
	v10 =	vand.u32 $0xFFFF0000, v1;
	v1 =	vshll.u32 v1, $0x10;
	v2 =	vand.u32 $0xFFFF0000, v2  }
0x8f: {  	v5 =	vld [tilespmem:s13+$0xEA50];
	v3 =	vand.u32 $0xFFFF0000, v3;
	v15 =	vshll.u32 v7, $0x10;
	v7 =	vand.u32 $0xFFFF0000, v7  }
0x90: {  	v6 =	vld [tilespmem:s13+$0x14E50];
	v16 =	vshll.u32 v11, $0x10;
	v11 =	vand.u32 $0xFFFF0000, v11;
	v22 =	vshll.u32 v17, $0x10  }
0x91: {  	v58 =	vld [tilespmem:s13+$0x14CB0];
	v17 =	vand.u32 $0xFFFF0000, v17;
	v27 =	vshll.u32 v24, $0x10;
	v24 =	vand.u32 $0xFFFF0000, v24  }
0x92: {  	v59 =	vld [tilespmem:s13+$0x14C80];
	v53 =	vshll.u32 v32, $0x10;
	v32 =	vand.u32 $0xFFFF0000, v32;
	v8 =	vmul.f32 v9, v8  }
0x93: {  	v12 =	vld [tilespmem:s13+$0xE9E0];
	v55 =	vand.u32 $0xFFFF0000, v52;
	v57 =	vand.u32 $0xFFFF0000, v35;
	v9 =	vand.u32 $0xFFFF0000, v4  }
0x94: {  	v13 =	vld [tilespmem:s13+$0x14DE0];
	v4 =	vshll.u32 v4, $0x10;
	v3 =	vmul.f32 v3, v2;
	v8 =	vadd.f32 $0.0e+00, v8  }
0x95: {  	v14 =	vld [tilespmem:s13+$0xE9F0];
	v2 =	vshll.u32 v5, $0x10;
	v4 =	vmul.f32 v4, v1;
	v1 =	vand.u32 $0xFFFF0000, v5  }
0x96: {  	v5 =	vadd.f32 v8, v3;
	v3 =	vshll.u32 v6, $0x10;
	v6 =	vand.u32 $0xFFFF0000, v6;
	v8 =	vld [tilespmem:s13+$0x14DF0]  }
0x97: {  	v40 =	vshll.u32 v58, $0x10;
	v62 =	vand.u32 $0xFFFF0000, v59;
	v1 =	vmul.f32 v6, v1;
	v6 =	vld [tilespmem:s13+$0xE9D0]  }
0x98: {  	v15 =	vmul.f32 v16, v15;
	v9 =	vmul.f32 v9, v10;
	v5 =	vadd.f32 v4, v5  }
0x99: {  	v11 =	vmul.f32 v11, v7;
	v7 =	vand.u32 $0xFFFF0000, v12;
	v16 =	vand.u32 $0xFFFF0000, v13;
	v10 =	vld [tilespmem:s13+$0xEA10]  }
0x9a: {  	v18 =	vld [tilespmem:s13+$0x14E10];
	v9 =	vadd.f32 v5, v9;
	v5 =	vshll.u32 v12, $0x10;
	v12 =	vshll.u32 v13, $0x10  }
0x9b: {  	v13 =	vmul.f32 v16, v7;
	v7 =	vand.u32 $0xFFFF0000, v14;
	v14 =	vshll.u32 v14, $0x10  }
0x9c: {  	v19 =	vshll.u32 v8, $0x10;
	v8 =	vand.u32 $0xFFFF0000, v8;
	v21 =	vshll.u32 v6, $0x10  }
0x9d: {  	v20 =	vld [tilespmem:s13+$0xE9A0];
	v14 =	vmul.f32 v19, v14;
	v7 =	vmul.f32 v8, v7;
	v6 =	vand.u32 $0xFFFF0000, v6  }
0x9e: {  	v19 =	vld [tilespmem:s13+$0x14DA0];
	v8 =	vshll.u32 v10, $0x10;
	v21 =	vmul.f32 v22, v21;
	v17 =	vmul.f32 v17, v6  }
0x9f: {  	v22 =	vld [tilespmem:s13+$0x14D80];
	v6 =	vand.u32 $0xFFFF0000, v18;
	v18 =	vshll.u32 v18, $0x10;
	v14 =	vadd.f32 $0.0e+00, v14  }
0xa0: {  	v16 =	vand.u32 $0xFFFF0000, v10;
	v8 =	vmul.f32 v18, v8;
	v18 =	vld [tilespmem:s13+$0x14D90];
	v21 =	vadd.f32 $0.0e+00, v21  }
0xa1: {  	v12 =	vmul.f32 v12, v5;
	v10 =	vld [tilespmem:s13+$0xE980];
	v6 =	vmul.f32 v6, v16;
	v14 =	vadd.f32 v14, v7  }
0xa2: {  	v16 =	vld [tilespmem:s13+$0xE990];
	v17 =	vadd.f32 v21, v17;
	v21 =	vshll.u32 v20, $0x10;
	v20 =	vand.u32 $0xFFFF0000, v20  }
0xa3: {  	v14 =	vadd.f32 v15, v14;
	v15 =	vshll.u32 v19, $0x10;
	v19 =	vand.u32 $0xFFFF0000, v19  }
0xa4: {  	v23 =	vld [tilespmem:s13+$0xE9B0];
	v12 =	vadd.f32 v12, v17;
	v21 =	vmul.f32 v15, v21;
	v19 =	vmul.f32 v19, v20  }
0xa5: {  	v17 =	vld [tilespmem:s13+$0x14D70];
	v20 =	vand.u32 $0xFFFF0000, v22;
	v25 =	vshll.u32 v18, $0x10;
	v18 =	vand.u32 $0xFFFF0000, v18  }
0xa6: {  	v15 =	vadd.f32 v14, v11;
	v11 =	vand.u32 $0xFFFF0000, v10;
	v14 =	vadd.f32 v12, v13  }
0xa7: {  	v20 =	vmul.f32 v20, v11;
	v11 =	vand.u32 $0xFFFF0000, v16;
	v13 =	vld [tilespmem:s13+$0x14DB0];
	v16 =	vshll.u32 v16, $0x10  }
0xa8: {  	v26 =	vld [tilespmem:s13+$0xE940];
	v10 =	vshll.u32 v10, $0x10;
	v12 =	vshll.u32 v22, $0x10;
	v16 =	vmul.f32 v25, v16  }
0xa9: {  	v22 =	vmul.f32 v12, v10;
	v12 =	vand.u32 $0xFFFF0000, v23;
	v25 =	vld [tilespmem:s13+$0x14D40];
	v11 =	vmul.f32 v18, v11  }
0xaa: {  	v29 =	vld [tilespmem:s13+$0xE950];
	v28 =	vshll.u32 v17, $0x10;
	v17 =	vand.u32 $0xFFFF0000, v17;
	v16 =	vadd.f32 $0.0e+00, v16  }
0xab: {  	v18 =	vshll.u32 v23, $0x10;
	v23 =	vld [tilespmem:s13+$0xE920];
	v27 =	vmul.f32 v28, v27;
	v17 =	vmul.f32 v17, v24  }
0xac: {  	v28 =	vld [tilespmem:s13+$0x14D20];
	v24 =	vand.u32 $0xFFFF0000, v13;
	v16 =	vadd.f32 v16, v11;
	v13 =	vshll.u32 v13, $0x10  }
0xad: {  	v27 =	vadd.f32 $0.0e+00, v27;
	v11 =	vmul.f32 v24, v12;
	v13 =	vmul.f32 v13, v18;
	v18 =	vld [tilespmem:s13+$0x14D30]  }
0xae: {  	v44 =	vld [tilespmem:s13+$0x14C90];
	v30 =	vshll.u32 v25, $0x10;
	v25 =	vand.u32 $0xFFFF0000, v25;
	v16 =	vadd.f32 v21, v16  }
0xaf: {  	v21 =	vld [tilespmem:s13+$0xE910];
	v17 =	vadd.f32 v27, v17;
	v27 =	vshll.u32 v26, $0x10;
	v26 =	vand.u32 $0xFFFF0000, v26  }
0xb0: {  	v24 =	vld [tilespmem:s13+$0xE930];
	v27 =	vmul.f32 v30, v27;
	v25 =	vmul.f32 v25, v26;
	v19 =	vadd.f32 v16, v19  }
0xb1: {  	v16 =	vand.u32 $0xFFFF0000, v23;
	v26 =	vand.u32 $0xFFFF0000, v28;
	v17 =	vadd.f32 v22, v17;
	v22 =	vld [tilespmem:s13+$0x14D10]  }
0xb2: {  	v47 =	vld [tilespmem:s13+$0x14CA0];
	v26 =	vmul.f32 v26, v16;
	v31 =	vshll.u32 v18, $0x10;
	v18 =	vand.u32 $0xFFFF0000, v18  }
0xb3: {  	v30 =	vld [tilespmem:s13+$0x14D50];
	v17 =	vadd.f32 v17, v20;
	v20 =	vshll.u32 v23, $0x10;
	v23 =	vshll.u32 v28, $0x10  }
0xb4: {  	v5 =	vld [tilespmem:s13+$0xE9C0];
	v28 =	vand.u32 $0xFFFF0000, v29;
	v33 =	vshll.u32 v21, $0x10;
	v21 =	vand.u32 $0xFFFF0000, v21  }
0xb5: {  	v10 =	vld [tilespmem:s13+$0xE960];
	v20 =	vmul.f32 v23, v20;
	v23 =	vand.u32 $0xFFFF0000, v24;
	v24 =	vshll.u32 v24, $0x10  }
0xb6: {  	v16 =	vld [tilespmem:s13+$0xE900];
	v24 =	vmul.f32 v31, v24;
	v18 =	vmul.f32 v18, v23;
	v34 =	vshll.u32 v22, $0x10  }
0xb7: {  	v31 =	vld [tilespmem:s13+$0x14CE0];
	v23 =	vshll.u32 v29, $0x10;
	v22 =	vand.u32 $0xFFFF0000, v22;
	v33 =	vmul.f32 v34, v33  }
0xb8: {  	(xrf2) =	vadd.scan.msk.f32 $0xffff, v9;
	v29 =	vld [tilespmem:s13+$0xE8C0];
	v24 =	vadd.f32 $0.0e+00, v24;
	v21 =	vmul.f32 v22, v21;
	v22 =	vand.u32 $0xFFFF0000, v30  }
0xb9: {  	v56 =	vld [tilespmem:s13+$0xE8B0];
	v48 =	vshll.u32 v44, $0x10;
	v7 =	vshll.u32 v5, $0x10;
	(xrf2) =	vadd.scan.msk.f32 $0xffff, v15;
	v22 =	vmul.f32 v22, v28  }
0xba: {  	(xrf2) =	vadd.scan.msk.f32 $0xffff, v14;
	v28 =	vld [tilespmem:s13+$0x14CF0];
	v33 =	vadd.f32 $0.0e+00, v33;
	v18 =	vadd.f32 v24, v18;
	v24 =	vshll.u32 v30, $0x10  }
0xbb: {  	v12 =	vshll.u32 v10, $0x10;
	(xrf2) =	vadd.scan.msk.f32 $0xffff, v19;
	v19 =	vshll.u32 v47, $0x10;
	v23 =	vmul.f32 v24, v23;
	v24 =	vld [tilespmem:s13+$0xE8D0]  }
0xbc: {  	v30 =	vshll.u32 v16, $0x10;
	v21 =	vadd.f32 v33, v21;
	v18 =	vadd.f32 v27, v18;
	v27 =	vld [tilespmem:s13+$0x14CD0]  }
0xbd: {  	v36 =	vshll.u32 v31, $0x10;
	v31 =	vand.u32 $0xFFFF0000, v31;
	v54 =	vand.u32 $0xFFFF0000, v29  }
0xbe: {  	v31 =	vmul.f32 v31, v32;
	v32 =	vmul.f32 v55, v54;
	v20 =	vadd.f32 v20, v21  }
0xbf: {  	v33 =	vand.u32 $0xFFFF0000, v56;
	v18 =	vadd.f32 v18, v25;
	v39 =	vand.u32 $0xFFFF0000, v28  }
0xc0: {  	v28 =	vshll.u32 v28, $0x10;
	v20 =	vadd.f32 v20, v26;
	v26 =	vshll.u32 v29, $0x10  }
0xc1: {  	v29 =	vshll.u32 v52, $0x10;
	v37 =	vshll.u32 v24, $0x10;
	v38 =	vshll.u32 v27, $0x10  }
0xc2: {  	v60 =	vld [tilespmem:s13+$0xE870];
	v26 =	vmul.f32 v29, v26;
	v29 =	vshll.u32 v35, $0x10;
	v37 =	vmul.f32 v38, v37  }
0xc3: {  	v24 =	vand.u32 $0xFFFF0000, v24;
	v27 =	vand.u32 $0xFFFF0000, v27;
	v28 =	vmul.f32 v28, v29;
	v29 =	vld [tilespmem:s13+$0x14C70]  }
0xc4: {  	v25 =	vld [tilespmem:s13+$0xE880];
	v24 =	vmul.f32 v27, v24;
	v27 =	vshll.u32 v56, $0x10;
	v37 =	vadd.f32 $0.0e+00, v37  }
0xc5: {  	v21 =	vmul.f32 v36, v53;
	v36 =	vshll.u32 v59, $0x10;
	v27 =	vmul.f32 v40, v27  }
0xc6: {  	v63 =	vld [tilespmem:s13+$0xE890];
	v34 =	vmul.f32 v39, v57;
	v35 =	vand.u32 $0xFFFF0000, v58;
	v24 =	vadd.f32 v37, v24  }
0xc7: {  	v33 =	vmul.f32 v35, v33;
	v38 =	vand.u32 $0xFFFF0000, v60;
	v27 =	vadd.f32 $0.0e+00, v27  }
0xc8: {  	v45 =	vshll.u32 v29, $0x10;
	v21 =	vadd.f32 v21, v24;
	v24 =	vshll.u32 v60, $0x10  }
0xc9: {  	v46 =	vld [tilespmem:s13+$0xE8A0];
	v61 =	vand.u32 $0xFFFF0000, v25;
	v29 =	vand.u32 $0xFFFF0000, v29;
	v24 =	vmul.f32 v45, v24  }
0xca: {  	v25 =	vshll.u32 v25, $0x10;
	v27 =	vadd.f32 v27, v33;
	v29 =	vmul.f32 v29, v38  }
0xcb: {  	v21 =	vadd.f32 v21, v31;
	v31 =	vshll.u32 v63, $0x10;
	v24 =	vadd.f32 $0.0e+00, v24  }
0xcc: {  	v9 =	vmul.f32 v36, v25;
	v26 =	vadd.f32 v26, v27;
	v25 =	vmul.f32 v48, v31  }
0xcd: {  	(xrf2) =	vadd.scan.msk.f32 $0xffff, v17;
	v27 =	vand.u32 $0xFFFF0000, v44;
	v15 =	vadd.f32 v24, v29;
	v24 =	vand.u32 $0xFFFF0000, v63;
	v29 =	vld [tilespmem:s13+$0x14D00]  }
0xce: {  	(xrf2) =	vadd.scan.msk.f32 $0xffff, v18;
	v18 =	vand.u32 $0xFFFF0000, v46;
	v14 =	vadd.f32 $0.0e+00, v25;
	v24 =	vmul.f32 v27, v24  }
0xcf: {  	(xrf2) =	vadd.scan.msk.f32 $0xffff, v20;
	v20 =	vadd.f32 $0.0e+00, v23;
	v9 =	vadd.f32 v9, v15;
	v15 =	vshll.u32 v46, $0x10  }
0xd0: {  	v17 =	vadd.f32 $0.0e+00, v28;
	v14 =	vadd.f32 v14, v24;
	v15 =	vmul.f32 v19, v15;
	v19 =	vld [tilespmem:s13+$0x14D60]  }
0xd1: {  	v37 =	vmul.f32 v62, v61;
	v25 =	vadd.f32 v26, v32;
	v24 =	vand.u32 $0xFFFF0000, v47  }
0xd2: {  	v14 =	vadd.f32 v15, v14;
	v15 =	vmul.f32 v24, v18;
	v18 =	vshll.u32 v29, $0x10  }
0xd3: {  	v17 =	vadd.f32 v17, v34;
	(xrf2) =	vadd.scan.msk.f32 $0xffff, v21;
	v21 =	vld [tilespmem:s13+$0x14DC0];
	v9 =	vadd.f32 v9, v37;
	v18 =	vmul.f32 v18, v30  }
0xd4: {  	(xrf2) =	vadd.scan.msk.f32 $0xffff, v25;
	v14 =	vadd.f32 v14, v15;
	v15 =	vand.u32 $0xFFFF0000, v16;
	v16 =	vand.u32 $0xFFFF0000, v29  }
0xd5: {  	v0 =	vld [tilespmem:s13+$0xEA20];
	(xrf2) =	vadd.scan.msk.f32 $0xffff, v9;
	v9 =	vadd.f32 v18, v17;
	v15 =	vmul.f32 v16, v15;
	v16 =	vshll.u32 v19, $0x10  }
0xd6: {  	v10 =	vand.u32 $0xFFFF0000, v10;
	v18 =	vadd.f32 v20, v22;
	v12 =	vmul.f32 v16, v12;
	v16 =	vld [tilespmem:s13+$0x14E20]  }
0xd7: {  	v13 =	vadd.f32 $0.0e+00, v13;
	v9 =	vadd.f32 v9, v15;
	v15 =	vand.u32 $0xFFFF0000, v19  }
0xd8: {  	v17, _, _ =	vpop (xrf2);
	(xrf2) =	vadd.scan.msk.f32 $0xffff, v14;
	v12 =	vadd.f32 v12, v18;
	v10 =	vmul.f32 v15, v10;
	v15 =	vshll.u32 v21, $0x10  }
0xd9: {  	v11 =	vadd.f32 v13, v11;
	v14, _, _ =	vpop (xrf2);
	v7 =	vmul.f32 v15, v7  }
0xda: {  	v4 =	vshll.u32 v0, $0x10;
	v8 =	vadd.f32 $0.0e+00, v8;
	v19, _, _ =	vpop (xrf2);
	v10 =	vadd.f32 v12, v10  }
0xdb: {  	v18, _, _ =	vpop (xrf2);
	v12 =	vand.u32 $0xFFFF0000, v21;
	v7 =	vadd.f32 v7, v11;
	v11 =	vshll.u32 v16, $0x10  }
0xdc: {  	v5 =	vand.u32 $0xFFFF0000, v5;
	v6 =	vadd.f32 v8, v6;
	(xrf2) =	vadd.scan.msk.f32 $0xffff, v9;
	v9, _, _ =	vpop (xrf2);
	v4 =	vmul.f32 v11, v4  }
0xdd: {  	v5 =	vmul.f32 v12, v5;
	v20, _, _ =	vpop (xrf2)  }
0xde: {  	v2 =	vmul.f32 v3, v2;
	v12, _, _ =	vpop (xrf2);
	v4 =	vadd.f32 v4, v6  }
0xdf: {  	v0 =	vand.u32 $0xFFFF0000, v0;
	v13 =	vld [tilespmem:s13+$0xEA60];
	v5 =	vadd.f32 v7, v5;
	v7 =	vand.u32 $0xFFFF0000, v16;
	v3, _, _ =	vpop (xrf2)  }
0xe0: {  	v15 =	vld [tilespmem:s13+$0x14E60];
	v0 =	vmul.f32 v7, v0;
	v8, _, _ =	vpop (xrf2)  }
0xe1: {  	v6, _, _ =	vpop (xrf2)  }
0xe2: {  	(xrf2) =	vadd.scan.msk.f32 $0xffff, v10;
	v0 =	vadd.f32 v4, v0;
	v4, _, _ =	vpop (xrf2)  }
0xe3: {  	v4 =	vbroadcast v4, $0xF  }
0xe4: {  	v2 =	vadd.f32 $0.0e+00, v2  }
0xe5: {  	v7 =	vshll.u32 v13, $0x10;
	v11 =	vshll.u32 v15, $0x10;
	(xrf2) =	vadd.scan.msk.f32 $0xffff, v5;
	v5 =	vbroadcast v6, $0xF  }
0xe6: {  	v1 =	vadd.f32 v2, v1;
	v10 =	vand.u32 $0xFFFF0000, v13;
	v2 =	vmul.f32 v11, v7  }
0xe7: {  	v7 =	vbroadcast v8, $0xF;
	v6 =	vand.u32 $0xFFFF0000, v15;
	(xrf2) =	vadd.scan.msk.f32 $0xffff, v0;
	v0 =	vsel vm0, v5, v4;
	v4, _, _ =	vpop (xrf2)  }
0xe8: {  	v1 =	vadd.f32 v2, v1;
	v2 =	vmul.f32 v6, v10;
	v4 =	vbroadcast v4, $0xF  }
0xe9: {  	v3 =	vbroadcast v3, $0xF  }
0xea: {  	v1 =	vadd.f32 v1, v2;
	v0 =	vsel vm1, v0, v7  }
0xeb: {  	v2 =	vbroadcast v12, $0xF;
	v0 =	vsel vm2, v0, v3;
	v3 =	vbroadcast v20, $0xF  }
0xec: {  	v0 =	vsel vm3, v0, v4;
	v4, _, _ =	vpop (xrf2)  }
0xed: {  	v0 =	vsel vm4, v0, v2;
	(xrf2) =	vadd.scan.msk.f32 $0xffff, v1;
	v1 =	vbroadcast v4, $0xF  }
0xee: {  	v2 =	vbroadcast v9, $0xF;
	v0 =	vsel vm5, v0, v3  }
0xef: {  	v3, _, _ =	vpop (xrf2);
	v0 =	vsel vm6, v0, v1;
	v1 =	vbroadcast v18, $0xF  }
0xf0: {  	v0 =	vsel vm7, v0, v2;
	v2 =	vbroadcast v3, $0xF  }
0xf1: {  	v0 =	vsel vm8, v0, v1;
	v1 =	vbroadcast v19, $0xF  }
0xf2: {  	v3, _, _ =	vpop (xrf2);
	v0 =	vsel vm9, v0, v2  }
0xf3: {  	v2 =	vbroadcast v14, $0xF;
	v0 =	vsel vm10, v0, v1;
	v1 =	vbroadcast v3, $0xF;
	_ =	sdelay $0x1  }
0xf4: {  	v0 =	vsel vm11, v0, v2;
	v2 =	vbroadcast v17, $0xF  }
0xf5: {  	v0 =	vsel vm12, v0, v1  }
0xf6: {  	v0 =	vsel vm13, v0, v2;
	v1, _, _ =	vpop (xrf2)  }
0xf7: {  	s8 =	simm.s32 $0x1B260;
	v0 =	vsel vm14, v0, v1  }
0xf8: {  	s9 =	simm.s32 $0x3F0;
	[tilespmem:s8+$0x0] =	vst v0  }
0xf9: {  	v1 =	vld [tilespmem:s9+$0xEA40]  }
0xfa: {  	v2 =	vld [tilespmem:s9+$0xEA30]  }
0xfb: {  	v3 =	vld [tilespmem:s9+$0x14E30]  }
0xfc: {  	v7 =	vld [tilespmem:s9+$0xEA00]  }
0xfd: {  	v11 =	vld [tilespmem:s9+$0x14E00]  }
0xfe: {  	v14 =	vld [tilespmem:s9+$0x14DE0]  }
0xff: {  	v17 =	vld [tilespmem:s9+$0x14DD0]  }
0x100: {  	v56 =	vld [tilespmem:s9+$0x14CD0]  }
0x101: {  	v55 =	vld [tilespmem:s9+$0x14CF0];
	v8 =	vshll.u32 v2, $0x10;
	v9 =	vshll.u32 v3, $0x10;
	v10 =	vand.u32 $0xFFFF0000, v1  }
0x102: {  	v4 =	vld [tilespmem:s9+$0x14E40];
	v1 =	vshll.u32 v1, $0x10;
	v2 =	vand.u32 $0xFFFF0000, v2;
	v3 =	vand.u32 $0xFFFF0000, v3  }
0x103: {  	v5 =	vld [tilespmem:s9+$0xEA50];
	v13 =	vshll.u32 v7, $0x10;
	v7 =	vand.u32 $0xFFFF0000, v7;
	v16 =	vshll.u32 v11, $0x10  }
0x104: {  	v6 =	vld [tilespmem:s9+$0x14E50];
	v11 =	vand.u32 $0xFFFF0000, v11;
	v18 =	vand.u32 $0xFFFF0000, v14;
	v22 =	vshll.u32 v17, $0x10  }
0x105: {  	v57 =	vld [tilespmem:s9+$0x14C80];
	v17 =	vand.u32 $0xFFFF0000, v17;
	v58 =	vshll.u32 v56, $0x10;
	v8 =	vmul.f32 v9, v8  }
0x106: {  	v0 =	vld [tilespmem:s9+$0xEA20];
	v59 =	vand.u32 $0xFFFF0000, v55;
	v60 =	vshll.u32 v55, $0x10;
	v61 =	vand.u32 $0xFFFF0000, v56  }
0x107: {  	v12 =	vld [tilespmem:s9+$0xE9E0];
	v9 =	vand.u32 $0xFFFF0000, v4;
	v3 =	vmul.f32 v3, v2;
	v8 =	vadd.f32 $0.0e+00, v8  }
0x108: {  	v15 =	vld [tilespmem:s9+$0xE9F0];
	v4 =	vshll.u32 v4, $0x10;
	v2 =	vshll.u32 v5, $0x10;
	v9 =	vmul.f32 v9, v10  }
0x109: {  	v10 =	vld [tilespmem:s9+$0xEA10];
	v4 =	vmul.f32 v4, v1;
	v1 =	vand.u32 $0xFFFF0000, v5;
	v5 =	vadd.f32 v8, v3  }
0x10a: {  	v35 =	vand.u32 $0xFFFF0000, v57;
	v3 =	vshll.u32 v6, $0x10;
	v6 =	vand.u32 $0xFFFF0000, v6;
	v8 =	vld [tilespmem:s9+$0x14DF0]  }
0x10b: {  	v16 =	vmul.f32 v16, v13;
	v1 =	vmul.f32 v6, v1;
	v6 =	vld [tilespmem:s9+$0xE9D0];
	v5 =	vadd.f32 v4, v5  }
0x10c: {  	v11 =	vmul.f32 v11, v7;
	v7 =	vand.u32 $0xFFFF0000, v12;
	v4 =	vshll.u32 v0, $0x10  }
0x10d: {  	v13 =	vadd.f32 v5, v9;
	v5 =	vshll.u32 v12, $0x10;
	v9 =	vshll.u32 v14, $0x10  }
0x10e: {  	v12 =	vmul.f32 v18, v7;
	v7 =	vand.u32 $0xFFFF0000, v15;
	v14 =	vand.u32 $0xFFFF0000, v10;
	v18 =	vld [tilespmem:s9+$0x14E10]  }
0x10f: {  	v15 =	vshll.u32 v15, $0x10;
	v9 =	vmul.f32 v9, v5;
	v5 =	vld [tilespmem:s9+$0xE9C0];
	v19 =	vshll.u32 v8, $0x10  }
0x110: {  	v20 =	vld [tilespmem:s9+$0xE9A0];
	v8 =	vand.u32 $0xFFFF0000, v8;
	v21 =	vshll.u32 v6, $0x10;
	v15 =	vmul.f32 v19, v15  }
0x111: {  	v19 =	vld [tilespmem:s9+$0x14DA0];
	v7 =	vmul.f32 v8, v7;
	v6 =	vand.u32 $0xFFFF0000, v6;
	v21 =	vmul.f32 v22, v21  }
0x112: {  	v23 =	vld [tilespmem:s9+$0xE9B0];
	v8 =	vshll.u32 v10, $0x10;
	v17 =	vmul.f32 v17, v6;
	v15 =	vadd.f32 $0.0e+00, v15  }
0x113: {  	v10 =	vld [tilespmem:s9+$0xE980];
	v21 =	vadd.f32 $0.0e+00, v21;
	v6 =	vand.u32 $0xFFFF0000, v18;
	v18 =	vshll.u32 v18, $0x10  }
0x114: {  	v22 =	vld [tilespmem:s9+$0x14D80];
	v15 =	vadd.f32 v15, v7;
	v6 =	vmul.f32 v6, v14;
	v7 =	vshll.u32 v5, $0x10  }
0x115: {  	v14 =	vld [tilespmem:s9+$0xE990];
	v8 =	vmul.f32 v18, v8;
	v17 =	vadd.f32 v21, v17;
	v21 =	vshll.u32 v20, $0x10  }
0x116: {  	v18 =	vld [tilespmem:s9+$0x14D90];
	v20 =	vand.u32 $0xFFFF0000, v20;
	v24 =	vshll.u32 v19, $0x10;
	v15 =	vadd.f32 v16, v15  }
0x117: {  	v19 =	vand.u32 $0xFFFF0000, v19;
	v16 =	vld [tilespmem:s9+$0xE970];
	v21 =	vmul.f32 v24, v21;
	v9 =	vadd.f32 v9, v17  }
0x118: {  	v19 =	vmul.f32 v19, v20;
	v17 =	vld [tilespmem:s9+$0x14D70];
	v20 =	vadd.f32 v15, v11;
	v11 =	vand.u32 $0xFFFF0000, v10  }
0x119: {  	v15 =	vand.u32 $0xFFFF0000, v22;
	v27 =	vadd.f32 v9, v12;
	v9 =	vshll.u32 v10, $0x10  }
0x11a: {  	v10 =	vshll.u32 v22, $0x10;
	v15 =	vmul.f32 v15, v11;
	v11 =	vand.u32 $0xFFFF0000, v23  }
0x11b: {  	v12 =	vld [tilespmem:s9+$0x14DB0];
	v24 =	vshll.u32 v18, $0x10;
	v18 =	vand.u32 $0xFFFF0000, v18;
	v22 =	vmul.f32 v10, v9  }
0x11c: {  	v25 =	vld [tilespmem:s9+$0xE940];
	v10 =	vand.u32 $0xFFFF0000, v14;
	v14 =	vshll.u32 v14, $0x10;
	v26 =	vshll.u32 v16, $0x10  }
0x11d: {  	v14 =	vmul.f32 v24, v14;
	v24 =	vld [tilespmem:s9+$0x14D40];
	v10 =	vmul.f32 v18, v10;
	v28 =	vshll.u32 v17, $0x10  }
0x11e: {  	v9 =	vld [tilespmem:s9+$0xE960];
	v16 =	vand.u32 $0xFFFF0000, v16;
	v17 =	vand.u32 $0xFFFF0000, v17;
	v26 =	vmul.f32 v28, v26  }
0x11f: {  	v18 =	vshll.u32 v23, $0x10;
	v14 =	vadd.f32 $0.0e+00, v14;
	v28 =	vld [tilespmem:s9+$0x14D20];
	v16 =	vmul.f32 v17, v16  }
0x120: {  	v23 =	vld [tilespmem:s9+$0xE920];
	v17 =	vand.u32 $0xFFFF0000, v12;
	v12 =	vshll.u32 v12, $0x10;
	v26 =	vadd.f32 $0.0e+00, v26  }
0x121: {  	v29 =	vld [tilespmem:s9+$0xE950];
	v14 =	vadd.f32 v14, v10;
	v10 =	vmul.f32 v17, v11;
	v12 =	vmul.f32 v12, v18  }
0x122: {  	v17 =	vld [tilespmem:s9+$0xE930];
	v30 =	vshll.u32 v24, $0x10;
	v24 =	vand.u32 $0xFFFF0000, v24;
	v16 =	vadd.f32 v26, v16  }
0x123: {  	v18 =	vld [tilespmem:s9+$0x14D30];
	v26 =	vshll.u32 v25, $0x10;
	v25 =	vand.u32 $0xFFFF0000, v25;
	v14 =	vadd.f32 v21, v14  }
0x124: {  	v11 =	vshll.u32 v9, $0x10;
	v21 =	vld [tilespmem:s9+$0xE910];
	v24 =	vmul.f32 v24, v25;
	v25 =	vand.u32 $0xFFFF0000, v28  }
0x125: {  	v16 =	vadd.f32 v22, v16;
	v22 =	vld [tilespmem:s9+$0x14D10];
	v14 =	vadd.f32 v14, v19;
	v19 =	vand.u32 $0xFFFF0000, v23  }
0x126: {  	v26 =	vmul.f32 v30, v26;
	v19 =	vmul.f32 v25, v19;
	v25 =	vand.u32 $0xFFFF0000, v29  }
0x127: {  	v49 =	vadd.f32 v16, v15;
	v15 =	vshll.u32 v23, $0x10;
	v16 =	vshll.u32 v28, $0x10  }
0x128: {  	v30 =	vshll.u32 v18, $0x10;
	v18 =	vand.u32 $0xFFFF0000, v18;
	v28 =	vld [tilespmem:s9+$0x14D50];
	v23 =	vmul.f32 v16, v15  }
0x129: {  	v16 =	vand.u32 $0xFFFF0000, v17;
	v15 =	vld [tilespmem:s9+$0xE900];
	v17 =	vshll.u32 v17, $0x10;
	v50 =	vshll.u32 v21, $0x10  }
0x12a: {  	v31 =	vld [tilespmem:s9+$0xE8E0];
	v21 =	vand.u32 $0xFFFF0000, v21;
	v17 =	vmul.f32 v30, v17;
	v51 =	vshll.u32 v22, $0x10  }
0x12b: {  	v30 =	vld [tilespmem:s9+$0x14CE0];
	v16 =	vmul.f32 v18, v16;
	v22 =	vand.u32 $0xFFFF0000, v22;
	v32 =	vmul.f32 v51, v50  }
0x12c: {  	v18 =	vshll.u32 v29, $0x10;
	v29 =	vld [tilespmem:s9+$0xE8C0];
	v17 =	vadd.f32 $0.0e+00, v17;
	v21 =	vmul.f32 v22, v21  }
0x12d: {  	v52 =	vld [tilespmem:s9+$0x14CC0];
	v22 =	vand.u32 $0xFFFF0000, v28;
	v28 =	vshll.u32 v28, $0x10;
	v32 =	vadd.f32 $0.0e+00, v32  }
0x12e: {  	(xrf2) =	vadd.scan.msk.f32 $0xffff, v13;
	v13 =	vld [tilespmem:s9+$0xE8D0];
	v54 =	vadd.f32 v17, v16;
	v16 =	vmul.f32 v22, v25;
	v17 =	vshll.u32 v15, $0x10  }
0x12f: {  	(xrf2) =	vadd.scan.msk.f32 $0xffff, v20;
	v18 =	vmul.f32 v28, v18;
	v22 =	vshll.u32 v31, $0x10;
	v25 =	vand.u32 $0xFFFF0000, v31  }
0x130: {  	v53 =	vld [tilespmem:s9+$0xE8F0];
	v21 =	vadd.f32 v32, v21;
	v28 =	vadd.f32 v26, v54;
	v26 =	vshll.u32 v30, $0x10  }
0x131: {  	v31 =	vld [tilespmem:s9+$0x14CB0];
	v30 =	vand.u32 $0xFFFF0000, v30;
	v26 =	vmul.f32 v26, v22;
	v22 =	vand.u32 $0xFFFF0000, v29  }
0x132: {  	(xrf2) =	vadd.scan.msk.f32 $0xffff, v27;
	v21 =	vadd.f32 v23, v21;
	v23 =	vmul.f32 v30, v25;
	v20 =	vadd.f32 v28, v24  }
0x133: {  	v28 =	vld [tilespmem:s9+$0xE880];
	v24 =	vand.u32 $0xFFFF0000, v52;
	v25 =	vshll.u32 v52, $0x10;
	v30 =	vshll.u32 v13, $0x10  }
0x134: {  	v13 =	vand.u32 $0xFFFF0000, v13;
	v21 =	vadd.f32 v21, v19;
	v19 =	vshll.u32 v29, $0x10;
	v29 =	vld [tilespmem:s9+$0xE8B0]  }
0x135: {  	(xrf2) =	vadd.scan.msk.f32 $0xffff, v14;
	v22 =	vmul.f32 v24, v22;
	v24 =	vshll.u32 v53, $0x10;
	v30 =	vmul.f32 v58, v30  }
0x136: {  	v33 =	vld [tilespmem:s9+$0x14C70];
	v63 =	vmul.f32 v61, v13;
	v38 =	vshll.u32 v31, $0x10;
	v24 =	vmul.f32 v60, v24  }
0x137: {  	v32 =	vld [tilespmem:s9+$0xE870];
	v25 =	vmul.f32 v25, v19;
	v19 =	vand.u32 $0xFFFF0000, v53;
	v62 =	vadd.f32 $0.0e+00, v30  }
0x138: {  	v13, _, _ =	vpop (xrf2);
	v30 =	vshll.u32 v57, $0x10;
	(xrf2) =	vadd.scan.msk.f32 $0xffff, v49;
	v19 =	vmul.f32 v59, v19;
	v34 =	vand.u32 $0xFFFF0000, v28  }
0x139: {  	s10 =	simm.s32 $0x17C0;
	v27 =	vld [tilespmem:s9+$0xE890];
	v14, _, _ =	vpop (xrf2);
	v28 =	vshll.u32 v28, $0x10;
	v36 =	vadd.f32 v62, v63;
	v37 =	vshll.u32 v29, $0x10  }
.LBB2_3:
0x13a: {  	p3 =	sne.s32 s10, $0xC7C0;
	v39 =	vld [tilespmem:s9+$0x14C90];
	v29 =	vand.u32 $0xFFFF0000, v29;
	v31 =	vand.u32 $0xFFFF0000, v31;
	v37 =	vmul.f32 v38, v37  }
0x13b: {  	v34 =	vmul.f32 v35, v34;
	v29 =	vmul.f32 v31, v29;
	v26 =	vadd.f32 v26, v36;
	(xrf2) =	vadd.scan.msk.f32 $0xffff, v20  }
0x13c: {  	v31 =	vshll.u32 v32, $0x10;
	v35 =	vshll.u32 v33, $0x10;
	v36 =	vadd.f32 $0.0e+00, v37;
	v20, _, _ =	vpop (xrf2)  }
0x13d: {  	v32 =	vand.u32 $0xFFFF0000, v32;
	v33 =	vand.u32 $0xFFFF0000, v33;
	v31 =	vmul.f32 v35, v31;
	v35 =	vld [tilespmem:s9+$0xE8A0]  }
0x13e: {  	v32 =	vmul.f32 v33, v32;
	v23 =	vadd.f32 v26, v23;
	v33 =	vld [tilespmem:s9+$0x14CA0];
	v29 =	vadd.f32 v36, v29;
	(xrf2) =	vadd.scan.msk.f32 $0xffff, v21  }
0x13f: {  	v26 =	vadd.f32 $0.0e+00, v31;
	v31 =	vshll.u32 v27, $0x10;
	v36 =	vshll.u32 v39, $0x10;
	v21, _, _ =	vpop (xrf2)  }
0x140: {  	v28 =	vmul.f32 v30, v28;
	v30 =	vmul.f32 v36, v31;
	v36 =	vadd.f32 v25, v29  }
0x141: {  	v27 =	vand.u32 $0xFFFF0000, v27;
	v29 =	vand.u32 $0xFFFF0000, v39;
	v26 =	vadd.f32 v26, v32;
	v31 =	vld [tilespmem:s9+$0x14D00];
	(xrf2) =	vadd.scan.msk.f32 $0xffff, v23  }
0x142: {  	v27 =	vmul.f32 v29, v27;
	v23 =	vadd.f32 $0.0e+00, v30;
	v22 =	vadd.f32 v36, v22;
	v25, _, _ =	vpop (xrf2)  }
0x143: {  	v26 =	vadd.f32 v28, v26;
	v28 =	vshll.u32 v35, $0x10;
	v29 =	vshll.u32 v33, $0x10  }
0x144: {  	v24 =	vadd.f32 $0.0e+00, v24;
	v23 =	vadd.f32 v23, v27;
	v27 =	vmul.f32 v29, v28;
	v28 =	vld [tilespmem:s9+$0x14D60];
	(xrf2) =	vadd.scan.msk.f32 $0xffff, v22  }
0x145: {  	v29 =	vand.u32 $0xFFFF0000, v33;
	v22 =	vadd.f32 v26, v34;
	v26 =	vand.u32 $0xFFFF0000, v35;
	v30, _, _ =	vpop (xrf2)  }
0x146: {  	v23 =	vadd.f32 v27, v23;
	v29 =	vmul.f32 v29, v26;
	v27 =	vshll.u32 v31, $0x10  }
0x147: {  	v18 =	vadd.f32 $0.0e+00, v18;
	v19 =	vadd.f32 v24, v19;
	v17 =	vmul.f32 v27, v17;
	v24 =	vld [tilespmem:s9+$0x14DC0];
	(xrf2) =	vadd.scan.msk.f32 $0xffff, v22  }
0x148: {  	v15 =	vand.u32 $0xFFFF0000, v15;
	v22 =	vadd.f32 v23, v29;
	v23 =	vand.u32 $0xFFFF0000, v31;
	v26, _, _ =	vpop (xrf2)  }
0x149: {  	v17 =	vadd.f32 v17, v19;
	v15 =	vmul.f32 v23, v15;
	v23 =	vshll.u32 v28, $0x10  }
0x14a: {  	v12 =	vadd.f32 $0.0e+00, v12;
	v16 =	vadd.f32 v18, v16;
	v11 =	vmul.f32 v23, v11;
	v18 =	vld [tilespmem:s9+$0x14E20];
	(xrf2) =	vadd.scan.msk.f32 $0xffff, v22  }
0x14b: {  	v9 =	vand.u32 $0xFFFF0000, v9;
	v15 =	vadd.f32 v17, v15;
	v17 =	vand.u32 $0xFFFF0000, v28;
	v19, _, _ =	vpop (xrf2)  }
0x14c: {  	v11 =	vadd.f32 v11, v16;
	v9 =	vmul.f32 v17, v9;
	v17 =	vshll.u32 v24, $0x10  }
0x14d: {  	v8 =	vadd.f32 $0.0e+00, v8;
	v10 =	vadd.f32 v12, v10;
	v7 =	vmul.f32 v17, v7;
	v12 =	vld [tilespmem:s9+$0xEA60];
	(xrf2) =	vadd.scan.msk.f32 $0xffff, v15  }
0x14e: {  	v5 =	vand.u32 $0xFFFF0000, v5;
	v9 =	vadd.f32 v11, v9;
	v11 =	vand.u32 $0xFFFF0000, v24;
	v15 =	vld [tilespmem:s9+$0x14E60];
	v16, _, _ =	vpop (xrf2)  }
0x14f: {  	v17 =	vadd.f32 v7, v10;
	v5 =	vmul.f32 v11, v5;
	v10 =	vshll.u32 v18, $0x10  }
0x150: {  	v2 =	vmul.f32 v3, v2;
	v6 =	vadd.f32 v8, v6;
	v4 =	vmul.f32 v10, v4;
	(xrf2) =	vadd.scan.msk.f32 $0xffff, v9  }
0x151: {  	v0 =	vand.u32 $0xFFFF0000, v0;
	v9 =	vadd.f32 v17, v5;
	v5 =	vand.u32 $0xFFFF0000, v18;
	v7, _, _ =	vpop (xrf2)  }
0x152: {  	v2 =	vadd.f32 $0.0e+00, v2;
	v4 =	vadd.f32 v4, v6;
	v0 =	vmul.f32 v5, v0  }
0x153: {  	v5 =	vshll.u32 v12, $0x10;
	v6 =	vand.u32 $0xFFFF0000, v12;
	v8 =	vshll.u32 v15, $0x10;
	(xrf2) =	vadd.scan.msk.f32 $0xffff, v9  }
0x154: {  	v1 =	vadd.f32 v2, v1;
	v0 =	vadd.f32 v4, v0;
	v2 =	vmul.f32 v8, v5;
	v3, _, _ =	vpop (xrf2)  }
0x155: {  	v8 =	vbroadcast v7, $0xF;
	v5 =	vand.u32 $0xFFFF0000, v15;
	v3 =	vbroadcast v3, $0xF  }
0x156: {  	v7 =	vbroadcast v16, $0xF;
	v1 =	vadd.f32 v2, v1;
	v2 =	vmul.f32 v5, v6;
	(xrf2) =	vadd.scan.msk.f32 $0xffff, v0  }
0x157: {  	v0 =	vsel vm0, v8, v3;
	v3 =	vbroadcast v19, $0xF;
	v4, _, _ =	vpop (xrf2)  }
0x158: {  	v0 =	vsel vm1, v0, v7;
	v5 =	vbroadcast v4, $0xF;
	v1 =	vadd.f32 v1, v2  }
0x159: {  	v2 =	vbroadcast v26, $0xF;
	v0 =	vsel vm2, v0, v3  }
0x15a: {  	v0 =	vsel vm3, v0, v5;
	v5 =	vbroadcast v30, $0xF;
	v4, _, _ =	vpop (xrf2);
	(xrf2) =	vadd.scan.msk.f32 $0xffff, v1  }
0x15b: {  	v0 =	vsel vm4, v0, v2;
	v1 =	vbroadcast v4, $0xF  }
0x15c: {  	v2 =	vbroadcast v25, $0xF;
	v0 =	vsel vm5, v0, v5  }
0x15d: {  	v0 =	vsel vm6, v0, v1;
	v1 =	vbroadcast v21, $0xF;
	v3, _, _ =	vpop (xrf2)  }
0x15e: {  	v0 =	vsel vm7, v0, v2;
	v2 =	vbroadcast v3, $0xF  }
0x15f: {  	v0 =	vsel vm8, v0, v1;
	v1 =	vbroadcast v20, $0xF  }
0x160: {  	v0 =	vsel vm9, v0, v2;
	v2 =	vbroadcast v14, $0xF;
	v3, _, _ =	vpop (xrf2)  }
0x161: {  	v0 =	vsel vm10, v0, v1;
	v3 =	vbroadcast v3, $0xF  }
0x162: {  	v0 =	vsel vm11, v0, v2;
	v2 =	vbroadcast v13, $0xF  }
0x163: {  	v0 =	vsel vm12, v0, v3  }
0x164: {  	v0 =	vsel vm13, v0, v2;
	v1, _, _ =	vpop (xrf2)  }
0x165: {  	s8 =	sadd.s32 $0x10, s8;
	v0 =	vsel vm14, v0, v1  }
0x166: {  	s9 =	sshra.s32 s10, $0x2;
	[tilespmem:s8+$0x0] =	vst v0  }
0x167: {  	v1 =	vld [tilespmem:s9+$0xEA40]  }
0x168: {  	v2 =	vld [tilespmem:s9+$0xEA30]  }
0x169: {  	v3 =	vld [tilespmem:s9+$0x14E30]  }
0x16a: {  	v4 =	vld [tilespmem:s9+$0x14E40]  }
0x16b: {  	v5 =	vld [tilespmem:s9+$0xEA50]  }
0x16c: {  	v6 =	vld [tilespmem:s9+$0x14E50]  }
0x16d: {  	v0 =	vld [tilespmem:s9+$0xEA20]  }
0x16e: {  	v10 =	vand.u32 $0xFFFF0000, v1;
	v8 =	vshll.u32 v2, $0x10;
	v7 =	vld [tilespmem:s9+$0xEA00];
	v9 =	vshll.u32 v3, $0x10  }
0x16f: {  	v1 =	vshll.u32 v1, $0x10;
	v11 =	vld [tilespmem:s9+$0x14E00];
	v8 =	vmul.f32 v9, v8;
	v9 =	vand.u32 $0xFFFF0000, v4  }
0x170: {  	v2 =	vand.u32 $0xFFFF0000, v2;
	v3 =	vand.u32 $0xFFFF0000, v3;
	v4 =	vshll.u32 v4, $0x10;
	v12 =	vld [tilespmem:s9+$0xE9E0]  }
0x171: {  	v3 =	vmul.f32 v3, v2;
	v9 =	vmul.f32 v9, v10;
	v14 =	vld [tilespmem:s9+$0x14DE0];
	v8 =	vadd.f32 $0.0e+00, v8  }
0x172: {  	v4 =	vmul.f32 v4, v1;
	v2 =	vshll.u32 v5, $0x10;
	v1 =	vand.u32 $0xFFFF0000, v5;
	v10 =	vld [tilespmem:s9+$0xEA10]  }
0x173: {  	v15 =	vld [tilespmem:s9+$0xE9F0];
	v5 =	vadd.f32 v8, v3;
	v3 =	vshll.u32 v6, $0x10;
	v6 =	vand.u32 $0xFFFF0000, v6  }
0x174: {  	v13 =	vshll.u32 v7, $0x10;
	v7 =	vand.u32 $0xFFFF0000, v7;
	v8 =	vld [tilespmem:s9+$0x14DF0];
	v1 =	vmul.f32 v6, v1  }
0x175: {  	v16 =	vshll.u32 v11, $0x10;
	v11 =	vand.u32 $0xFFFF0000, v11;
	v6 =	vld [tilespmem:s9+$0xE9D0];
	v5 =	vadd.f32 v4, v5  }
0x176: {  	v16 =	vmul.f32 v16, v13;
	v11 =	vmul.f32 v11, v7;
	v4 =	vshll.u32 v0, $0x10;
	v17 =	vld [tilespmem:s9+$0x14DD0]  }
0x177: {  	v7 =	vand.u32 $0xFFFF0000, v12;
	v18 =	vand.u32 $0xFFFF0000, v14;
	v13 =	vadd.f32 v5, v9  }
0x178: {  	v5 =	vshll.u32 v12, $0x10;
	v9 =	vshll.u32 v14, $0x10;
	v12 =	vmul.f32 v18, v7  }
0x179: {  	v14 =	vand.u32 $0xFFFF0000, v10;
	v9 =	vmul.f32 v9, v5;
	v7 =	vand.u32 $0xFFFF0000, v15;
	v18 =	vld [tilespmem:s9+$0x14E10]  }
0x17a: {  	v15 =	vshll.u32 v15, $0x10;
	v19 =	vshll.u32 v8, $0x10;
	v8 =	vand.u32 $0xFFFF0000, v8;
	v5 =	vld [tilespmem:s9+$0xE9C0]  }
0x17b: {  	v21 =	vshll.u32 v6, $0x10;
	v15 =	vmul.f32 v19, v15;
	v20 =	vld [tilespmem:s9+$0xE9A0];
	v22 =	vshll.u32 v17, $0x10  }
0x17c: {  	v7 =	vmul.f32 v8, v7;
	v8 =	vshll.u32 v10, $0x10;
	v19 =	vld [tilespmem:s9+$0x14DA0];
	v21 =	vmul.f32 v22, v21  }
0x17d: {  	v6 =	vand.u32 $0xFFFF0000, v6;
	v17 =	vand.u32 $0xFFFF0000, v17;
	v15 =	vadd.f32 $0.0e+00, v15;
	v10 =	vld [tilespmem:s9+$0xE980]  }
0x17e: {  	v17 =	vmul.f32 v17, v6;
	v22 =	vld [tilespmem:s9+$0x14D80];
	v21 =	vadd.f32 $0.0e+00, v21;
	v6 =	vand.u32 $0xFFFF0000, v18  }
0x17f: {  	v15 =	vadd.f32 v15, v7;
	v18 =	vshll.u32 v18, $0x10;
	v23 =	vld [tilespmem:s9+$0xE9B0];
	v6 =	vmul.f32 v6, v14  }
0x180: {  	v7 =	vshll.u32 v5, $0x10;
	v8 =	vmul.f32 v18, v8;
	v24 =	vld [tilespmem:s9+$0xE990];
	v14 =	vadd.f32 v21, v17  }
0x181: {  	v18 =	vshll.u32 v20, $0x10;
	v20 =	vand.u32 $0xFFFF0000, v20;
	v15 =	vadd.f32 v16, v15;
	v17 =	vld [tilespmem:s9+$0x14D90]  }
0x182: {  	v21 =	vshll.u32 v19, $0x10;
	v19 =	vand.u32 $0xFFFF0000, v19;
	v16 =	vld [tilespmem:s9+$0xE970];
	v9 =	vadd.f32 v9, v14  }
0x183: {  	v18 =	vmul.f32 v21, v18;
	v19 =	vmul.f32 v19, v20;
	v20 =	vadd.f32 v15, v11;
	v25 =	vld [tilespmem:s9+$0x14D70]  }
0x184: {  	v11 =	vand.u32 $0xFFFF0000, v10;
	v15 =	vand.u32 $0xFFFF0000, v22;
	v14 =	vadd.f32 v9, v12  }
0x185: {  	v9 =	vshll.u32 v10, $0x10;
	v10 =	vshll.u32 v22, $0x10;
	v15 =	vmul.f32 v15, v11  }
0x186: {  	v11 =	vand.u32 $0xFFFF0000, v23;
	v21 =	vmul.f32 v10, v9;
	v10 =	vand.u32 $0xFFFF0000, v24;
	v12 =	vld [tilespmem:s9+$0x14DB0]  }
0x187: {  	v22 =	vshll.u32 v24, $0x10;
	v24 =	vshll.u32 v17, $0x10;
	v17 =	vand.u32 $0xFFFF0000, v17;
	v9 =	vld [tilespmem:s9+$0xE960]  }
0x188: {  	v27 =	vshll.u32 v16, $0x10;
	v22 =	vmul.f32 v24, v22;
	v26 =	vld [tilespmem:s9+$0xE940];
	v28 =	vshll.u32 v25, $0x10  }
0x189: {  	v10 =	vmul.f32 v17, v10;
	v17 =	vshll.u32 v23, $0x10;
	v24 =	vld [tilespmem:s9+$0x14D40];
	v27 =	vmul.f32 v28, v27  }
0x18a: {  	v16 =	vand.u32 $0xFFFF0000, v16;
	v25 =	vand.u32 $0xFFFF0000, v25;
	v22 =	vadd.f32 $0.0e+00, v22;
	v23 =	vld [tilespmem:s9+$0xE920]  }
0x18b: {  	v16 =	vmul.f32 v25, v16;
	v28 =	vld [tilespmem:s9+$0x14D20];
	v27 =	vadd.f32 $0.0e+00, v27;
	v25 =	vand.u32 $0xFFFF0000, v12  }
0x18c: {  	v22 =	vadd.f32 v22, v10;
	v12 =	vshll.u32 v12, $0x10;
	v29 =	vld [tilespmem:s9+$0xE950];
	v10 =	vmul.f32 v25, v11  }
0x18d: {  	v11 =	vshll.u32 v9, $0x10;
	v12 =	vmul.f32 v12, v17;
	v25 =	vld [tilespmem:s9+$0xE930];
	v16 =	vadd.f32 v27, v16  }
0x18e: {  	v27 =	vshll.u32 v26, $0x10;
	v26 =	vand.u32 $0xFFFF0000, v26;
	v18 =	vadd.f32 v18, v22;
	v17 =	vld [tilespmem:s9+$0x14D30]  }
0x18f: {  	v30 =	vshll.u32 v24, $0x10;
	v24 =	vand.u32 $0xFFFF0000, v24;
	v22 =	vld [tilespmem:s9+$0xE910];
	v16 =	vadd.f32 v21, v16  }
0x190: {  	v27 =	vmul.f32 v30, v27;
	v24 =	vmul.f32 v24, v26;
	v30 =	vadd.f32 v18, v19;
	v21 =	vld [tilespmem:s9+$0x14D10]  }
0x191: {  	v18 =	vand.u32 $0xFFFF0000, v23;
	v19 =	vand.u32 $0xFFFF0000, v28;
	v36 =	vadd.f32 v16, v15  }
0x192: {  	v15 =	vshll.u32 v23, $0x10;
	v16 =	vshll.u32 v28, $0x10;
	v19 =	vmul.f32 v19, v18  }
0x193: {  	v18 =	vand.u32 $0xFFFF0000, v29;
	v23 =	vmul.f32 v16, v15;
	v16 =	vand.u32 $0xFFFF0000, v25;
	v26 =	vld [tilespmem:s9+$0x14D50]  }
0x194: {  	v25 =	vshll.u32 v25, $0x10;
	v28 =	vshll.u32 v17, $0x10;
	v17 =	vand.u32 $0xFFFF0000, v17;
	v15 =	vld [tilespmem:s9+$0xE900]  }
0x195: {  	v32 =	vshll.u32 v22, $0x10;
	v25 =	vmul.f32 v28, v25;
	v31 =	vld [tilespmem:s9+$0xE8E0];
	v33 =	vshll.u32 v21, $0x10  }
0x196: {  	v29 =	vshll.u32 v29, $0x10;
	v16 =	vmul.f32 v17, v16;
	v28 =	vld [tilespmem:s9+$0x14CE0];
	v32 =	vmul.f32 v33, v32  }
0x197: {  	v17 =	vand.u32 $0xFFFF0000, v22;
	v21 =	vand.u32 $0xFFFF0000, v21;
	v22 =	vadd.f32 $0.0e+00, v25;
	v33 =	vld [tilespmem:s9+$0xE8C0]  }
0x198: {  	v21 =	vmul.f32 v21, v17;
	v25 =	vld [tilespmem:s9+$0x14CC0];
	v32 =	vadd.f32 $0.0e+00, v32;
	v17 =	vand.u32 $0xFFFF0000, v26  }
0x199: {  	v22 =	vadd.f32 v22, v16;
	v26 =	vshll.u32 v26, $0x10;
	v34 =	vld [tilespmem:s9+$0xE8F0];
	v16 =	vmul.f32 v17, v18;
	(xrf2) =	vadd.scan.msk.f32 $0xffff, v13  }
0x19a: {  	v17 =	vshll.u32 v15, $0x10;
	v18 =	vmul.f32 v26, v29;
	v13 =	vld [tilespmem:s9+$0x14CF0];
	v21 =	vadd.f32 v32, v21  }
0x19b: {  	v26 =	vshll.u32 v31, $0x10;
	v29 =	vand.u32 $0xFFFF0000, v31;
	v22 =	vadd.f32 v27, v22;
	v35 =	vld [tilespmem:s9+$0xE8D0]  }
0x19c: {  	v31 =	vshll.u32 v28, $0x10;
	v28 =	vand.u32 $0xFFFF0000, v28;
	v27 =	vld [tilespmem:s9+$0x14CD0];
	v21 =	vadd.f32 v23, v21;
	(xrf2) =	vadd.scan.msk.f32 $0xffff, v20  }
0x19d: {  	v26 =	vmul.f32 v31, v26;
	v23 =	vmul.f32 v28, v29;
	v20 =	vadd.f32 v22, v24  }
0x19e: {  	v22 =	vand.u32 $0xFFFF0000, v33;
	v24 =	vand.u32 $0xFFFF0000, v25;
	v28 =	vld [tilespmem:s9+$0xE880];
	v21 =	vadd.f32 v21, v19  }
0x19f: {  	v25 =	vshll.u32 v25, $0x10;
	v19 =	vshll.u32 v33, $0x10;
	v22 =	vmul.f32 v24, v22;
	v37 =	vld [tilespmem:s9+$0x14C80];
	(xrf2) =	vadd.scan.msk.f32 $0xffff, v14  }
0x1a0: {  	v25 =	vmul.f32 v25, v19;
	v14 =	vshll.u32 v34, $0x10;
	v19 =	vand.u32 $0xFFFF0000, v34;
	v29 =	vld [tilespmem:s9+$0xE8B0]  }
0x1a1: {  	v33 =	vand.u32 $0xFFFF0000, v13;
	v24 =	vshll.u32 v35, $0x10;
	v31 =	vld [tilespmem:s9+$0x14CB0];
	v32 =	vshll.u32 v27, $0x10  }
.Ltmp4:
0x1a2: {  	v34 =	vshll.u32 v13, $0x10;
	v19 =	vmul.f32 v33, v19;
	v38 =	vmul.f32 v32, v24;
	(xrf2) =	vadd.scan.msk.f32 $0xffff, v30;
	(pc) =	sbr.rel @p3 .LBB2_3-.Ltmp4, $4  }
0x1a3: {  	v27 =	vand.u32 $0xFFFF0000, v27;
	v30 =	vand.u32 $0xFFFF0000, v35;
	v24 =	vmul.f32 v34, v14;
	v32 =	vld [tilespmem:s9+$0xE870];
	v13, _, _ =	vpop (xrf2)  }
0x1a4: {  	v34 =	vand.u32 $0xFFFF0000, v28;
	v39 =	vmul.f32 v27, v30;
	v33 =	vld [tilespmem:s9+$0x14C70];
	v40 =	vadd.f32 $0.0e+00, v38  }
0x1a5: {  	v28 =	vshll.u32 v28, $0x10;
	v30 =	vshll.u32 v37, $0x10;
	v35 =	vand.u32 $0xFFFF0000, v37;
	(xrf2) =	vadd.scan.msk.f32 $0xffff, v36  }
0x1a6: {  	s10 =	sadd.s32 $0x800, s10;
	v37 =	vshll.u32 v29, $0x10;
	v27 =	vld [tilespmem:s9+$0xE890];
	v38 =	vshll.u32 v31, $0x10;
	v36 =	vadd.f32 v40, v39;
	v14, _, _ =	vpop (xrf2)  }
0x1a7: {  	v29 =	vand.u32 $0xFFFF0000, v29  }
0x1a8: {  	v39 =	vld [tilespmem:s9+$0x14C90];
	v31 =	vand.u32 $0xFFFF0000, v31;
	v37 =	vmul.f32 v38, v37;
	v34 =	vmul.f32 v35, v34  }
0x1a9: {  	v28 =	vmul.f32 v30, v28;
	v24 =	vadd.f32 $0.0e+00, v24;
	v18 =	vadd.f32 $0.0e+00, v18  }
0x1aa: {  	v15 =	vand.u32 $0xFFFF0000, v15;
	v29 =	vmul.f32 v31, v29;
	v26 =	vadd.f32 v26, v36  }
0x1ab: {  	v42 =	vld [tilespmem:s9+$0xE8A0];
	v61 =	vshll.u32 v32, $0x10;
	v40 =	vand.u32 $0xFFFF0000, v32;
	v62 =	vshll.u32 v33, $0x10  }
0x1ac: {  	v43 =	vld [tilespmem:s9+$0x14CA0];
	v63 =	vadd.f32 $0.0e+00, v37;
	v41 =	vand.u32 $0xFFFF0000, v33;
	v31 =	vmul.f32 v62, v61  }
0x1ad: {  	v32 =	vmul.f32 v41, v40;
	v45 =	vshll.u32 v27, $0x10;
	v46 =	vshll.u32 v39, $0x10  }
0x1ae: {  	v50 =	vld [tilespmem:s9+$0x14D00];
	v23 =	vadd.f32 v26, v23;
	v44 =	vadd.f32 $0.0e+00, v31;
	v47 =	vmul.f32 v46, v45  }
0x1af: {  	v29 =	vadd.f32 v63, v29;
	v48 =	vand.u32 $0xFFFF0000, v27;
	v49 =	vand.u32 $0xFFFF0000, v39  }
0x1b0: {  	v27 =	vmul.f32 v49, v48;
	v26 =	vadd.f32 v44, v32;
	v30 =	vadd.f32 $0.0e+00, v47  }
0x1b1: {  	v52 =	vshll.u32 v42, $0x10;
	v53 =	vshll.u32 v43, $0x10;
	v25 =	vadd.f32 v25, v29  }
0x1b2: {  	v54 =	vld [tilespmem:s9+$0x14D60];
	v51 =	vadd.f32 v28, v26;
	v26 =	vmul.f32 v53, v52;
	v27 =	vadd.f32 v30, v27  }
0x1b3: {  	(xrf2) =	vadd.scan.msk.f32 $0xffff, v20;
	v56 =	vand.u32 $0xFFFF0000, v42;
	v57 =	vand.u32 $0xFFFF0000, v43;
	v59 =	vshll.u32 v50, $0x10  }
0x1b4: {  	(xrf2) =	vadd.scan.msk.f32 $0xffff, v21;
	v22 =	vadd.f32 v25, v22;
	v25 =	vmul.f32 v57, v56;
	v58 =	vadd.f32 v26, v27  }
0x1b5: {  	v60 =	vld [tilespmem:s9+$0x14DC0];
	v19 =	vadd.f32 v24, v19;
	(xrf2) =	vadd.scan.msk.f32 $0xffff, v23;
	v17 =	vmul.f32 v59, v17;
	v55 =	vadd.f32 v51, v34  }
0x1b6: {  	v12 =	vadd.f32 $0.0e+00, v12;
	v61 =	vand.u32 $0xFFFF0000, v50;
	(xrf2) =	vadd.scan.msk.f32 $0xffff, v22;
	v21 =	vadd.f32 v58, v25  }
0x1b7: {  	v62 =	vshll.u32 v54, $0x10;
	v15 =	vmul.f32 v61, v15;
	v17 =	vadd.f32 v17, v19;
	(xrf2) =	vadd.scan.msk.f32 $0xffff, v55  }
0x1b8: {  	v9 =	vand.u32 $0xFFFF0000, v9;
	v16 =	vadd.f32 v18, v16;
	v63 =	vld [tilespmem:s9+$0x14E20];
	v11 =	vmul.f32 v62, v11;
	(xrf2) =	vadd.scan.msk.f32 $0xffff, v21  }
0x1b9: {  	v8 =	vadd.f32 $0.0e+00, v8;
	v24 =	vand.u32 $0xFFFF0000, v54;
	v15 =	vadd.f32 v17, v15  }
0x1ba: {  	v9 =	vmul.f32 v24, v9;
	v11 =	vadd.f32 v11, v16;
	v26 =	vshll.u32 v60, $0x10;
	v25, _, _ =	vpop (xrf2)  }
0x1bb: {  	v5 =	vand.u32 $0xFFFF0000, v5;
	v10 =	vadd.f32 v12, v10;
	v31 =	vld [tilespmem:s9+$0x14E60];
	v7 =	vmul.f32 v26, v7;
	v27, _, _ =	vpop (xrf2);
	(xrf2) =	vadd.scan.msk.f32 $0xffff, v15  }
0x1bc: {  	v2 =	vmul.f32 v3, v2;
	v28 =	vld [tilespmem:s9+$0xEA60];
	v9 =	vadd.f32 v11, v9;
	v30 =	vand.u32 $0xFFFF0000, v60;
	v29, _, _ =	vpop (xrf2)  }
0x1bd: {  	v33 =	vshll.u32 v63, $0x10;
	v5 =	vmul.f32 v30, v5;
	v7 =	vadd.f32 v7, v10;
	v32, _, _ =	vpop (xrf2)  }
0x1be: {  	v0 =	vand.u32 $0xFFFF0000, v0;
	v6 =	vadd.f32 v8, v6;
	v4 =	vmul.f32 v33, v4;
	v34, _, _ =	vpop (xrf2);
	(xrf2) =	vadd.scan.msk.f32 $0xffff, v9  }
0x1bf: {  	v2 =	vadd.f32 $0.0e+00, v2;
	v36 =	vand.u32 $0xFFFF0000, v63;
	v5 =	vadd.f32 v7, v5;
	v35, _, _ =	vpop (xrf2)  }
0x1c0: {  	v0 =	vmul.f32 v36, v0;
	v4 =	vadd.f32 v4, v6;
	v37, _, _ =	vpop (xrf2)  }
0x1c1: {  	v1 =	vadd.f32 v2, v1;
	v41 =	vshll.u32 v31, $0x10;
	v39 =	vshll.u32 v28, $0x10;
	(xrf2) =	vadd.scan.msk.f32 $0xffff, v5;
	v38, _, _ =	vpop (xrf2)  }
0x1c2: {  	v45 =	vand.u32 $0xFFFF0000, v31;
	v0 =	vadd.f32 v4, v0;
	v42 =	vmul.f32 v41, v39;
	v43, _, _ =	vpop (xrf2)  }
0x1c3: {  	v40 =	vand.u32 $0xFFFF0000, v28;
	v44 =	vbroadcast v38, $0xF;
	v4 =	vbroadcast v43, $0xF  }
0x1c4: {  	v47 =	vmul.f32 v45, v40;
	v1 =	vadd.f32 v42, v1;
	(xrf2) =	vadd.scan.msk.f32 $0xffff, v0;
	v46 =	vbroadcast v37, $0xF  }
0x1c5: {  	v3 =	vbroadcast v35, $0xF;
	v49, _, _ =	vpop (xrf2);
	v48 =	vsel vm0, v44, v4  }
0x1c6: {  	v1 =	vadd.f32 v1, v47;
	v4 =	vbroadcast v49, $0xF;
	v0 =	vsel vm1, v48, v46  }
0x1c7: {  	v50 =	vbroadcast v34, $0xF;
	v0 =	vsel vm2, v0, v3  }
0x1c8: {  	v51 =	vbroadcast v32, $0xF;
	(xrf2) =	vadd.scan.msk.f32 $0xffff, v1;
	v52, _, _ =	vpop (xrf2);
	v0 =	vsel vm3, v0, v4  }
0x1c9: {  	v53 =	vbroadcast v52, $0xF;
	v0 =	vsel vm4, v0, v50  }
0x1ca: {  	v54 =	vbroadcast v29, $0xF;
	v0 =	vsel vm5, v0, v51  }
0x1cb: {  	v55 =	vbroadcast v27, $0xF;
	v56, _, _ =	vpop (xrf2);
	v0 =	vsel vm6, v0, v53  }
0x1cc: {  	v57 =	vbroadcast v56, $0xF;
	v0 =	vsel vm7, v0, v54  }
0x1cd: {  	v58 =	vbroadcast v25, $0xF;
	v0 =	vsel vm8, v0, v55  }
0x1ce: {  	v59 =	vbroadcast v14, $0xF;
	v60, _, _ =	vpop (xrf2);
	v0 =	vsel vm9, v0, v57  }
0x1cf: {  	v61 =	vbroadcast v60, $0xF;
	v0 =	vsel vm10, v0, v58  }
0x1d0: {  	v62 =	vbroadcast v13, $0xF;
	s9 =	smul.u32 $0x320, s6;
	v0 =	vsel vm11, v0, v59  }
.Ltmp5:
0x1d1: {  	v0 =	vsel vm12, v0, v61;
	(pc) =	sbr.rel @p1 .LBB2_8-.Ltmp5, $4  }
0x1d2: {  	s10 =	sadd.s32 s5, s9;
	v63, _, _ =	vpop (xrf2);
	v0 =	vsel vm13, v0, v62  }
0x1d3: {  	s8 =	sadd.s32 $0x10, s8;
	s10 =	sshrl.u32 s10, $0x3;
	v0 =	vsel vm14, v0, v63  }
0x1d4: {  	s13 =	sadd.s32 s0, s10;
	[tilespmem:s8+$0x0] =	vst v0  }
0x1d5: {  	[hbm4b:s13+s4] =	stream.linear.scatter [tilespmem:s28], [sflag:$0x4], $0x190, $0x38;
	[tilespmem:$0x1B580] =	vst v63  }
0x1d6: {  	s8 =	sadd.s32 $0x9F60, s9  }
0x1d7: {  	[tilespmem:s17], [sflag:$0x2] =	stream.indirect.gather [spmem:s1], $0x20, s8, s16, $0xb8;
	[tilespmem:$0x1B580] =	vst v63  }
0x1d8: {  	s10 =	sadd.s32 $0xC670, s9  }
0x1d9: {  	[tilespmem:s18], [sflag:$0x2] =	stream.indirect.gather [spmem:s3], $0x20, s10, s16, $0xb8;
	[tilespmem:$0x1B580] =	vst v63  }
0x1da: {  	s13 =	sadd.s32 $0x9FB0, s9  }
0x1db: {  	[tilespmem:s20], [sflag:$0x2] =	stream.indirect.gather [spmem:s1], $0x20, s13, s16, $0xb8;
	[tilespmem:$0x1B580] =	vst v63  }
0x1dc: {  	s10 =	sadd.s32 $0xC6C0, s9  }
0x1dd: {  	[tilespmem:s22], [sflag:$0x2] =	stream.indirect.gather [spmem:s3], $0x20, s10, s16, $0xb8;
	[tilespmem:$0x1B580] =	vst v63  }
0x1de: {  	s13 =	sadd.s32 $0xA000, s9  }
0x1df: {  	[tilespmem:s24], [sflag:$0x2] =	stream.indirect.gather [spmem:s1], $0x20, s13, s16, $0xb8;
	[tilespmem:$0x1B580] =	vst v63  }
0x1e0: {  	s10 =	sadd.s32 $0xC710, s9  }
0x1e1: {  	[tilespmem:s26], [sflag:$0x2] =	stream.indirect.gather [spmem:s3], $0x20, s10, s16, $0xb8;
	[tilespmem:$0x1B580] =	vst v63  }
0x1e2: {  	s13 =	sadd.s32 $0xA050, s9  }
0x1e3: {  	[tilespmem:s29], [sflag:$0x2] =	stream.indirect.gather [spmem:s1], $0x20, s13, s16, $0xb8;
	[tilespmem:$0x1B580] =	vst v63  }
0x1e4: {  	s10 =	sadd.s32 $0xC760, s9  }
0x1e5: {  	[tilespmem:s31], [sflag:$0x2] =	stream.indirect.gather [spmem:s3], $0x20, s10, s16, $0xb8;
	[tilespmem:$0x1B580] =	vst v63  }
0x1e6: {  	s13 =	sadd.s32 $0xA0A0, s9  }
0x1e7: {  	[tilespmem:s19], [sflag:$0x2] =	stream.indirect.gather [spmem:s1], $0x20, s13, s16, $0xb8;
	[tilespmem:$0x1B580] =	vst v63  }
0x1e8: {  	s10 =	sadd.s32 $0xC7B0, s9  }
0x1e9: {  	[tilespmem:s23], [sflag:$0x2] =	stream.indirect.gather [spmem:s3], $0x20, s10, s16, $0xb8;
	[tilespmem:$0x1B580] =	vst v63  }
0x1ea: {  	_ =	swait.ge [sflag:s30], $0xA00  }
0x1eb: {  	[sflag:s30] =	ssyncset.done $0x0  }
0x1ec: {  	[sflag:s30] =	ssyncadd.s32 $0xFFFFF600  }
0x1ed: {  	_ =	swait.ge [sflag:s30], $0xA00  }
0x1ee: {  	[sflag:s30] =	ssyncset.done $0x0  }
0x1ef: {  	[sflag:s30] =	ssyncadd.s32 $0xFFFFF600  }
0x1f0: {  	_ =	swait.ge [sflag:s30], $0xA00  }
0x1f1: {  	[sflag:s30] =	ssyncset.done $0x0  }
0x1f2: {  	[sflag:s30] =	ssyncadd.s32 $0xFFFFF600  }
0x1f3: {  	_ =	swait.ge [sflag:s30], $0xA00  }
0x1f4: {  	[sflag:s30] =	ssyncset.done $0x0  }
0x1f5: {  	[sflag:s30] =	ssyncadd.s32 $0xFFFFF600  }
0x1f6: {  	_ =	swait.ge [sflag:s30], $0xA00  }
0x1f7: {  	[sflag:s30] =	ssyncset.done $0x0  }
0x1f8: {  	[sflag:s30] =	ssyncadd.s32 $0xFFFFF600  }
0x1f9: {  	_ =	swait.ge [sflag:s30], $0xA00  }
0x1fa: {  	[sflag:s30] =	ssyncset.done $0x0  }
0x1fb: {  	[sflag:s30] =	ssyncadd.s32 $0xFFFFF600  }
0x1fc: {  	_ =	swait.ge [sflag:s30], $0xA00  }
0x1fd: {  	[sflag:s30] =	ssyncset.done $0x0  }
0x1fe: {  	[sflag:s30] =	ssyncadd.s32 $0xFFFFF600  }
0x1ff: {  	_ =	swait.ge [sflag:s30], $0xA00  }
0x200: {  	[sflag:s30] =	ssyncset.done $0x0  }
0x201: {  	[sflag:s30] =	ssyncadd.s32 $0xFFFFF600  }
0x202: {  	_ =	swait.ge [sflag:s30], $0xA00  }
0x203: {  	[sflag:s30] =	ssyncset.done $0x0  }
0x204: {  	[sflag:s30] =	ssyncadd.s32 $0xFFFFF600  }
0x205: {  	_ =	swait.ge [sflag:s30], $0xA00  }
0x206: {  	[sflag:s30] =	ssyncset.done $0x0  }
0x207: {  	s8 =	simm.s32 @!p2 $0x5;
	[sflag:s30] =	ssyncadd.s32 $0xFFFFF600  }
0x208: {  	_ =	swait.ge @!p2 [sflag:s8], $0x190  }
0x209: {  	[sflag:s8] =	ssyncset.done @!p2 $0x0  }
0x20a: {  	s13 =	simm.s32 $0x1F0;
	[sflag:s8] =	ssyncadd.s32 @!p2 $0xFFFFFE70  }
0x20b: {  	v1 =	vld [tilespmem:s13+$0x11C40]  }
0x20c: {  	v2 =	vld [tilespmem:s13+$0x11C30]  }
0x20d: {  	v3 =	vld [tilespmem:s13+$0x18030]  }
0x20e: {  	v4 =	vld [tilespmem:s13+$0x18040]  }
0x20f: {  	v7 =	vld [tilespmem:s13+$0x11C00]  }
0x210: {  	v11 =	vld [tilespmem:s13+$0x18000]  }
0x211: {  	v17 =	vld [tilespmem:s13+$0x17FD0]  }
0x212: {  	v24 =	vld [tilespmem:s13+$0x11B70]  }
0x213: {  	v32 =	vld [tilespmem:s13+$0x11AE0]  }
0x214: {  	v52 =	vld [tilespmem:s13+$0x17EC0];
	v8 =	vshll.u32 v2, $0x10;
	v9 =	vshll.u32 v3, $0x10  }
0x215: {  	v35 =	vld [tilespmem:s13+$0x11AF0];
	v10 =	vand.u32 $0xFFFF0000, v1;
	v1 =	vshll.u32 v1, $0x10;
	v2 =	vand.u32 $0xFFFF0000, v2  }
0x216: {  	v5 =	vld [tilespmem:s13+$0x11C50];
	v3 =	vand.u32 $0xFFFF0000, v3;
	v15 =	vshll.u32 v7, $0x10;
	v7 =	vand.u32 $0xFFFF0000, v7  }
0x217: {  	v6 =	vld [tilespmem:s13+$0x18050];
	v16 =	vshll.u32 v11, $0x10;
	v11 =	vand.u32 $0xFFFF0000, v11;
	v22 =	vshll.u32 v17, $0x10  }
0x218: {  	v58 =	vld [tilespmem:s13+$0x17EB0];
	v17 =	vand.u32 $0xFFFF0000, v17;
	v27 =	vshll.u32 v24, $0x10;
	v24 =	vand.u32 $0xFFFF0000, v24  }
0x219: {  	v59 =	vld [tilespmem:s13+$0x17E80];
	v53 =	vshll.u32 v32, $0x10;
	v32 =	vand.u32 $0xFFFF0000, v32;
	v8 =	vmul.f32 v9, v8  }
0x21a: {  	v12 =	vld [tilespmem:s13+$0x11BE0];
	v55 =	vand.u32 $0xFFFF0000, v52;
	v57 =	vand.u32 $0xFFFF0000, v35;
	v9 =	vand.u32 $0xFFFF0000, v4  }
0x21b: {  	v13 =	vld [tilespmem:s13+$0x17FE0];
	v4 =	vshll.u32 v4, $0x10;
	v3 =	vmul.f32 v3, v2;
	v8 =	vadd.f32 $0.0e+00, v8  }
0x21c: {  	v14 =	vld [tilespmem:s13+$0x11BF0];
	v2 =	vshll.u32 v5, $0x10;
	v4 =	vmul.f32 v4, v1;
	v1 =	vand.u32 $0xFFFF0000, v5  }
0x21d: {  	v5 =	vadd.f32 v8, v3;
	v3 =	vshll.u32 v6, $0x10;
	v6 =	vand.u32 $0xFFFF0000, v6;
	v8 =	vld [tilespmem:s13+$0x17FF0]  }
0x21e: {  	v40 =	vshll.u32 v58, $0x10;
	v62 =	vand.u32 $0xFFFF0000, v59;
	v1 =	vmul.f32 v6, v1;
	v6 =	vld [tilespmem:s13+$0x11BD0]  }
0x21f: {  	v15 =	vmul.f32 v16, v15;
	v9 =	vmul.f32 v9, v10;
	v5 =	vadd.f32 v4, v5  }
0x220: {  	v11 =	vmul.f32 v11, v7;
	v7 =	vand.u32 $0xFFFF0000, v12;
	v16 =	vand.u32 $0xFFFF0000, v13;
	v10 =	vld [tilespmem:s13+$0x11C10]  }
0x221: {  	v18 =	vld [tilespmem:s13+$0x18010];
	v9 =	vadd.f32 v5, v9;
	v5 =	vshll.u32 v12, $0x10;
	v12 =	vshll.u32 v13, $0x10  }
0x222: {  	v13 =	vmul.f32 v16, v7;
	v7 =	vand.u32 $0xFFFF0000, v14;
	v14 =	vshll.u32 v14, $0x10  }
0x223: {  	v19 =	vshll.u32 v8, $0x10;
	v8 =	vand.u32 $0xFFFF0000, v8;
	v21 =	vshll.u32 v6, $0x10  }
0x224: {  	v20 =	vld [tilespmem:s13+$0x11BA0];
	v14 =	vmul.f32 v19, v14;
	v7 =	vmul.f32 v8, v7;
	v6 =	vand.u32 $0xFFFF0000, v6  }
0x225: {  	v19 =	vld [tilespmem:s13+$0x17FA0];
	v8 =	vshll.u32 v10, $0x10;
	v21 =	vmul.f32 v22, v21;
	v17 =	vmul.f32 v17, v6  }
0x226: {  	v22 =	vld [tilespmem:s13+$0x17F80];
	v6 =	vand.u32 $0xFFFF0000, v18;
	v18 =	vshll.u32 v18, $0x10;
	v14 =	vadd.f32 $0.0e+00, v14  }
0x227: {  	v16 =	vand.u32 $0xFFFF0000, v10;
	v8 =	vmul.f32 v18, v8;
	v18 =	vld [tilespmem:s13+$0x17F90];
	v21 =	vadd.f32 $0.0e+00, v21  }
0x228: {  	v12 =	vmul.f32 v12, v5;
	v10 =	vld [tilespmem:s13+$0x11B80];
	v6 =	vmul.f32 v6, v16;
	v14 =	vadd.f32 v14, v7  }
0x229: {  	v16 =	vld [tilespmem:s13+$0x11B90];
	v17 =	vadd.f32 v21, v17;
	v21 =	vshll.u32 v20, $0x10;
	v20 =	vand.u32 $0xFFFF0000, v20  }
0x22a: {  	v14 =	vadd.f32 v15, v14;
	v15 =	vshll.u32 v19, $0x10;
	v19 =	vand.u32 $0xFFFF0000, v19  }
0x22b: {  	v23 =	vld [tilespmem:s13+$0x11BB0];
	v12 =	vadd.f32 v12, v17;
	v21 =	vmul.f32 v15, v21;
	v19 =	vmul.f32 v19, v20  }
0x22c: {  	v17 =	vld [tilespmem:s13+$0x17F70];
	v20 =	vand.u32 $0xFFFF0000, v22;
	v25 =	vshll.u32 v18, $0x10;
	v18 =	vand.u32 $0xFFFF0000, v18  }
0x22d: {  	v15 =	vadd.f32 v14, v11;
	v11 =	vand.u32 $0xFFFF0000, v10;
	v14 =	vadd.f32 v12, v13  }
0x22e: {  	v20 =	vmul.f32 v20, v11;
	v11 =	vand.u32 $0xFFFF0000, v16;
	v13 =	vld [tilespmem:s13+$0x17FB0];
	v16 =	vshll.u32 v16, $0x10  }
0x22f: {  	v26 =	vld [tilespmem:s13+$0x11B40];
	v10 =	vshll.u32 v10, $0x10;
	v12 =	vshll.u32 v22, $0x10;
	v16 =	vmul.f32 v25, v16  }
0x230: {  	v22 =	vmul.f32 v12, v10;
	v12 =	vand.u32 $0xFFFF0000, v23;
	v25 =	vld [tilespmem:s13+$0x17F40];
	v11 =	vmul.f32 v18, v11  }
0x231: {  	v29 =	vld [tilespmem:s13+$0x11B50];
	v28 =	vshll.u32 v17, $0x10;
	v17 =	vand.u32 $0xFFFF0000, v17;
	v16 =	vadd.f32 $0.0e+00, v16  }
0x232: {  	v18 =	vshll.u32 v23, $0x10;
	v23 =	vld [tilespmem:s13+$0x11B20];
	v27 =	vmul.f32 v28, v27;
	v17 =	vmul.f32 v17, v24  }
0x233: {  	v28 =	vld [tilespmem:s13+$0x17F20];
	v24 =	vand.u32 $0xFFFF0000, v13;
	v16 =	vadd.f32 v16, v11;
	v13 =	vshll.u32 v13, $0x10  }
0x234: {  	v27 =	vadd.f32 $0.0e+00, v27;
	v11 =	vmul.f32 v24, v12;
	v13 =	vmul.f32 v13, v18;
	v18 =	vld [tilespmem:s13+$0x17F30]  }
0x235: {  	v44 =	vld [tilespmem:s13+$0x17E90];
	v30 =	vshll.u32 v25, $0x10;
	v25 =	vand.u32 $0xFFFF0000, v25;
	v16 =	vadd.f32 v21, v16  }
0x236: {  	v21 =	vld [tilespmem:s13+$0x11B10];
	v17 =	vadd.f32 v27, v17;
	v27 =	vshll.u32 v26, $0x10;
	v26 =	vand.u32 $0xFFFF0000, v26  }
0x237: {  	v24 =	vld [tilespmem:s13+$0x11B30];
	v27 =	vmul.f32 v30, v27;
	v25 =	vmul.f32 v25, v26;
	v19 =	vadd.f32 v16, v19  }
0x238: {  	v16 =	vand.u32 $0xFFFF0000, v23;
	v26 =	vand.u32 $0xFFFF0000, v28;
	v17 =	vadd.f32 v22, v17;
	v22 =	vld [tilespmem:s13+$0x17F10]  }
0x239: {  	v47 =	vld [tilespmem:s13+$0x17EA0];
	v26 =	vmul.f32 v26, v16;
	v31 =	vshll.u32 v18, $0x10;
	v18 =	vand.u32 $0xFFFF0000, v18  }
0x23a: {  	v30 =	vld [tilespmem:s13+$0x17F50];
	v17 =	vadd.f32 v17, v20;
	v20 =	vshll.u32 v23, $0x10;
	v23 =	vshll.u32 v28, $0x10  }
0x23b: {  	v5 =	vld [tilespmem:s13+$0x11BC0];
	v28 =	vand.u32 $0xFFFF0000, v29;
	v33 =	vshll.u32 v21, $0x10;
	v21 =	vand.u32 $0xFFFF0000, v21  }
0x23c: {  	v10 =	vld [tilespmem:s13+$0x11B60];
	v20 =	vmul.f32 v23, v20;
	v23 =	vand.u32 $0xFFFF0000, v24;
	v24 =	vshll.u32 v24, $0x10  }
0x23d: {  	v16 =	vld [tilespmem:s13+$0x11B00];
	v24 =	vmul.f32 v31, v24;
	v18 =	vmul.f32 v18, v23;
	v34 =	vshll.u32 v22, $0x10  }
0x23e: {  	v31 =	vld [tilespmem:s13+$0x17EE0];
	v23 =	vshll.u32 v29, $0x10;
	v22 =	vand.u32 $0xFFFF0000, v22;
	v33 =	vmul.f32 v34, v33  }
0x23f: {  	(xrf2) =	vadd.scan.msk.f32 $0xffff, v9;
	v29 =	vld [tilespmem:s13+$0x11AC0];
	v24 =	vadd.f32 $0.0e+00, v24;
	v21 =	vmul.f32 v22, v21;
	v22 =	vand.u32 $0xFFFF0000, v30  }
0x240: {  	v56 =	vld [tilespmem:s13+$0x11AB0];
	v48 =	vshll.u32 v44, $0x10;
	v7 =	vshll.u32 v5, $0x10;
	(xrf2) =	vadd.scan.msk.f32 $0xffff, v15;
	v22 =	vmul.f32 v22, v28  }
0x241: {  	(xrf2) =	vadd.scan.msk.f32 $0xffff, v14;
	v28 =	vld [tilespmem:s13+$0x17EF0];
	v33 =	vadd.f32 $0.0e+00, v33;
	v18 =	vadd.f32 v24, v18;
	v24 =	vshll.u32 v30, $0x10  }
0x242: {  	v12 =	vshll.u32 v10, $0x10;
	(xrf2) =	vadd.scan.msk.f32 $0xffff, v19;
	v19 =	vshll.u32 v47, $0x10;
	v23 =	vmul.f32 v24, v23;
	v24 =	vld [tilespmem:s13+$0x11AD0]  }
0x243: {  	v30 =	vshll.u32 v16, $0x10;
	v21 =	vadd.f32 v33, v21;
	v18 =	vadd.f32 v27, v18;
	v27 =	vld [tilespmem:s13+$0x17ED0]  }
0x244: {  	v36 =	vshll.u32 v31, $0x10;
	v31 =	vand.u32 $0xFFFF0000, v31;
	v54 =	vand.u32 $0xFFFF0000, v29  }
0x245: {  	v31 =	vmul.f32 v31, v32;
	v32 =	vmul.f32 v55, v54;
	v20 =	vadd.f32 v20, v21  }
0x246: {  	v33 =	vand.u32 $0xFFFF0000, v56;
	v18 =	vadd.f32 v18, v25;
	v39 =	vand.u32 $0xFFFF0000, v28  }
0x247: {  	v28 =	vshll.u32 v28, $0x10;
	v20 =	vadd.f32 v20, v26;
	v26 =	vshll.u32 v29, $0x10  }
0x248: {  	v29 =	vshll.u32 v52, $0x10;
	v37 =	vshll.u32 v24, $0x10;
	v38 =	vshll.u32 v27, $0x10  }
0x249: {  	v60 =	vld [tilespmem:s13+$0x11A70];
	v26 =	vmul.f32 v29, v26;
	v29 =	vshll.u32 v35, $0x10;
	v37 =	vmul.f32 v38, v37  }
0x24a: {  	v24 =	vand.u32 $0xFFFF0000, v24;
	v27 =	vand.u32 $0xFFFF0000, v27;
	v28 =	vmul.f32 v28, v29;
	v29 =	vld [tilespmem:s13+$0x17E70]  }
0x24b: {  	v25 =	vld [tilespmem:s13+$0x11A80];
	v24 =	vmul.f32 v27, v24;
	v27 =	vshll.u32 v56, $0x10;
	v37 =	vadd.f32 $0.0e+00, v37  }
0x24c: {  	v21 =	vmul.f32 v36, v53;
	v36 =	vshll.u32 v59, $0x10;
	v27 =	vmul.f32 v40, v27  }
0x24d: {  	v63 =	vld [tilespmem:s13+$0x11A90];
	v34 =	vmul.f32 v39, v57;
	v35 =	vand.u32 $0xFFFF0000, v58;
	v24 =	vadd.f32 v37, v24  }
0x24e: {  	v33 =	vmul.f32 v35, v33;
	v38 =	vand.u32 $0xFFFF0000, v60;
	v27 =	vadd.f32 $0.0e+00, v27  }
0x24f: {  	v45 =	vshll.u32 v29, $0x10;
	v21 =	vadd.f32 v21, v24;
	v24 =	vshll.u32 v60, $0x10  }
0x250: {  	v46 =	vld [tilespmem:s13+$0x11AA0];
	v61 =	vand.u32 $0xFFFF0000, v25;
	v29 =	vand.u32 $0xFFFF0000, v29;
	v24 =	vmul.f32 v45, v24  }
0x251: {  	v25 =	vshll.u32 v25, $0x10;
	v27 =	vadd.f32 v27, v33;
	v29 =	vmul.f32 v29, v38  }
0x252: {  	v21 =	vadd.f32 v21, v31;
	v31 =	vshll.u32 v63, $0x10;
	v24 =	vadd.f32 $0.0e+00, v24  }
0x253: {  	v9 =	vmul.f32 v36, v25;
	v26 =	vadd.f32 v26, v27;
	v25 =	vmul.f32 v48, v31  }
0x254: {  	(xrf2) =	vadd.scan.msk.f32 $0xffff, v17;
	v27 =	vand.u32 $0xFFFF0000, v44;
	v15 =	vadd.f32 v24, v29;
	v24 =	vand.u32 $0xFFFF0000, v63;
	v29 =	vld [tilespmem:s13+$0x17F00]  }
0x255: {  	(xrf2) =	vadd.scan.msk.f32 $0xffff, v18;
	v18 =	vand.u32 $0xFFFF0000, v46;
	v14 =	vadd.f32 $0.0e+00, v25;
	v24 =	vmul.f32 v27, v24  }
0x256: {  	(xrf2) =	vadd.scan.msk.f32 $0xffff, v20;
	v20 =	vadd.f32 $0.0e+00, v23;
	v9 =	vadd.f32 v9, v15;
	v15 =	vshll.u32 v46, $0x10  }
0x257: {  	v17 =	vadd.f32 $0.0e+00, v28;
	v14 =	vadd.f32 v14, v24;
	v15 =	vmul.f32 v19, v15;
	v19 =	vld [tilespmem:s13+$0x17F60]  }
0x258: {  	v37 =	vmul.f32 v62, v61;
	v25 =	vadd.f32 v26, v32;
	v24 =	vand.u32 $0xFFFF0000, v47  }
0x259: {  	v14 =	vadd.f32 v15, v14;
	v15 =	vmul.f32 v24, v18;
	v18 =	vshll.u32 v29, $0x10  }
0x25a: {  	v17 =	vadd.f32 v17, v34;
	(xrf2) =	vadd.scan.msk.f32 $0xffff, v21;
	v21 =	vld [tilespmem:s13+$0x17FC0];
	v9 =	vadd.f32 v9, v37;
	v18 =	vmul.f32 v18, v30  }
0x25b: {  	(xrf2) =	vadd.scan.msk.f32 $0xffff, v25;
	v14 =	vadd.f32 v14, v15;
	v15 =	vand.u32 $0xFFFF0000, v16;
	v16 =	vand.u32 $0xFFFF0000, v29  }
0x25c: {  	v0 =	vld [tilespmem:s13+$0x11C20];
	(xrf2) =	vadd.scan.msk.f32 $0xffff, v9;
	v9 =	vadd.f32 v18, v17;
	v15 =	vmul.f32 v16, v15;
	v16 =	vshll.u32 v19, $0x10  }
0x25d: {  	v10 =	vand.u32 $0xFFFF0000, v10;
	v18 =	vadd.f32 v20, v22;
	v12 =	vmul.f32 v16, v12;
	v16 =	vld [tilespmem:s13+$0x18020]  }
0x25e: {  	v13 =	vadd.f32 $0.0e+00, v13;
	v9 =	vadd.f32 v9, v15;
	v15 =	vand.u32 $0xFFFF0000, v19  }
0x25f: {  	v17, _, _ =	vpop (xrf2);
	(xrf2) =	vadd.scan.msk.f32 $0xffff, v14;
	v12 =	vadd.f32 v12, v18;
	v10 =	vmul.f32 v15, v10;
	v15 =	vshll.u32 v21, $0x10  }
0x260: {  	v11 =	vadd.f32 v13, v11;
	v14, _, _ =	vpop (xrf2);
	v7 =	vmul.f32 v15, v7  }
0x261: {  	v4 =	vshll.u32 v0, $0x10;
	v8 =	vadd.f32 $0.0e+00, v8;
	v19, _, _ =	vpop (xrf2);
	v10 =	vadd.f32 v12, v10  }
0x262: {  	v18, _, _ =	vpop (xrf2);
	v12 =	vand.u32 $0xFFFF0000, v21;
	v7 =	vadd.f32 v7, v11;
	v11 =	vshll.u32 v16, $0x10  }
0x263: {  	v5 =	vand.u32 $0xFFFF0000, v5;
	v6 =	vadd.f32 v8, v6;
	(xrf2) =	vadd.scan.msk.f32 $0xffff, v9;
	v9, _, _ =	vpop (xrf2);
	v4 =	vmul.f32 v11, v4  }
0x264: {  	v5 =	vmul.f32 v12, v5;
	v20, _, _ =	vpop (xrf2)  }
0x265: {  	v2 =	vmul.f32 v3, v2;
	v12, _, _ =	vpop (xrf2);
	v4 =	vadd.f32 v4, v6  }
0x266: {  	v0 =	vand.u32 $0xFFFF0000, v0;
	v13 =	vld [tilespmem:s13+$0x11C60];
	v5 =	vadd.f32 v7, v5;
	v7 =	vand.u32 $0xFFFF0000, v16;
	v3, _, _ =	vpop (xrf2)  }
0x267: {  	v15 =	vld [tilespmem:s13+$0x18060];
	v0 =	vmul.f32 v7, v0;
	v8, _, _ =	vpop (xrf2)  }
0x268: {  	v6, _, _ =	vpop (xrf2)  }
0x269: {  	(xrf2) =	vadd.scan.msk.f32 $0xffff, v10;
	v0 =	vadd.f32 v4, v0;
	v4, _, _ =	vpop (xrf2)  }
0x26a: {  	v4 =	vbroadcast v4, $0xF  }
0x26b: {  	v2 =	vadd.f32 $0.0e+00, v2  }
0x26c: {  	v7 =	vshll.u32 v13, $0x10;
	v11 =	vshll.u32 v15, $0x10;
	(xrf2) =	vadd.scan.msk.f32 $0xffff, v5;
	v5 =	vbroadcast v6, $0xF  }
0x26d: {  	v1 =	vadd.f32 v2, v1;
	v10 =	vand.u32 $0xFFFF0000, v13;
	v2 =	vmul.f32 v11, v7  }
0x26e: {  	v7 =	vbroadcast v8, $0xF;
	v6 =	vand.u32 $0xFFFF0000, v15;
	(xrf2) =	vadd.scan.msk.f32 $0xffff, v0;
	v0 =	vsel vm0, v5, v4;
	v4, _, _ =	vpop (xrf2)  }
0x26f: {  	v1 =	vadd.f32 v2, v1;
	v2 =	vmul.f32 v6, v10;
	v4 =	vbroadcast v4, $0xF  }
0x270: {  	v3 =	vbroadcast v3, $0xF  }
0x271: {  	v1 =	vadd.f32 v1, v2;
	v0 =	vsel vm1, v0, v7  }
0x272: {  	v2 =	vbroadcast v12, $0xF;
	v0 =	vsel vm2, v0, v3;
	v3 =	vbroadcast v20, $0xF  }
0x273: {  	v0 =	vsel vm3, v0, v4;
	v4, _, _ =	vpop (xrf2)  }
0x274: {  	v0 =	vsel vm4, v0, v2;
	(xrf2) =	vadd.scan.msk.f32 $0xffff, v1;
	v1 =	vbroadcast v4, $0xF  }
0x275: {  	v2 =	vbroadcast v9, $0xF;
	v0 =	vsel vm5, v0, v3  }
0x276: {  	v3, _, _ =	vpop (xrf2);
	v0 =	vsel vm6, v0, v1;
	v1 =	vbroadcast v18, $0xF  }
0x277: {  	v0 =	vsel vm7, v0, v2;
	v2 =	vbroadcast v3, $0xF  }
0x278: {  	v0 =	vsel vm8, v0, v1;
	v1 =	vbroadcast v19, $0xF  }
0x279: {  	v3, _, _ =	vpop (xrf2);
	v0 =	vsel vm9, v0, v2  }
0x27a: {  	v2 =	vbroadcast v14, $0xF;
	v0 =	vsel vm10, v0, v1;
	v1 =	vbroadcast v3, $0xF;
	_ =	sdelay $0x1  }
0x27b: {  	v0 =	vsel vm11, v0, v2;
	v2 =	vbroadcast v17, $0xF  }
0x27c: {  	v0 =	vsel vm12, v0, v1  }
0x27d: {  	v0 =	vsel vm13, v0, v2;
	v1, _, _ =	vpop (xrf2)  }
0x27e: {  	s8 =	simm.s32 $0x1B3F0;
	v0 =	vsel vm14, v0, v1  }
0x27f: {  	s9 =	simm.s32 $0x3F0;
	[tilespmem:s8+$0x0] =	vst v0  }
0x280: {  	v1 =	vld [tilespmem:s9+$0x11C40]  }
0x281: {  	v2 =	vld [tilespmem:s9+$0x11C30]  }
0x282: {  	v3 =	vld [tilespmem:s9+$0x18030]  }
0x283: {  	v7 =	vld [tilespmem:s9+$0x11C00]  }
0x284: {  	v11 =	vld [tilespmem:s9+$0x18000]  }
0x285: {  	v14 =	vld [tilespmem:s9+$0x17FE0]  }
0x286: {  	v17 =	vld [tilespmem:s9+$0x17FD0]  }
0x287: {  	v56 =	vld [tilespmem:s9+$0x17ED0]  }
0x288: {  	v55 =	vld [tilespmem:s9+$0x17EF0];
	v8 =	vshll.u32 v2, $0x10;
	v9 =	vshll.u32 v3, $0x10;
	v10 =	vand.u32 $0xFFFF0000, v1  }
0x289: {  	v4 =	vld [tilespmem:s9+$0x18040];
	v1 =	vshll.u32 v1, $0x10;
	v2 =	vand.u32 $0xFFFF0000, v2;
	v3 =	vand.u32 $0xFFFF0000, v3  }
0x28a: {  	v5 =	vld [tilespmem:s9+$0x11C50];
	v13 =	vshll.u32 v7, $0x10;
	v7 =	vand.u32 $0xFFFF0000, v7;
	v16 =	vshll.u32 v11, $0x10  }
0x28b: {  	v6 =	vld [tilespmem:s9+$0x18050];
	v11 =	vand.u32 $0xFFFF0000, v11;
	v18 =	vand.u32 $0xFFFF0000, v14;
	v22 =	vshll.u32 v17, $0x10  }
0x28c: {  	v57 =	vld [tilespmem:s9+$0x17E80];
	v17 =	vand.u32 $0xFFFF0000, v17;
	v58 =	vshll.u32 v56, $0x10;
	v8 =	vmul.f32 v9, v8  }
0x28d: {  	v0 =	vld [tilespmem:s9+$0x11C20];
	v59 =	vand.u32 $0xFFFF0000, v55;
	v60 =	vshll.u32 v55, $0x10;
	v61 =	vand.u32 $0xFFFF0000, v56  }
0x28e: {  	v12 =	vld [tilespmem:s9+$0x11BE0];
	v9 =	vand.u32 $0xFFFF0000, v4;
	v3 =	vmul.f32 v3, v2;
	v8 =	vadd.f32 $0.0e+00, v8  }
0x28f: {  	v15 =	vld [tilespmem:s9+$0x11BF0];
	v4 =	vshll.u32 v4, $0x10;
	v2 =	vshll.u32 v5, $0x10;
	v9 =	vmul.f32 v9, v10  }
0x290: {  	v10 =	vld [tilespmem:s9+$0x11C10];
	v4 =	vmul.f32 v4, v1;
	v1 =	vand.u32 $0xFFFF0000, v5;
	v5 =	vadd.f32 v8, v3  }
0x291: {  	v35 =	vand.u32 $0xFFFF0000, v57;
	v3 =	vshll.u32 v6, $0x10;
	v6 =	vand.u32 $0xFFFF0000, v6;
	v8 =	vld [tilespmem:s9+$0x17FF0]  }
0x292: {  	v16 =	vmul.f32 v16, v13;
	v1 =	vmul.f32 v6, v1;
	v6 =	vld [tilespmem:s9+$0x11BD0];
	v5 =	vadd.f32 v4, v5  }
0x293: {  	v11 =	vmul.f32 v11, v7;
	v7 =	vand.u32 $0xFFFF0000, v12;
	v4 =	vshll.u32 v0, $0x10  }
0x294: {  	v13 =	vadd.f32 v5, v9;
	v5 =	vshll.u32 v12, $0x10;
	v9 =	vshll.u32 v14, $0x10  }
0x295: {  	v12 =	vmul.f32 v18, v7;
	v7 =	vand.u32 $0xFFFF0000, v15;
	v14 =	vand.u32 $0xFFFF0000, v10;
	v18 =	vld [tilespmem:s9+$0x18010]  }
0x296: {  	v15 =	vshll.u32 v15, $0x10;
	v9 =	vmul.f32 v9, v5;
	v5 =	vld [tilespmem:s9+$0x11BC0];
	v19 =	vshll.u32 v8, $0x10  }
0x297: {  	v20 =	vld [tilespmem:s9+$0x11BA0];
	v8 =	vand.u32 $0xFFFF0000, v8;
	v21 =	vshll.u32 v6, $0x10;
	v15 =	vmul.f32 v19, v15  }
0x298: {  	v19 =	vld [tilespmem:s9+$0x17FA0];
	v7 =	vmul.f32 v8, v7;
	v6 =	vand.u32 $0xFFFF0000, v6;
	v21 =	vmul.f32 v22, v21  }
0x299: {  	v23 =	vld [tilespmem:s9+$0x11BB0];
	v8 =	vshll.u32 v10, $0x10;
	v17 =	vmul.f32 v17, v6;
	v15 =	vadd.f32 $0.0e+00, v15  }
0x29a: {  	v10 =	vld [tilespmem:s9+$0x11B80];
	v21 =	vadd.f32 $0.0e+00, v21;
	v6 =	vand.u32 $0xFFFF0000, v18;
	v18 =	vshll.u32 v18, $0x10  }
0x29b: {  	v22 =	vld [tilespmem:s9+$0x17F80];
	v15 =	vadd.f32 v15, v7;
	v6 =	vmul.f32 v6, v14;
	v7 =	vshll.u32 v5, $0x10  }
0x29c: {  	v14 =	vld [tilespmem:s9+$0x11B90];
	v8 =	vmul.f32 v18, v8;
	v17 =	vadd.f32 v21, v17;
	v21 =	vshll.u32 v20, $0x10  }
0x29d: {  	v18 =	vld [tilespmem:s9+$0x17F90];
	v20 =	vand.u32 $0xFFFF0000, v20;
	v24 =	vshll.u32 v19, $0x10;
	v15 =	vadd.f32 v16, v15  }
0x29e: {  	v19 =	vand.u32 $0xFFFF0000, v19;
	v16 =	vld [tilespmem:s9+$0x11B70];
	v21 =	vmul.f32 v24, v21;
	v9 =	vadd.f32 v9, v17  }
0x29f: {  	v19 =	vmul.f32 v19, v20;
	v17 =	vld [tilespmem:s9+$0x17F70];
	v20 =	vadd.f32 v15, v11;
	v11 =	vand.u32 $0xFFFF0000, v10  }
0x2a0: {  	v15 =	vand.u32 $0xFFFF0000, v22;
	v27 =	vadd.f32 v9, v12;
	v9 =	vshll.u32 v10, $0x10  }
0x2a1: {  	v10 =	vshll.u32 v22, $0x10;
	v15 =	vmul.f32 v15, v11;
	v11 =	vand.u32 $0xFFFF0000, v23  }
0x2a2: {  	v12 =	vld [tilespmem:s9+$0x17FB0];
	v24 =	vshll.u32 v18, $0x10;
	v18 =	vand.u32 $0xFFFF0000, v18;
	v22 =	vmul.f32 v10, v9  }
0x2a3: {  	v25 =	vld [tilespmem:s9+$0x11B40];
	v10 =	vand.u32 $0xFFFF0000, v14;
	v14 =	vshll.u32 v14, $0x10;
	v26 =	vshll.u32 v16, $0x10  }
0x2a4: {  	v14 =	vmul.f32 v24, v14;
	v24 =	vld [tilespmem:s9+$0x17F40];
	v10 =	vmul.f32 v18, v10;
	v28 =	vshll.u32 v17, $0x10  }
0x2a5: {  	v9 =	vld [tilespmem:s9+$0x11B60];
	v16 =	vand.u32 $0xFFFF0000, v16;
	v17 =	vand.u32 $0xFFFF0000, v17;
	v26 =	vmul.f32 v28, v26  }
0x2a6: {  	v18 =	vshll.u32 v23, $0x10;
	v14 =	vadd.f32 $0.0e+00, v14;
	v28 =	vld [tilespmem:s9+$0x17F20];
	v16 =	vmul.f32 v17, v16  }
0x2a7: {  	v23 =	vld [tilespmem:s9+$0x11B20];
	v17 =	vand.u32 $0xFFFF0000, v12;
	v12 =	vshll.u32 v12, $0x10;
	v26 =	vadd.f32 $0.0e+00, v26  }
0x2a8: {  	v29 =	vld [tilespmem:s9+$0x11B50];
	v14 =	vadd.f32 v14, v10;
	v10 =	vmul.f32 v17, v11;
	v12 =	vmul.f32 v12, v18  }
0x2a9: {  	v17 =	vld [tilespmem:s9+$0x11B30];
	v30 =	vshll.u32 v24, $0x10;
	v24 =	vand.u32 $0xFFFF0000, v24;
	v16 =	vadd.f32 v26, v16  }
0x2aa: {  	v18 =	vld [tilespmem:s9+$0x17F30];
	v26 =	vshll.u32 v25, $0x10;
	v25 =	vand.u32 $0xFFFF0000, v25;
	v14 =	vadd.f32 v21, v14  }
0x2ab: {  	v11 =	vshll.u32 v9, $0x10;
	v21 =	vld [tilespmem:s9+$0x11B10];
	v24 =	vmul.f32 v24, v25;
	v25 =	vand.u32 $0xFFFF0000, v28  }
0x2ac: {  	v16 =	vadd.f32 v22, v16;
	v22 =	vld [tilespmem:s9+$0x17F10];
	v14 =	vadd.f32 v14, v19;
	v19 =	vand.u32 $0xFFFF0000, v23  }
0x2ad: {  	v26 =	vmul.f32 v30, v26;
	v19 =	vmul.f32 v25, v19;
	v25 =	vand.u32 $0xFFFF0000, v29  }
0x2ae: {  	v49 =	vadd.f32 v16, v15;
	v15 =	vshll.u32 v23, $0x10;
	v16 =	vshll.u32 v28, $0x10  }
0x2af: {  	v30 =	vshll.u32 v18, $0x10;
	v18 =	vand.u32 $0xFFFF0000, v18;
	v28 =	vld [tilespmem:s9+$0x17F50];
	v23 =	vmul.f32 v16, v15  }
0x2b0: {  	v16 =	vand.u32 $0xFFFF0000, v17;
	v15 =	vld [tilespmem:s9+$0x11B00];
	v17 =	vshll.u32 v17, $0x10;
	v50 =	vshll.u32 v21, $0x10  }
0x2b1: {  	v31 =	vld [tilespmem:s9+$0x11AE0];
	v21 =	vand.u32 $0xFFFF0000, v21;
	v17 =	vmul.f32 v30, v17;
	v51 =	vshll.u32 v22, $0x10  }
0x2b2: {  	v30 =	vld [tilespmem:s9+$0x17EE0];
	v16 =	vmul.f32 v18, v16;
	v22 =	vand.u32 $0xFFFF0000, v22;
	v32 =	vmul.f32 v51, v50  }
0x2b3: {  	v18 =	vshll.u32 v29, $0x10;
	v29 =	vld [tilespmem:s9+$0x11AC0];
	v17 =	vadd.f32 $0.0e+00, v17;
	v21 =	vmul.f32 v22, v21  }
0x2b4: {  	v52 =	vld [tilespmem:s9+$0x17EC0];
	v22 =	vand.u32 $0xFFFF0000, v28;
	v28 =	vshll.u32 v28, $0x10;
	v32 =	vadd.f32 $0.0e+00, v32  }
0x2b5: {  	(xrf2) =	vadd.scan.msk.f32 $0xffff, v13;
	v13 =	vld [tilespmem:s9+$0x11AD0];
	v54 =	vadd.f32 v17, v16;
	v16 =	vmul.f32 v22, v25;
	v17 =	vshll.u32 v15, $0x10  }
0x2b6: {  	(xrf2) =	vadd.scan.msk.f32 $0xffff, v20;
	v18 =	vmul.f32 v28, v18;
	v22 =	vshll.u32 v31, $0x10;
	v25 =	vand.u32 $0xFFFF0000, v31  }
0x2b7: {  	v53 =	vld [tilespmem:s9+$0x11AF0];
	v21 =	vadd.f32 v32, v21;
	v28 =	vadd.f32 v26, v54;
	v26 =	vshll.u32 v30, $0x10  }
0x2b8: {  	v31 =	vld [tilespmem:s9+$0x17EB0];
	v30 =	vand.u32 $0xFFFF0000, v30;
	v26 =	vmul.f32 v26, v22;
	v22 =	vand.u32 $0xFFFF0000, v29  }
0x2b9: {  	(xrf2) =	vadd.scan.msk.f32 $0xffff, v27;
	v21 =	vadd.f32 v23, v21;
	v23 =	vmul.f32 v30, v25;
	v20 =	vadd.f32 v28, v24  }
0x2ba: {  	v28 =	vld [tilespmem:s9+$0x11A80];
	v24 =	vand.u32 $0xFFFF0000, v52;
	v25 =	vshll.u32 v52, $0x10;
	v30 =	vshll.u32 v13, $0x10  }
0x2bb: {  	v13 =	vand.u32 $0xFFFF0000, v13;
	v21 =	vadd.f32 v21, v19;
	v19 =	vshll.u32 v29, $0x10;
	v29 =	vld [tilespmem:s9+$0x11AB0]  }
0x2bc: {  	(xrf2) =	vadd.scan.msk.f32 $0xffff, v14;
	v22 =	vmul.f32 v24, v22;
	v24 =	vshll.u32 v53, $0x10;
	v30 =	vmul.f32 v58, v30  }
0x2bd: {  	v33 =	vld [tilespmem:s9+$0x17E70];
	v63 =	vmul.f32 v61, v13;
	v38 =	vshll.u32 v31, $0x10;
	v24 =	vmul.f32 v60, v24  }
0x2be: {  	v32 =	vld [tilespmem:s9+$0x11A70];
	v25 =	vmul.f32 v25, v19;
	v19 =	vand.u32 $0xFFFF0000, v53;
	v62 =	vadd.f32 $0.0e+00, v30  }
0x2bf: {  	v13, _, _ =	vpop (xrf2);
	v30 =	vshll.u32 v57, $0x10;
	(xrf2) =	vadd.scan.msk.f32 $0xffff, v49;
	v19 =	vmul.f32 v59, v19;
	v34 =	vand.u32 $0xFFFF0000, v28  }
0x2c0: {  	s10 =	simm.s32 $0x17C0;
	v27 =	vld [tilespmem:s9+$0x11A90];
	v14, _, _ =	vpop (xrf2);
	v28 =	vshll.u32 v28, $0x10;
	v36 =	vadd.f32 v62, v63;
	v37 =	vshll.u32 v29, $0x10  }
.LBB2_6:
0x2c1: {  	p1 =	sne.s32 s10, $0xC7C0;
	v39 =	vld [tilespmem:s9+$0x17E90];
	v29 =	vand.u32 $0xFFFF0000, v29;
	v31 =	vand.u32 $0xFFFF0000, v31;
	v37 =	vmul.f32 v38, v37  }
0x2c2: {  	v34 =	vmul.f32 v35, v34;
	v29 =	vmul.f32 v31, v29;
	v26 =	vadd.f32 v26, v36;
	(xrf2) =	vadd.scan.msk.f32 $0xffff, v20  }
0x2c3: {  	v31 =	vshll.u32 v32, $0x10;
	v35 =	vshll.u32 v33, $0x10;
	v36 =	vadd.f32 $0.0e+00, v37;
	v20, _, _ =	vpop (xrf2)  }
0x2c4: {  	v32 =	vand.u32 $0xFFFF0000, v32;
	v33 =	vand.u32 $0xFFFF0000, v33;
	v31 =	vmul.f32 v35, v31;
	v35 =	vld [tilespmem:s9+$0x11AA0]  }
0x2c5: {  	v32 =	vmul.f32 v33, v32;
	v23 =	vadd.f32 v26, v23;
	v33 =	vld [tilespmem:s9+$0x17EA0];
	v29 =	vadd.f32 v36, v29;
	(xrf2) =	vadd.scan.msk.f32 $0xffff, v21  }
0x2c6: {  	v26 =	vadd.f32 $0.0e+00, v31;
	v31 =	vshll.u32 v27, $0x10;
	v36 =	vshll.u32 v39, $0x10;
	v21, _, _ =	vpop (xrf2)  }
0x2c7: {  	v28 =	vmul.f32 v30, v28;
	v30 =	vmul.f32 v36, v31;
	v36 =	vadd.f32 v25, v29  }
0x2c8: {  	v27 =	vand.u32 $0xFFFF0000, v27;
	v29 =	vand.u32 $0xFFFF0000, v39;
	v26 =	vadd.f32 v26, v32;
	v31 =	vld [tilespmem:s9+$0x17F00];
	(xrf2) =	vadd.scan.msk.f32 $0xffff, v23  }
0x2c9: {  	v27 =	vmul.f32 v29, v27;
	v23 =	vadd.f32 $0.0e+00, v30;
	v22 =	vadd.f32 v36, v22;
	v25, _, _ =	vpop (xrf2)  }
0x2ca: {  	v26 =	vadd.f32 v28, v26;
	v28 =	vshll.u32 v35, $0x10;
	v29 =	vshll.u32 v33, $0x10  }
0x2cb: {  	v24 =	vadd.f32 $0.0e+00, v24;
	v23 =	vadd.f32 v23, v27;
	v27 =	vmul.f32 v29, v28;
	v28 =	vld [tilespmem:s9+$0x17F60];
	(xrf2) =	vadd.scan.msk.f32 $0xffff, v22  }
0x2cc: {  	v29 =	vand.u32 $0xFFFF0000, v33;
	v22 =	vadd.f32 v26, v34;
	v26 =	vand.u32 $0xFFFF0000, v35;
	v30, _, _ =	vpop (xrf2)  }
0x2cd: {  	v23 =	vadd.f32 v27, v23;
	v29 =	vmul.f32 v29, v26;
	v27 =	vshll.u32 v31, $0x10  }
0x2ce: {  	v18 =	vadd.f32 $0.0e+00, v18;
	v19 =	vadd.f32 v24, v19;
	v17 =	vmul.f32 v27, v17;
	v24 =	vld [tilespmem:s9+$0x17FC0];
	(xrf2) =	vadd.scan.msk.f32 $0xffff, v22  }
0x2cf: {  	v15 =	vand.u32 $0xFFFF0000, v15;
	v22 =	vadd.f32 v23, v29;
	v23 =	vand.u32 $0xFFFF0000, v31;
	v26, _, _ =	vpop (xrf2)  }
0x2d0: {  	v17 =	vadd.f32 v17, v19;
	v15 =	vmul.f32 v23, v15;
	v23 =	vshll.u32 v28, $0x10  }
0x2d1: {  	v12 =	vadd.f32 $0.0e+00, v12;
	v16 =	vadd.f32 v18, v16;
	v11 =	vmul.f32 v23, v11;
	v18 =	vld [tilespmem:s9+$0x18020];
	(xrf2) =	vadd.scan.msk.f32 $0xffff, v22  }
0x2d2: {  	v9 =	vand.u32 $0xFFFF0000, v9;
	v15 =	vadd.f32 v17, v15;
	v17 =	vand.u32 $0xFFFF0000, v28;
	v19, _, _ =	vpop (xrf2)  }
0x2d3: {  	v11 =	vadd.f32 v11, v16;
	v9 =	vmul.f32 v17, v9;
	v17 =	vshll.u32 v24, $0x10  }
0x2d4: {  	v8 =	vadd.f32 $0.0e+00, v8;
	v10 =	vadd.f32 v12, v10;
	v7 =	vmul.f32 v17, v7;
	v12 =	vld [tilespmem:s9+$0x11C60];
	(xrf2) =	vadd.scan.msk.f32 $0xffff, v15  }
0x2d5: {  	v5 =	vand.u32 $0xFFFF0000, v5;
	v9 =	vadd.f32 v11, v9;
	v11 =	vand.u32 $0xFFFF0000, v24;
	v15 =	vld [tilespmem:s9+$0x18060];
	v16, _, _ =	vpop (xrf2)  }
0x2d6: {  	v17 =	vadd.f32 v7, v10;
	v5 =	vmul.f32 v11, v5;
	v10 =	vshll.u32 v18, $0x10  }
0x2d7: {  	v2 =	vmul.f32 v3, v2;
	v6 =	vadd.f32 v8, v6;
	v4 =	vmul.f32 v10, v4;
	(xrf2) =	vadd.scan.msk.f32 $0xffff, v9  }
0x2d8: {  	v0 =	vand.u32 $0xFFFF0000, v0;
	v9 =	vadd.f32 v17, v5;
	v5 =	vand.u32 $0xFFFF0000, v18;
	v7, _, _ =	vpop (xrf2)  }
0x2d9: {  	v2 =	vadd.f32 $0.0e+00, v2;
	v4 =	vadd.f32 v4, v6;
	v0 =	vmul.f32 v5, v0  }
0x2da: {  	v5 =	vshll.u32 v12, $0x10;
	v6 =	vand.u32 $0xFFFF0000, v12;
	v8 =	vshll.u32 v15, $0x10;
	(xrf2) =	vadd.scan.msk.f32 $0xffff, v9  }
0x2db: {  	v1 =	vadd.f32 v2, v1;
	v0 =	vadd.f32 v4, v0;
	v2 =	vmul.f32 v8, v5;
	v3, _, _ =	vpop (xrf2)  }
0x2dc: {  	v8 =	vbroadcast v7, $0xF;
	v5 =	vand.u32 $0xFFFF0000, v15;
	v3 =	vbroadcast v3, $0xF  }
0x2dd: {  	v7 =	vbroadcast v16, $0xF;
	v1 =	vadd.f32 v2, v1;
	v2 =	vmul.f32 v5, v6;
	(xrf2) =	vadd.scan.msk.f32 $0xffff, v0  }
0x2de: {  	v0 =	vsel vm0, v8, v3;
	v3 =	vbroadcast v19, $0xF;
	v4, _, _ =	vpop (xrf2)  }
0x2df: {  	v0 =	vsel vm1, v0, v7;
	v5 =	vbroadcast v4, $0xF;
	v1 =	vadd.f32 v1, v2  }
0x2e0: {  	v2 =	vbroadcast v26, $0xF;
	v0 =	vsel vm2, v0, v3  }
0x2e1: {  	v0 =	vsel vm3, v0, v5;
	v5 =	vbroadcast v30, $0xF;
	v4, _, _ =	vpop (xrf2);
	(xrf2) =	vadd.scan.msk.f32 $0xffff, v1  }
0x2e2: {  	v0 =	vsel vm4, v0, v2;
	v1 =	vbroadcast v4, $0xF  }
0x2e3: {  	v2 =	vbroadcast v25, $0xF;
	v0 =	vsel vm5, v0, v5  }
0x2e4: {  	v0 =	vsel vm6, v0, v1;
	v1 =	vbroadcast v21, $0xF;
	v3, _, _ =	vpop (xrf2)  }
0x2e5: {  	v0 =	vsel vm7, v0, v2;
	v2 =	vbroadcast v3, $0xF  }
0x2e6: {  	v0 =	vsel vm8, v0, v1;
	v1 =	vbroadcast v20, $0xF  }
0x2e7: {  	v0 =	vsel vm9, v0, v2;
	v2 =	vbroadcast v14, $0xF;
	v3, _, _ =	vpop (xrf2)  }
0x2e8: {  	v0 =	vsel vm10, v0, v1;
	v3 =	vbroadcast v3, $0xF  }
0x2e9: {  	v0 =	vsel vm11, v0, v2;
	v2 =	vbroadcast v13, $0xF  }
0x2ea: {  	v0 =	vsel vm12, v0, v3  }
0x2eb: {  	v0 =	vsel vm13, v0, v2;
	v1, _, _ =	vpop (xrf2)  }
0x2ec: {  	s8 =	sadd.s32 $0x10, s8;
	v0 =	vsel vm14, v0, v1  }
0x2ed: {  	s9 =	sshra.s32 s10, $0x2;
	[tilespmem:s8+$0x0] =	vst v0  }
0x2ee: {  	v1 =	vld [tilespmem:s9+$0x11C40]  }
0x2ef: {  	v2 =	vld [tilespmem:s9+$0x11C30]  }
0x2f0: {  	v3 =	vld [tilespmem:s9+$0x18030]  }
0x2f1: {  	v4 =	vld [tilespmem:s9+$0x18040]  }
0x2f2: {  	v5 =	vld [tilespmem:s9+$0x11C50]  }
0x2f3: {  	v6 =	vld [tilespmem:s9+$0x18050]  }
0x2f4: {  	v0 =	vld [tilespmem:s9+$0x11C20]  }
0x2f5: {  	v10 =	vand.u32 $0xFFFF0000, v1;
	v8 =	vshll.u32 v2, $0x10;
	v7 =	vld [tilespmem:s9+$0x11C00];
	v9 =	vshll.u32 v3, $0x10  }
0x2f6: {  	v1 =	vshll.u32 v1, $0x10;
	v11 =	vld [tilespmem:s9+$0x18000];
	v8 =	vmul.f32 v9, v8;
	v9 =	vand.u32 $0xFFFF0000, v4  }
0x2f7: {  	v2 =	vand.u32 $0xFFFF0000, v2;
	v3 =	vand.u32 $0xFFFF0000, v3;
	v4 =	vshll.u32 v4, $0x10;
	v12 =	vld [tilespmem:s9+$0x11BE0]  }
0x2f8: {  	v3 =	vmul.f32 v3, v2;
	v9 =	vmul.f32 v9, v10;
	v14 =	vld [tilespmem:s9+$0x17FE0];
	v8 =	vadd.f32 $0.0e+00, v8  }
0x2f9: {  	v4 =	vmul.f32 v4, v1;
	v2 =	vshll.u32 v5, $0x10;
	v1 =	vand.u32 $0xFFFF0000, v5;
	v10 =	vld [tilespmem:s9+$0x11C10]  }
0x2fa: {  	v15 =	vld [tilespmem:s9+$0x11BF0];
	v5 =	vadd.f32 v8, v3;
	v3 =	vshll.u32 v6, $0x10;
	v6 =	vand.u32 $0xFFFF0000, v6  }
0x2fb: {  	v13 =	vshll.u32 v7, $0x10;
	v7 =	vand.u32 $0xFFFF0000, v7;
	v8 =	vld [tilespmem:s9+$0x17FF0];
	v1 =	vmul.f32 v6, v1  }
0x2fc: {  	v16 =	vshll.u32 v11, $0x10;
	v11 =	vand.u32 $0xFFFF0000, v11;
	v6 =	vld [tilespmem:s9+$0x11BD0];
	v5 =	vadd.f32 v4, v5  }
0x2fd: {  	v16 =	vmul.f32 v16, v13;
	v11 =	vmul.f32 v11, v7;
	v4 =	vshll.u32 v0, $0x10;
	v17 =	vld [tilespmem:s9+$0x17FD0]  }
0x2fe: {  	v7 =	vand.u32 $0xFFFF0000, v12;
	v18 =	vand.u32 $0xFFFF0000, v14;
	v13 =	vadd.f32 v5, v9  }
0x2ff: {  	v5 =	vshll.u32 v12, $0x10;
	v9 =	vshll.u32 v14, $0x10;
	v12 =	vmul.f32 v18, v7  }
0x300: {  	v14 =	vand.u32 $0xFFFF0000, v10;
	v9 =	vmul.f32 v9, v5;
	v7 =	vand.u32 $0xFFFF0000, v15;
	v18 =	vld [tilespmem:s9+$0x18010]  }
0x301: {  	v15 =	vshll.u32 v15, $0x10;
	v19 =	vshll.u32 v8, $0x10;
	v8 =	vand.u32 $0xFFFF0000, v8;
	v5 =	vld [tilespmem:s9+$0x11BC0]  }
0x302: {  	v21 =	vshll.u32 v6, $0x10;
	v15 =	vmul.f32 v19, v15;
	v20 =	vld [tilespmem:s9+$0x11BA0];
	v22 =	vshll.u32 v17, $0x10  }
0x303: {  	v7 =	vmul.f32 v8, v7;
	v8 =	vshll.u32 v10, $0x10;
	v19 =	vld [tilespmem:s9+$0x17FA0];
	v21 =	vmul.f32 v22, v21  }
0x304: {  	v6 =	vand.u32 $0xFFFF0000, v6;
	v17 =	vand.u32 $0xFFFF0000, v17;
	v15 =	vadd.f32 $0.0e+00, v15;
	v10 =	vld [tilespmem:s9+$0x11B80]  }
0x305: {  	v17 =	vmul.f32 v17, v6;
	v22 =	vld [tilespmem:s9+$0x17F80];
	v21 =	vadd.f32 $0.0e+00, v21;
	v6 =	vand.u32 $0xFFFF0000, v18  }
0x306: {  	v15 =	vadd.f32 v15, v7;
	v18 =	vshll.u32 v18, $0x10;
	v23 =	vld [tilespmem:s9+$0x11BB0];
	v6 =	vmul.f32 v6, v14  }
0x307: {  	v7 =	vshll.u32 v5, $0x10;
	v8 =	vmul.f32 v18, v8;
	v24 =	vld [tilespmem:s9+$0x11B90];
	v14 =	vadd.f32 v21, v17  }
0x308: {  	v18 =	vshll.u32 v20, $0x10;
	v20 =	vand.u32 $0xFFFF0000, v20;
	v15 =	vadd.f32 v16, v15;
	v17 =	vld [tilespmem:s9+$0x17F90]  }
0x309: {  	v21 =	vshll.u32 v19, $0x10;
	v19 =	vand.u32 $0xFFFF0000, v19;
	v16 =	vld [tilespmem:s9+$0x11B70];
	v9 =	vadd.f32 v9, v14  }
0x30a: {  	v18 =	vmul.f32 v21, v18;
	v19 =	vmul.f32 v19, v20;
	v20 =	vadd.f32 v15, v11;
	v25 =	vld [tilespmem:s9+$0x17F70]  }
0x30b: {  	v11 =	vand.u32 $0xFFFF0000, v10;
	v15 =	vand.u32 $0xFFFF0000, v22;
	v14 =	vadd.f32 v9, v12  }
0x30c: {  	v9 =	vshll.u32 v10, $0x10;
	v10 =	vshll.u32 v22, $0x10;
	v15 =	vmul.f32 v15, v11  }
0x30d: {  	v11 =	vand.u32 $0xFFFF0000, v23;
	v21 =	vmul.f32 v10, v9;
	v10 =	vand.u32 $0xFFFF0000, v24;
	v12 =	vld [tilespmem:s9+$0x17FB0]  }
0x30e: {  	v22 =	vshll.u32 v24, $0x10;
	v24 =	vshll.u32 v17, $0x10;
	v17 =	vand.u32 $0xFFFF0000, v17;
	v9 =	vld [tilespmem:s9+$0x11B60]  }
0x30f: {  	v27 =	vshll.u32 v16, $0x10;
	v22 =	vmul.f32 v24, v22;
	v26 =	vld [tilespmem:s9+$0x11B40];
	v28 =	vshll.u32 v25, $0x10  }
0x310: {  	v10 =	vmul.f32 v17, v10;
	v17 =	vshll.u32 v23, $0x10;
	v24 =	vld [tilespmem:s9+$0x17F40];
	v27 =	vmul.f32 v28, v27  }
0x311: {  	v16 =	vand.u32 $0xFFFF0000, v16;
	v25 =	vand.u32 $0xFFFF0000, v25;
	v22 =	vadd.f32 $0.0e+00, v22;
	v23 =	vld [tilespmem:s9+$0x11B20]  }
0x312: {  	v16 =	vmul.f32 v25, v16;
	v28 =	vld [tilespmem:s9+$0x17F20];
	v27 =	vadd.f32 $0.0e+00, v27;
	v25 =	vand.u32 $0xFFFF0000, v12  }
0x313: {  	v22 =	vadd.f32 v22, v10;
	v12 =	vshll.u32 v12, $0x10;
	v29 =	vld [tilespmem:s9+$0x11B50];
	v10 =	vmul.f32 v25, v11  }
0x314: {  	v11 =	vshll.u32 v9, $0x10;
	v12 =	vmul.f32 v12, v17;
	v25 =	vld [tilespmem:s9+$0x11B30];
	v16 =	vadd.f32 v27, v16  }
0x315: {  	v27 =	vshll.u32 v26, $0x10;
	v26 =	vand.u32 $0xFFFF0000, v26;
	v18 =	vadd.f32 v18, v22;
	v17 =	vld [tilespmem:s9+$0x17F30]  }
0x316: {  	v30 =	vshll.u32 v24, $0x10;
	v24 =	vand.u32 $0xFFFF0000, v24;
	v22 =	vld [tilespmem:s9+$0x11B10];
	v16 =	vadd.f32 v21, v16  }
0x317: {  	v27 =	vmul.f32 v30, v27;
	v24 =	vmul.f32 v24, v26;
	v30 =	vadd.f32 v18, v19;
	v21 =	vld [tilespmem:s9+$0x17F10]  }
0x318: {  	v18 =	vand.u32 $0xFFFF0000, v23;
	v19 =	vand.u32 $0xFFFF0000, v28;
	v36 =	vadd.f32 v16, v15  }
0x319: {  	v15 =	vshll.u32 v23, $0x10;
	v16 =	vshll.u32 v28, $0x10;
	v19 =	vmul.f32 v19, v18  }
0x31a: {  	v18 =	vand.u32 $0xFFFF0000, v29;
	v23 =	vmul.f32 v16, v15;
	v16 =	vand.u32 $0xFFFF0000, v25;
	v26 =	vld [tilespmem:s9+$0x17F50]  }
0x31b: {  	v25 =	vshll.u32 v25, $0x10;
	v28 =	vshll.u32 v17, $0x10;
	v17 =	vand.u32 $0xFFFF0000, v17;
	v15 =	vld [tilespmem:s9+$0x11B00]  }
0x31c: {  	v32 =	vshll.u32 v22, $0x10;
	v25 =	vmul.f32 v28, v25;
	v31 =	vld [tilespmem:s9+$0x11AE0];
	v33 =	vshll.u32 v21, $0x10  }
0x31d: {  	v29 =	vshll.u32 v29, $0x10;
	v16 =	vmul.f32 v17, v16;
	v28 =	vld [tilespmem:s9+$0x17EE0];
	v32 =	vmul.f32 v33, v32  }
0x31e: {  	v17 =	vand.u32 $0xFFFF0000, v22;
	v21 =	vand.u32 $0xFFFF0000, v21;
	v22 =	vadd.f32 $0.0e+00, v25;
	v33 =	vld [tilespmem:s9+$0x11AC0]  }
0x31f: {  	v21 =	vmul.f32 v21, v17;
	v25 =	vld [tilespmem:s9+$0x17EC0];
	v32 =	vadd.f32 $0.0e+00, v32;
	v17 =	vand.u32 $0xFFFF0000, v26  }
0x320: {  	v22 =	vadd.f32 v22, v16;
	v26 =	vshll.u32 v26, $0x10;
	v34 =	vld [tilespmem:s9+$0x11AF0];
	v16 =	vmul.f32 v17, v18;
	(xrf2) =	vadd.scan.msk.f32 $0xffff, v13  }
0x321: {  	v17 =	vshll.u32 v15, $0x10;
	v18 =	vmul.f32 v26, v29;
	v13 =	vld [tilespmem:s9+$0x17EF0];
	v21 =	vadd.f32 v32, v21  }
0x322: {  	v26 =	vshll.u32 v31, $0x10;
	v29 =	vand.u32 $0xFFFF0000, v31;
	v22 =	vadd.f32 v27, v22;
	v35 =	vld [tilespmem:s9+$0x11AD0]  }
0x323: {  	v31 =	vshll.u32 v28, $0x10;
	v28 =	vand.u32 $0xFFFF0000, v28;
	v27 =	vld [tilespmem:s9+$0x17ED0];
	v21 =	vadd.f32 v23, v21;
	(xrf2) =	vadd.scan.msk.f32 $0xffff, v20  }
0x324: {  	v26 =	vmul.f32 v31, v26;
	v23 =	vmul.f32 v28, v29;
	v20 =	vadd.f32 v22, v24  }
0x325: {  	v22 =	vand.u32 $0xFFFF0000, v33;
	v24 =	vand.u32 $0xFFFF0000, v25;
	v28 =	vld [tilespmem:s9+$0x11A80];
	v21 =	vadd.f32 v21, v19  }
0x326: {  	v25 =	vshll.u32 v25, $0x10;
	v19 =	vshll.u32 v33, $0x10;
	v22 =	vmul.f32 v24, v22;
	v37 =	vld [tilespmem:s9+$0x17E80];
	(xrf2) =	vadd.scan.msk.f32 $0xffff, v14  }
0x327: {  	v25 =	vmul.f32 v25, v19;
	v14 =	vshll.u32 v34, $0x10;
	v19 =	vand.u32 $0xFFFF0000, v34;
	v29 =	vld [tilespmem:s9+$0x11AB0]  }
0x328: {  	v33 =	vand.u32 $0xFFFF0000, v13;
	v24 =	vshll.u32 v35, $0x10;
	v31 =	vld [tilespmem:s9+$0x17EB0];
	v32 =	vshll.u32 v27, $0x10  }
.Ltmp6:
0x329: {  	v34 =	vshll.u32 v13, $0x10;
	v19 =	vmul.f32 v33, v19;
	v38 =	vmul.f32 v32, v24;
	(xrf2) =	vadd.scan.msk.f32 $0xffff, v30;
	(pc) =	sbr.rel @p1 .LBB2_6-.Ltmp6, $4  }
0x32a: {  	v27 =	vand.u32 $0xFFFF0000, v27;
	v30 =	vand.u32 $0xFFFF0000, v35;
	v24 =	vmul.f32 v34, v14;
	v32 =	vld [tilespmem:s9+$0x11A70];
	v13, _, _ =	vpop (xrf2)  }
0x32b: {  	v34 =	vand.u32 $0xFFFF0000, v28;
	v39 =	vmul.f32 v27, v30;
	v33 =	vld [tilespmem:s9+$0x17E70];
	v40 =	vadd.f32 $0.0e+00, v38  }
0x32c: {  	v28 =	vshll.u32 v28, $0x10;
	v30 =	vshll.u32 v37, $0x10;
	v35 =	vand.u32 $0xFFFF0000, v37;
	(xrf2) =	vadd.scan.msk.f32 $0xffff, v36  }
0x32d: {  	s10 =	sadd.s32 $0x800, s10;
	v37 =	vshll.u32 v29, $0x10;
	v27 =	vld [tilespmem:s9+$0x11A90];
	v38 =	vshll.u32 v31, $0x10;
	v36 =	vadd.f32 v40, v39;
	v14, _, _ =	vpop (xrf2)  }
0x32e: {  	v29 =	vand.u32 $0xFFFF0000, v29  }
0x32f: {  	v39 =	vld [tilespmem:s9+$0x17E90];
	v31 =	vand.u32 $0xFFFF0000, v31;
	v37 =	vmul.f32 v38, v37;
	v34 =	vmul.f32 v35, v34  }
0x330: {  	v28 =	vmul.f32 v30, v28;
	v24 =	vadd.f32 $0.0e+00, v24;
	v18 =	vadd.f32 $0.0e+00, v18  }
0x331: {  	v15 =	vand.u32 $0xFFFF0000, v15;
	v29 =	vmul.f32 v31, v29;
	v26 =	vadd.f32 v26, v36  }
0x332: {  	v42 =	vld [tilespmem:s9+$0x11AA0];
	v61 =	vshll.u32 v32, $0x10;
	v40 =	vand.u32 $0xFFFF0000, v32;
	v62 =	vshll.u32 v33, $0x10  }
0x333: {  	v43 =	vld [tilespmem:s9+$0x17EA0];
	v63 =	vadd.f32 $0.0e+00, v37;
	v41 =	vand.u32 $0xFFFF0000, v33;
	v31 =	vmul.f32 v62, v61  }
0x334: {  	v32 =	vmul.f32 v41, v40;
	v45 =	vshll.u32 v27, $0x10;
	v46 =	vshll.u32 v39, $0x10  }
0x335: {  	v50 =	vld [tilespmem:s9+$0x17F00];
	v23 =	vadd.f32 v26, v23;
	v44 =	vadd.f32 $0.0e+00, v31;
	v47 =	vmul.f32 v46, v45  }
0x336: {  	v29 =	vadd.f32 v63, v29;
	v48 =	vand.u32 $0xFFFF0000, v27;
	v49 =	vand.u32 $0xFFFF0000, v39  }
0x337: {  	v27 =	vmul.f32 v49, v48;
	v26 =	vadd.f32 v44, v32;
	v30 =	vadd.f32 $0.0e+00, v47  }
0x338: {  	v52 =	vshll.u32 v42, $0x10;
	v53 =	vshll.u32 v43, $0x10;
	v25 =	vadd.f32 v25, v29  }
0x339: {  	v54 =	vld [tilespmem:s9+$0x17F60];
	v51 =	vadd.f32 v28, v26;
	v26 =	vmul.f32 v53, v52;
	v27 =	vadd.f32 v30, v27  }
0x33a: {  	(xrf2) =	vadd.scan.msk.f32 $0xffff, v20;
	v56 =	vand.u32 $0xFFFF0000, v42;
	v57 =	vand.u32 $0xFFFF0000, v43;
	v59 =	vshll.u32 v50, $0x10  }
0x33b: {  	(xrf2) =	vadd.scan.msk.f32 $0xffff, v21;
	v22 =	vadd.f32 v25, v22;
	v25 =	vmul.f32 v57, v56;
	v58 =	vadd.f32 v26, v27  }
0x33c: {  	v60 =	vld [tilespmem:s9+$0x17FC0];
	v19 =	vadd.f32 v24, v19;
	(xrf2) =	vadd.scan.msk.f32 $0xffff, v23;
	v17 =	vmul.f32 v59, v17;
	v55 =	vadd.f32 v51, v34  }
0x33d: {  	v12 =	vadd.f32 $0.0e+00, v12;
	v61 =	vand.u32 $0xFFFF0000, v50;
	(xrf2) =	vadd.scan.msk.f32 $0xffff, v22;
	v21 =	vadd.f32 v58, v25  }
0x33e: {  	v62 =	vshll.u32 v54, $0x10;
	v15 =	vmul.f32 v61, v15;
	v17 =	vadd.f32 v17, v19;
	(xrf2) =	vadd.scan.msk.f32 $0xffff, v55  }
0x33f: {  	v9 =	vand.u32 $0xFFFF0000, v9;
	v16 =	vadd.f32 v18, v16;
	v63 =	vld [tilespmem:s9+$0x18020];
	v11 =	vmul.f32 v62, v11;
	(xrf2) =	vadd.scan.msk.f32 $0xffff, v21  }
0x340: {  	v8 =	vadd.f32 $0.0e+00, v8;
	v24 =	vand.u32 $0xFFFF0000, v54;
	v15 =	vadd.f32 v17, v15  }
0x341: {  	v9 =	vmul.f32 v24, v9;
	v11 =	vadd.f32 v11, v16;
	v26 =	vshll.u32 v60, $0x10;
	v25, _, _ =	vpop (xrf2)  }
0x342: {  	v5 =	vand.u32 $0xFFFF0000, v5;
	v10 =	vadd.f32 v12, v10;
	v31 =	vld [tilespmem:s9+$0x18060];
	v7 =	vmul.f32 v26, v7;
	v27, _, _ =	vpop (xrf2);
	(xrf2) =	vadd.scan.msk.f32 $0xffff, v15  }
0x343: {  	v2 =	vmul.f32 v3, v2;
	v28 =	vld [tilespmem:s9+$0x11C60];
	v9 =	vadd.f32 v11, v9;
	v30 =	vand.u32 $0xFFFF0000, v60;
	v29, _, _ =	vpop (xrf2)  }
0x344: {  	v33 =	vshll.u32 v63, $0x10;
	v5 =	vmul.f32 v30, v5;
	v7 =	vadd.f32 v7, v10;
	v32, _, _ =	vpop (xrf2)  }
0x345: {  	v0 =	vand.u32 $0xFFFF0000, v0;
	v6 =	vadd.f32 v8, v6;
	v4 =	vmul.f32 v33, v4;
	v34, _, _ =	vpop (xrf2);
	(xrf2) =	vadd.scan.msk.f32 $0xffff, v9  }
0x346: {  	v2 =	vadd.f32 $0.0e+00, v2;
	v36 =	vand.u32 $0xFFFF0000, v63;
	v5 =	vadd.f32 v7, v5;
	v35, _, _ =	vpop (xrf2)  }
0x347: {  	v0 =	vmul.f32 v36, v0;
	v4 =	vadd.f32 v4, v6;
	v37, _, _ =	vpop (xrf2)  }
0x348: {  	v1 =	vadd.f32 v2, v1;
	v41 =	vshll.u32 v31, $0x10;
	v39 =	vshll.u32 v28, $0x10;
	(xrf2) =	vadd.scan.msk.f32 $0xffff, v5;
	v38, _, _ =	vpop (xrf2)  }
0x349: {  	v45 =	vand.u32 $0xFFFF0000, v31;
	v0 =	vadd.f32 v4, v0;
	v42 =	vmul.f32 v41, v39;
	v43, _, _ =	vpop (xrf2)  }
0x34a: {  	v40 =	vand.u32 $0xFFFF0000, v28;
	v44 =	vbroadcast v38, $0xF;
	v4 =	vbroadcast v43, $0xF  }
0x34b: {  	v47 =	vmul.f32 v45, v40;
	v1 =	vadd.f32 v42, v1;
	(xrf2) =	vadd.scan.msk.f32 $0xffff, v0;
	v46 =	vbroadcast v37, $0xF  }
0x34c: {  	v3 =	vbroadcast v35, $0xF;
	v49, _, _ =	vpop (xrf2);
	v48 =	vsel vm0, v44, v4  }
0x34d: {  	v1 =	vadd.f32 v1, v47;
	v4 =	vbroadcast v49, $0xF;
	v0 =	vsel vm1, v48, v46  }
0x34e: {  	v50 =	vbroadcast v34, $0xF;
	v0 =	vsel vm2, v0, v3  }
0x34f: {  	v51 =	vbroadcast v32, $0xF;
	(xrf2) =	vadd.scan.msk.f32 $0xffff, v1;
	v52, _, _ =	vpop (xrf2);
	v0 =	vsel vm3, v0, v4  }
0x350: {  	v53 =	vbroadcast v52, $0xF;
	v0 =	vsel vm4, v0, v50  }
0x351: {  	v54 =	vbroadcast v29, $0xF;
	v0 =	vsel vm5, v0, v51  }
0x352: {  	v55 =	vbroadcast v27, $0xF;
	v56, _, _ =	vpop (xrf2);
	v0 =	vsel vm6, v0, v53  }
0x353: {  	v57 =	vbroadcast v56, $0xF;
	v0 =	vsel vm7, v0, v54  }
0x354: {  	v58 =	vbroadcast v25, $0xF;
	v0 =	vsel vm8, v0, v55  }
0x355: {  	v59 =	vbroadcast v14, $0xF;
	v60, _, _ =	vpop (xrf2);
	v0 =	vsel vm9, v0, v57  }
0x356: {  	v61 =	vbroadcast v60, $0xF;
	v0 =	vsel vm10, v0, v58  }
0x357: {  	s7 =	smul.u32 $0x190, s7;
	v62 =	vbroadcast v13, $0xF;
	v0 =	vsel vm11, v0, v59  }
.Ltmp7:
0x358: {  	v0 =	vsel vm12, v0, v61;
	(pc) =	sbr.rel .LBB2_8-.Ltmp7, $4  }
0x359: {  	s7 =	sadd.s32 s5, s7;
	v63, _, _ =	vpop (xrf2);
	v0 =	vsel vm13, v0, v62  }
0x35a: {  	s8 =	sadd.s32 $0x10, s8;
	s7 =	sshrl.u32 s7, $0x3;
	v0 =	vsel vm14, v0, v63  }
0x35b: {  	s7 =	sadd.s32 s0, s7;
	[tilespmem:s8+$0x0] =	vst v0  }
0x35c: {  	[hbm4b:s7+s4] =	stream.linear.scatter [tilespmem:s2], [sflag:$0x5], $0x190, $0x38;
	[tilespmem:$0x1B580] =	vst v63  }
.LBB2_10:
0x35d: {  	_ =	sfence.sel $0x180000  }
0x35e: {  	[bflag:$0x0] =	sbarrier.arrive $0xFFFF  }
0x35f: {  	_ =	strace $0x90000047  }
0x360: {  	[bflag:$0x2] =	sbarrier.arrive $0xFFFF  }
0x361: {  	s0 =	rddreg [dreg:$0x4]  }
0x362: {  	s0 =	sadd.s32 @!p0 $0x100000, s0  }
0x363: {  	[sflag:s0] =	ssyncadd.tile.s32 @!p0 $0x1;
	_ =	shalt  }
.Lfunc_end2:
_tile_overlayer_lowered:
.L_overlay_start_2:
0x364: {  	(tag) =	ssettag $0x2  }
0x365: {  	s0 =	rddreg [dreg:$0x0];
	s2 =	stileid.u32  }
0x366: {  	s1 =	rddreg [dreg:$0x1];
	p0 =	sne.s32 s2, $0x0  }
0x367: {  	s3 =	rddreg [dreg:$0x2];
	[bflag:$0x3] =	sbarrier.arrive $0xFFFF;
	s2 =	simm.s32 @!p0 $0x1C06  }
0x368: {  	[timem:s3], [sflag:s2] =	dma.local @!p0 [hbm:s0], s1  }
0x369: {  	s0 =	simm.s32 @!p0 $0x6  }
0x36a: {  	_ =	swait.ge @!p0 [sflag:s0], s1  }
0x36b: {  	s1 =	ssub.s32 @!p0 $0x0, s1;
	[sflag:s0] =	ssyncset.done @!p0 $0x0  }
0x36c: {  	[sflag:s0] =	ssyncadd.s32 @!p0 s1  }
0x36d: {  	[bflag:$0x3] =	sbarrier.arrive $0xFFFF  }
0x36e: {  	_ =	shalt  }

</sc_bundles>
